<compile_context>
chip_gen: v7x
topology: tpu7x:2x2x1
jax: 0.10.2.dev20260603
libtpu: 0.0.44.dev20260713+nightly
codegen_flags: <defaults>
</compile_context>

<pallas_src>
import functools

import jax
import jax.numpy as jnp
from jax import lax
from jax.experimental import pallas as pl
from jax.experimental.pallas import tpu as pltpu
from jax.experimental.pallas import tpu_sc as plsc

N_NODES = 10000
N_EDGES = 320000
D = 128
D_EDGE = 16

NC = 2
NS = 16
NW = NC * NS
EPT = N_EDGES // NW
CH = 80
NCH = EPT // CH
RSTRIDE = 624
_ROW_PIECES = tuple((i * CH, CH) for i in range(8))

DROWS = 80


def _ab_body(x_ref, w_ref, a_ref, b_ref):
    ab = jnp.dot(x_ref[...], w_ref[...], preferred_element_type=jnp.float32)
    a_ref[...] = ab[:, :D]
    b_ref[...] = ab[:, D:]


def _c_body(ea_ref, w_ref, b_ref, o_ref):
    o_ref[...] = (
        jnp.dot(ea_ref[...], w_ref[...], preferred_element_type=jnp.float32)
        + b_ref[...]
    )


def _post_body(sh_ref, sd_ref, x_ref, w2_ref, b2_ref, u1a_ref, u1b_ref,
               ub1_ref, u2_ref, ub2_ref, o_ref):
    s = sh_ref[0] + sh_ref[1]
    deg = sd_ref[0] + sd_ref[1]
    inv = 1.0 / jnp.maximum(deg, 1.0)
    agg = jnp.dot(s, w2_ref[...], preferred_element_type=jnp.float32) * inv
    agg = agg + jnp.where(deg > 0.0, 1.0, 0.0) * b2_ref[...]
    t = jnp.maximum(
        jnp.dot(x_ref[...], u1a_ref[...], preferred_element_type=jnp.float32)
        + jnp.dot(agg, u1b_ref[...], preferred_element_type=jnp.float32)
        + ub1_ref[...],
        0.0,
    )
    o_ref[...] = (
        jnp.dot(t, u2_ref[...], preferred_element_type=jnp.float32) + ub2_ref[...]
    )


def _edge_pass(a_hbm, b_hbm, c_hbm, src_hbm, dst_hbm, out_hbm, deg_hbm,
               sidx, didx, ridx, abuf, bbuf, cbuf, hist, acc, dacc,
               sem_a, sem_b):
    c = lax.axis_index("c")
    s = lax.axis_index("s")
    wid = c * NS + s

    iota16 = lax.iota(jnp.int32, 16)
    zeros = jnp.zeros((16,), jnp.float32)
    ones = zeros + 1.0

    def zrow(i, carry):
        for j in range(D // 16):
            abuf[i, pl.ds(j * 16, 16)] = zeros
            hist[i, pl.ds(j * 16, 16)] = zeros
        return carry

    lax.fori_loop(0, CH, zrow, 0)
    for k in range(DROWS // 16):
        ridx[pl.ds(k * 16, 16)] = iota16 + (k * 16)

    rbase = s * RSTRIDE
    for off, n in _ROW_PIECES:
        pltpu.sync_copy(abuf.at[pl.ds(0, n)], acc.at[pl.ds(rbase + off, n)])

    @pl.when(s == 0)
    def _():
        pltpu.sync_copy(abuf, dacc)

    plsc.subcore_barrier()

    ebase = wid * EPT

    def chunk(k, carry):
        eo = ebase + k * CH
        pltpu.sync_copy(src_hbm.at[pl.ds(eo, CH)], sidx)
        pltpu.sync_copy(dst_hbm.at[pl.ds(eo, CH)], didx)
        ga = pltpu.async_copy(a_hbm.at[sidx], abuf, sem_a)
        gb = pltpu.async_copy(b_hbm.at[didx], bbuf, sem_b)
        pltpu.sync_copy(c_hbm.at[pl.ds(eo, CH)], cbuf)
        ga.wait()
        gb.wait()

        def row(i, rc):
            for j in range(D // 16):
                sl = pl.ds(j * 16, 16)
                v = abuf[i, sl] + bbuf[i, sl] + cbuf[i, sl]
                cbuf[i, sl] = jnp.maximum(v, 0.0)
            return rc

        lax.fori_loop(0, CH, row, 0)
        pltpu.sync_copy(cbuf, acc.at[didx], add=True)

        for j in range(CH // 16):
            dvec = didx[pl.ds(j * 16, 16)]
            for l in range(16):
                d0 = dvec[l]
                r = lax.shift_right_logical(d0, 7)
                jc = lax.bitwise_and(d0, 127) - lax.bitwise_and(d0, 15)
                lane = lax.bitwise_and(d0, 15)
                sl = pl.ds(jc, 16)
                hist[r, sl] = hist[r, sl] + jnp.where(iota16 == lane, 1.0, 0.0)
        return carry

    lax.fori_loop(0, NCH, chunk, 0)

    pltpu.sync_copy(hist, dacc.at[ridx], add=True)
    plsc.subcore_barrier()

    for off, n in _ROW_PIECES:
        pltpu.sync_copy(acc.at[pl.ds(rbase + off, n)],
                        out_hbm.at[c, pl.ds(rbase + off, n)])

    @pl.when(s == 0)
    def _():
        pltpu.sync_copy(dacc, deg_hbm.at[c])


_EDGE_KERNEL_CACHE = []


def _edge_kernel():
    if not _EDGE_KERNEL_CACHE:
        _EDGE_KERNEL_CACHE.append(functools.partial(
            pl.kernel,
            out_type=[
                jax.ShapeDtypeStruct((NC, N_NODES, D), jnp.float32),
                jax.ShapeDtypeStruct((NC, DROWS, D), jnp.float32),
            ],
            mesh=plsc.VectorSubcoreMesh(core_axis_name="c", subcore_axis_name="s",
                                        num_cores=NC, num_subcores=NS),
            scratch_types=[
                pltpu.VMEM((CH,), jnp.int32),
                pltpu.VMEM((CH,), jnp.int32),
                pltpu.VMEM((DROWS,), jnp.int32),
                pltpu.VMEM((CH, D), jnp.float32),
                pltpu.VMEM((CH, D), jnp.float32),
                pltpu.VMEM((CH, D), jnp.float32),
                pltpu.VMEM((DROWS, D), jnp.float32),
                pltpu.VMEM_SHARED((N_NODES, D), jnp.float32),
                pltpu.VMEM_SHARED((DROWS, D), jnp.float32),
                pltpu.SemaphoreType.DMA,
                pltpu.SemaphoreType.DMA,
            ],
        )(_edge_pass))
    return _EDGE_KERNEL_CACHE[0]


def kernel(node_feats, edge_index, edge_attr, msg_w1, msg_b1, msg_w2, msg_b2,
           upd_w1, upd_b1, upd_w2, upd_b2):
    src = edge_index[0].astype(jnp.int32)
    dst = edge_index[1].astype(jnp.int32)

    w_ab = jnp.concatenate([msg_w1[:D], msg_w1[D:2 * D]], axis=1)
    w_c = msg_w1[2 * D:]

    a_tab, b_tab = pl.pallas_call(
        _ab_body,
        grid=(10,),
        in_specs=[
            pl.BlockSpec((1000, D), lambda i: (i, 0)),
            pl.BlockSpec((D, 2 * D), lambda i: (0, 0)),
        ],
        out_specs=[
            pl.BlockSpec((1000, D), lambda i: (i, 0)),
            pl.BlockSpec((1000, D), lambda i: (i, 0)),
        ],
        out_shape=[
            jax.ShapeDtypeStruct((N_NODES, D), jnp.float32),
            jax.ShapeDtypeStruct((N_NODES, D), jnp.float32),
        ],
    )(node_feats, w_ab)

    c_tab = pl.pallas_call(
        _c_body,
        grid=(50,),
        in_specs=[
            pl.BlockSpec((6400, D_EDGE), lambda i: (i, 0)),
            pl.BlockSpec((D_EDGE, D), lambda i: (0, 0)),
            pl.BlockSpec((1, D), lambda i: (0, 0)),
        ],
        out_specs=pl.BlockSpec((6400, D), lambda i: (i, 0)),
        out_shape=jax.ShapeDtypeStruct((N_EDGES, D), jnp.float32),
    )(edge_attr, w_c, msg_b1.reshape(1, D))

    sh, deg_tab = _edge_kernel()(a_tab, b_tab, c_tab, src, dst)
    deg = deg_tab.reshape(NC, DROWS * D)[:, :N_NODES].reshape(NC, N_NODES, 1)

    out = pl.pallas_call(
        _post_body,
        grid=(10,),
        in_specs=[
            pl.BlockSpec((NC, 1000, D), lambda i: (0, i, 0)),
            pl.BlockSpec((NC, 1000, 1), lambda i: (0, i, 0)),
            pl.BlockSpec((1000, D), lambda i: (i, 0)),
            pl.BlockSpec((D, D), lambda i: (0, 0)),
            pl.BlockSpec((1, D), lambda i: (0, 0)),
            pl.BlockSpec((D, D), lambda i: (0, 0)),
            pl.BlockSpec((D, D), lambda i: (0, 0)),
            pl.BlockSpec((1, D), lambda i: (0, 0)),
            pl.BlockSpec((D, D), lambda i: (0, 0)),
            pl.BlockSpec((1, D), lambda i: (0, 0)),
        ],
        out_specs=pl.BlockSpec((1000, D), lambda i: (i, 0)),
        out_shape=jax.ShapeDtypeStruct((N_NODES, D), jnp.float32),
    )(sh, deg, node_feats, msg_w2, msg_b2.reshape(1, D),
      upd_w1[:D], upd_w1[D:], upd_b1.reshape(1, D),
      upd_w2, upd_b2.reshape(1, D))

    return out

# --- scband reference (transcript-rebuilt; emitter-appended) ---
"""Pipeline reference for scband-simple-graph-conv-386547057394 (READ-ONLY COPY).

The authoritative reference and input builder live on the scoring server;
editing this copy changes nothing except your own understanding.
"""

import jax, jax.numpy as jnp
import numpy as np

N_NODES = 10000
N_EDGES = 320000
D_NODE = 128
D_EDGE = 16
D_HID = 128


def setup_inputs(seed: int = 0) -> dict:
    key = jax.random.key(seed)
    ks = jax.random.split(key, 12)
    node_feats = jax.random.normal(ks[0], (N_NODES, D_NODE), dtype=jnp.float32)
    edge_index = jax.random.randint(ks[1], (2, N_EDGES), 0, N_NODES, dtype=jnp.int64)
    edge_attr = jax.random.normal(ks[2], (N_EDGES, D_EDGE), dtype=jnp.float32)
    # message MLP: Linear(2*D_NODE+D_EDGE -> D_HID), ReLU, Linear(D_HID -> D_HID)
    msg_w1 = jax.random.normal(ks[3], (2 * D_NODE + D_EDGE, D_HID), dtype=jnp.float32) * 0.05
    msg_b1 = jnp.zeros((D_HID,), dtype=jnp.float32)
    msg_w2 = jax.random.normal(ks[4], (D_HID, D_HID), dtype=jnp.float32) * 0.05
    msg_b2 = jnp.zeros((D_HID,), dtype=jnp.float32)
    # update MLP: Linear(D_NODE+D_HID -> D_HID), ReLU, Linear(D_HID -> D_HID)
    upd_w1 = jax.random.normal(ks[5], (D_NODE + D_HID, D_HID), dtype=jnp.float32) * 0.05
    upd_b1 = jnp.zeros((D_HID,), dtype=jnp.float32)
    upd_w2 = jax.random.normal(ks[6], (D_HID, D_HID), dtype=jnp.float32) * 0.05
    upd_b2 = jnp.zeros((D_HID,), dtype=jnp.float32)
    return {
        "node_feats": node_feats,
        "edge_index": edge_index,
        "edge_attr": edge_attr,
        "msg_w1": msg_w1, "msg_b1": msg_b1, "msg_w2": msg_w2, "msg_b2": msg_b2,
        "upd_w1": upd_w1, "upd_b1": upd_b1, "upd_w2": upd_w2, "upd_b2": upd_b2,
    }


def reference(node_feats, edge_index, edge_attr, msg_w1, msg_b1, msg_w2, msg_b2,
              upd_w1, upd_b1, upd_w2, upd_b2):
    N = node_feats.shape[0]
    src = edge_index[0]
    dst = edge_index[1]
    x_src = jnp.take(node_feats, src, axis=0)
    x_dst = jnp.take(node_feats, dst, axis=0)
    msg_input = jnp.concatenate([x_src, x_dst, edge_attr], axis=-1)
    h = jax.nn.relu(msg_input @ msg_w1 + msg_b1)
    messages = h @ msg_w2 + msg_b2
    agg = jax.ops.segment_sum(messages, dst, num_segments=N)
    deg = jax.ops.segment_sum(jnp.ones((messages.shape[0], 1), dtype=jnp.float32), dst, num_segments=N)
    agg = agg / jnp.clip(deg, 1.0, None)
    u = jnp.concatenate([node_feats, agg], axis=-1)
    out = jax.nn.relu(u @ upd_w1 + upd_b1) @ upd_w2 + upd_b2
    return out

if __name__ == "__main__":
    import jax
    _d = setup_inputs()
    print(jax.jit(kernel)(*tuple(_d.values())))

</pallas_src>

<mosaic_0001>
#map = affine_map<(d0, d1) -> (0, 0)>
#map1 = affine_map<(d0, d1) -> (0)>
#map2 = affine_map<(d0, d1) -> (0, 0, 0)>
module attributes {stable_mosaic.version = 14 : i64} {
  func.func @_edge_pass(%arg0: i32, %arg1: i32, %arg2: memref<10000x128xf32, #tpu.memory_space<hbm>>, %arg3: memref<10000x128xf32, #tpu.memory_space<hbm>>, %arg4: memref<320000x128xf32, #tpu.memory_space<hbm>>, %arg5: memref<320000xi32, #tpu.memory_space<hbm>>, %arg6: memref<320000xi32, #tpu.memory_space<hbm>>, %arg7: memref<2x10000x128xf32, #tpu.memory_space<hbm>>, %arg8: memref<2x80x128xf32, #tpu.memory_space<hbm>>, %arg9: memref<80xi32, #tpu.memory_space<vmem>>, %arg10: memref<80xi32, #tpu.memory_space<vmem>>, %arg11: memref<80xi32, #tpu.memory_space<vmem>>, %arg12: memref<80x128xf32, #tpu.memory_space<vmem>>, %arg13: memref<80x128xf32, #tpu.memory_space<vmem>>, %arg14: memref<80x128xf32, #tpu.memory_space<vmem>>, %arg15: memref<80x128xf32, #tpu.memory_space<vmem>>, %arg16: memref<10000x128xf32, #tpu.memory_space<vmem_shared>>, %arg17: memref<80x128xf32, #tpu.memory_space<vmem_shared>>, %arg18: memref<!tpu.dma_semaphore, #tpu.memory_space<semaphore_mem>>, %arg19: memref<!tpu.dma_semaphore, #tpu.memory_space<semaphore_mem>>) attributes {dimension_semantics = [#tpu.dimension_semantics<core_parallel>, #tpu.dimension_semantics<subcore_parallel>], iteration_bounds = array<i64: 2, 16>, scalar_prefetch = 0 : i64, scratch_operands = 11 : i64, tpu.core_type = #tpu.core_type<sc_vector_subcore>, window_params = [{transform_indices = #map}, {transform_indices = #map}, {transform_indices = #map}, {transform_indices = #map1}, {transform_indices = #map1}, {transform_indices = #map2}, {transform_indices = #map2}]} {
    %mul3A = arith.constant 16 : i32
    %mul3A_0 = arith.muli %arg0, %mul3A : i32
    %add3A = arith.addi %mul3A_0, %arg1 : i32
    %iota3A = tpu.iota {dimensions = array<i32: 0>} : vector<16xi32>
    %broadcast_in_dim3A = arith.constant 0.000000e+00 : f32
    %broadcast_in_dim3A_1 = vector.broadcast %broadcast_in_dim3A : f32 to vector<16xf32>
    %add3A_2 = arith.constant 1.000000e+00 : f32
    %add3A_3 = vector.broadcast %add3A_2 : f32 to vector<16xf32>
    %add3A_4 = arith.addf %broadcast_in_dim3A_1, %add3A_3 : vector<16xf32>
    %scan3A = arith.constant 0 : i32
    %scan3A_5 = arith.constant 0 : i32
    %scan3A_6 = arith.constant 80 : i32
    %scan3A_7 = arith.addi %scan3A_5, %scan3A_6 : i32
    %scan3A_8 = arith.constant 1 : i32
    scf.for %scan3A_110 = %scan3A_5 to %scan3A_7 step %scan3A_8  : i32 {
      %swap3A_111 = arith.index_cast %scan3A_110 : i32 to index
      %swap3A_112 = arith.constant 0 : index
      %swap3A_113 = tpu.vector_load %arg12[%swap3A_111, %swap3A_112] {strides = array<i32>} : memref<80x128xf32, #tpu.memory_space<vmem>>, vector<1x16xf32>,
      %swap3A_114 = vector.shape_cast %swap3A_113 : vector<1x16xf32> to vector<16xf32>
      %swap3A_115 = vector.shape_cast %broadcast_in_dim3A_1 : vector<16xf32> to vector<1x16xf32>
      tpu.vector_store %arg12[%swap3A_111, %swap3A_112], %swap3A_115 {strides = array<i32>} : memref<80x128xf32, #tpu.memory_space<vmem>>, vector<1x16xf32>,
      %swap3A_116 = arith.index_cast %scan3A_110 : i32 to index
      %swap3A_117 = arith.constant 0 : index
      %swap3A_118 = tpu.vector_load %arg15[%swap3A_116, %swap3A_117] {strides = array<i32>} : memref<80x128xf32, #tpu.memory_space<vmem>>, vector<1x16xf32>,
      %swap3A_119 = vector.shape_cast %swap3A_118 : vector<1x16xf32> to vector<16xf32>
      %swap3A_120 = vector.shape_cast %broadcast_in_dim3A_1 : vector<16xf32> to vector<1x16xf32>
      tpu.vector_store %arg15[%swap3A_116, %swap3A_117], %swap3A_120 {strides = array<i32>} : memref<80x128xf32, #tpu.memory_space<vmem>>, vector<1x16xf32>,
      %swap3A_121 = arith.index_cast %scan3A_110 : i32 to index
      %swap3A_122 = arith.constant 16 : index
      %swap3A_123 = tpu.vector_load %arg12[%swap3A_121, %swap3A_122] {strides = array<i32>} : memref<80x128xf32, #tpu.memory_space<vmem>>, vector<1x16xf32>,
      %swap3A_124 = vector.shape_cast %swap3A_123 : vector<1x16xf32> to vector<16xf32>
      %swap3A_125 = vector.shape_cast %broadcast_in_dim3A_1 : vector<16xf32> to vector<1x16xf32>
      tpu.vector_store %arg12[%swap3A_121, %swap3A_122], %swap3A_125 {strides = array<i32>} : memref<80x128xf32, #tpu.memory_space<vmem>>, vector<1x16xf32>,
      %swap3A_126 = arith.index_cast %scan3A_110 : i32 to index
      %swap3A_127 = arith.constant 16 : index
      %swap3A_128 = tpu.vector_load %arg15[%swap3A_126, %swap3A_127] {strides = array<i32>} : memref<80x128xf32, #tpu.memory_space<vmem>>, vector<1x16xf32>,
      %swap3A_129 = vector.shape_cast %swap3A_128 : vector<1x16xf32> to vector<16xf32>
      %swap3A_130 = vector.shape_cast %broadcast_in_dim3A_1 : vector<16xf32> to vector<1x16xf32>
      tpu.vector_store %arg15[%swap3A_126, %swap3A_127], %swap3A_130 {strides = array<i32>} : memref<80x128xf32, #tpu.memory_space<vmem>>, vector<1x16xf32>,
      %swap3A_131 = arith.index_cast %scan3A_110 : i32 to index
      %swap3A_132 = arith.constant 32 : index
      %swap3A_133 = tpu.vector_load %arg12[%swap3A_131, %swap3A_132] {strides = array<i32>} : memref<80x128xf32, #tpu.memory_space<vmem>>, vector<1x16xf32>,
      %swap3A_134 = vector.shape_cast %swap3A_133 : vector<1x16xf32> to vector<16xf32>
      %swap3A_135 = vector.shape_cast %broadcast_in_dim3A_1 : vector<16xf32> to vector<1x16xf32>
      tpu.vector_store %arg12[%swap3A_131, %swap3A_132], %swap3A_135 {strides = array<i32>} : memref<80x128xf32, #tpu.memory_space<vmem>>, vector<1x16xf32>,
      %swap3A_136 = arith.index_cast %scan3A_110 : i32 to index
      %swap3A_137 = arith.constant 32 : index
      %swap3A_138 = tpu.vector_load %arg15[%swap3A_136, %swap3A_137] {strides = array<i32>} : memref<80x128xf32, #tpu.memory_space<vmem>>, vector<1x16xf32>,
      %swap3A_139 = vector.shape_cast %swap3A_138 : vector<1x16xf32> to vector<16xf32>
      %swap3A_140 = vector.shape_cast %broadcast_in_dim3A_1 : vector<16xf32> to vector<1x16xf32>
      tpu.vector_store %arg15[%swap3A_136, %swap3A_137], %swap3A_140 {strides = array<i32>} : memref<80x128xf32, #tpu.memory_space<vmem>>, vector<1x16xf32>,
      %swap3A_141 = arith.index_cast %scan3A_110 : i32 to index
      %swap3A_142 = arith.constant 48 : index
      %swap3A_143 = tpu.vector_load %arg12[%swap3A_141, %swap3A_142] {strides = array<i32>} : memref<80x128xf32, #tpu.memory_space<vmem>>, vector<1x16xf32>,
      %swap3A_144 = vector.shape_cast %swap3A_143 : vector<1x16xf32> to vector<16xf32>
      %swap3A_145 = vector.shape_cast %broadcast_in_dim3A_1 : vector<16xf32> to vector<1x16xf32>
      tpu.vector_store %arg12[%swap3A_141, %swap3A_142], %swap3A_145 {strides = array<i32>} : memref<80x128xf32, #tpu.memory_space<vmem>>, vector<1x16xf32>,
      %swap3A_146 = arith.index_cast %scan3A_110 : i32 to index
      %swap3A_147 = arith.constant 48 : index
      %swap3A_148 = tpu.vector_load %arg15[%swap3A_146, %swap3A_147] {strides = array<i32>} : memref<80x128xf32, #tpu.memory_space<vmem>>, vector<1x16xf32>,
      %swap3A_149 = vector.shape_cast %swap3A_148 : vector<1x16xf32> to vector<16xf32>
      %swap3A_150 = vector.shape_cast %broadcast_in_dim3A_1 : vector<16xf32> to vector<1x16xf32>
      tpu.vector_store %arg15[%swap3A_146, %swap3A_147], %swap3A_150 {strides = array<i32>} : memref<80x128xf32, #tpu.memory_space<vmem>>, vector<1x16xf32>,
      %swap3A_151 = arith.index_cast %scan3A_110 : i32 to index
      %swap3A_152 = arith.constant 64 : index
      %swap3A_153 = tpu.vector_load %arg12[%swap3A_151, %swap3A_152] {strides = array<i32>} : memref<80x128xf32, #tpu.memory_space<vmem>>, vector<1x16xf32>,
      %swap3A_154 = vector.shape_cast %swap3A_153 : vector<1x16xf32> to vector<16xf32>
      %swap3A_155 = vector.shape_cast %broadcast_in_dim3A_1 : vector<16xf32> to vector<1x16xf32>
      tpu.vector_store %arg12[%swap3A_151, %swap3A_152], %swap3A_155 {strides = array<i32>} : memref<80x128xf32, #tpu.memory_space<vmem>>, vector<1x16xf32>,
      %swap3A_156 = arith.index_cast %scan3A_110 : i32 to index
      %swap3A_157 = arith.constant 64 : index
      %swap3A_158 = tpu.vector_load %arg15[%swap3A_156, %swap3A_157] {strides = array<i32>} : memref<80x128xf32, #tpu.memory_space<vmem>>, vector<1x16xf32>,
      %swap3A_159 = vector.shape_cast %swap3A_158 : vector<1x16xf32> to vector<16xf32>
      %swap3A_160 = vector.shape_cast %broadcast_in_dim3A_1 : vector<16xf32> to vector<1x16xf32>
      tpu.vector_store %arg15[%swap3A_156, %swap3A_157], %swap3A_160 {strides = array<i32>} : memref<80x128xf32, #tpu.memory_space<vmem>>, vector<1x16xf32>,
      %swap3A_161 = arith.index_cast %scan3A_110 : i32 to index
      %swap3A_162 = arith.constant 80 : index
      %swap3A_163 = tpu.vector_load %arg12[%swap3A_161, %swap3A_162] {strides = array<i32>} : memref<80x128xf32, #tpu.memory_space<vmem>>, vector<1x16xf32>,
      %swap3A_164 = vector.shape_cast %swap3A_163 : vector<1x16xf32> to vector<16xf32>
      %swap3A_165 = vector.shape_cast %broadcast_in_dim3A_1 : vector<16xf32> to vector<1x16xf32>
      tpu.vector_store %arg12[%swap3A_161, %swap3A_162], %swap3A_165 {strides = array<i32>} : memref<80x128xf32, #tpu.memory_space<vmem>>, vector<1x16xf32>,
      %swap3A_166 = arith.index_cast %scan3A_110 : i32 to index
      %swap3A_167 = arith.constant 80 : index
      %swap3A_168 = tpu.vector_load %arg15[%swap3A_166, %swap3A_167] {strides = array<i32>} : memref<80x128xf32, #tpu.memory_space<vmem>>, vector<1x16xf32>,
      %swap3A_169 = vector.shape_cast %swap3A_168 : vector<1x16xf32> to vector<16xf32>
      %swap3A_170 = vector.shape_cast %broadcast_in_dim3A_1 : vector<16xf32> to vector<1x16xf32>
      tpu.vector_store %arg15[%swap3A_166, %swap3A_167], %swap3A_170 {strides = array<i32>} : memref<80x128xf32, #tpu.memory_space<vmem>>, vector<1x16xf32>,
      %swap3A_171 = arith.index_cast %scan3A_110 : i32 to index
      %swap3A_172 = arith.constant 96 : index
      %swap3A_173 = tpu.vector_load %arg12[%swap3A_171, %swap3A_172] {strides = array<i32>} : memref<80x128xf32, #tpu.memory_space<vmem>>, vector<1x16xf32>,
      %swap3A_174 = vector.shape_cast %swap3A_173 : vector<1x16xf32> to vector<16xf32>
      %swap3A_175 = vector.shape_cast %broadcast_in_dim3A_1 : vector<16xf32> to vector<1x16xf32>
      tpu.vector_store %arg12[%swap3A_171, %swap3A_172], %swap3A_175 {strides = array<i32>} : memref<80x128xf32, #tpu.memory_space<vmem>>, vector<1x16xf32>,
      %swap3A_176 = arith.index_cast %scan3A_110 : i32 to index
      %swap3A_177 = arith.constant 96 : index
      %swap3A_178 = tpu.vector_load %arg15[%swap3A_176, %swap3A_177] {strides = array<i32>} : memref<80x128xf32, #tpu.memory_space<vmem>>, vector<1x16xf32>,
      %swap3A_179 = vector.shape_cast %swap3A_178 : vector<1x16xf32> to vector<16xf32>
      %swap3A_180 = vector.shape_cast %broadcast_in_dim3A_1 : vector<16xf32> to vector<1x16xf32>
      tpu.vector_store %arg15[%swap3A_176, %swap3A_177], %swap3A_180 {strides = array<i32>} : memref<80x128xf32, #tpu.memory_space<vmem>>, vector<1x16xf32>,
      %swap3A_181 = arith.index_cast %scan3A_110 : i32 to index
      %swap3A_182 = arith.constant 112 : index
      %swap3A_183 = tpu.vector_load %arg12[%swap3A_181, %swap3A_182] {strides = array<i32>} : memref<80x128xf32, #tpu.memory_space<vmem>>, vector<1x16xf32>,
      %swap3A_184 = vector.shape_cast %swap3A_183 : vector<1x16xf32> to vector<16xf32>
      %swap3A_185 = vector.shape_cast %broadcast_in_dim3A_1 : vector<16xf32> to vector<1x16xf32>
      tpu.vector_store %arg12[%swap3A_181, %swap3A_182], %swap3A_185 {strides = array<i32>} : memref<80x128xf32, #tpu.memory_space<vmem>>, vector<1x16xf32>,
      %swap3A_186 = arith.index_cast %scan3A_110 : i32 to index
      %swap3A_187 = arith.constant 112 : index
      %swap3A_188 = tpu.vector_load %arg15[%swap3A_186, %swap3A_187] {strides = array<i32>} : memref<80x128xf32, #tpu.memory_space<vmem>>, vector<1x16xf32>,
      %swap3A_189 = vector.shape_cast %swap3A_188 : vector<1x16xf32> to vector<16xf32>
      %swap3A_190 = vector.shape_cast %broadcast_in_dim3A_1 : vector<16xf32> to vector<1x16xf32>
      tpu.vector_store %arg15[%swap3A_186, %swap3A_187], %swap3A_190 {strides = array<i32>} : memref<80x128xf32, #tpu.memory_space<vmem>>, vector<1x16xf32>,
    }
    %scan3A_9 = arith.constant 80 : i32
    %add3A_10 = arith.constant 0 : i32
    %add3A_11 = vector.broadcast %add3A_10 : i32 to vector<16xi32>
    %add3A_12 = arith.addi %iota3A, %add3A_11 : vector<16xi32>
    %swap3A = arith.constant 0 : index
    %swap3A_13 = tpu.vector_load %arg11[%swap3A] {strides = array<i32>} : memref<80xi32, #tpu.memory_space<vmem>>, vector<16xi32>,
    %swap3A_14 = vector.shape_cast %swap3A_13 : vector<16xi32> to vector<16xi32>
    %swap3A_15 = vector.shape_cast %add3A_12 : vector<16xi32> to vector<16xi32>
    tpu.vector_store %arg11[%swap3A], %swap3A_15 {strides = array<i32>} : memref<80xi32, #tpu.memory_space<vmem>>, vector<16xi32>,
    %add3A_16 = arith.constant 16 : i32
    %add3A_17 = vector.broadcast %add3A_16 : i32 to vector<16xi32>
    %add3A_18 = arith.addi %iota3A, %add3A_17 : vector<16xi32>
    %swap3A_19 = arith.constant 16 : index
    %swap3A_20 = tpu.vector_load %arg11[%swap3A_19] {strides = array<i32>} : memref<80xi32, #tpu.memory_space<vmem>>, vector<16xi32>,
    %swap3A_21 = vector.shape_cast %swap3A_20 : vector<16xi32> to vector<16xi32>
    %swap3A_22 = vector.shape_cast %add3A_18 : vector<16xi32> to vector<16xi32>
    tpu.vector_store %arg11[%swap3A_19], %swap3A_22 {strides = array<i32>} : memref<80xi32, #tpu.memory_space<vmem>>, vector<16xi32>,
    %add3A_23 = arith.constant 32 : i32
    %add3A_24 = vector.broadcast %add3A_23 : i32 to vector<16xi32>
    %add3A_25 = arith.addi %iota3A, %add3A_24 : vector<16xi32>
    %swap3A_26 = arith.constant 32 : index
    %swap3A_27 = tpu.vector_load %arg11[%swap3A_26] {strides = array<i32>} : memref<80xi32, #tpu.memory_space<vmem>>, vector<16xi32>,
    %swap3A_28 = vector.shape_cast %swap3A_27 : vector<16xi32> to vector<16xi32>
    %swap3A_29 = vector.shape_cast %add3A_25 : vector<16xi32> to vector<16xi32>
    tpu.vector_store %arg11[%swap3A_26], %swap3A_29 {strides = array<i32>} : memref<80xi32, #tpu.memory_space<vmem>>, vector<16xi32>,
    %add3A_30 = arith.constant 48 : i32
    %add3A_31 = vector.broadcast %add3A_30 : i32 to vector<16xi32>
    %add3A_32 = arith.addi %iota3A, %add3A_31 : vector<16xi32>
    %swap3A_33 = arith.constant 48 : index
    %swap3A_34 = tpu.vector_load %arg11[%swap3A_33] {strides = array<i32>} : memref<80xi32, #tpu.memory_space<vmem>>, vector<16xi32>,
    %swap3A_35 = vector.shape_cast %swap3A_34 : vector<16xi32> to vector<16xi32>
    %swap3A_36 = vector.shape_cast %add3A_32 : vector<16xi32> to vector<16xi32>
    tpu.vector_store %arg11[%swap3A_33], %swap3A_36 {strides = array<i32>} : memref<80xi32, #tpu.memory_space<vmem>>, vector<16xi32>,
    %add3A_37 = arith.constant 64 : i32
    %add3A_38 = vector.broadcast %add3A_37 : i32 to vector<16xi32>
    %add3A_39 = arith.addi %iota3A, %add3A_38 : vector<16xi32>
    %swap3A_40 = arith.constant 64 : index
    %swap3A_41 = tpu.vector_load %arg11[%swap3A_40] {strides = array<i32>} : memref<80xi32, #tpu.memory_space<vmem>>, vector<16xi32>,
    %swap3A_42 = vector.shape_cast %swap3A_41 : vector<16xi32> to vector<16xi32>
    %swap3A_43 = vector.shape_cast %add3A_39 : vector<16xi32> to vector<16xi32>
    tpu.vector_store %arg11[%swap3A_40], %swap3A_43 {strides = array<i32>} : memref<80xi32, #tpu.memory_space<vmem>>, vector<16xi32>,
    %mul3A_44 = arith.constant 624 : i32
    %mul3A_45 = arith.muli %arg1, %mul3A_44 : i32
    %add3A_46 = arith.constant 0 : i32
    %add3A_47 = arith.addi %mul3A_45, %add3A_46 : i32
    "tpu.region"() ({
      %run_scoped3A = tpu.sem_alloc : memref<!tpu.dma_semaphore, #tpu.memory_space<semaphore_mem>>
      %dma_start3A = arith.constant 0 : i32
      %dma_start3A_110 = arith.constant 0 : i32
      %dma_start3A_111 = tpu.memref_slice %arg12[%dma_start3A, %dma_start3A_110] : memref<80x128xf32, #tpu.memory_space<vmem>> -> memref<80x128xf32, #tpu.memory_space<vmem>>
      %dma_start3A_112 = arith.constant 0 : i32
      %dma_start3A_113 = tpu.memref_slice %arg16[%add3A_47, %dma_start3A_112] : memref<10000x128xf32, #tpu.memory_space<vmem_shared>> -> memref<80x128xf32, #tpu.memory_space<vmem_shared>>
      %dma_start3A_114 = arith.constant 0 : i32
      %dma_start3A_115 = tpu.memref_slice %arg16[%add3A_47, %dma_start3A_114] : memref<10000x128xf32, #tpu.memory_space<vmem_shared>> -> memref<80x128xf32, #tpu.memory_space<vmem_shared>>
      %dma_start3A_116 = arith.constant 0 : i32
      %dma_start3A_117 = arith.constant 0 : i32
      %dma_start3A_118 = tpu.memref_slice %arg12[%dma_start3A_116, %dma_start3A_117] : memref<80x128xf32, #tpu.memory_space<vmem>> -> memref<80x128xf32, #tpu.memory_space<vmem>>
      tpu.enqueue_dma source(%dma_start3A_118 : memref<80x128xf32, #tpu.memory_space<vmem>>) target(%dma_start3A_115 : memref<80x128xf32, #tpu.memory_space<vmem_shared>>) target_semaphore(%run_scoped3A : memref<!tpu.dma_semaphore, #tpu.memory_space<semaphore_mem>>)
      %dma_wait3A = arith.constant 0 : i32
      %dma_wait3A_119 = arith.constant 0 : i32
      %dma_wait3A_120 = tpu.memref_slice %arg12[%dma_wait3A, %dma_wait3A_119] : memref<80x128xf32, #tpu.memory_space<vmem>> -> memref<80x128xf32, #tpu.memory_space<vmem>>
      %dma_wait3A_121 = arith.constant 0 : i32
      %dma_wait3A_122 = tpu.memref_slice %arg16[%add3A_47, %dma_wait3A_121] : memref<10000x128xf32, #tpu.memory_space<vmem_shared>> -> memref<80x128xf32, #tpu.memory_space<vmem_shared>>
      %dma_wait3A_123 = arith.constant 0 : i32
      %dma_wait3A_124 = tpu.memref_slice %arg16[%add3A_47, %dma_wait3A_123] : memref<10000x128xf32, #tpu.memory_space<vmem_shared>> -> memref<80x128xf32, #tpu.memory_space<vmem_shared>>
      %dma_wait3A_125 = arith.constant 0 : i32
      %dma_wait3A_126 = arith.constant 0 : i32
      %dma_wait3A_127 = tpu.memref_slice %arg12[%dma_wait3A_125, %dma_wait3A_126] : memref<80x128xf32, #tpu.memory_space<vmem>> -> memref<80x128xf32, #tpu.memory_space<vmem>>
      tpu.wait_dma2 semaphore(%run_scoped3A : memref<!tpu.dma_semaphore, #tpu.memory_space<semaphore_mem>>) src(%dma_wait3A_127 : memref<80x128xf32, #tpu.memory_space<vmem>>) dst(%dma_wait3A_124 : memref<80x128xf32, #tpu.memory_space<vmem_shared>>)
      tpu.yield
    }) : () -> ()
    %add3A_48 = arith.constant 80 : i32
    %add3A_49 = arith.addi %mul3A_45, %add3A_48 : i32
    "tpu.region"() ({
      %run_scoped3A = tpu.sem_alloc : memref<!tpu.dma_semaphore, #tpu.memory_space<semaphore_mem>>
      %dma_start3A = arith.constant 0 : i32
      %dma_start3A_110 = arith.constant 0 : i32
      %dma_start3A_111 = tpu.memref_slice %arg12[%dma_start3A, %dma_start3A_110] : memref<80x128xf32, #tpu.memory_space<vmem>> -> memref<80x128xf32, #tpu.memory_space<vmem>>
      %dma_start3A_112 = arith.constant 0 : i32
      %dma_start3A_113 = tpu.memref_slice %arg16[%add3A_49, %dma_start3A_112] : memref<10000x128xf32, #tpu.memory_space<vmem_shared>> -> memref<80x128xf32, #tpu.memory_space<vmem_shared>>
      %dma_start3A_114 = arith.constant 0 : i32
      %dma_start3A_115 = tpu.memref_slice %arg16[%add3A_49, %dma_start3A_114] : memref<10000x128xf32, #tpu.memory_space<vmem_shared>> -> memref<80x128xf32, #tpu.memory_space<vmem_shared>>
      %dma_start3A_116 = arith.constant 0 : i32
      %dma_start3A_117 = arith.constant 0 : i32
      %dma_start3A_118 = tpu.memref_slice %arg12[%dma_start3A_116, %dma_start3A_117] : memref<80x128xf32, #tpu.memory_space<vmem>> -> memref<80x128xf32, #tpu.memory_space<vmem>>
      tpu.enqueue_dma source(%dma_start3A_118 : memref<80x128xf32, #tpu.memory_space<vmem>>) target(%dma_start3A_115 : memref<80x128xf32, #tpu.memory_space<vmem_shared>>) target_semaphore(%run_scoped3A : memref<!tpu.dma_semaphore, #tpu.memory_space<semaphore_mem>>)
      %dma_wait3A = arith.constant 0 : i32
      %dma_wait3A_119 = arith.constant 0 : i32
      %dma_wait3A_120 = tpu.memref_slice %arg12[%dma_wait3A, %dma_wait3A_119] : memref<80x128xf32, #tpu.memory_space<vmem>> -> memref<80x128xf32, #tpu.memory_space<vmem>>
      %dma_wait3A_121 = arith.constant 0 : i32
      %dma_wait3A_122 = tpu.memref_slice %arg16[%add3A_49, %dma_wait3A_121] : memref<10000x128xf32, #tpu.memory_space<vmem_shared>> -> memref<80x128xf32, #tpu.memory_space<vmem_shared>>
      %dma_wait3A_123 = arith.constant 0 : i32
      %dma_wait3A_124 = tpu.memref_slice %arg16[%add3A_49, %dma_wait3A_123] : memref<10000x128xf32, #tpu.memory_space<vmem_shared>> -> memref<80x128xf32, #tpu.memory_space<vmem_shared>>
      %dma_wait3A_125 = arith.constant 0 : i32
      %dma_wait3A_126 = arith.constant 0 : i32
      %dma_wait3A_127 = tpu.memref_slice %arg12[%dma_wait3A_125, %dma_wait3A_126] : memref<80x128xf32, #tpu.memory_space<vmem>> -> memref<80x128xf32, #tpu.memory_space<vmem>>
      tpu.wait_dma2 semaphore(%run_scoped3A : memref<!tpu.dma_semaphore, #tpu.memory_space<semaphore_mem>>) src(%dma_wait3A_127 : memref<80x128xf32, #tpu.memory_space<vmem>>) dst(%dma_wait3A_124 : memref<80x128xf32, #tpu.memory_space<vmem_shared>>)
      tpu.yield
    }) : () -> ()
    %add3A_50 = arith.constant 160 : i32
    %add3A_51 = arith.addi %mul3A_45, %add3A_50 : i32
    "tpu.region"() ({
      %run_scoped3A = tpu.sem_alloc : memref<!tpu.dma_semaphore, #tpu.memory_space<semaphore_mem>>
      %dma_start3A = arith.constant 0 : i32
      %dma_start3A_110 = arith.constant 0 : i32
      %dma_start3A_111 = tpu.memref_slice %arg12[%dma_start3A, %dma_start3A_110] : memref<80x128xf32, #tpu.memory_space<vmem>> -> memref<80x128xf32, #tpu.memory_space<vmem>>
      %dma_start3A_112 = arith.constant 0 : i32
      %dma_start3A_113 = tpu.memref_slice %arg16[%add3A_51, %dma_start3A_112] : memref<10000x128xf32, #tpu.memory_space<vmem_shared>> -> memref<80x128xf32, #tpu.memory_space<vmem_shared>>
      %dma_start3A_114 = arith.constant 0 : i32
      %dma_start3A_115 = tpu.memref_slice %arg16[%add3A_51, %dma_start3A_114] : memref<10000x128xf32, #tpu.memory_space<vmem_shared>> -> memref<80x128xf32, #tpu.memory_space<vmem_shared>>
      %dma_start3A_116 = arith.constant 0 : i32
      %dma_start3A_117 = arith.constant 0 : i32
      %dma_start3A_118 = tpu.memref_slice %arg12[%dma_start3A_116, %dma_start3A_117] : memref<80x128xf32, #tpu.memory_space<vmem>> -> memref<80x128xf32, #tpu.memory_space<vmem>>
      tpu.enqueue_dma source(%dma_start3A_118 : memref<80x128xf32, #tpu.memory_space<vmem>>) target(%dma_start3A_115 : memref<80x128xf32, #tpu.memory_space<vmem_shared>>) target_semaphore(%run_scoped3A : memref<!tpu.dma_semaphore, #tpu.memory_space<semaphore_mem>>)
      %dma_wait3A = arith.constant 0 : i32
      %dma_wait3A_119 = arith.constant 0 : i32
      %dma_wait3A_120 = tpu.memref_slice %arg12[%dma_wait3A, %dma_wait3A_119] : memref<80x128xf32, #tpu.memory_space<vmem>> -> memref<80x128xf32, #tpu.memory_space<vmem>>
      %dma_wait3A_121 = arith.constant 0 : i32
      %dma_wait3A_122 = tpu.memref_slice %arg16[%add3A_51, %dma_wait3A_121] : memref<10000x128xf32, #tpu.memory_space<vmem_shared>> -> memref<80x128xf32, #tpu.memory_space<vmem_shared>>
      %dma_wait3A_123 = arith.constant 0 : i32
      %dma_wait3A_124 = tpu.memref_slice %arg16[%add3A_51, %dma_wait3A_123] : memref<10000x128xf32, #tpu.memory_space<vmem_shared>> -> memref<80x128xf32, #tpu.memory_space<vmem_shared>>
      %dma_wait3A_125 = arith.constant 0 : i32
      %dma_wait3A_126 = arith.constant 0 : i32
      %dma_wait3A_127 = tpu.memref_slice %arg12[%dma_wait3A_125, %dma_wait3A_126] : memref<80x128xf32, #tpu.memory_space<vmem>> -> memref<80x128xf32, #tpu.memory_space<vmem>>
      tpu.wait_dma2 semaphore(%run_scoped3A : memref<!tpu.dma_semaphore, #tpu.memory_space<semaphore_mem>>) src(%dma_wait3A_127 : memref<80x128xf32, #tpu.memory_space<vmem>>) dst(%dma_wait3A_124 : memref<80x128xf32, #tpu.memory_space<vmem_shared>>)
      tpu.yield
    }) : () -> ()
    %add3A_52 = arith.constant 240 : i32
    %add3A_53 = arith.addi %mul3A_45, %add3A_52 : i32
    "tpu.region"() ({
      %run_scoped3A = tpu.sem_alloc : memref<!tpu.dma_semaphore, #tpu.memory_space<semaphore_mem>>
      %dma_start3A = arith.constant 0 : i32
      %dma_start3A_110 = arith.constant 0 : i32
      %dma_start3A_111 = tpu.memref_slice %arg12[%dma_start3A, %dma_start3A_110] : memref<80x128xf32, #tpu.memory_space<vmem>> -> memref<80x128xf32, #tpu.memory_space<vmem>>
      %dma_start3A_112 = arith.constant 0 : i32
      %dma_start3A_113 = tpu.memref_slice %arg16[%add3A_53, %dma_start3A_112] : memref<10000x128xf32, #tpu.memory_space<vmem_shared>> -> memref<80x128xf32, #tpu.memory_space<vmem_shared>>
      %dma_start3A_114 = arith.constant 0 : i32
      %dma_start3A_115 = tpu.memref_slice %arg16[%add3A_53, %dma_start3A_114] : memref<10000x128xf32, #tpu.memory_space<vmem_shared>> -> memref<80x128xf32, #tpu.memory_space<vmem_shared>>
      %dma_start3A_116 = arith.constant 0 : i32
      %dma_start3A_117 = arith.constant 0 : i32
      %dma_start3A_118 = tpu.memref_slice %arg12[%dma_start3A_116, %dma_start3A_117] : memref<80x128xf32, #tpu.memory_space<vmem>> -> memref<80x128xf32, #tpu.memory_space<vmem>>
      tpu.enqueue_dma source(%dma_start3A_118 : memref<80x128xf32, #tpu.memory_space<vmem>>) target(%dma_start3A_115 : memref<80x128xf32, #tpu.memory_space<vmem_shared>>) target_semaphore(%run_scoped3A : memref<!tpu.dma_semaphore, #tpu.memory_space<semaphore_mem>>)
      %dma_wait3A = arith.constant 0 : i32
      %dma_wait3A_119 = arith.constant 0 : i32
      %dma_wait3A_120 = tpu.memref_slice %arg12[%dma_wait3A, %dma_wait3A_119] : memref<80x128xf32, #tpu.memory_space<vmem>> -> memref<80x128xf32, #tpu.memory_space<vmem>>
      %dma_wait3A_121 = arith.constant 0 : i32
      %dma_wait3A_122 = tpu.memref_slice %arg16[%add3A_53, %dma_wait3A_121] : memref<10000x128xf32, #tpu.memory_space<vmem_shared>> -> memref<80x128xf32, #tpu.memory_space<vmem_shared>>
      %dma_wait3A_123 = arith.constant 0 : i32
      %dma_wait3A_124 = tpu.memref_slice %arg16[%add3A_53, %dma_wait3A_123] : memref<10000x128xf32, #tpu.memory_space<vmem_shared>> -> memref<80x128xf32, #tpu.memory_space<vmem_shared>>
      %dma_wait3A_125 = arith.constant 0 : i32
      %dma_wait3A_126 = arith.constant 0 : i32
      %dma_wait3A_127 = tpu.memref_slice %arg12[%dma_wait3A_125, %dma_wait3A_126] : memref<80x128xf32, #tpu.memory_space<vmem>> -> memref<80x128xf32, #tpu.memory_space<vmem>>
      tpu.wait_dma2 semaphore(%run_scoped3A : memref<!tpu.dma_semaphore, #tpu.memory_space<semaphore_mem>>) src(%dma_wait3A_127 : memref<80x128xf32, #tpu.memory_space<vmem>>) dst(%dma_wait3A_124 : memref<80x128xf32, #tpu.memory_space<vmem_shared>>)
      tpu.yield
    }) : () -> ()
    %add3A_54 = arith.constant 320 : i32
    %add3A_55 = arith.addi %mul3A_45, %add3A_54 : i32
    "tpu.region"() ({
      %run_scoped3A = tpu.sem_alloc : memref<!tpu.dma_semaphore, #tpu.memory_space<semaphore_mem>>
      %dma_start3A = arith.constant 0 : i32
      %dma_start3A_110 = arith.constant 0 : i32
      %dma_start3A_111 = tpu.memref_slice %arg12[%dma_start3A, %dma_start3A_110] : memref<80x128xf32, #tpu.memory_space<vmem>> -> memref<80x128xf32, #tpu.memory_space<vmem>>
      %dma_start3A_112 = arith.constant 0 : i32
      %dma_start3A_113 = tpu.memref_slice %arg16[%add3A_55, %dma_start3A_112] : memref<10000x128xf32, #tpu.memory_space<vmem_shared>> -> memref<80x128xf32, #tpu.memory_space<vmem_shared>>
      %dma_start3A_114 = arith.constant 0 : i32
      %dma_start3A_115 = tpu.memref_slice %arg16[%add3A_55, %dma_start3A_114] : memref<10000x128xf32, #tpu.memory_space<vmem_shared>> -> memref<80x128xf32, #tpu.memory_space<vmem_shared>>
      %dma_start3A_116 = arith.constant 0 : i32
      %dma_start3A_117 = arith.constant 0 : i32
      %dma_start3A_118 = tpu.memref_slice %arg12[%dma_start3A_116, %dma_start3A_117] : memref<80x128xf32, #tpu.memory_space<vmem>> -> memref<80x128xf32, #tpu.memory_space<vmem>>
      tpu.enqueue_dma source(%dma_start3A_118 : memref<80x128xf32, #tpu.memory_space<vmem>>) target(%dma_start3A_115 : memref<80x128xf32, #tpu.memory_space<vmem_shared>>) target_semaphore(%run_scoped3A : memref<!tpu.dma_semaphore, #tpu.memory_space<semaphore_mem>>)
      %dma_wait3A = arith.constant 0 : i32
      %dma_wait3A_119 = arith.constant 0 : i32
      %dma_wait3A_120 = tpu.memref_slice %arg12[%dma_wait3A, %dma_wait3A_119] : memref<80x128xf32, #tpu.memory_space<vmem>> -> memref<80x128xf32, #tpu.memory_space<vmem>>
      %dma_wait3A_121 = arith.constant 0 : i32
      %dma_wait3A_122 = tpu.memref_slice %arg16[%add3A_55, %dma_wait3A_121] : memref<10000x128xf32, #tpu.memory_space<vmem_shared>> -> memref<80x128xf32, #tpu.memory_space<vmem_shared>>
      %dma_wait3A_123 = arith.constant 0 : i32
      %dma_wait3A_124 = tpu.memref_slice %arg16[%add3A_55, %dma_wait3A_123] : memref<10000x128xf32, #tpu.memory_space<vmem_shared>> -> memref<80x128xf32, #tpu.memory_space<vmem_shared>>
      %dma_wait3A_125 = arith.constant 0 : i32
      %dma_wait3A_126 = arith.constant 0 : i32
      %dma_wait3A_127 = tpu.memref_slice %arg12[%dma_wait3A_125, %dma_wait3A_126] : memref<80x128xf32, #tpu.memory_space<vmem>> -> memref<80x128xf32, #tpu.memory_space<vmem>>
      tpu.wait_dma2 semaphore(%run_scoped3A : memref<!tpu.dma_semaphore, #tpu.memory_space<semaphore_mem>>) src(%dma_wait3A_127 : memref<80x128xf32, #tpu.memory_space<vmem>>) dst(%dma_wait3A_124 : memref<80x128xf32, #tpu.memory_space<vmem_shared>>)
      tpu.yield
    }) : () -> ()
    %add3A_56 = arith.constant 400 : i32
    %add3A_57 = arith.addi %mul3A_45, %add3A_56 : i32
    "tpu.region"() ({
      %run_scoped3A = tpu.sem_alloc : memref<!tpu.dma_semaphore, #tpu.memory_space<semaphore_mem>>
      %dma_start3A = arith.constant 0 : i32
      %dma_start3A_110 = arith.constant 0 : i32
      %dma_start3A_111 = tpu.memref_slice %arg12[%dma_start3A, %dma_start3A_110] : memref<80x128xf32, #tpu.memory_space<vmem>> -> memref<80x128xf32, #tpu.memory_space<vmem>>
      %dma_start3A_112 = arith.constant 0 : i32
      %dma_start3A_113 = tpu.memref_slice %arg16[%add3A_57, %dma_start3A_112] : memref<10000x128xf32, #tpu.memory_space<vmem_shared>> -> memref<80x128xf32, #tpu.memory_space<vmem_shared>>
      %dma_start3A_114 = arith.constant 0 : i32
      %dma_start3A_115 = tpu.memref_slice %arg16[%add3A_57, %dma_start3A_114] : memref<10000x128xf32, #tpu.memory_space<vmem_shared>> -> memref<80x128xf32, #tpu.memory_space<vmem_shared>>
      %dma_start3A_116 = arith.constant 0 : i32
      %dma_start3A_117 = arith.constant 0 : i32
      %dma_start3A_118 = tpu.memref_slice %arg12[%dma_start3A_116, %dma_start3A_117] : memref<80x128xf32, #tpu.memory_space<vmem>> -> memref<80x128xf32, #tpu.memory_space<vmem>>
      tpu.enqueue_dma source(%dma_start3A_118 : memref<80x128xf32, #tpu.memory_space<vmem>>) target(%dma_start3A_115 : memref<80x128xf32, #tpu.memory_space<vmem_shared>>) target_semaphore(%run_scoped3A : memref<!tpu.dma_semaphore, #tpu.memory_space<semaphore_mem>>)
      %dma_wait3A = arith.constant 0 : i32
      %dma_wait3A_119 = arith.constant 0 : i32
      %dma_wait3A_120 = tpu.memref_slice %arg12[%dma_wait3A, %dma_wait3A_119] : memref<80x128xf32, #tpu.memory_space<vmem>> -> memref<80x128xf32, #tpu.memory_space<vmem>>
      %dma_wait3A_121 = arith.constant 0 : i32
      %dma_wait3A_122 = tpu.memref_slice %arg16[%add3A_57, %dma_wait3A_121] : memref<10000x128xf32, #tpu.memory_space<vmem_shared>> -> memref<80x128xf32, #tpu.memory_space<vmem_shared>>
      %dma_wait3A_123 = arith.constant 0 : i32
      %dma_wait3A_124 = tpu.memref_slice %arg16[%add3A_57, %dma_wait3A_123] : memref<10000x128xf32, #tpu.memory_space<vmem_shared>> -> memref<80x128xf32, #tpu.memory_space<vmem_shared>>
      %dma_wait3A_125 = arith.constant 0 : i32
      %dma_wait3A_126 = arith.constant 0 : i32
      %dma_wait3A_127 = tpu.memref_slice %arg12[%dma_wait3A_125, %dma_wait3A_126] : memref<80x128xf32, #tpu.memory_space<vmem>> -> memref<80x128xf32, #tpu.memory_space<vmem>>
      tpu.wait_dma2 semaphore(%run_scoped3A : memref<!tpu.dma_semaphore, #tpu.memory_space<semaphore_mem>>) src(%dma_wait3A_127 : memref<80x128xf32, #tpu.memory_space<vmem>>) dst(%dma_wait3A_124 : memref<80x128xf32, #tpu.memory_space<vmem_shared>>)
      tpu.yield
    }) : () -> ()
    %add3A_58 = arith.constant 480 : i32
    %add3A_59 = arith.addi %mul3A_45, %add3A_58 : i32
    "tpu.region"() ({
      %run_scoped3A = tpu.sem_alloc : memref<!tpu.dma_semaphore, #tpu.memory_space<semaphore_mem>>
      %dma_start3A = arith.constant 0 : i32
      %dma_start3A_110 = arith.constant 0 : i32
      %dma_start3A_111 = tpu.memref_slice %arg12[%dma_start3A, %dma_start3A_110] : memref<80x128xf32, #tpu.memory_space<vmem>> -> memref<80x128xf32, #tpu.memory_space<vmem>>
      %dma_start3A_112 = arith.constant 0 : i32
      %dma_start3A_113 = tpu.memref_slice %arg16[%add3A_59, %dma_start3A_112] : memref<10000x128xf32, #tpu.memory_space<vmem_shared>> -> memref<80x128xf32, #tpu.memory_space<vmem_shared>>
      %dma_start3A_114 = arith.constant 0 : i32
      %dma_start3A_115 = tpu.memref_slice %arg16[%add3A_59, %dma_start3A_114] : memref<10000x128xf32, #tpu.memory_space<vmem_shared>> -> memref<80x128xf32, #tpu.memory_space<vmem_shared>>
      %dma_start3A_116 = arith.constant 0 : i32
      %dma_start3A_117 = arith.constant 0 : i32
      %dma_start3A_118 = tpu.memref_slice %arg12[%dma_start3A_116, %dma_start3A_117] : memref<80x128xf32, #tpu.memory_space<vmem>> -> memref<80x128xf32, #tpu.memory_space<vmem>>
      tpu.enqueue_dma source(%dma_start3A_118 : memref<80x128xf32, #tpu.memory_space<vmem>>) target(%dma_start3A_115 : memref<80x128xf32, #tpu.memory_space<vmem_shared>>) target_semaphore(%run_scoped3A : memref<!tpu.dma_semaphore, #tpu.memory_space<semaphore_mem>>)
      %dma_wait3A = arith.constant 0 : i32
      %dma_wait3A_119 = arith.constant 0 : i32
      %dma_wait3A_120 = tpu.memref_slice %arg12[%dma_wait3A, %dma_wait3A_119] : memref<80x128xf32, #tpu.memory_space<vmem>> -> memref<80x128xf32, #tpu.memory_space<vmem>>
      %dma_wait3A_121 = arith.constant 0 : i32
      %dma_wait3A_122 = tpu.memref_slice %arg16[%add3A_59, %dma_wait3A_121] : memref<10000x128xf32, #tpu.memory_space<vmem_shared>> -> memref<80x128xf32, #tpu.memory_space<vmem_shared>>
      %dma_wait3A_123 = arith.constant 0 : i32
      %dma_wait3A_124 = tpu.memref_slice %arg16[%add3A_59, %dma_wait3A_123] : memref<10000x128xf32, #tpu.memory_space<vmem_shared>> -> memref<80x128xf32, #tpu.memory_space<vmem_shared>>
      %dma_wait3A_125 = arith.constant 0 : i32
      %dma_wait3A_126 = arith.constant 0 : i32
      %dma_wait3A_127 = tpu.memref_slice %arg12[%dma_wait3A_125, %dma_wait3A_126] : memref<80x128xf32, #tpu.memory_space<vmem>> -> memref<80x128xf32, #tpu.memory_space<vmem>>
      tpu.wait_dma2 semaphore(%run_scoped3A : memref<!tpu.dma_semaphore, #tpu.memory_space<semaphore_mem>>) src(%dma_wait3A_127 : memref<80x128xf32, #tpu.memory_space<vmem>>) dst(%dma_wait3A_124 : memref<80x128xf32, #tpu.memory_space<vmem_shared>>)
      tpu.yield
    }) : () -> ()
    %add3A_60 = arith.constant 560 : i32
    %add3A_61 = arith.addi %mul3A_45, %add3A_60 : i32
    "tpu.region"() ({
      %run_scoped3A = tpu.sem_alloc : memref<!tpu.dma_semaphore, #tpu.memory_space<semaphore_mem>>
      %dma_start3A = arith.constant 0 : i32
      %dma_start3A_110 = arith.constant 0 : i32
      %dma_start3A_111 = tpu.memref_slice %arg12[%dma_start3A, %dma_start3A_110] : memref<80x128xf32, #tpu.memory_space<vmem>> -> memref<80x128xf32, #tpu.memory_space<vmem>>
      %dma_start3A_112 = arith.constant 0 : i32
      %dma_start3A_113 = tpu.memref_slice %arg16[%add3A_61, %dma_start3A_112] : memref<10000x128xf32, #tpu.memory_space<vmem_shared>> -> memref<80x128xf32, #tpu.memory_space<vmem_shared>>
      %dma_start3A_114 = arith.constant 0 : i32
      %dma_start3A_115 = tpu.memref_slice %arg16[%add3A_61, %dma_start3A_114] : memref<10000x128xf32, #tpu.memory_space<vmem_shared>> -> memref<80x128xf32, #tpu.memory_space<vmem_shared>>
      %dma_start3A_116 = arith.constant 0 : i32
      %dma_start3A_117 = arith.constant 0 : i32
      %dma_start3A_118 = tpu.memref_slice %arg12[%dma_start3A_116, %dma_start3A_117] : memref<80x128xf32, #tpu.memory_space<vmem>> -> memref<80x128xf32, #tpu.memory_space<vmem>>
      tpu.enqueue_dma source(%dma_start3A_118 : memref<80x128xf32, #tpu.memory_space<vmem>>) target(%dma_start3A_115 : memref<80x128xf32, #tpu.memory_space<vmem_shared>>) target_semaphore(%run_scoped3A : memref<!tpu.dma_semaphore, #tpu.memory_space<semaphore_mem>>)
      %dma_wait3A = arith.constant 0 : i32
      %dma_wait3A_119 = arith.constant 0 : i32
      %dma_wait3A_120 = tpu.memref_slice %arg12[%dma_wait3A, %dma_wait3A_119] : memref<80x128xf32, #tpu.memory_space<vmem>> -> memref<80x128xf32, #tpu.memory_space<vmem>>
      %dma_wait3A_121 = arith.constant 0 : i32
      %dma_wait3A_122 = tpu.memref_slice %arg16[%add3A_61, %dma_wait3A_121] : memref<10000x128xf32, #tpu.memory_space<vmem_shared>> -> memref<80x128xf32, #tpu.memory_space<vmem_shared>>
      %dma_wait3A_123 = arith.constant 0 : i32
      %dma_wait3A_124 = tpu.memref_slice %arg16[%add3A_61, %dma_wait3A_123] : memref<10000x128xf32, #tpu.memory_space<vmem_shared>> -> memref<80x128xf32, #tpu.memory_space<vmem_shared>>
      %dma_wait3A_125 = arith.constant 0 : i32
      %dma_wait3A_126 = arith.constant 0 : i32
      %dma_wait3A_127 = tpu.memref_slice %arg12[%dma_wait3A_125, %dma_wait3A_126] : memref<80x128xf32, #tpu.memory_space<vmem>> -> memref<80x128xf32, #tpu.memory_space<vmem>>
      tpu.wait_dma2 semaphore(%run_scoped3A : memref<!tpu.dma_semaphore, #tpu.memory_space<semaphore_mem>>) src(%dma_wait3A_127 : memref<80x128xf32, #tpu.memory_space<vmem>>) dst(%dma_wait3A_124 : memref<80x128xf32, #tpu.memory_space<vmem_shared>>)
      tpu.yield
    }) : () -> ()
    %eq3A = arith.constant 0 : i32
    %eq3A_62 = arith.cmpi eq, %arg1, %eq3A : i32
    %convert_element_type3A = arith.extui %eq3A_62 : i1 to i32
    %cond3A = arith.constant 0 : i32
    %cond3A_63 = arith.cmpi ne, %convert_element_type3A, %cond3A : i32
    scf.if %cond3A_63 {
      "tpu.region"() ({
        %run_scoped3A = tpu.sem_alloc : memref<!tpu.dma_semaphore, #tpu.memory_space<semaphore_mem>>
        tpu.enqueue_dma source(%arg12 : memref<80x128xf32, #tpu.memory_space<vmem>>) target(%arg17 : memref<80x128xf32, #tpu.memory_space<vmem_shared>>) target_semaphore(%run_scoped3A : memref<!tpu.dma_semaphore, #tpu.memory_space<semaphore_mem>>)
        tpu.wait_dma2 semaphore(%run_scoped3A : memref<!tpu.dma_semaphore, #tpu.memory_space<semaphore_mem>>) src(%arg12 : memref<80x128xf32, #tpu.memory_space<vmem>>) dst(%arg17 : memref<80x128xf32, #tpu.memory_space<vmem_shared>>)
        tpu.yield
      }) : () -> ()
    } else {
    }
    %barrier3A = arith.constant 0 : index
    tpu.barrier barrier_id(%barrier3A)
    %mul3A_64 = arith.constant 10000 : i32
    %mul3A_65 = arith.muli %add3A, %mul3A_64 : i32
    %scan3A_66 = arith.constant 0 : i32
    %scan3A_67 = arith.constant 0 : i32
    %scan3A_68 = arith.constant 125 : i32
    %scan3A_69 = arith.addi %scan3A_67, %scan3A_68 : i32
    %scan3A_70 = arith.constant 1 : i32
    scf.for %scan3A_110 = %scan3A_67 to %scan3A_69 step %scan3A_70  : i32 {
      %mul3A_111 = arith.constant 80 : i32
      %mul3A_112 = arith.muli %scan3A_110, %mul3A_111 : i32
      %add3A_113 = arith.addi %mul3A_65, %mul3A_112 : i32
      "tpu.region"() ({
        %run_scoped3A = tpu.sem_alloc : memref<!tpu.dma_semaphore, #tpu.memory_space<semaphore_mem>>
        %dma_start3A_2377 = tpu.memref_slice %arg5[%add3A_113] : memref<320000xi32, #tpu.memory_space<hbm>> -> memref<80xi32, #tpu.memory_space<hbm>>
        %dma_start3A_2378 = tpu.memref_slice %arg5[%add3A_113] : memref<320000xi32, #tpu.memory_space<hbm>> -> memref<80xi32, #tpu.memory_space<hbm>>
        tpu.enqueue_dma source(%dma_start3A_2378 : memref<80xi32, #tpu.memory_space<hbm>>) target(%arg9 : memref<80xi32, #tpu.memory_space<vmem>>) target_semaphore(%run_scoped3A : memref<!tpu.dma_semaphore, #tpu.memory_space<semaphore_mem>>)
        %dma_wait3A_2379 = tpu.memref_slice %arg5[%add3A_113] : memref<320000xi32, #tpu.memory_space<hbm>> -> memref<80xi32, #tpu.memory_space<hbm>>
        %dma_wait3A_2380 = tpu.memref_slice %arg5[%add3A_113] : memref<320000xi32, #tpu.memory_space<hbm>> -> memref<80xi32, #tpu.memory_space<hbm>>
        tpu.wait_dma2 semaphore(%run_scoped3A : memref<!tpu.dma_semaphore, #tpu.memory_space<semaphore_mem>>) src(%dma_wait3A_2380 : memref<80xi32, #tpu.memory_space<hbm>>) dst(%arg9 : memref<80xi32, #tpu.memory_space<vmem>>)
        tpu.yield
      }) : () -> ()
      "tpu.region"() ({
        %run_scoped3A = tpu.sem_alloc : memref<!tpu.dma_semaphore, #tpu.memory_space<semaphore_mem>>
        %dma_start3A_2377 = tpu.memref_slice %arg6[%add3A_113] : memref<320000xi32, #tpu.memory_space<hbm>> -> memref<80xi32, #tpu.memory_space<hbm>>
        %dma_start3A_2378 = tpu.memref_slice %arg6[%add3A_113] : memref<320000xi32, #tpu.memory_space<hbm>> -> memref<80xi32, #tpu.memory_space<hbm>>
        tpu.enqueue_dma source(%dma_start3A_2378 : memref<80xi32, #tpu.memory_space<hbm>>) target(%arg10 : memref<80xi32, #tpu.memory_space<vmem>>) target_semaphore(%run_scoped3A : memref<!tpu.dma_semaphore, #tpu.memory_space<semaphore_mem>>)
        %dma_wait3A_2379 = tpu.memref_slice %arg6[%add3A_113] : memref<320000xi32, #tpu.memory_space<hbm>> -> memref<80xi32, #tpu.memory_space<hbm>>
        %dma_wait3A_2380 = tpu.memref_slice %arg6[%add3A_113] : memref<320000xi32, #tpu.memory_space<hbm>> -> memref<80xi32, #tpu.memory_space<hbm>>
        tpu.wait_dma2 semaphore(%run_scoped3A : memref<!tpu.dma_semaphore, #tpu.memory_space<semaphore_mem>>) src(%dma_wait3A_2380 : memref<80xi32, #tpu.memory_space<hbm>>) dst(%arg10 : memref<80xi32, #tpu.memory_space<vmem>>)
        tpu.yield
      }) : () -> ()
      %dma_start3A = arith.constant 0 : i32
      %dma_start3A_114 = arith.constant 0 : i32
      %dma_start3A_115 = tpu.memref_slice %arg2[%dma_start3A, %dma_start3A_114] : memref<10000x128xf32, #tpu.memory_space<hbm>> -> memref<10000x128xf32, #tpu.memory_space<hbm>>
      tpu.enqueue_indirect_dma source(%dma_start3A_115 : memref<10000x128xf32, #tpu.memory_space<hbm>>) target(%arg12 : memref<80x128xf32, #tpu.memory_space<vmem>>) offsets(%arg9 : memref<80xi32, #tpu.memory_space<vmem>>) semaphore(%arg18 : memref<!tpu.dma_semaphore, #tpu.memory_space<semaphore_mem>>)
      %dma_start3A_116 = arith.constant 0 : i32
      %dma_start3A_117 = arith.constant 0 : i32
      %dma_start3A_118 = tpu.memref_slice %arg3[%dma_start3A_116, %dma_start3A_117] : memref<10000x128xf32, #tpu.memory_space<hbm>> -> memref<10000x128xf32, #tpu.memory_space<hbm>>
      tpu.enqueue_indirect_dma source(%dma_start3A_118 : memref<10000x128xf32, #tpu.memory_space<hbm>>) target(%arg13 : memref<80x128xf32, #tpu.memory_space<vmem>>) offsets(%arg10 : memref<80xi32, #tpu.memory_space<vmem>>) semaphore(%arg19 : memref<!tpu.dma_semaphore, #tpu.memory_space<semaphore_mem>>)
      "tpu.region"() ({
        %run_scoped3A = tpu.sem_alloc : memref<!tpu.dma_semaphore, #tpu.memory_space<semaphore_mem>>
        %dma_start3A_2377 = arith.constant 0 : i32
        %dma_start3A_2378 = tpu.memref_slice %arg4[%add3A_113, %dma_start3A_2377] : memref<320000x128xf32, #tpu.memory_space<hbm>> -> memref<80x128xf32, #tpu.memory_space<hbm>>
        %dma_start3A_2379 = arith.constant 0 : i32
        %dma_start3A_2380 = tpu.memref_slice %arg4[%add3A_113, %dma_start3A_2379] : memref<320000x128xf32, #tpu.memory_space<hbm>> -> memref<80x128xf32, #tpu.memory_space<hbm>>
        tpu.enqueue_dma source(%dma_start3A_2380 : memref<80x128xf32, #tpu.memory_space<hbm>>) target(%arg14 : memref<80x128xf32, #tpu.memory_space<vmem>>) target_semaphore(%run_scoped3A : memref<!tpu.dma_semaphore, #tpu.memory_space<semaphore_mem>>)
        %dma_wait3A_2381 = arith.constant 0 : i32
        %dma_wait3A_2382 = tpu.memref_slice %arg4[%add3A_113, %dma_wait3A_2381] : memref<320000x128xf32, #tpu.memory_space<hbm>> -> memref<80x128xf32, #tpu.memory_space<hbm>>
        %dma_wait3A_2383 = arith.constant 0 : i32
        %dma_wait3A_2384 = tpu.memref_slice %arg4[%add3A_113, %dma_wait3A_2383] : memref<320000x128xf32, #tpu.memory_space<hbm>> -> memref<80x128xf32, #tpu.memory_space<hbm>>
        tpu.wait_dma2 semaphore(%run_scoped3A : memref<!tpu.dma_semaphore, #tpu.memory_space<semaphore_mem>>) src(%dma_wait3A_2384 : memref<80x128xf32, #tpu.memory_space<hbm>>) dst(%arg14 : memref<80x128xf32, #tpu.memory_space<vmem>>)
        tpu.yield
      }) : () -> ()
      %dma_wait3A = arith.constant 0 : i32
      %dma_wait3A_119 = arith.constant 0 : i32
      %dma_wait3A_120 = tpu.memref_slice %arg2[%dma_wait3A, %dma_wait3A_119] : memref<10000x128xf32, #tpu.memory_space<hbm>> -> memref<10000x128xf32, #tpu.memory_space<hbm>>
      tpu.wait_indirect_dma semaphore(%arg18 : memref<!tpu.dma_semaphore, #tpu.memory_space<semaphore_mem>>) src(%dma_wait3A_120 : memref<10000x128xf32, #tpu.memory_space<hbm>>) dst(%arg12 : memref<80x128xf32, #tpu.memory_space<vmem>>)
      %dma_wait3A_121 = arith.constant 0 : i32
      %dma_wait3A_122 = arith.constant 0 : i32
      %dma_wait3A_123 = tpu.memref_slice %arg3[%dma_wait3A_121, %dma_wait3A_122] : memref<10000x128xf32, #tpu.memory_space<hbm>> -> memref<10000x128xf32, #tpu.memory_space<hbm>>
      tpu.wait_indirect_dma semaphore(%arg19 : memref<!tpu.dma_semaphore, #tpu.memory_space<semaphore_mem>>) src(%dma_wait3A_123 : memref<10000x128xf32, #tpu.memory_space<hbm>>) dst(%arg13 : memref<80x128xf32, #tpu.memory_space<vmem>>)
      %scan3A_124 = arith.constant 0 : i32
      %scan3A_125 = arith.constant 0 : i32
      %scan3A_126 = arith.constant 80 : i32
      %scan3A_127 = arith.addi %scan3A_125, %scan3A_126 : i32
      %scan3A_128 = arith.constant 1 : i32
      scf.for %scan3A_2377 = %scan3A_125 to %scan3A_127 step %scan3A_128  : i32 {
        %get3A_2378 = arith.index_cast %scan3A_2377 : i32 to index
        %get3A_2379 = arith.constant 0 : index
        %get3A_2380 = tpu.vector_load %arg12[%get3A_2378, %get3A_2379] {strides = array<i32>} : memref<80x128xf32, #tpu.memory_space<vmem>>, vector<1x16xf32>,
        %get3A_2381 = vector.shape_cast %get3A_2380 : vector<1x16xf32> to vector<16xf32>
        %get3A_2382 = arith.index_cast %scan3A_2377 : i32 to index
        %get3A_2383 = arith.constant 0 : index
        %get3A_2384 = tpu.vector_load %arg13[%get3A_2382, %get3A_2383] {strides = array<i32>} : memref<80x128xf32, #tpu.memory_space<vmem>>, vector<1x16xf32>,
        %get3A_2385 = vector.shape_cast %get3A_2384 : vector<1x16xf32> to vector<16xf32>
        %add3A_2386 = arith.addf %get3A_2381, %get3A_2385 : vector<16xf32>
        %get3A_2387 = arith.index_cast %scan3A_2377 : i32 to index
        %get3A_2388 = arith.constant 0 : index
        %get3A_2389 = tpu.vector_load %arg14[%get3A_2387, %get3A_2388] {strides = array<i32>} : memref<80x128xf32, #tpu.memory_space<vmem>>, vector<1x16xf32>,
        %get3A_2390 = vector.shape_cast %get3A_2389 : vector<1x16xf32> to vector<16xf32>
        %add3A_2391 = arith.addf %add3A_2386, %get3A_2390 : vector<16xf32>
        %max3A = arith.constant 0.000000e+00 : f32
        %max3A_2392 = vector.broadcast %max3A : f32 to vector<16xf32>
        %max3A_2393 = arith.maximumf %add3A_2391, %max3A_2392 : vector<16xf32>
        %swap3A_2394 = arith.index_cast %scan3A_2377 : i32 to index
        %swap3A_2395 = arith.constant 0 : index
        %swap3A_2396 = tpu.vector_load %arg14[%swap3A_2394, %swap3A_2395] {strides = array<i32>} : memref<80x128xf32, #tpu.memory_space<vmem>>, vector<1x16xf32>,
        %swap3A_2397 = vector.shape_cast %swap3A_2396 : vector<1x16xf32> to vector<16xf32>
        %swap3A_2398 = vector.shape_cast %max3A_2393 : vector<16xf32> to vector<1x16xf32>
        tpu.vector_store %arg14[%swap3A_2394, %swap3A_2395], %swap3A_2398 {strides = array<i32>} : memref<80x128xf32, #tpu.memory_space<vmem>>, vector<1x16xf32>,
        %get3A_2399 = arith.index_cast %scan3A_2377 : i32 to index
        %get3A_2400 = arith.constant 16 : index
        %get3A_2401 = tpu.vector_load %arg12[%get3A_2399, %get3A_2400] {strides = array<i32>} : memref<80x128xf32, #tpu.memory_space<vmem>>, vector<1x16xf32>,
        %get3A_2402 = vector.shape_cast %get3A_2401 : vector<1x16xf32> to vector<16xf32>
        %get3A_2403 = arith.index_cast %scan3A_2377 : i32 to index
        %get3A_2404 = arith.constant 16 : index
        %get3A_2405 = tpu.vector_load %arg13[%get3A_2403, %get3A_2404] {strides = array<i32>} : memref<80x128xf32, #tpu.memory_space<vmem>>, vector<1x16xf32>,
        %get3A_2406 = vector.shape_cast %get3A_2405 : vector<1x16xf32> to vector<16xf32>
        %add3A_2407 = arith.addf %get3A_2402, %get3A_2406 : vector<16xf32>
        %get3A_2408 = arith.index_cast %scan3A_2377 : i32 to index
        %get3A_2409 = arith.constant 16 : index
        %get3A_2410 = tpu.vector_load %arg14[%get3A_2408, %get3A_2409] {strides = array<i32>} : memref<80x128xf32, #tpu.memory_space<vmem>>, vector<1x16xf32>,
        %get3A_2411 = vector.shape_cast %get3A_2410 : vector<1x16xf32> to vector<16xf32>
        %add3A_2412 = arith.addf %add3A_2407, %get3A_2411 : vector<16xf32>
        %max3A_2413 = arith.constant 0.000000e+00 : f32
        %max3A_2414 = vector.broadcast %max3A_2413 : f32 to vector<16xf32>
        %max3A_2415 = arith.maximumf %add3A_2412, %max3A_2414 : vector<16xf32>
        %swap3A_2416 = arith.index_cast %scan3A_2377 : i32 to index
        %swap3A_2417 = arith.constant 16 : index
        %swap3A_2418 = tpu.vector_load %arg14[%swap3A_2416, %swap3A_2417] {strides = array<i32>} : memref<80x128xf32, #tpu.memory_space<vmem>>, vector<1x16xf32>,
        %swap3A_2419 = vector.shape_cast %swap3A_2418 : vector<1x16xf32> to vector<16xf32>
        %swap3A_2420 = vector.shape_cast %max3A_2415 : vector<16xf32> to vector<1x16xf32>
        tpu.vector_store %arg14[%swap3A_2416, %swap3A_2417], %swap3A_2420 {strides = array<i32>} : memref<80x128xf32, #tpu.memory_space<vmem>>, vector<1x16xf32>,
        %get3A_2421 = arith.index_cast %scan3A_2377 : i32 to index
        %get3A_2422 = arith.constant 32 : index
        %get3A_2423 = tpu.vector_load %arg12[%get3A_2421, %get3A_2422] {strides = array<i32>} : memref<80x128xf32, #tpu.memory_space<vmem>>, vector<1x16xf32>,
        %get3A_2424 = vector.shape_cast %get3A_2423 : vector<1x16xf32> to vector<16xf32>
        %get3A_2425 = arith.index_cast %scan3A_2377 : i32 to index
        %get3A_2426 = arith.constant 32 : index
        %get3A_2427 = tpu.vector_load %arg13[%get3A_2425, %get3A_2426] {strides = array<i32>} : memref<80x128xf32, #tpu.memory_space<vmem>>, vector<1x16xf32>,
        %get3A_2428 = vector.shape_cast %get3A_2427 : vector<1x16xf32> to vector<16xf32>
        %add3A_2429 = arith.addf %get3A_2424, %get3A_2428 : vector<16xf32>
        %get3A_2430 = arith.index_cast %scan3A_2377 : i32 to index
        %get3A_2431 = arith.constant 32 : index
        %get3A_2432 = tpu.vector_load %arg14[%get3A_2430, %get3A_2431] {strides = array<i32>} : memref<80x128xf32, #tpu.memory_space<vmem>>, vector<1x16xf32>,
        %get3A_2433 = vector.shape_cast %get3A_2432 : vector<1x16xf32> to vector<16xf32>
        %add3A_2434 = arith.addf %add3A_2429, %get3A_2433 : vector<16xf32>
        %max3A_2435 = arith.constant 0.000000e+00 : f32
        %max3A_2436 = vector.broadcast %max3A_2435 : f32 to vector<16xf32>
        %max3A_2437 = arith.maximumf %add3A_2434, %max3A_2436 : vector<16xf32>
        %swap3A_2438 = arith.index_cast %scan3A_2377 : i32 to index
        %swap3A_2439 = arith.constant 32 : index
        %swap3A_2440 = tpu.vector_load %arg14[%swap3A_2438, %swap3A_2439] {strides = array<i32>} : memref<80x128xf32, #tpu.memory_space<vmem>>, vector<1x16xf32>,
        %swap3A_2441 = vector.shape_cast %swap3A_2440 : vector<1x16xf32> to vector<16xf32>
        %swap3A_2442 = vector.shape_cast %max3A_2437 : vector<16xf32> to vector<1x16xf32>
        tpu.vector_store %arg14[%swap3A_2438, %swap3A_2439], %swap3A_2442 {strides = array<i32>} : memref<80x128xf32, #tpu.memory_space<vmem>>, vector<1x16xf32>,
        %get3A_2443 = arith.index_cast %scan3A_2377 : i32 to index
        %get3A_2444 = arith.constant 48 : index
        %get3A_2445 = tpu.vector_load %arg12[%get3A_2443, %get3A_2444] {strides = array<i32>} : memref<80x128xf32, #tpu.memory_space<vmem>>, vector<1x16xf32>,
        %get3A_2446 = vector.shape_cast %get3A_2445 : vector<1x16xf32> to vector<16xf32>
        %get3A_2447 = arith.index_cast %scan3A_2377 : i32 to index
        %get3A_2448 = arith.constant 48 : index
        %get3A_2449 = tpu.vector_load %arg13[%get3A_2447, %get3A_2448] {strides = array<i32>} : memref<80x128xf32, #tpu.memory_space<vmem>>, vector<1x16xf32>,
        %get3A_2450 = vector.shape_cast %get3A_2449 : vector<1x16xf32> to vector<16xf32>
        %add3A_2451 = arith.addf %get3A_2446, %get3A_2450 : vector<16xf32>
        %get3A_2452 = arith.index_cast %scan3A_2377 : i32 to index
        %get3A_2453 = arith.constant 48 : index
        %get3A_2454 = tpu.vector_load %arg14[%get3A_2452, %get3A_2453] {strides = array<i32>} : memref<80x128xf32, #tpu.memory_space<vmem>>, vector<1x16xf32>,
        %get3A_2455 = vector.shape_cast %get3A_2454 : vector<1x16xf32> to vector<16xf32>
        %add3A_2456 = arith.addf %add3A_2451, %get3A_2455 : vector<16xf32>
        %max3A_2457 = arith.constant 0.000000e+00 : f32
        %max3A_2458 = vector.broadcast %max3A_2457 : f32 to vector<16xf32>
        %max3A_2459 = arith.maximumf %add3A_2456, %max3A_2458 : vector<16xf32>
        %swap3A_2460 = arith.index_cast %scan3A_2377 : i32 to index
        %swap3A_2461 = arith.constant 48 : index
        %swap3A_2462 = tpu.vector_load %arg14[%swap3A_2460, %swap3A_2461] {strides = array<i32>} : memref<80x128xf32, #tpu.memory_space<vmem>>, vector<1x16xf32>,
        %swap3A_2463 = vector.shape_cast %swap3A_2462 : vector<1x16xf32> to vector<16xf32>
        %swap3A_2464 = vector.shape_cast %max3A_2459 : vector<16xf32> to vector<1x16xf32>
        tpu.vector_store %arg14[%swap3A_2460, %swap3A_2461], %swap3A_2464 {strides = array<i32>} : memref<80x128xf32, #tpu.memory_space<vmem>>, vector<1x16xf32>,
        %get3A_2465 = arith.index_cast %scan3A_2377 : i32 to index
        %get3A_2466 = arith.constant 64 : index
        %get3A_2467 = tpu.vector_load %arg12[%get3A_2465, %get3A_2466] {strides = array<i32>} : memref<80x128xf32, #tpu.memory_space<vmem>>, vector<1x16xf32>,
        %get3A_2468 = vector.shape_cast %get3A_2467 : vector<1x16xf32> to vector<16xf32>
        %get3A_2469 = arith.index_cast %scan3A_2377 : i32 to index
        %get3A_2470 = arith.constant 64 : index
        %get3A_2471 = tpu.vector_load %arg13[%get3A_2469, %get3A_2470] {strides = array<i32>} : memref<80x128xf32, #tpu.memory_space<vmem>>, vector<1x16xf32>,
        %get3A_2472 = vector.shape_cast %get3A_2471 : vector<1x16xf32> to vector<16xf32>
        %add3A_2473 = arith.addf %get3A_2468, %get3A_2472 : vector<16xf32>
        %get3A_2474 = arith.index_cast %scan3A_2377 : i32 to index
        %get3A_2475 = arith.constant 64 : index
        %get3A_2476 = tpu.vector_load %arg14[%get3A_2474, %get3A_2475] {strides = array<i32>} : memref<80x128xf32, #tpu.memory_space<vmem>>, vector<1x16xf32>,
        %get3A_2477 = vector.shape_cast %get3A_2476 : vector<1x16xf32> to vector<16xf32>
        %add3A_2478 = arith.addf %add3A_2473, %get3A_2477 : vector<16xf32>
        %max3A_2479 = arith.constant 0.000000e+00 : f32
        %max3A_2480 = vector.broadcast %max3A_2479 : f32 to vector<16xf32>
        %max3A_2481 = arith.maximumf %add3A_2478, %max3A_2480 : vector<16xf32>
        %swap3A_2482 = arith.index_cast %scan3A_2377 : i32 to index
        %swap3A_2483 = arith.constant 64 : index
        %swap3A_2484 = tpu.vector_load %arg14[%swap3A_2482, %swap3A_2483] {strides = array<i32>} : memref<80x128xf32, #tpu.memory_space<vmem>>, vector<1x16xf32>,
        %swap3A_2485 = vector.shape_cast %swap3A_2484 : vector<1x16xf32> to vector<16xf32>
        %swap3A_2486 = vector.shape_cast %max3A_2481 : vector<16xf32> to vector<1x16xf32>
        tpu.vector_store %arg14[%swap3A_2482, %swap3A_2483], %swap3A_2486 {strides = array<i32>} : memref<80x128xf32, #tpu.memory_space<vmem>>, vector<1x16xf32>,
        %get3A_2487 = arith.index_cast %scan3A_2377 : i32 to index
        %get3A_2488 = arith.constant 80 : index
        %get3A_2489 = tpu.vector_load %arg12[%get3A_2487, %get3A_2488] {strides = array<i32>} : memref<80x128xf32, #tpu.memory_space<vmem>>, vector<1x16xf32>,
        %get3A_2490 = vector.shape_cast %get3A_2489 : vector<1x16xf32> to vector<16xf32>
        %get3A_2491 = arith.index_cast %scan3A_2377 : i32 to index
        %get3A_2492 = arith.constant 80 : index
        %get3A_2493 = tpu.vector_load %arg13[%get3A_2491, %get3A_2492] {strides = array<i32>} : memref<80x128xf32, #tpu.memory_space<vmem>>, vector<1x16xf32>,
        %get3A_2494 = vector.shape_cast %get3A_2493 : vector<1x16xf32> to vector<16xf32>
        %add3A_2495 = arith.addf %get3A_2490, %get3A_2494 : vector<16xf32>
        %get3A_2496 = arith.index_cast %scan3A_2377 : i32 to index
        %get3A_2497 = arith.constant 80 : index
        %get3A_2498 = tpu.vector_load %arg14[%get3A_2496, %get3A_2497] {strides = array<i32>} : memref<80x128xf32, #tpu.memory_space<vmem>>, vector<1x16xf32>,
        %get3A_2499 = vector.shape_cast %get3A_2498 : vector<1x16xf32> to vector<16xf32>
        %add3A_2500 = arith.addf %add3A_2495, %get3A_2499 : vector<16xf32>
        %max3A_2501 = arith.constant 0.000000e+00 : f32
        %max3A_2502 = vector.broadcast %max3A_2501 : f32 to vector<16xf32>
        %max3A_2503 = arith.maximumf %add3A_2500, %max3A_2502 : vector<16xf32>
        %swap3A_2504 = arith.index_cast %scan3A_2377 : i32 to index
        %swap3A_2505 = arith.constant 80 : index
        %swap3A_2506 = tpu.vector_load %arg14[%swap3A_2504, %swap3A_2505] {strides = array<i32>} : memref<80x128xf32, #tpu.memory_space<vmem>>, vector<1x16xf32>,
        %swap3A_2507 = vector.shape_cast %swap3A_2506 : vector<1x16xf32> to vector<16xf32>
        %swap3A_2508 = vector.shape_cast %max3A_2503 : vector<16xf32> to vector<1x16xf32>
        tpu.vector_store %arg14[%swap3A_2504, %swap3A_2505], %swap3A_2508 {strides = array<i32>} : memref<80x128xf32, #tpu.memory_space<vmem>>, vector<1x16xf32>,
        %get3A_2509 = arith.index_cast %scan3A_2377 : i32 to index
        %get3A_2510 = arith.constant 96 : index
        %get3A_2511 = tpu.vector_load %arg12[%get3A_2509, %get3A_2510] {strides = array<i32>} : memref<80x128xf32, #tpu.memory_space<vmem>>, vector<1x16xf32>,
        %get3A_2512 = vector.shape_cast %get3A_2511 : vector<1x16xf32> to vector<16xf32>
        %get3A_2513 = arith.index_cast %scan3A_2377 : i32 to index
        %get3A_2514 = arith.constant 96 : index
        %get3A_2515 = tpu.vector_load %arg13[%get3A_2513, %get3A_2514] {strides = array<i32>} : memref<80x128xf32, #tpu.memory_space<vmem>>, vector<1x16xf32>,
        %get3A_2516 = vector.shape_cast %get3A_2515 : vector<1x16xf32> to vector<16xf32>
        %add3A_2517 = arith.addf %get3A_2512, %get3A_2516 : vector<16xf32>
        %get3A_2518 = arith.index_cast %scan3A_2377 : i32 to index
        %get3A_2519 = arith.constant 96 : index
        %get3A_2520 = tpu.vector_load %arg14[%get3A_2518, %get3A_2519] {strides = array<i32>} : memref<80x128xf32, #tpu.memory_space<vmem>>, vector<1x16xf32>,
        %get3A_2521 = vector.shape_cast %get3A_2520 : vector<1x16xf32> to vector<16xf32>
        %add3A_2522 = arith.addf %add3A_2517, %get3A_2521 : vector<16xf32>
        %max3A_2523 = arith.constant 0.000000e+00 : f32
        %max3A_2524 = vector.broadcast %max3A_2523 : f32 to vector<16xf32>
        %max3A_2525 = arith.maximumf %add3A_2522, %max3A_2524 : vector<16xf32>
        %swap3A_2526 = arith.index_cast %scan3A_2377 : i32 to index
        %swap3A_2527 = arith.constant 96 : index
        %swap3A_2528 = tpu.vector_load %arg14[%swap3A_2526, %swap3A_2527] {strides = array<i32>} : memref<80x128xf32, #tpu.memory_space<vmem>>, vector<1x16xf32>,
        %swap3A_2529 = vector.shape_cast %swap3A_2528 : vector<1x16xf32> to vector<16xf32>
        %swap3A_2530 = vector.shape_cast %max3A_2525 : vector<16xf32> to vector<1x16xf32>
        tpu.vector_store %arg14[%swap3A_2526, %swap3A_2527], %swap3A_2530 {strides = array<i32>} : memref<80x128xf32, #tpu.memory_space<vmem>>, vector<1x16xf32>,
        %get3A_2531 = arith.index_cast %scan3A_2377 : i32 to index
        %get3A_2532 = arith.constant 112 : index
        %get3A_2533 = tpu.vector_load %arg12[%get3A_2531, %get3A_2532] {strides = array<i32>} : memref<80x128xf32, #tpu.memory_space<vmem>>, vector<1x16xf32>,
        %get3A_2534 = vector.shape_cast %get3A_2533 : vector<1x16xf32> to vector<16xf32>
        %get3A_2535 = arith.index_cast %scan3A_2377 : i32 to index
        %get3A_2536 = arith.constant 112 : index
        %get3A_2537 = tpu.vector_load %arg13[%get3A_2535, %get3A_2536] {strides = array<i32>} : memref<80x128xf32, #tpu.memory_space<vmem>>, vector<1x16xf32>,
        %get3A_2538 = vector.shape_cast %get3A_2537 : vector<1x16xf32> to vector<16xf32>
        %add3A_2539 = arith.addf %get3A_2534, %get3A_2538 : vector<16xf32>
        %get3A_2540 = arith.index_cast %scan3A_2377 : i32 to index
        %get3A_2541 = arith.constant 112 : index
        %get3A_2542 = tpu.vector_load %arg14[%get3A_2540, %get3A_2541] {strides = array<i32>} : memref<80x128xf32, #tpu.memory_space<vmem>>, vector<1x16xf32>,
        %get3A_2543 = vector.shape_cast %get3A_2542 : vector<1x16xf32> to vector<16xf32>
        %add3A_2544 = arith.addf %add3A_2539, %get3A_2543 : vector<16xf32>
        %max3A_2545 = arith.constant 0.000000e+00 : f32
        %max3A_2546 = vector.broadcast %max3A_2545 : f32 to vector<16xf32>
        %max3A_2547 = arith.maximumf %add3A_2544, %max3A_2546 : vector<16xf32>
        %swap3A_2548 = arith.index_cast %scan3A_2377 : i32 to index
        %swap3A_2549 = arith.constant 112 : index
        %swap3A_2550 = tpu.vector_load %arg14[%swap3A_2548, %swap3A_2549] {strides = array<i32>} : memref<80x128xf32, #tpu.memory_space<vmem>>, vector<1x16xf32>,
        %swap3A_2551 = vector.shape_cast %swap3A_2550 : vector<1x16xf32> to vector<16xf32>
        %swap3A_2552 = vector.shape_cast %max3A_2547 : vector<16xf32> to vector<1x16xf32>
        tpu.vector_store %arg14[%swap3A_2548, %swap3A_2549], %swap3A_2552 {strides = array<i32>} : memref<80x128xf32, #tpu.memory_space<vmem>>, vector<1x16xf32>,
      }
      %scan3A_129 = arith.constant 80 : i32
      "tpu.region"() ({
        %run_scoped3A = tpu.sem_alloc : memref<!tpu.dma_semaphore, #tpu.memory_space<semaphore_mem>>
        %dma_start3A_2377 = arith.constant 0 : i32
        %dma_start3A_2378 = arith.constant 0 : i32
        %dma_start3A_2379 = tpu.memref_slice %arg16[%dma_start3A_2377, %dma_start3A_2378] : memref<10000x128xf32, #tpu.memory_space<vmem_shared>> -> memref<10000x128xf32, #tpu.memory_space<vmem_shared>>
        tpu.enqueue_indirect_dma source(%arg14 : memref<80x128xf32, #tpu.memory_space<vmem>>) target(%dma_start3A_2379 : memref<10000x128xf32, #tpu.memory_space<vmem_shared>>) offsets(%arg10 : memref<80xi32, #tpu.memory_space<vmem>>) semaphore(%run_scoped3A : memref<!tpu.dma_semaphore, #tpu.memory_space<semaphore_mem>>) {add = true}
        %dma_wait3A_2380 = arith.constant 0 : i32
        %dma_wait3A_2381 = arith.constant 0 : i32
        %dma_wait3A_2382 = tpu.memref_slice %arg16[%dma_wait3A_2380, %dma_wait3A_2381] : memref<10000x128xf32, #tpu.memory_space<vmem_shared>> -> memref<10000x128xf32, #tpu.memory_space<vmem_shared>>
        tpu.wait_indirect_dma semaphore(%run_scoped3A : memref<!tpu.dma_semaphore, #tpu.memory_space<semaphore_mem>>) src(%arg14 : memref<80x128xf32, #tpu.memory_space<vmem>>) dst(%dma_wait3A_2382 : memref<10000x128xf32, #tpu.memory_space<vmem_shared>>)
        tpu.yield
      }) : () -> ()
      %get3A = arith.constant 0 : index
      %get3A_130 = tpu.vector_load %arg10[%get3A] {strides = array<i32>} : memref<80xi32, #tpu.memory_space<vmem>>, vector<16xi32>,
      %get3A_131 = vector.shape_cast %get3A_130 : vector<16xi32> to vector<16xi32>
      %slice3A = vector.extract_strided_slice %get3A_131 {offsets = [0], sizes = [1], strides = [1]} : vector<16xi32> to vector<1xi32>
      %squeeze3A = vector.extract %slice3A[0] : i32 from vector<1xi32>
      %shift_right_logical3A = arith.constant 7 : i32
      %shift_right_logical3A_132 = arith.shrui %squeeze3A, %shift_right_logical3A : i32
      %and3A = arith.constant 127 : i32
      %and3A_133 = arith.andi %squeeze3A, %and3A : i32
      %and3A_134 = arith.constant 15 : i32
      %and3A_135 = arith.andi %squeeze3A, %and3A_134 : i32
      %sub3A = arith.subi %and3A_133, %and3A_135 : i32
      %and3A_136 = arith.constant 15 : i32
      %and3A_137 = arith.andi %squeeze3A, %and3A_136 : i32
      %get3A_138 = arith.index_cast %shift_right_logical3A_132 : i32 to index
      %get3A_139 = arith.index_cast %sub3A : i32 to index
      %get3A_140 = tpu.vector_load %arg15[%get3A_138, %get3A_139] {strides = array<i32>} : memref<80x128xf32, #tpu.memory_space<vmem>>, vector<1x16xf32>,
      %get3A_141 = vector.shape_cast %get3A_140 : vector<1x16xf32> to vector<16xf32>
      %eq3A_142 = vector.broadcast %and3A_137 : i32 to vector<16xi32>
      %eq3A_143 = arith.cmpi eq, %iota3A, %eq3A_142 : vector<16xi32>
      %jit3A = arith.constant 1.000000e+00 : f32
      %jit3A_144 = arith.constant 0.000000e+00 : f32
      %broadcast_in_dim3A_145 = vector.broadcast %jit3A : f32 to vector<16xf32>
      %broadcast_in_dim3A_146 = vector.broadcast %jit3A_144 : f32 to vector<16xf32>
      %select_n3A = arith.select %eq3A_143, %broadcast_in_dim3A_145, %broadcast_in_dim3A_146 : vector<16xi1>, vector<16xf32>
      %add3A_147 = arith.addf %get3A_141, %select_n3A : vector<16xf32>
      %swap3A_148 = arith.index_cast %shift_right_logical3A_132 : i32 to index
      %swap3A_149 = arith.index_cast %sub3A : i32 to index
      %swap3A_150 = tpu.vector_load %arg15[%swap3A_148, %swap3A_149] {strides = array<i32>} : memref<80x128xf32, #tpu.memory_space<vmem>>, vector<1x16xf32>,
      %swap3A_151 = vector.shape_cast %swap3A_150 : vector<1x16xf32> to vector<16xf32>
      %swap3A_152 = vector.shape_cast %add3A_147 : vector<16xf32> to vector<1x16xf32>
      tpu.vector_store %arg15[%swap3A_148, %swap3A_149], %swap3A_152 {strides = array<i32>} : memref<80x128xf32, #tpu.memory_space<vmem>>, vector<1x16xf32>,
      %slice3A_153 = vector.extract_strided_slice %get3A_131 {offsets = [1], sizes = [1], strides = [1]} : vector<16xi32> to vector<1xi32>
      %squeeze3A_154 = vector.extract %slice3A_153[0] : i32 from vector<1xi32>
      %shift_right_logical3A_155 = arith.constant 7 : i32
      %shift_right_logical3A_156 = arith.shrui %squeeze3A_154, %shift_right_logical3A_155 : i32
      %and3A_157 = arith.constant 127 : i32
      %and3A_158 = arith.andi %squeeze3A_154, %and3A_157 : i32
      %and3A_159 = arith.constant 15 : i32
      %and3A_160 = arith.andi %squeeze3A_154, %and3A_159 : i32
      %sub3A_161 = arith.subi %and3A_158, %and3A_160 : i32
      %and3A_162 = arith.constant 15 : i32
      %and3A_163 = arith.andi %squeeze3A_154, %and3A_162 : i32
      %get3A_164 = arith.index_cast %shift_right_logical3A_156 : i32 to index
      %get3A_165 = arith.index_cast %sub3A_161 : i32 to index
      %get3A_166 = tpu.vector_load %arg15[%get3A_164, %get3A_165] {strides = array<i32>} : memref<80x128xf32, #tpu.memory_space<vmem>>, vector<1x16xf32>,
      %get3A_167 = vector.shape_cast %get3A_166 : vector<1x16xf32> to vector<16xf32>
      %eq3A_168 = vector.broadcast %and3A_163 : i32 to vector<16xi32>
      %eq3A_169 = arith.cmpi eq, %iota3A, %eq3A_168 : vector<16xi32>
      %jit3A_170 = arith.constant 1.000000e+00 : f32
      %jit3A_171 = arith.constant 0.000000e+00 : f32
      %broadcast_in_dim3A_172 = vector.broadcast %jit3A_170 : f32 to vector<16xf32>
      %broadcast_in_dim3A_173 = vector.broadcast %jit3A_171 : f32 to vector<16xf32>
      %select_n3A_174 = arith.select %eq3A_169, %broadcast_in_dim3A_172, %broadcast_in_dim3A_173 : vector<16xi1>, vector<16xf32>
      %add3A_175 = arith.addf %get3A_167, %select_n3A_174 : vector<16xf32>
      %swap3A_176 = arith.index_cast %shift_right_logical3A_156 : i32 to index
      %swap3A_177 = arith.index_cast %sub3A_161 : i32 to index
      %swap3A_178 = tpu.vector_load %arg15[%swap3A_176, %swap3A_177] {strides = array<i32>} : memref<80x128xf32, #tpu.memory_space<vmem>>, vector<1x16xf32>,
      %swap3A_179 = vector.shape_cast %swap3A_178 : vector<1x16xf32> to vector<16xf32>
      %swap3A_180 = vector.shape_cast %add3A_175 : vector<16xf32> to vector<1x16xf32>
      tpu.vector_store %arg15[%swap3A_176, %swap3A_177], %swap3A_180 {strides = array<i32>} : memref<80x128xf32, #tpu.memory_space<vmem>>, vector<1x16xf32>,
      %slice3A_181 = vector.extract_strided_slice %get3A_131 {offsets = [2], sizes = [1], strides = [1]} : vector<16xi32> to vector<1xi32>
      %squeeze3A_182 = vector.extract %slice3A_181[0] : i32 from vector<1xi32>
      %shift_right_logical3A_183 = arith.constant 7 : i32
      %shift_right_logical3A_184 = arith.shrui %squeeze3A_182, %shift_right_logical3A_183 : i32
      %and3A_185 = arith.constant 127 : i32
      %and3A_186 = arith.andi %squeeze3A_182, %and3A_185 : i32
      %and3A_187 = arith.constant 15 : i32
      %and3A_188 = arith.andi %squeeze3A_182, %and3A_187 : i32
      %sub3A_189 = arith.subi %and3A_186, %and3A_188 : i32
      %and3A_190 = arith.constant 15 : i32
      %and3A_191 = arith.andi %squeeze3A_182, %and3A_190 : i32
      %get3A_192 = arith.index_cast %shift_right_logical3A_184 : i32 to index
      %get3A_193 = arith.index_cast %sub3A_189 : i32 to index
      %get3A_194 = tpu.vector_load %arg15[%get3A_192, %get3A_193] {strides = array<i32>} : memref<80x128xf32, #tpu.memory_space<vmem>>, vector<1x16xf32>,
      %get3A_195 = vector.shape_cast %get3A_194 : vector<1x16xf32> to vector<16xf32>
      %eq3A_196 = vector.broadcast %and3A_191 : i32 to vector<16xi32>
      %eq3A_197 = arith.cmpi eq, %iota3A, %eq3A_196 : vector<16xi32>
      %jit3A_198 = arith.constant 1.000000e+00 : f32
      %jit3A_199 = arith.constant 0.000000e+00 : f32
      %broadcast_in_dim3A_200 = vector.broadcast %jit3A_198 : f32 to vector<16xf32>
      %broadcast_in_dim3A_201 = vector.broadcast %jit3A_199 : f32 to vector<16xf32>
      %select_n3A_202 = arith.select %eq3A_197, %broadcast_in_dim3A_200, %broadcast_in_dim3A_201 : vector<16xi1>, vector<16xf32>
      %add3A_203 = arith.addf %get3A_195, %select_n3A_202 : vector<16xf32>
      %swap3A_204 = arith.index_cast %shift_right_logical3A_184 : i32 to index
      %swap3A_205 = arith.index_cast %sub3A_189 : i32 to index
      %swap3A_206 = tpu.vector_load %arg15[%swap3A_204, %swap3A_205] {strides = array<i32>} : memref<80x128xf32, #tpu.memory_space<vmem>>, vector<1x16xf32>,
      %swap3A_207 = vector.shape_cast %swap3A_206 : vector<1x16xf32> to vector<16xf32>
      %swap3A_208 = vector.shape_cast %add3A_203 : vector<16xf32> to vector<1x16xf32>
      tpu.vector_store %arg15[%swap3A_204, %swap3A_205], %swap3A_208 {strides = array<i32>} : memref<80x128xf32, #tpu.memory_space<vmem>>, vector<1x16xf32>,
      %slice3A_209 = vector.extract_strided_slice %get3A_131 {offsets = [3], sizes = [1], strides = [1]} : vector<16xi32> to vector<1xi32>
      %squeeze3A_210 = vector.extract %slice3A_209[0] : i32 from vector<1xi32>
      %shift_right_logical3A_211 = arith.constant 7 : i32
      %shift_right_logical3A_212 = arith.shrui %squeeze3A_210, %shift_right_logical3A_211 : i32
      %and3A_213 = arith.constant 127 : i32
      %and3A_214 = arith.andi %squeeze3A_210, %and3A_213 : i32
      %and3A_215 = arith.constant 15 : i32
      %and3A_216 = arith.andi %squeeze3A_210, %and3A_215 : i32
      %sub3A_217 = arith.subi %and3A_214, %and3A_216 : i32
      %and3A_218 = arith.constant 15 : i32
      %and3A_219 = arith.andi %squeeze3A_210, %and3A_218 : i32
      %get3A_220 = arith.index_cast %shift_right_logical3A_212 : i32 to index
      %get3A_221 = arith.index_cast %sub3A_217 : i32 to index
      %get3A_222 = tpu.vector_load %arg15[%get3A_220, %get3A_221] {strides = array<i32>} : memref<80x128xf32, #tpu.memory_space<vmem>>, vector<1x16xf32>,
      %get3A_223 = vector.shape_cast %get3A_222 : vector<1x16xf32> to vector<16xf32>
      %eq3A_224 = vector.broadcast %and3A_219 : i32 to vector<16xi32>
      %eq3A_225 = arith.cmpi eq, %iota3A, %eq3A_224 : vector<16xi32>
      %jit3A_226 = arith.constant 1.000000e+00 : f32
      %jit3A_227 = arith.constant 0.000000e+00 : f32
      %broadcast_in_dim3A_228 = vector.broadcast %jit3A_226 : f32 to vector<16xf32>
      %broadcast_in_dim3A_229 = vector.broadcast %jit3A_227 : f32 to vector<16xf32>
      %select_n3A_230 = arith.select %eq3A_225, %broadcast_in_dim3A_228, %broadcast_in_dim3A_229 : vector<16xi1>, vector<16xf32>
      %add3A_231 = arith.addf %get3A_223, %select_n3A_230 : vector<16xf32>
      %swap3A_232 = arith.index_cast %shift_right_logical3A_212 : i32 to index
      %swap3A_233 = arith.index_cast %sub3A_217 : i32 to index
      %swap3A_234 = tpu.vector_load %arg15[%swap3A_232, %swap3A_233] {strides = array<i32>} : memref<80x128xf32, #tpu.memory_space<vmem>>, vector<1x16xf32>,
      %swap3A_235 = vector.shape_cast %swap3A_234 : vector<1x16xf32> to vector<16xf32>
      %swap3A_236 = vector.shape_cast %add3A_231 : vector<16xf32> to vector<1x16xf32>
      tpu.vector_store %arg15[%swap3A_232, %swap3A_233], %swap3A_236 {strides = array<i32>} : memref<80x128xf32, #tpu.memory_space<vmem>>, vector<1x16xf32>,
      %slice3A_237 = vector.extract_strided_slice %get3A_131 {offsets = [4], sizes = [1], strides = [1]} : vector<16xi32> to vector<1xi32>
      %squeeze3A_238 = vector.extract %slice3A_237[0] : i32 from vector<1xi32>
      %shift_right_logical3A_239 = arith.constant 7 : i32
      %shift_right_logical3A_240 = arith.shrui %squeeze3A_238, %shift_right_logical3A_239 : i32
      %and3A_241 = arith.constant 127 : i32
      %and3A_242 = arith.andi %squeeze3A_238, %and3A_241 : i32
      %and3A_243 = arith.constant 15 : i32
      %and3A_244 = arith.andi %squeeze3A_238, %and3A_243 : i32
      %sub3A_245 = arith.subi %and3A_242, %and3A_244 : i32
      %and3A_246 = arith.constant 15 : i32
      %and3A_247 = arith.andi %squeeze3A_238, %and3A_246 : i32
      %get3A_248 = arith.index_cast %shift_right_logical3A_240 : i32 to index
      %get3A_249 = arith.index_cast %sub3A_245 : i32 to index
      %get3A_250 = tpu.vector_load %arg15[%get3A_248, %get3A_249] {strides = array<i32>} : memref<80x128xf32, #tpu.memory_space<vmem>>, vector<1x16xf32>,
      %get3A_251 = vector.shape_cast %get3A_250 : vector<1x16xf32> to vector<16xf32>
      %eq3A_252 = vector.broadcast %and3A_247 : i32 to vector<16xi32>
      %eq3A_253 = arith.cmpi eq, %iota3A, %eq3A_252 : vector<16xi32>
      %jit3A_254 = arith.constant 1.000000e+00 : f32
      %jit3A_255 = arith.constant 0.000000e+00 : f32
      %broadcast_in_dim3A_256 = vector.broadcast %jit3A_254 : f32 to vector<16xf32>
      %broadcast_in_dim3A_257 = vector.broadcast %jit3A_255 : f32 to vector<16xf32>
      %select_n3A_258 = arith.select %eq3A_253, %broadcast_in_dim3A_256, %broadcast_in_dim3A_257 : vector<16xi1>, vector<16xf32>
      %add3A_259 = arith.addf %get3A_251, %select_n3A_258 : vector<16xf32>
      %swap3A_260 = arith.index_cast %shift_right_logical3A_240 : i32 to index
      %swap3A_261 = arith.index_cast %sub3A_245 : i32 to index
      %swap3A_262 = tpu.vector_load %arg15[%swap3A_260, %swap3A_261] {strides = array<i32>} : memref<80x128xf32, #tpu.memory_space<vmem>>, vector<1x16xf32>,
      %swap3A_263 = vector.shape_cast %swap3A_262 : vector<1x16xf32> to vector<16xf32>
      %swap3A_264 = vector.shape_cast %add3A_259 : vector<16xf32> to vector<1x16xf32>
      tpu.vector_store %arg15[%swap3A_260, %swap3A_261], %swap3A_264 {strides = array<i32>} : memref<80x128xf32, #tpu.memory_space<vmem>>, vector<1x16xf32>,
      %slice3A_265 = vector.extract_strided_slice %get3A_131 {offsets = [5], sizes = [1], strides = [1]} : vector<16xi32> to vector<1xi32>
      %squeeze3A_266 = vector.extract %slice3A_265[0] : i32 from vector<1xi32>
      %shift_right_logical3A_267 = arith.constant 7 : i32
      %shift_right_logical3A_268 = arith.shrui %squeeze3A_266, %shift_right_logical3A_267 : i32
      %and3A_269 = arith.constant 127 : i32
      %and3A_270 = arith.andi %squeeze3A_266, %and3A_269 : i32
      %and3A_271 = arith.constant 15 : i32
      %and3A_272 = arith.andi %squeeze3A_266, %and3A_271 : i32
      %sub3A_273 = arith.subi %and3A_270, %and3A_272 : i32
      %and3A_274 = arith.constant 15 : i32
      %and3A_275 = arith.andi %squeeze3A_266, %and3A_274 : i32
      %get3A_276 = arith.index_cast %shift_right_logical3A_268 : i32 to index
      %get3A_277 = arith.index_cast %sub3A_273 : i32 to index
      %get3A_278 = tpu.vector_load %arg15[%get3A_276, %get3A_277] {strides = array<i32>} : memref<80x128xf32, #tpu.memory_space<vmem>>, vector<1x16xf32>,
      %get3A_279 = vector.shape_cast %get3A_278 : vector<1x16xf32> to vector<16xf32>
      %eq3A_280 = vector.broadcast %and3A_275 : i32 to vector<16xi32>
      %eq3A_281 = arith.cmpi eq, %iota3A, %eq3A_280 : vector<16xi32>
      %jit3A_282 = arith.constant 1.000000e+00 : f32
      %jit3A_283 = arith.constant 0.000000e+00 : f32
      %broadcast_in_dim3A_284 = vector.broadcast %jit3A_282 : f32 to vector<16xf32>
      %broadcast_in_dim3A_285 = vector.broadcast %jit3A_283 : f32 to vector<16xf32>
      %select_n3A_286 = arith.select %eq3A_281, %broadcast_in_dim3A_284, %broadcast_in_dim3A_285 : vector<16xi1>, vector<16xf32>
      %add3A_287 = arith.addf %get3A_279, %select_n3A_286 : vector<16xf32>
      %swap3A_288 = arith.index_cast %shift_right_logical3A_268 : i32 to index
      %swap3A_289 = arith.index_cast %sub3A_273 : i32 to index
      %swap3A_290 = tpu.vector_load %arg15[%swap3A_288, %swap3A_289] {strides = array<i32>} : memref<80x128xf32, #tpu.memory_space<vmem>>, vector<1x16xf32>,
      %swap3A_291 = vector.shape_cast %swap3A_290 : vector<1x16xf32> to vector<16xf32>
      %swap3A_292 = vector.shape_cast %add3A_287 : vector<16xf32> to vector<1x16xf32>
      tpu.vector_store %arg15[%swap3A_288, %swap3A_289], %swap3A_292 {strides = array<i32>} : memref<80x128xf32, #tpu.memory_space<vmem>>, vector<1x16xf32>,
      %slice3A_293 = vector.extract_strided_slice %get3A_131 {offsets = [6], sizes = [1], strides = [1]} : vector<16xi32> to vector<1xi32>
      %squeeze3A_294 = vector.extract %slice3A_293[0] : i32 from vector<1xi32>
      %shift_right_logical3A_295 = arith.constant 7 : i32
      %shift_right_logical3A_296 = arith.shrui %squeeze3A_294, %shift_right_logical3A_295 : i32
      %and3A_297 = arith.constant 127 : i32
      %and3A_298 = arith.andi %squeeze3A_294, %and3A_297 : i32
      %and3A_299 = arith.constant 15 : i32
      %and3A_300 = arith.andi %squeeze3A_294, %and3A_299 : i32
      %sub3A_301 = arith.subi %and3A_298, %and3A_300 : i32
      %and3A_302 = arith.constant 15 : i32
      %and3A_303 = arith.andi %squeeze3A_294, %and3A_302 : i32
      %get3A_304 = arith.index_cast %shift_right_logical3A_296 : i32 to index
      %get3A_305 = arith.index_cast %sub3A_301 : i32 to index
      %get3A_306 = tpu.vector_load %arg15[%get3A_304, %get3A_305] {strides = array<i32>} : memref<80x128xf32, #tpu.memory_space<vmem>>, vector<1x16xf32>,
      %get3A_307 = vector.shape_cast %get3A_306 : vector<1x16xf32> to vector<16xf32>
      %eq3A_308 = vector.broadcast %and3A_303 : i32 to vector<16xi32>
      %eq3A_309 = arith.cmpi eq, %iota3A, %eq3A_308 : vector<16xi32>
      %jit3A_310 = arith.constant 1.000000e+00 : f32
      %jit3A_311 = arith.constant 0.000000e+00 : f32
      %broadcast_in_dim3A_312 = vector.broadcast %jit3A_310 : f32 to vector<16xf32>
      %broadcast_in_dim3A_313 = vector.broadcast %jit3A_311 : f32 to vector<16xf32>
      %select_n3A_314 = arith.select %eq3A_309, %broadcast_in_dim3A_312, %broadcast_in_dim3A_313 : vector<16xi1>, vector<16xf32>
      %add3A_315 = arith.addf %get3A_307, %select_n3A_314 : vector<16xf32>
      %swap3A_316 = arith.index_cast %shift_right_logical3A_296 : i32 to index
      %swap3A_317 = arith.index_cast %sub3A_301 : i32 to index
      %swap3A_318 = tpu.vector_load %arg15[%swap3A_316, %swap3A_317] {strides = array<i32>} : memref<80x128xf32, #tpu.memory_space<vmem>>, vector<1x16xf32>,
      %swap3A_319 = vector.shape_cast %swap3A_318 : vector<1x16xf32> to vector<16xf32>
      %swap3A_320 = vector.shape_cast %add3A_315 : vector<16xf32> to vector<1x16xf32>
      tpu.vector_store %arg15[%swap3A_316, %swap3A_317], %swap3A_320 {strides = array<i32>} : memref<80x128xf32, #tpu.memory_space<vmem>>, vector<1x16xf32>,
      %slice3A_321 = vector.extract_strided_slice %get3A_131 {offsets = [7], sizes = [1], strides = [1]} : vector<16xi32> to vector<1xi32>
      %squeeze3A_322 = vector.extract %slice3A_321[0] : i32 from vector<1xi32>
      %shift_right_logical3A_323 = arith.constant 7 : i32
      %shift_right_logical3A_324 = arith.shrui %squeeze3A_322, %shift_right_logical3A_323 : i32
      %and3A_325 = arith.constant 127 : i32
      %and3A_326 = arith.andi %squeeze3A_322, %and3A_325 : i32
      %and3A_327 = arith.constant 15 : i32
      %and3A_328 = arith.andi %squeeze3A_322, %and3A_327 : i32
      %sub3A_329 = arith.subi %and3A_326, %and3A_328 : i32
      %and3A_330 = arith.constant 15 : i32
      %and3A_331 = arith.andi %squeeze3A_322, %and3A_330 : i32
      %get3A_332 = arith.index_cast %shift_right_logical3A_324 : i32 to index
      %get3A_333 = arith.index_cast %sub3A_329 : i32 to index
      %get3A_334 = tpu.vector_load %arg15[%get3A_332, %get3A_333] {strides = array<i32>} : memref<80x128xf32, #tpu.memory_space<vmem>>, vector<1x16xf32>,
      %get3A_335 = vector.shape_cast %get3A_334 : vector<1x16xf32> to vector<16xf32>
      %eq3A_336 = vector.broadcast %and3A_331 : i32 to vector<16xi32>
      %eq3A_337 = arith.cmpi eq, %iota3A, %eq3A_336 : vector<16xi32>
      %jit3A_338 = arith.constant 1.000000e+00 : f32
      %jit3A_339 = arith.constant 0.000000e+00 : f32
      %broadcast_in_dim3A_340 = vector.broadcast %jit3A_338 : f32 to vector<16xf32>
      %broadcast_in_dim3A_341 = vector.broadcast %jit3A_339 : f32 to vector<16xf32>
      %select_n3A_342 = arith.select %eq3A_337, %broadcast_in_dim3A_340, %broadcast_in_dim3A_341 : vector<16xi1>, vector<16xf32>
      %add3A_343 = arith.addf %get3A_335, %select_n3A_342 : vector<16xf32>
      %swap3A_344 = arith.index_cast %shift_right_logical3A_324 : i32 to index
      %swap3A_345 = arith.index_cast %sub3A_329 : i32 to index
      %swap3A_346 = tpu.vector_load %arg15[%swap3A_344, %swap3A_345] {strides = array<i32>} : memref<80x128xf32, #tpu.memory_space<vmem>>, vector<1x16xf32>,
      %swap3A_347 = vector.shape_cast %swap3A_346 : vector<1x16xf32> to vector<16xf32>
      %swap3A_348 = vector.shape_cast %add3A_343 : vector<16xf32> to vector<1x16xf32>
      tpu.vector_store %arg15[%swap3A_344, %swap3A_345], %swap3A_348 {strides = array<i32>} : memref<80x128xf32, #tpu.memory_space<vmem>>, vector<1x16xf32>,
      %slice3A_349 = vector.extract_strided_slice %get3A_131 {offsets = [8], sizes = [1], strides = [1]} : vector<16xi32> to vector<1xi32>
      %squeeze3A_350 = vector.extract %slice3A_349[0] : i32 from vector<1xi32>
      %shift_right_logical3A_351 = arith.constant 7 : i32
      %shift_right_logical3A_352 = arith.shrui %squeeze3A_350, %shift_right_logical3A_351 : i32
      %and3A_353 = arith.constant 127 : i32
      %and3A_354 = arith.andi %squeeze3A_350, %and3A_353 : i32
      %and3A_355 = arith.constant 15 : i32
      %and3A_356 = arith.andi %squeeze3A_350, %and3A_355 : i32
      %sub3A_357 = arith.subi %and3A_354, %and3A_356 : i32
      %and3A_358 = arith.constant 15 : i32
      %and3A_359 = arith.andi %squeeze3A_350, %and3A_358 : i32
      %get3A_360 = arith.index_cast %shift_right_logical3A_352 : i32 to index
      %get3A_361 = arith.index_cast %sub3A_357 : i32 to index
      %get3A_362 = tpu.vector_load %arg15[%get3A_360, %get3A_361] {strides = array<i32>} : memref<80x128xf32, #tpu.memory_space<vmem>>, vector<1x16xf32>,
      %get3A_363 = vector.shape_cast %get3A_362 : vector<1x16xf32> to vector<16xf32>
      %eq3A_364 = vector.broadcast %and3A_359 : i32 to vector<16xi32>
      %eq3A_365 = arith.cmpi eq, %iota3A, %eq3A_364 : vector<16xi32>
      %jit3A_366 = arith.constant 1.000000e+00 : f32
      %jit3A_367 = arith.constant 0.000000e+00 : f32
      %broadcast_in_dim3A_368 = vector.broadcast %jit3A_366 : f32 to vector<16xf32>
      %broadcast_in_dim3A_369 = vector.broadcast %jit3A_367 : f32 to vector<16xf32>
      %select_n3A_370 = arith.select %eq3A_365, %broadcast_in_dim3A_368, %broadcast_in_dim3A_369 : vector<16xi1>, vector<16xf32>
      %add3A_371 = arith.addf %get3A_363, %select_n3A_370 : vector<16xf32>
      %swap3A_372 = arith.index_cast %shift_right_logical3A_352 : i32 to index
      %swap3A_373 = arith.index_cast %sub3A_357 : i32 to index
      %swap3A_374 = tpu.vector_load %arg15[%swap3A_372, %swap3A_373] {strides = array<i32>} : memref<80x128xf32, #tpu.memory_space<vmem>>, vector<1x16xf32>,
      %swap3A_375 = vector.shape_cast %swap3A_374 : vector<1x16xf32> to vector<16xf32>
      %swap3A_376 = vector.shape_cast %add3A_371 : vector<16xf32> to vector<1x16xf32>
      tpu.vector_store %arg15[%swap3A_372, %swap3A_373], %swap3A_376 {strides = array<i32>} : memref<80x128xf32, #tpu.memory_space<vmem>>, vector<1x16xf32>,
      %slice3A_377 = vector.extract_strided_slice %get3A_131 {offsets = [9], sizes = [1], strides = [1]} : vector<16xi32> to vector<1xi32>
      %squeeze3A_378 = vector.extract %slice3A_377[0] : i32 from vector<1xi32>
      %shift_right_logical3A_379 = arith.constant 7 : i32
      %shift_right_logical3A_380 = arith.shrui %squeeze3A_378, %shift_right_logical3A_379 : i32
      %and3A_381 = arith.constant 127 : i32
      %and3A_382 = arith.andi %squeeze3A_378, %and3A_381 : i32
      %and3A_383 = arith.constant 15 : i32
      %and3A_384 = arith.andi %squeeze3A_378, %and3A_383 : i32
      %sub3A_385 = arith.subi %and3A_382, %and3A_384 : i32
      %and3A_386 = arith.constant 15 : i32
      %and3A_387 = arith.andi %squeeze3A_378, %and3A_386 : i32
      %get3A_388 = arith.index_cast %shift_right_logical3A_380 : i32 to index
      %get3A_389 = arith.index_cast %sub3A_385 : i32 to index
      %get3A_390 = tpu.vector_load %arg15[%get3A_388, %get3A_389] {strides = array<i32>} : memref<80x128xf32, #tpu.memory_space<vmem>>, vector<1x16xf32>,
      %get3A_391 = vector.shape_cast %get3A_390 : vector<1x16xf32> to vector<16xf32>
      %eq3A_392 = vector.broadcast %and3A_387 : i32 to vector<16xi32>
      %eq3A_393 = arith.cmpi eq, %iota3A, %eq3A_392 : vector<16xi32>
      %jit3A_394 = arith.constant 1.000000e+00 : f32
      %jit3A_395 = arith.constant 0.000000e+00 : f32
      %broadcast_in_dim3A_396 = vector.broadcast %jit3A_394 : f32 to vector<16xf32>
      %broadcast_in_dim3A_397 = vector.broadcast %jit3A_395 : f32 to vector<16xf32>
      %select_n3A_398 = arith.select %eq3A_393, %broadcast_in_dim3A_396, %broadcast_in_dim3A_397 : vector<16xi1>, vector<16xf32>
      %add3A_399 = arith.addf %get3A_391, %select_n3A_398 : vector<16xf32>
      %swap3A_400 = arith.index_cast %shift_right_logical3A_380 : i32 to index
      %swap3A_401 = arith.index_cast %sub3A_385 : i32 to index
      %swap3A_402 = tpu.vector_load %arg15[%swap3A_400, %swap3A_401] {strides = array<i32>} : memref<80x128xf32, #tpu.memory_space<vmem>>, vector<1x16xf32>,
      %swap3A_403 = vector.shape_cast %swap3A_402 : vector<1x16xf32> to vector<16xf32>
      %swap3A_404 = vector.shape_cast %add3A_399 : vector<16xf32> to vector<1x16xf32>
      tpu.vector_store %arg15[%swap3A_400, %swap3A_401], %swap3A_404 {strides = array<i32>} : memref<80x128xf32, #tpu.memory_space<vmem>>, vector<1x16xf32>,
      %slice3A_405 = vector.extract_strided_slice %get3A_131 {offsets = [10], sizes = [1], strides = [1]} : vector<16xi32> to vector<1xi32>
      %squeeze3A_406 = vector.extract %slice3A_405[0] : i32 from vector<1xi32>
      %shift_right_logical3A_407 = arith.constant 7 : i32
      %shift_right_logical3A_408 = arith.shrui %squeeze3A_406, %shift_right_logical3A_407 : i32
      %and3A_409 = arith.constant 127 : i32
      %and3A_410 = arith.andi %squeeze3A_406, %and3A_409 : i32
      %and3A_411 = arith.constant 15 : i32
      %and3A_412 = arith.andi %squeeze3A_406, %and3A_411 : i32
      %sub3A_413 = arith.subi %and3A_410, %and3A_412 : i32
      %and3A_414 = arith.constant 15 : i32
      %and3A_415 = arith.andi %squeeze3A_406, %and3A_414 : i32
      %get3A_416 = arith.index_cast %shift_right_logical3A_408 : i32 to index
      %get3A_417 = arith.index_cast %sub3A_413 : i32 to index
      %get3A_418 = tpu.vector_load %arg15[%get3A_416, %get3A_417] {strides = array<i32>} : memref<80x128xf32, #tpu.memory_space<vmem>>, vector<1x16xf32>,
      %get3A_419 = vector.shape_cast %get3A_418 : vector<1x16xf32> to vector<16xf32>
      %eq3A_420 = vector.broadcast %and3A_415 : i32 to vector<16xi32>
      %eq3A_421 = arith.cmpi eq, %iota3A, %eq3A_420 : vector<16xi32>
      %jit3A_422 = arith.constant 1.000000e+00 : f32
      %jit3A_423 = arith.constant 0.000000e+00 : f32
      %broadcast_in_dim3A_424 = vector.broadcast %jit3A_422 : f32 to vector<16xf32>
      %broadcast_in_dim3A_425 = vector.broadcast %jit3A_423 : f32 to vector<16xf32>
      %select_n3A_426 = arith.select %eq3A_421, %broadcast_in_dim3A_424, %broadcast_in_dim3A_425 : vector<16xi1>, vector<16xf32>
      %add3A_427 = arith.addf %get3A_419, %select_n3A_426 : vector<16xf32>
      %swap3A_428 = arith.index_cast %shift_right_logical3A_408 : i32 to index
      %swap3A_429 = arith.index_cast %sub3A_413 : i32 to index
      %swap3A_430 = tpu.vector_load %arg15[%swap3A_428, %swap3A_429] {strides = array<i32>} : memref<80x128xf32, #tpu.memory_space<vmem>>, vector<1x16xf32>,
      %swap3A_431 = vector.shape_cast %swap3A_430 : vector<1x16xf32> to vector<16xf32>
      %swap3A_432 = vector.shape_cast %add3A_427 : vector<16xf32> to vector<1x16xf32>
      tpu.vector_store %arg15[%swap3A_428, %swap3A_429], %swap3A_432 {strides = array<i32>} : memref<80x128xf32, #tpu.memory_space<vmem>>, vector<1x16xf32>,
      %slice3A_433 = vector.extract_strided_slice %get3A_131 {offsets = [11], sizes = [1], strides = [1]} : vector<16xi32> to vector<1xi32>
      %squeeze3A_434 = vector.extract %slice3A_433[0] : i32 from vector<1xi32>
      %shift_right_logical3A_435 = arith.constant 7 : i32
      %shift_right_logical3A_436 = arith.shrui %squeeze3A_434, %shift_right_logical3A_435 : i32
      %and3A_437 = arith.constant 127 : i32
      %and3A_438 = arith.andi %squeeze3A_434, %and3A_437 : i32
      %and3A_439 = arith.constant 15 : i32
      %and3A_440 = arith.andi %squeeze3A_434, %and3A_439 : i32
      %sub3A_441 = arith.subi %and3A_438, %and3A_440 : i32
      %and3A_442 = arith.constant 15 : i32
      %and3A_443 = arith.andi %squeeze3A_434, %and3A_442 : i32
      %get3A_444 = arith.index_cast %shift_right_logical3A_436 : i32 to index
      %get3A_445 = arith.index_cast %sub3A_441 : i32 to index
      %get3A_446 = tpu.vector_load %arg15[%get3A_444, %get3A_445] {strides = array<i32>} : memref<80x128xf32, #tpu.memory_space<vmem>>, vector<1x16xf32>,
      %get3A_447 = vector.shape_cast %get3A_446 : vector<1x16xf32> to vector<16xf32>
      %eq3A_448 = vector.broadcast %and3A_443 : i32 to vector<16xi32>
      %eq3A_449 = arith.cmpi eq, %iota3A, %eq3A_448 : vector<16xi32>
      %jit3A_450 = arith.constant 1.000000e+00 : f32
      %jit3A_451 = arith.constant 0.000000e+00 : f32
      %broadcast_in_dim3A_452 = vector.broadcast %jit3A_450 : f32 to vector<16xf32>
      %broadcast_in_dim3A_453 = vector.broadcast %jit3A_451 : f32 to vector<16xf32>
      %select_n3A_454 = arith.select %eq3A_449, %broadcast_in_dim3A_452, %broadcast_in_dim3A_453 : vector<16xi1>, vector<16xf32>
      %add3A_455 = arith.addf %get3A_447, %select_n3A_454 : vector<16xf32>
      %swap3A_456 = arith.index_cast %shift_right_logical3A_436 : i32 to index
      %swap3A_457 = arith.index_cast %sub3A_441 : i32 to index
      %swap3A_458 = tpu.vector_load %arg15[%swap3A_456, %swap3A_457] {strides = array<i32>} : memref<80x128xf32, #tpu.memory_space<vmem>>, vector<1x16xf32>,
      %swap3A_459 = vector.shape_cast %swap3A_458 : vector<1x16xf32> to vector<16xf32>
      %swap3A_460 = vector.shape_cast %add3A_455 : vector<16xf32> to vector<1x16xf32>
      tpu.vector_store %arg15[%swap3A_456, %swap3A_457], %swap3A_460 {strides = array<i32>} : memref<80x128xf32, #tpu.memory_space<vmem>>, vector<1x16xf32>,
      %slice3A_461 = vector.extract_strided_slice %get3A_131 {offsets = [12], sizes = [1], strides = [1]} : vector<16xi32> to vector<1xi32>
      %squeeze3A_462 = vector.extract %slice3A_461[0] : i32 from vector<1xi32>
      %shift_right_logical3A_463 = arith.constant 7 : i32
      %shift_right_logical3A_464 = arith.shrui %squeeze3A_462, %shift_right_logical3A_463 : i32
      %and3A_465 = arith.constant 127 : i32
      %and3A_466 = arith.andi %squeeze3A_462, %and3A_465 : i32
      %and3A_467 = arith.constant 15 : i32
      %and3A_468 = arith.andi %squeeze3A_462, %and3A_467 : i32
      %sub3A_469 = arith.subi %and3A_466, %and3A_468 : i32
      %and3A_470 = arith.constant 15 : i32
      %and3A_471 = arith.andi %squeeze3A_462, %and3A_470 : i32
      %get3A_472 = arith.index_cast %shift_right_logical3A_464 : i32 to index
      %get3A_473 = arith.index_cast %sub3A_469 : i32 to index
      %get3A_474 = tpu.vector_load %arg15[%get3A_472, %get3A_473] {strides = array<i32>} : memref<80x128xf32, #tpu.memory_space<vmem>>, vector<1x16xf32>,
      %get3A_475 = vector.shape_cast %get3A_474 : vector<1x16xf32> to vector<16xf32>
      %eq3A_476 = vector.broadcast %and3A_471 : i32 to vector<16xi32>
      %eq3A_477 = arith.cmpi eq, %iota3A, %eq3A_476 : vector<16xi32>
      %jit3A_478 = arith.constant 1.000000e+00 : f32
      %jit3A_479 = arith.constant 0.000000e+00 : f32
      %broadcast_in_dim3A_480 = vector.broadcast %jit3A_478 : f32 to vector<16xf32>
      %broadcast_in_dim3A_481 = vector.broadcast %jit3A_479 : f32 to vector<16xf32>
      %select_n3A_482 = arith.select %eq3A_477, %broadcast_in_dim3A_480, %broadcast_in_dim3A_481 : vector<16xi1>, vector<16xf32>
      %add3A_483 = arith.addf %get3A_475, %select_n3A_482 : vector<16xf32>
      %swap3A_484 = arith.index_cast %shift_right_logical3A_464 : i32 to index
      %swap3A_485 = arith.index_cast %sub3A_469 : i32 to index
      %swap3A_486 = tpu.vector_load %arg15[%swap3A_484, %swap3A_485] {strides = array<i32>} : memref<80x128xf32, #tpu.memory_space<vmem>>, vector<1x16xf32>,
      %swap3A_487 = vector.shape_cast %swap3A_486 : vector<1x16xf32> to vector<16xf32>
      %swap3A_488 = vector.shape_cast %add3A_483 : vector<16xf32> to vector<1x16xf32>
      tpu.vector_store %arg15[%swap3A_484, %swap3A_485], %swap3A_488 {strides = array<i32>} : memref<80x128xf32, #tpu.memory_space<vmem>>, vector<1x16xf32>,
      %slice3A_489 = vector.extract_strided_slice %get3A_131 {offsets = [13], sizes = [1], strides = [1]} : vector<16xi32> to vector<1xi32>
      %squeeze3A_490 = vector.extract %slice3A_489[0] : i32 from vector<1xi32>
      %shift_right_logical3A_491 = arith.constant 7 : i32
      %shift_right_logical3A_492 = arith.shrui %squeeze3A_490, %shift_right_logical3A_491 : i32
      %and3A_493 = arith.constant 127 : i32
      %and3A_494 = arith.andi %squeeze3A_490, %and3A_493 : i32
      %and3A_495 = arith.constant 15 : i32
      %and3A_496 = arith.andi %squeeze3A_490, %and3A_495 : i32
      %sub3A_497 = arith.subi %and3A_494, %and3A_496 : i32
      %and3A_498 = arith.constant 15 : i32
      %and3A_499 = arith.andi %squeeze3A_490, %and3A_498 : i32
      %get3A_500 = arith.index_cast %shift_right_logical3A_492 : i32 to index
      %get3A_501 = arith.index_cast %sub3A_497 : i32 to index
      %get3A_502 = tpu.vector_load %arg15[%get3A_500, %get3A_501] {strides = array<i32>} : memref<80x128xf32, #tpu.memory_space<vmem>>, vector<1x16xf32>,
      %get3A_503 = vector.shape_cast %get3A_502 : vector<1x16xf32> to vector<16xf32>
      %eq3A_504 = vector.broadcast %and3A_499 : i32 to vector<16xi32>
      %eq3A_505 = arith.cmpi eq, %iota3A, %eq3A_504 : vector<16xi32>
      %jit3A_506 = arith.constant 1.000000e+00 : f32
      %jit3A_507 = arith.constant 0.000000e+00 : f32
      %broadcast_in_dim3A_508 = vector.broadcast %jit3A_506 : f32 to vector<16xf32>
      %broadcast_in_dim3A_509 = vector.broadcast %jit3A_507 : f32 to vector<16xf32>
      %select_n3A_510 = arith.select %eq3A_505, %broadcast_in_dim3A_508, %broadcast_in_dim3A_509 : vector<16xi1>, vector<16xf32>
      %add3A_511 = arith.addf %get3A_503, %select_n3A_510 : vector<16xf32>
      %swap3A_512 = arith.index_cast %shift_right_logical3A_492 : i32 to index
      %swap3A_513 = arith.index_cast %sub3A_497 : i32 to index
      %swap3A_514 = tpu.vector_load %arg15[%swap3A_512, %swap3A_513] {strides = array<i32>} : memref<80x128xf32, #tpu.memory_space<vmem>>, vector<1x16xf32>,
      %swap3A_515 = vector.shape_cast %swap3A_514 : vector<1x16xf32> to vector<16xf32>
      %swap3A_516 = vector.shape_cast %add3A_511 : vector<16xf32> to vector<1x16xf32>
      tpu.vector_store %arg15[%swap3A_512, %swap3A_513], %swap3A_516 {strides = array<i32>} : memref<80x128xf32, #tpu.memory_space<vmem>>, vector<1x16xf32>,
      %slice3A_517 = vector.extract_strided_slice %get3A_131 {offsets = [14], sizes = [1], strides = [1]} : vector<16xi32> to vector<1xi32>
      %squeeze3A_518 = vector.extract %slice3A_517[0] : i32 from vector<1xi32>
      %shift_right_logical3A_519 = arith.constant 7 : i32
      %shift_right_logical3A_520 = arith.shrui %squeeze3A_518, %shift_right_logical3A_519 : i32
      %and3A_521 = arith.constant 127 : i32
      %and3A_522 = arith.andi %squeeze3A_518, %and3A_521 : i32
      %and3A_523 = arith.constant 15 : i32
      %and3A_524 = arith.andi %squeeze3A_518, %and3A_523 : i32
      %sub3A_525 = arith.subi %and3A_522, %and3A_524 : i32
      %and3A_526 = arith.constant 15 : i32
      %and3A_527 = arith.andi %squeeze3A_518, %and3A_526 : i32
      %get3A_528 = arith.index_cast %shift_right_logical3A_520 : i32 to index
      %get3A_529 = arith.index_cast %sub3A_525 : i32 to index
      %get3A_530 = tpu.vector_load %arg15[%get3A_528, %get3A_529] {strides = array<i32>} : memref<80x128xf32, #tpu.memory_space<vmem>>, vector<1x16xf32>,
      %get3A_531 = vector.shape_cast %get3A_530 : vector<1x16xf32> to vector<16xf32>
      %eq3A_532 = vector.broadcast %and3A_527 : i32 to vector<16xi32>
      %eq3A_533 = arith.cmpi eq, %iota3A, %eq3A_532 : vector<16xi32>
      %jit3A_534 = arith.constant 1.000000e+00 : f32
      %jit3A_535 = arith.constant 0.000000e+00 : f32
      %broadcast_in_dim3A_536 = vector.broadcast %jit3A_534 : f32 to vector<16xf32>
      %broadcast_in_dim3A_537 = vector.broadcast %jit3A_535 : f32 to vector<16xf32>
      %select_n3A_538 = arith.select %eq3A_533, %broadcast_in_dim3A_536, %broadcast_in_dim3A_537 : vector<16xi1>, vector<16xf32>
      %add3A_539 = arith.addf %get3A_531, %select_n3A_538 : vector<16xf32>
      %swap3A_540 = arith.index_cast %shift_right_logical3A_520 : i32 to index
      %swap3A_541 = arith.index_cast %sub3A_525 : i32 to index
      %swap3A_542 = tpu.vector_load %arg15[%swap3A_540, %swap3A_541] {strides = array<i32>} : memref<80x128xf32, #tpu.memory_space<vmem>>, vector<1x16xf32>,
      %swap3A_543 = vector.shape_cast %swap3A_542 : vector<1x16xf32> to vector<16xf32>
      %swap3A_544 = vector.shape_cast %add3A_539 : vector<16xf32> to vector<1x16xf32>
      tpu.vector_store %arg15[%swap3A_540, %swap3A_541], %swap3A_544 {strides = array<i32>} : memref<80x128xf32, #tpu.memory_space<vmem>>, vector<1x16xf32>,
      %slice3A_545 = vector.extract_strided_slice %get3A_131 {offsets = [15], sizes = [1], strides = [1]} : vector<16xi32> to vector<1xi32>
      %squeeze3A_546 = vector.extract %slice3A_545[0] : i32 from vector<1xi32>
      %shift_right_logical3A_547 = arith.constant 7 : i32
      %shift_right_logical3A_548 = arith.shrui %squeeze3A_546, %shift_right_logical3A_547 : i32
      %and3A_549 = arith.constant 127 : i32
      %and3A_550 = arith.andi %squeeze3A_546, %and3A_549 : i32
      %and3A_551 = arith.constant 15 : i32
      %and3A_552 = arith.andi %squeeze3A_546, %and3A_551 : i32
      %sub3A_553 = arith.subi %and3A_550, %and3A_552 : i32
      %and3A_554 = arith.constant 15 : i32
      %and3A_555 = arith.andi %squeeze3A_546, %and3A_554 : i32
      %get3A_556 = arith.index_cast %shift_right_logical3A_548 : i32 to index
      %get3A_557 = arith.index_cast %sub3A_553 : i32 to index
      %get3A_558 = tpu.vector_load %arg15[%get3A_556, %get3A_557] {strides = array<i32>} : memref<80x128xf32, #tpu.memory_space<vmem>>, vector<1x16xf32>,
      %get3A_559 = vector.shape_cast %get3A_558 : vector<1x16xf32> to vector<16xf32>
      %eq3A_560 = vector.broadcast %and3A_555 : i32 to vector<16xi32>
      %eq3A_561 = arith.cmpi eq, %iota3A, %eq3A_560 : vector<16xi32>
      %jit3A_562 = arith.constant 1.000000e+00 : f32
      %jit3A_563 = arith.constant 0.000000e+00 : f32
      %broadcast_in_dim3A_564 = vector.broadcast %jit3A_562 : f32 to vector<16xf32>
      %broadcast_in_dim3A_565 = vector.broadcast %jit3A_563 : f32 to vector<16xf32>
      %select_n3A_566 = arith.select %eq3A_561, %broadcast_in_dim3A_564, %broadcast_in_dim3A_565 : vector<16xi1>, vector<16xf32>
      %add3A_567 = arith.addf %get3A_559, %select_n3A_566 : vector<16xf32>
      %swap3A_568 = arith.index_cast %shift_right_logical3A_548 : i32 to index
      %swap3A_569 = arith.index_cast %sub3A_553 : i32 to index
      %swap3A_570 = tpu.vector_load %arg15[%swap3A_568, %swap3A_569] {strides = array<i32>} : memref<80x128xf32, #tpu.memory_space<vmem>>, vector<1x16xf32>,
      %swap3A_571 = vector.shape_cast %swap3A_570 : vector<1x16xf32> to vector<16xf32>
      %swap3A_572 = vector.shape_cast %add3A_567 : vector<16xf32> to vector<1x16xf32>
      tpu.vector_store %arg15[%swap3A_568, %swap3A_569], %swap3A_572 {strides = array<i32>} : memref<80x128xf32, #tpu.memory_space<vmem>>, vector<1x16xf32>,
      %get3A_573 = arith.constant 16 : index
      %get3A_574 = tpu.vector_load %arg10[%get3A_573] {strides = array<i32>} : memref<80xi32, #tpu.memory_space<vmem>>, vector<16xi32>,
      %get3A_575 = vector.shape_cast %get3A_574 : vector<16xi32> to vector<16xi32>
      %slice3A_576 = vector.extract_strided_slice %get3A_575 {offsets = [0], sizes = [1], strides = [1]} : vector<16xi32> to vector<1xi32>
      %squeeze3A_577 = vector.extract %slice3A_576[0] : i32 from vector<1xi32>
      %shift_right_logical3A_578 = arith.constant 7 : i32
      %shift_right_logical3A_579 = arith.shrui %squeeze3A_577, %shift_right_logical3A_578 : i32
      %and3A_580 = arith.constant 127 : i32
      %and3A_581 = arith.andi %squeeze3A_577, %and3A_580 : i32
      %and3A_582 = arith.constant 15 : i32
      %and3A_583 = arith.andi %squeeze3A_577, %and3A_582 : i32
      %sub3A_584 = arith.subi %and3A_581, %and3A_583 : i32
      %and3A_585 = arith.constant 15 : i32
      %and3A_586 = arith.andi %squeeze3A_577, %and3A_585 : i32
      %get3A_587 = arith.index_cast %shift_right_logical3A_579 : i32 to index
      %get3A_588 = arith.index_cast %sub3A_584 : i32 to index
      %get3A_589 = tpu.vector_load %arg15[%get3A_587, %get3A_588] {strides = array<i32>} : memref<80x128xf32, #tpu.memory_space<vmem>>, vector<1x16xf32>,
      %get3A_590 = vector.shape_cast %get3A_589 : vector<1x16xf32> to vector<16xf32>
      %eq3A_591 = vector.broadcast %and3A_586 : i32 to vector<16xi32>
      %eq3A_592 = arith.cmpi eq, %iota3A, %eq3A_591 : vector<16xi32>
      %jit3A_593 = arith.constant 1.000000e+00 : f32
      %jit3A_594 = arith.constant 0.000000e+00 : f32
      %broadcast_in_dim3A_595 = vector.broadcast %jit3A_593 : f32 to vector<16xf32>
      %broadcast_in_dim3A_596 = vector.broadcast %jit3A_594 : f32 to vector<16xf32>
      %select_n3A_597 = arith.select %eq3A_592, %broadcast_in_dim3A_595, %broadcast_in_dim3A_596 : vector<16xi1>, vector<16xf32>
      %add3A_598 = arith.addf %get3A_590, %select_n3A_597 : vector<16xf32>
      %swap3A_599 = arith.index_cast %shift_right_logical3A_579 : i32 to index
      %swap3A_600 = arith.index_cast %sub3A_584 : i32 to index
      %swap3A_601 = tpu.vector_load %arg15[%swap3A_599, %swap3A_600] {strides = array<i32>} : memref<80x128xf32, #tpu.memory_space<vmem>>, vector<1x16xf32>,
      %swap3A_602 = vector.shape_cast %swap3A_601 : vector<1x16xf32> to vector<16xf32>
      %swap3A_603 = vector.shape_cast %add3A_598 : vector<16xf32> to vector<1x16xf32>
      tpu.vector_store %arg15[%swap3A_599, %swap3A_600], %swap3A_603 {strides = array<i32>} : memref<80x128xf32, #tpu.memory_space<vmem>>, vector<1x16xf32>,
      %slice3A_604 = vector.extract_strided_slice %get3A_575 {offsets = [1], sizes = [1], strides = [1]} : vector<16xi32> to vector<1xi32>
      %squeeze3A_605 = vector.extract %slice3A_604[0] : i32 from vector<1xi32>
      %shift_right_logical3A_606 = arith.constant 7 : i32
      %shift_right_logical3A_607 = arith.shrui %squeeze3A_605, %shift_right_logical3A_606 : i32
      %and3A_608 = arith.constant 127 : i32
      %and3A_609 = arith.andi %squeeze3A_605, %and3A_608 : i32
      %and3A_610 = arith.constant 15 : i32
      %and3A_611 = arith.andi %squeeze3A_605, %and3A_610 : i32
      %sub3A_612 = arith.subi %and3A_609, %and3A_611 : i32
      %and3A_613 = arith.constant 15 : i32
      %and3A_614 = arith.andi %squeeze3A_605, %and3A_613 : i32
      %get3A_615 = arith.index_cast %shift_right_logical3A_607 : i32 to index
      %get3A_616 = arith.index_cast %sub3A_612 : i32 to index
      %get3A_617 = tpu.vector_load %arg15[%get3A_615, %get3A_616] {strides = array<i32>} : memref<80x128xf32, #tpu.memory_space<vmem>>, vector<1x16xf32>,
      %get3A_618 = vector.shape_cast %get3A_617 : vector<1x16xf32> to vector<16xf32>
      %eq3A_619 = vector.broadcast %and3A_614 : i32 to vector<16xi32>
      %eq3A_620 = arith.cmpi eq, %iota3A, %eq3A_619 : vector<16xi32>
      %jit3A_621 = arith.constant 1.000000e+00 : f32
      %jit3A_622 = arith.constant 0.000000e+00 : f32
      %broadcast_in_dim3A_623 = vector.broadcast %jit3A_621 : f32 to vector<16xf32>
      %broadcast_in_dim3A_624 = vector.broadcast %jit3A_622 : f32 to vector<16xf32>
      %select_n3A_625 = arith.select %eq3A_620, %broadcast_in_dim3A_623, %broadcast_in_dim3A_624 : vector<16xi1>, vector<16xf32>
      %add3A_626 = arith.addf %get3A_618, %select_n3A_625 : vector<16xf32>
      %swap3A_627 = arith.index_cast %shift_right_logical3A_607 : i32 to index
      %swap3A_628 = arith.index_cast %sub3A_612 : i32 to index
      %swap3A_629 = tpu.vector_load %arg15[%swap3A_627, %swap3A_628] {strides = array<i32>} : memref<80x128xf32, #tpu.memory_space<vmem>>, vector<1x16xf32>,
      %swap3A_630 = vector.shape_cast %swap3A_629 : vector<1x16xf32> to vector<16xf32>
      %swap3A_631 = vector.shape_cast %add3A_626 : vector<16xf32> to vector<1x16xf32>
      tpu.vector_store %arg15[%swap3A_627, %swap3A_628], %swap3A_631 {strides = array<i32>} : memref<80x128xf32, #tpu.memory_space<vmem>>, vector<1x16xf32>,
      %slice3A_632 = vector.extract_strided_slice %get3A_575 {offsets = [2], sizes = [1], strides = [1]} : vector<16xi32> to vector<1xi32>
      %squeeze3A_633 = vector.extract %slice3A_632[0] : i32 from vector<1xi32>
      %shift_right_logical3A_634 = arith.constant 7 : i32
      %shift_right_logical3A_635 = arith.shrui %squeeze3A_633, %shift_right_logical3A_634 : i32
      %and3A_636 = arith.constant 127 : i32
      %and3A_637 = arith.andi %squeeze3A_633, %and3A_636 : i32
      %and3A_638 = arith.constant 15 : i32
      %and3A_639 = arith.andi %squeeze3A_633, %and3A_638 : i32
      %sub3A_640 = arith.subi %and3A_637, %and3A_639 : i32
      %and3A_641 = arith.constant 15 : i32
      %and3A_642 = arith.andi %squeeze3A_633, %and3A_641 : i32
      %get3A_643 = arith.index_cast %shift_right_logical3A_635 : i32 to index
      %get3A_644 = arith.index_cast %sub3A_640 : i32 to index
      %get3A_645 = tpu.vector_load %arg15[%get3A_643, %get3A_644] {strides = array<i32>} : memref<80x128xf32, #tpu.memory_space<vmem>>, vector<1x16xf32>,
      %get3A_646 = vector.shape_cast %get3A_645 : vector<1x16xf32> to vector<16xf32>
      %eq3A_647 = vector.broadcast %and3A_642 : i32 to vector<16xi32>
      %eq3A_648 = arith.cmpi eq, %iota3A, %eq3A_647 : vector<16xi32>
      %jit3A_649 = arith.constant 1.000000e+00 : f32
      %jit3A_650 = arith.constant 0.000000e+00 : f32
      %broadcast_in_dim3A_651 = vector.broadcast %jit3A_649 : f32 to vector<16xf32>
      %broadcast_in_dim3A_652 = vector.broadcast %jit3A_650 : f32 to vector<16xf32>
      %select_n3A_653 = arith.select %eq3A_648, %broadcast_in_dim3A_651, %broadcast_in_dim3A_652 : vector<16xi1>, vector<16xf32>
      %add3A_654 = arith.addf %get3A_646, %select_n3A_653 : vector<16xf32>
      %swap3A_655 = arith.index_cast %shift_right_logical3A_635 : i32 to index
      %swap3A_656 = arith.index_cast %sub3A_640 : i32 to index
      %swap3A_657 = tpu.vector_load %arg15[%swap3A_655, %swap3A_656] {strides = array<i32>} : memref<80x128xf32, #tpu.memory_space<vmem>>, vector<1x16xf32>,
      %swap3A_658 = vector.shape_cast %swap3A_657 : vector<1x16xf32> to vector<16xf32>
      %swap3A_659 = vector.shape_cast %add3A_654 : vector<16xf32> to vector<1x16xf32>
      tpu.vector_store %arg15[%swap3A_655, %swap3A_656], %swap3A_659 {strides = array<i32>} : memref<80x128xf32, #tpu.memory_space<vmem>>, vector<1x16xf32>,
      %slice3A_660 = vector.extract_strided_slice %get3A_575 {offsets = [3], sizes = [1], strides = [1]} : vector<16xi32> to vector<1xi32>
      %squeeze3A_661 = vector.extract %slice3A_660[0] : i32 from vector<1xi32>
      %shift_right_logical3A_662 = arith.constant 7 : i32
      %shift_right_logical3A_663 = arith.shrui %squeeze3A_661, %shift_right_logical3A_662 : i32
      %and3A_664 = arith.constant 127 : i32
      %and3A_665 = arith.andi %squeeze3A_661, %and3A_664 : i32
      %and3A_666 = arith.constant 15 : i32
      %and3A_667 = arith.andi %squeeze3A_661, %and3A_666 : i32
      %sub3A_668 = arith.subi %and3A_665, %and3A_667 : i32
      %and3A_669 = arith.constant 15 : i32
      %and3A_670 = arith.andi %squeeze3A_661, %and3A_669 : i32
      %get3A_671 = arith.index_cast %shift_right_logical3A_663 : i32 to index
      %get3A_672 = arith.index_cast %sub3A_668 : i32 to index
      %get3A_673 = tpu.vector_load %arg15[%get3A_671, %get3A_672] {strides = array<i32>} : memref<80x128xf32, #tpu.memory_space<vmem>>, vector<1x16xf32>,
      %get3A_674 = vector.shape_cast %get3A_673 : vector<1x16xf32> to vector<16xf32>
      %eq3A_675 = vector.broadcast %and3A_670 : i32 to vector<16xi32>
      %eq3A_676 = arith.cmpi eq, %iota3A, %eq3A_675 : vector<16xi32>
      %jit3A_677 = arith.constant 1.000000e+00 : f32
      %jit3A_678 = arith.constant 0.000000e+00 : f32
      %broadcast_in_dim3A_679 = vector.broadcast %jit3A_677 : f32 to vector<16xf32>
      %broadcast_in_dim3A_680 = vector.broadcast %jit3A_678 : f32 to vector<16xf32>
      %select_n3A_681 = arith.select %eq3A_676, %broadcast_in_dim3A_679, %broadcast_in_dim3A_680 : vector<16xi1>, vector<16xf32>
      %add3A_682 = arith.addf %get3A_674, %select_n3A_681 : vector<16xf32>
      %swap3A_683 = arith.index_cast %shift_right_logical3A_663 : i32 to index
      %swap3A_684 = arith.index_cast %sub3A_668 : i32 to index
      %swap3A_685 = tpu.vector_load %arg15[%swap3A_683, %swap3A_684] {strides = array<i32>} : memref<80x128xf32, #tpu.memory_space<vmem>>, vector<1x16xf32>,
      %swap3A_686 = vector.shape_cast %swap3A_685 : vector<1x16xf32> to vector<16xf32>
      %swap3A_687 = vector.shape_cast %add3A_682 : vector<16xf32> to vector<1x16xf32>
      tpu.vector_store %arg15[%swap3A_683, %swap3A_684], %swap3A_687 {strides = array<i32>} : memref<80x128xf32, #tpu.memory_space<vmem>>, vector<1x16xf32>,
      %slice3A_688 = vector.extract_strided_slice %get3A_575 {offsets = [4], sizes = [1], strides = [1]} : vector<16xi32> to vector<1xi32>
      %squeeze3A_689 = vector.extract %slice3A_688[0] : i32 from vector<1xi32>
      %shift_right_logical3A_690 = arith.constant 7 : i32
      %shift_right_logical3A_691 = arith.shrui %squeeze3A_689, %shift_right_logical3A_690 : i32
      %and3A_692 = arith.constant 127 : i32
      %and3A_693 = arith.andi %squeeze3A_689, %and3A_692 : i32
      %and3A_694 = arith.constant 15 : i32
      %and3A_695 = arith.andi %squeeze3A_689, %and3A_694 : i32
      %sub3A_696 = arith.subi %and3A_693, %and3A_695 : i32
      %and3A_697 = arith.constant 15 : i32
      %and3A_698 = arith.andi %squeeze3A_689, %and3A_697 : i32
      %get3A_699 = arith.index_cast %shift_right_logical3A_691 : i32 to index
      %get3A_700 = arith.index_cast %sub3A_696 : i32 to index
      %get3A_701 = tpu.vector_load %arg15[%get3A_699, %get3A_700] {strides = array<i32>} : memref<80x128xf32, #tpu.memory_space<vmem>>, vector<1x16xf32>,
      %get3A_702 = vector.shape_cast %get3A_701 : vector<1x16xf32> to vector<16xf32>
      %eq3A_703 = vector.broadcast %and3A_698 : i32 to vector<16xi32>
      %eq3A_704 = arith.cmpi eq, %iota3A, %eq3A_703 : vector<16xi32>
      %jit3A_705 = arith.constant 1.000000e+00 : f32
      %jit3A_706 = arith.constant 0.000000e+00 : f32
      %broadcast_in_dim3A_707 = vector.broadcast %jit3A_705 : f32 to vector<16xf32>
      %broadcast_in_dim3A_708 = vector.broadcast %jit3A_706 : f32 to vector<16xf32>
      %select_n3A_709 = arith.select %eq3A_704, %broadcast_in_dim3A_707, %broadcast_in_dim3A_708 : vector<16xi1>, vector<16xf32>
      %add3A_710 = arith.addf %get3A_702, %select_n3A_709 : vector<16xf32>
      %swap3A_711 = arith.index_cast %shift_right_logical3A_691 : i32 to index
      %swap3A_712 = arith.index_cast %sub3A_696 : i32 to index
      %swap3A_713 = tpu.vector_load %arg15[%swap3A_711, %swap3A_712] {strides = array<i32>} : memref<80x128xf32, #tpu.memory_space<vmem>>, vector<1x16xf32>,
      %swap3A_714 = vector.shape_cast %swap3A_713 : vector<1x16xf32> to vector<16xf32>
      %swap3A_715 = vector.shape_cast %add3A_710 : vector<16xf32> to vector<1x16xf32>
      tpu.vector_store %arg15[%swap3A_711, %swap3A_712], %swap3A_715 {strides = array<i32>} : memref<80x128xf32, #tpu.memory_space<vmem>>, vector<1x16xf32>,
      %slice3A_716 = vector.extract_strided_slice %get3A_575 {offsets = [5], sizes = [1], strides = [1]} : vector<16xi32> to vector<1xi32>
      %squeeze3A_717 = vector.extract %slice3A_716[0] : i32 from vector<1xi32>
      %shift_right_logical3A_718 = arith.constant 7 : i32
      %shift_right_logical3A_719 = arith.shrui %squeeze3A_717, %shift_right_logical3A_718 : i32
      %and3A_720 = arith.constant 127 : i32
      %and3A_721 = arith.andi %squeeze3A_717, %and3A_720 : i32
      %and3A_722 = arith.constant 15 : i32
      %and3A_723 = arith.andi %squeeze3A_717, %and3A_722 : i32
      %sub3A_724 = arith.subi %and3A_721, %and3A_723 : i32
      %and3A_725 = arith.constant 15 : i32
      %and3A_726 = arith.andi %squeeze3A_717, %and3A_725 : i32
      %get3A_727 = arith.index_cast %shift_right_logical3A_719 : i32 to index
      %get3A_728 = arith.index_cast %sub3A_724 : i32 to index
      %get3A_729 = tpu.vector_load %arg15[%get3A_727, %get3A_728] {strides = array<i32>} : memref<80x128xf32, #tpu.memory_space<vmem>>, vector<1x16xf32>,
      %get3A_730 = vector.shape_cast %get3A_729 : vector<1x16xf32> to vector<16xf32>
      %eq3A_731 = vector.broadcast %and3A_726 : i32 to vector<16xi32>
      %eq3A_732 = arith.cmpi eq, %iota3A, %eq3A_731 : vector<16xi32>
      %jit3A_733 = arith.constant 1.000000e+00 : f32
      %jit3A_734 = arith.constant 0.000000e+00 : f32
      %broadcast_in_dim3A_735 = vector.broadcast %jit3A_733 : f32 to vector<16xf32>
      %broadcast_in_dim3A_736 = vector.broadcast %jit3A_734 : f32 to vector<16xf32>
      %select_n3A_737 = arith.select %eq3A_732, %broadcast_in_dim3A_735, %broadcast_in_dim3A_736 : vector<16xi1>, vector<16xf32>
      %add3A_738 = arith.addf %get3A_730, %select_n3A_737 : vector<16xf32>
      %swap3A_739 = arith.index_cast %shift_right_logical3A_719 : i32 to index
      %swap3A_740 = arith.index_cast %sub3A_724 : i32 to index
      %swap3A_741 = tpu.vector_load %arg15[%swap3A_739, %swap3A_740] {strides = array<i32>} : memref<80x128xf32, #tpu.memory_space<vmem>>, vector<1x16xf32>,
      %swap3A_742 = vector.shape_cast %swap3A_741 : vector<1x16xf32> to vector<16xf32>
      %swap3A_743 = vector.shape_cast %add3A_738 : vector<16xf32> to vector<1x16xf32>
      tpu.vector_store %arg15[%swap3A_739, %swap3A_740], %swap3A_743 {strides = array<i32>} : memref<80x128xf32, #tpu.memory_space<vmem>>, vector<1x16xf32>,
      %slice3A_744 = vector.extract_strided_slice %get3A_575 {offsets = [6], sizes = [1], strides = [1]} : vector<16xi32> to vector<1xi32>
      %squeeze3A_745 = vector.extract %slice3A_744[0] : i32 from vector<1xi32>
      %shift_right_logical3A_746 = arith.constant 7 : i32
      %shift_right_logical3A_747 = arith.shrui %squeeze3A_745, %shift_right_logical3A_746 : i32
      %and3A_748 = arith.constant 127 : i32
      %and3A_749 = arith.andi %squeeze3A_745, %and3A_748 : i32
      %and3A_750 = arith.constant 15 : i32
      %and3A_751 = arith.andi %squeeze3A_745, %and3A_750 : i32
      %sub3A_752 = arith.subi %and3A_749, %and3A_751 : i32
      %and3A_753 = arith.constant 15 : i32
      %and3A_754 = arith.andi %squeeze3A_745, %and3A_753 : i32
      %get3A_755 = arith.index_cast %shift_right_logical3A_747 : i32 to index
      %get3A_756 = arith.index_cast %sub3A_752 : i32 to index
      %get3A_757 = tpu.vector_load %arg15[%get3A_755, %get3A_756] {strides = array<i32>} : memref<80x128xf32, #tpu.memory_space<vmem>>, vector<1x16xf32>,
      %get3A_758 = vector.shape_cast %get3A_757 : vector<1x16xf32> to vector<16xf32>
      %eq3A_759 = vector.broadcast %and3A_754 : i32 to vector<16xi32>
      %eq3A_760 = arith.cmpi eq, %iota3A, %eq3A_759 : vector<16xi32>
      %jit3A_761 = arith.constant 1.000000e+00 : f32
      %jit3A_762 = arith.constant 0.000000e+00 : f32
      %broadcast_in_dim3A_763 = vector.broadcast %jit3A_761 : f32 to vector<16xf32>
      %broadcast_in_dim3A_764 = vector.broadcast %jit3A_762 : f32 to vector<16xf32>
      %select_n3A_765 = arith.select %eq3A_760, %broadcast_in_dim3A_763, %broadcast_in_dim3A_764 : vector<16xi1>, vector<16xf32>
      %add3A_766 = arith.addf %get3A_758, %select_n3A_765 : vector<16xf32>
      %swap3A_767 = arith.index_cast %shift_right_logical3A_747 : i32 to index
      %swap3A_768 = arith.index_cast %sub3A_752 : i32 to index
      %swap3A_769 = tpu.vector_load %arg15[%swap3A_767, %swap3A_768] {strides = array<i32>} : memref<80x128xf32, #tpu.memory_space<vmem>>, vector<1x16xf32>,
      %swap3A_770 = vector.shape_cast %swap3A_769 : vector<1x16xf32> to vector<16xf32>
      %swap3A_771 = vector.shape_cast %add3A_766 : vector<16xf32> to vector<1x16xf32>
      tpu.vector_store %arg15[%swap3A_767, %swap3A_768], %swap3A_771 {strides = array<i32>} : memref<80x128xf32, #tpu.memory_space<vmem>>, vector<1x16xf32>,
      %slice3A_772 = vector.extract_strided_slice %get3A_575 {offsets = [7], sizes = [1], strides = [1]} : vector<16xi32> to vector<1xi32>
      %squeeze3A_773 = vector.extract %slice3A_772[0] : i32 from vector<1xi32>
      %shift_right_logical3A_774 = arith.constant 7 : i32
      %shift_right_logical3A_775 = arith.shrui %squeeze3A_773, %shift_right_logical3A_774 : i32
      %and3A_776 = arith.constant 127 : i32
      %and3A_777 = arith.andi %squeeze3A_773, %and3A_776 : i32
      %and3A_778 = arith.constant 15 : i32
      %and3A_779 = arith.andi %squeeze3A_773, %and3A_778 : i32
      %sub3A_780 = arith.subi %and3A_777, %and3A_779 : i32
      %and3A_781 = arith.constant 15 : i32
      %and3A_782 = arith.andi %squeeze3A_773, %and3A_781 : i32
      %get3A_783 = arith.index_cast %shift_right_logical3A_775 : i32 to index
      %get3A_784 = arith.index_cast %sub3A_780 : i32 to index
      %get3A_785 = tpu.vector_load %arg15[%get3A_783, %get3A_784] {strides = array<i32>} : memref<80x128xf32, #tpu.memory_space<vmem>>, vector<1x16xf32>,
      %get3A_786 = vector.shape_cast %get3A_785 : vector<1x16xf32> to vector<16xf32>
      %eq3A_787 = vector.broadcast %and3A_782 : i32 to vector<16xi32>
      %eq3A_788 = arith.cmpi eq, %iota3A, %eq3A_787 : vector<16xi32>
      %jit3A_789 = arith.constant 1.000000e+00 : f32
      %jit3A_790 = arith.constant 0.000000e+00 : f32
      %broadcast_in_dim3A_791 = vector.broadcast %jit3A_789 : f32 to vector<16xf32>
      %broadcast_in_dim3A_792 = vector.broadcast %jit3A_790 : f32 to vector<16xf32>
      %select_n3A_793 = arith.select %eq3A_788, %broadcast_in_dim3A_791, %broadcast_in_dim3A_792 : vector<16xi1>, vector<16xf32>
      %add3A_794 = arith.addf %get3A_786, %select_n3A_793 : vector<16xf32>
      %swap3A_795 = arith.index_cast %shift_right_logical3A_775 : i32 to index
      %swap3A_796 = arith.index_cast %sub3A_780 : i32 to index
      %swap3A_797 = tpu.vector_load %arg15[%swap3A_795, %swap3A_796] {strides = array<i32>} : memref<80x128xf32, #tpu.memory_space<vmem>>, vector<1x16xf32>,
      %swap3A_798 = vector.shape_cast %swap3A_797 : vector<1x16xf32> to vector<16xf32>
      %swap3A_799 = vector.shape_cast %add3A_794 : vector<16xf32> to vector<1x16xf32>
      tpu.vector_store %arg15[%swap3A_795, %swap3A_796], %swap3A_799 {strides = array<i32>} : memref<80x128xf32, #tpu.memory_space<vmem>>, vector<1x16xf32>,
      %slice3A_800 = vector.extract_strided_slice %get3A_575 {offsets = [8], sizes = [1], strides = [1]} : vector<16xi32> to vector<1xi32>
      %squeeze3A_801 = vector.extract %slice3A_800[0] : i32 from vector<1xi32>
      %shift_right_logical3A_802 = arith.constant 7 : i32
      %shift_right_logical3A_803 = arith.shrui %squeeze3A_801, %shift_right_logical3A_802 : i32
      %and3A_804 = arith.constant 127 : i32
      %and3A_805 = arith.andi %squeeze3A_801, %and3A_804 : i32
      %and3A_806 = arith.constant 15 : i32
      %and3A_807 = arith.andi %squeeze3A_801, %and3A_806 : i32
      %sub3A_808 = arith.subi %and3A_805, %and3A_807 : i32
      %and3A_809 = arith.constant 15 : i32
      %and3A_810 = arith.andi %squeeze3A_801, %and3A_809 : i32
      %get3A_811 = arith.index_cast %shift_right_logical3A_803 : i32 to index
      %get3A_812 = arith.index_cast %sub3A_808 : i32 to index
      %get3A_813 = tpu.vector_load %arg15[%get3A_811, %get3A_812] {strides = array<i32>} : memref<80x128xf32, #tpu.memory_space<vmem>>, vector<1x16xf32>,
      %get3A_814 = vector.shape_cast %get3A_813 : vector<1x16xf32> to vector<16xf32>
      %eq3A_815 = vector.broadcast %and3A_810 : i32 to vector<16xi32>
      %eq3A_816 = arith.cmpi eq, %iota3A, %eq3A_815 : vector<16xi32>
      %jit3A_817 = arith.constant 1.000000e+00 : f32
      %jit3A_818 = arith.constant 0.000000e+00 : f32
      %broadcast_in_dim3A_819 = vector.broadcast %jit3A_817 : f32 to vector<16xf32>
      %broadcast_in_dim3A_820 = vector.broadcast %jit3A_818 : f32 to vector<16xf32>
      %select_n3A_821 = arith.select %eq3A_816, %broadcast_in_dim3A_819, %broadcast_in_dim3A_820 : vector<16xi1>, vector<16xf32>
      %add3A_822 = arith.addf %get3A_814, %select_n3A_821 : vector<16xf32>
      %swap3A_823 = arith.index_cast %shift_right_logical3A_803 : i32 to index
      %swap3A_824 = arith.index_cast %sub3A_808 : i32 to index
      %swap3A_825 = tpu.vector_load %arg15[%swap3A_823, %swap3A_824] {strides = array<i32>} : memref<80x128xf32, #tpu.memory_space<vmem>>, vector<1x16xf32>,
      %swap3A_826 = vector.shape_cast %swap3A_825 : vector<1x16xf32> to vector<16xf32>
      %swap3A_827 = vector.shape_cast %add3A_822 : vector<16xf32> to vector<1x16xf32>
      tpu.vector_store %arg15[%swap3A_823, %swap3A_824], %swap3A_827 {strides = array<i32>} : memref<80x128xf32, #tpu.memory_space<vmem>>, vector<1x16xf32>,
      %slice3A_828 = vector.extract_strided_slice %get3A_575 {offsets = [9], sizes = [1], strides = [1]} : vector<16xi32> to vector<1xi32>
      %squeeze3A_829 = vector.extract %slice3A_828[0] : i32 from vector<1xi32>
      %shift_right_logical3A_830 = arith.constant 7 : i32
      %shift_right_logical3A_831 = arith.shrui %squeeze3A_829, %shift_right_logical3A_830 : i32
      %and3A_832 = arith.constant 127 : i32
      %and3A_833 = arith.andi %squeeze3A_829, %and3A_832 : i32
      %and3A_834 = arith.constant 15 : i32
      %and3A_835 = arith.andi %squeeze3A_829, %and3A_834 : i32
      %sub3A_836 = arith.subi %and3A_833, %and3A_835 : i32
      %and3A_837 = arith.constant 15 : i32
      %and3A_838 = arith.andi %squeeze3A_829, %and3A_837 : i32
      %get3A_839 = arith.index_cast %shift_right_logical3A_831 : i32 to index
      %get3A_840 = arith.index_cast %sub3A_836 : i32 to index
      %get3A_841 = tpu.vector_load %arg15[%get3A_839, %get3A_840] {strides = array<i32>} : memref<80x128xf32, #tpu.memory_space<vmem>>, vector<1x16xf32>,
      %get3A_842 = vector.shape_cast %get3A_841 : vector<1x16xf32> to vector<16xf32>
      %eq3A_843 = vector.broadcast %and3A_838 : i32 to vector<16xi32>
      %eq3A_844 = arith.cmpi eq, %iota3A, %eq3A_843 : vector<16xi32>
      %jit3A_845 = arith.constant 1.000000e+00 : f32
      %jit3A_846 = arith.constant 0.000000e+00 : f32
      %broadcast_in_dim3A_847 = vector.broadcast %jit3A_845 : f32 to vector<16xf32>
      %broadcast_in_dim3A_848 = vector.broadcast %jit3A_846 : f32 to vector<16xf32>
      %select_n3A_849 = arith.select %eq3A_844, %broadcast_in_dim3A_847, %broadcast_in_dim3A_848 : vector<16xi1>, vector<16xf32>
      %add3A_850 = arith.addf %get3A_842, %select_n3A_849 : vector<16xf32>
      %swap3A_851 = arith.index_cast %shift_right_logical3A_831 : i32 to index
      %swap3A_852 = arith.index_cast %sub3A_836 : i32 to index
      %swap3A_853 = tpu.vector_load %arg15[%swap3A_851, %swap3A_852] {strides = array<i32>} : memref<80x128xf32, #tpu.memory_space<vmem>>, vector<1x16xf32>,
      %swap3A_854 = vector.shape_cast %swap3A_853 : vector<1x16xf32> to vector<16xf32>
      %swap3A_855 = vector.shape_cast %add3A_850 : vector<16xf32> to vector<1x16xf32>
      tpu.vector_store %arg15[%swap3A_851, %swap3A_852], %swap3A_855 {strides = array<i32>} : memref<80x128xf32, #tpu.memory_space<vmem>>, vector<1x16xf32>,
      %slice3A_856 = vector.extract_strided_slice %get3A_575 {offsets = [10], sizes = [1], strides = [1]} : vector<16xi32> to vector<1xi32>
      %squeeze3A_857 = vector.extract %slice3A_856[0] : i32 from vector<1xi32>
      %shift_right_logical3A_858 = arith.constant 7 : i32
      %shift_right_logical3A_859 = arith.shrui %squeeze3A_857, %shift_right_logical3A_858 : i32
      %and3A_860 = arith.constant 127 : i32
      %and3A_861 = arith.andi %squeeze3A_857, %and3A_860 : i32
      %and3A_862 = arith.constant 15 : i32
      %and3A_863 = arith.andi %squeeze3A_857, %and3A_862 : i32
      %sub3A_864 = arith.subi %and3A_861, %and3A_863 : i32
      %and3A_865 = arith.constant 15 : i32
      %and3A_866 = arith.andi %squeeze3A_857, %and3A_865 : i32
      %get3A_867 = arith.index_cast %shift_right_logical3A_859 : i32 to index
      %get3A_868 = arith.index_cast %sub3A_864 : i32 to index
      %get3A_869 = tpu.vector_load %arg15[%get3A_867, %get3A_868] {strides = array<i32>} : memref<80x128xf32, #tpu.memory_space<vmem>>, vector<1x16xf32>,
      %get3A_870 = vector.shape_cast %get3A_869 : vector<1x16xf32> to vector<16xf32>
      %eq3A_871 = vector.broadcast %and3A_866 : i32 to vector<16xi32>
      %eq3A_872 = arith.cmpi eq, %iota3A, %eq3A_871 : vector<16xi32>
      %jit3A_873 = arith.constant 1.000000e+00 : f32
      %jit3A_874 = arith.constant 0.000000e+00 : f32
      %broadcast_in_dim3A_875 = vector.broadcast %jit3A_873 : f32 to vector<16xf32>
      %broadcast_in_dim3A_876 = vector.broadcast %jit3A_874 : f32 to vector<16xf32>
      %select_n3A_877 = arith.select %eq3A_872, %broadcast_in_dim3A_875, %broadcast_in_dim3A_876 : vector<16xi1>, vector<16xf32>
      %add3A_878 = arith.addf %get3A_870, %select_n3A_877 : vector<16xf32>
      %swap3A_879 = arith.index_cast %shift_right_logical3A_859 : i32 to index
      %swap3A_880 = arith.index_cast %sub3A_864 : i32 to index
      %swap3A_881 = tpu.vector_load %arg15[%swap3A_879, %swap3A_880] {strides = array<i32>} : memref<80x128xf32, #tpu.memory_space<vmem>>, vector<1x16xf32>,
      %swap3A_882 = vector.shape_cast %swap3A_881 : vector<1x16xf32> to vector<16xf32>
      %swap3A_883 = vector.shape_cast %add3A_878 : vector<16xf32> to vector<1x16xf32>
      tpu.vector_store %arg15[%swap3A_879, %swap3A_880], %swap3A_883 {strides = array<i32>} : memref<80x128xf32, #tpu.memory_space<vmem>>, vector<1x16xf32>,
      %slice3A_884 = vector.extract_strided_slice %get3A_575 {offsets = [11], sizes = [1], strides = [1]} : vector<16xi32> to vector<1xi32>
      %squeeze3A_885 = vector.extract %slice3A_884[0] : i32 from vector<1xi32>
      %shift_right_logical3A_886 = arith.constant 7 : i32
      %shift_right_logical3A_887 = arith.shrui %squeeze3A_885, %shift_right_logical3A_886 : i32
      %and3A_888 = arith.constant 127 : i32
      %and3A_889 = arith.andi %squeeze3A_885, %and3A_888 : i32
      %and3A_890 = arith.constant 15 : i32
      %and3A_891 = arith.andi %squeeze3A_885, %and3A_890 : i32
      %sub3A_892 = arith.subi %and3A_889, %and3A_891 : i32
      %and3A_893 = arith.constant 15 : i32
      %and3A_894 = arith.andi %squeeze3A_885, %and3A_893 : i32
      %get3A_895 = arith.index_cast %shift_right_logical3A_887 : i32 to index
      %get3A_896 = arith.index_cast %sub3A_892 : i32 to index
      %get3A_897 = tpu.vector_load %arg15[%get3A_895, %get3A_896] {strides = array<i32>} : memref<80x128xf32, #tpu.memory_space<vmem>>, vector<1x16xf32>,
      %get3A_898 = vector.shape_cast %get3A_897 : vector<1x16xf32> to vector<16xf32>
      %eq3A_899 = vector.broadcast %and3A_894 : i32 to vector<16xi32>
      %eq3A_900 = arith.cmpi eq, %iota3A, %eq3A_899 : vector<16xi32>
      %jit3A_901 = arith.constant 1.000000e+00 : f32
      %jit3A_902 = arith.constant 0.000000e+00 : f32
      %broadcast_in_dim3A_903 = vector.broadcast %jit3A_901 : f32 to vector<16xf32>
      %broadcast_in_dim3A_904 = vector.broadcast %jit3A_902 : f32 to vector<16xf32>
      %select_n3A_905 = arith.select %eq3A_900, %broadcast_in_dim3A_903, %broadcast_in_dim3A_904 : vector<16xi1>, vector<16xf32>
      %add3A_906 = arith.addf %get3A_898, %select_n3A_905 : vector<16xf32>
      %swap3A_907 = arith.index_cast %shift_right_logical3A_887 : i32 to index
      %swap3A_908 = arith.index_cast %sub3A_892 : i32 to index
      %swap3A_909 = tpu.vector_load %arg15[%swap3A_907, %swap3A_908] {strides = array<i32>} : memref<80x128xf32, #tpu.memory_space<vmem>>, vector<1x16xf32>,
      %swap3A_910 = vector.shape_cast %swap3A_909 : vector<1x16xf32> to vector<16xf32>
      %swap3A_911 = vector.shape_cast %add3A_906 : vector<16xf32> to vector<1x16xf32>
      tpu.vector_store %arg15[%swap3A_907, %swap3A_908], %swap3A_911 {strides = array<i32>} : memref<80x128xf32, #tpu.memory_space<vmem>>, vector<1x16xf32>,
      %slice3A_912 = vector.extract_strided_slice %get3A_575 {offsets = [12], sizes = [1], strides = [1]} : vector<16xi32> to vector<1xi32>
      %squeeze3A_913 = vector.extract %slice3A_912[0] : i32 from vector<1xi32>
      %shift_right_logical3A_914 = arith.constant 7 : i32
      %shift_right_logical3A_915 = arith.shrui %squeeze3A_913, %shift_right_logical3A_914 : i32
      %and3A_916 = arith.constant 127 : i32
      %and3A_917 = arith.andi %squeeze3A_913, %and3A_916 : i32
      %and3A_918 = arith.constant 15 : i32
      %and3A_919 = arith.andi %squeeze3A_913, %and3A_918 : i32
      %sub3A_920 = arith.subi %and3A_917, %and3A_919 : i32
      %and3A_921 = arith.constant 15 : i32
      %and3A_922 = arith.andi %squeeze3A_913, %and3A_921 : i32
      %get3A_923 = arith.index_cast %shift_right_logical3A_915 : i32 to index
      %get3A_924 = arith.index_cast %sub3A_920 : i32 to index
      %get3A_925 = tpu.vector_load %arg15[%get3A_923, %get3A_924] {strides = array<i32>} : memref<80x128xf32, #tpu.memory_space<vmem>>, vector<1x16xf32>,
      %get3A_926 = vector.shape_cast %get3A_925 : vector<1x16xf32> to vector<16xf32>
      %eq3A_927 = vector.broadcast %and3A_922 : i32 to vector<16xi32>
      %eq3A_928 = arith.cmpi eq, %iota3A, %eq3A_927 : vector<16xi32>
      %jit3A_929 = arith.constant 1.000000e+00 : f32
      %jit3A_930 = arith.constant 0.000000e+00 : f32
      %broadcast_in_dim3A_931 = vector.broadcast %jit3A_929 : f32 to vector<16xf32>
      %broadcast_in_dim3A_932 = vector.broadcast %jit3A_930 : f32 to vector<16xf32>
      %select_n3A_933 = arith.select %eq3A_928, %broadcast_in_dim3A_931, %broadcast_in_dim3A_932 : vector<16xi1>, vector<16xf32>
      %add3A_934 = arith.addf %get3A_926, %select_n3A_933 : vector<16xf32>
      %swap3A_935 = arith.index_cast %shift_right_logical3A_915 : i32 to index
      %swap3A_936 = arith.index_cast %sub3A_920 : i32 to index
      %swap3A_937 = tpu.vector_load %arg15[%swap3A_935, %swap3A_936] {strides = array<i32>} : memref<80x128xf32, #tpu.memory_space<vmem>>, vector<1x16xf32>,
      %swap3A_938 = vector.shape_cast %swap3A_937 : vector<1x16xf32> to vector<16xf32>
      %swap3A_939 = vector.shape_cast %add3A_934 : vector<16xf32> to vector<1x16xf32>
      tpu.vector_store %arg15[%swap3A_935, %swap3A_936], %swap3A_939 {strides = array<i32>} : memref<80x128xf32, #tpu.memory_space<vmem>>, vector<1x16xf32>,
      %slice3A_940 = vector.extract_strided_slice %get3A_575 {offsets = [13], sizes = [1], strides = [1]} : vector<16xi32> to vector<1xi32>
      %squeeze3A_941 = vector.extract %slice3A_940[0] : i32 from vector<1xi32>
      %shift_right_logical3A_942 = arith.constant 7 : i32
      %shift_right_logical3A_943 = arith.shrui %squeeze3A_941, %shift_right_logical3A_942 : i32
      %and3A_944 = arith.constant 127 : i32
      %and3A_945 = arith.andi %squeeze3A_941, %and3A_944 : i32
      %and3A_946 = arith.constant 15 : i32
      %and3A_947 = arith.andi %squeeze3A_941, %and3A_946 : i32
      %sub3A_948 = arith.subi %and3A_945, %and3A_947 : i32
      %and3A_949 = arith.constant 15 : i32
      %and3A_950 = arith.andi %squeeze3A_941, %and3A_949 : i32
      %get3A_951 = arith.index_cast %shift_right_logical3A_943 : i32 to index
      %get3A_952 = arith.index_cast %sub3A_948 : i32 to index
      %get3A_953 = tpu.vector_load %arg15[%get3A_951, %get3A_952] {strides = array<i32>} : memref<80x128xf32, #tpu.memory_space<vmem>>, vector<1x16xf32>,
      %get3A_954 = vector.shape_cast %get3A_953 : vector<1x16xf32> to vector<16xf32>
      %eq3A_955 = vector.broadcast %and3A_950 : i32 to vector<16xi32>
      %eq3A_956 = arith.cmpi eq, %iota3A, %eq3A_955 : vector<16xi32>
      %jit3A_957 = arith.constant 1.000000e+00 : f32
      %jit3A_958 = arith.constant 0.000000e+00 : f32
      %broadcast_in_dim3A_959 = vector.broadcast %jit3A_957 : f32 to vector<16xf32>
      %broadcast_in_dim3A_960 = vector.broadcast %jit3A_958 : f32 to vector<16xf32>
      %select_n3A_961 = arith.select %eq3A_956, %broadcast_in_dim3A_959, %broadcast_in_dim3A_960 : vector<16xi1>, vector<16xf32>
      %add3A_962 = arith.addf %get3A_954, %select_n3A_961 : vector<16xf32>
      %swap3A_963 = arith.index_cast %shift_right_logical3A_943 : i32 to index
      %swap3A_964 = arith.index_cast %sub3A_948 : i32 to index
      %swap3A_965 = tpu.vector_load %arg15[%swap3A_963, %swap3A_964] {strides = array<i32>} : memref<80x128xf32, #tpu.memory_space<vmem>>, vector<1x16xf32>,
      %swap3A_966 = vector.shape_cast %swap3A_965 : vector<1x16xf32> to vector<16xf32>
      %swap3A_967 = vector.shape_cast %add3A_962 : vector<16xf32> to vector<1x16xf32>
      tpu.vector_store %arg15[%swap3A_963, %swap3A_964], %swap3A_967 {strides = array<i32>} : memref<80x128xf32, #tpu.memory_space<vmem>>, vector<1x16xf32>,
      %slice3A_968 = vector.extract_strided_slice %get3A_575 {offsets = [14], sizes = [1], strides = [1]} : vector<16xi32> to vector<1xi32>
      %squeeze3A_969 = vector.extract %slice3A_968[0] : i32 from vector<1xi32>
      %shift_right_logical3A_970 = arith.constant 7 : i32
      %shift_right_logical3A_971 = arith.shrui %squeeze3A_969, %shift_right_logical3A_970 : i32
      %and3A_972 = arith.constant 127 : i32
      %and3A_973 = arith.andi %squeeze3A_969, %and3A_972 : i32
      %and3A_974 = arith.constant 15 : i32
      %and3A_975 = arith.andi %squeeze3A_969, %and3A_974 : i32
      %sub3A_976 = arith.subi %and3A_973, %and3A_975 : i32
      %and3A_977 = arith.constant 15 : i32
      %and3A_978 = arith.andi %squeeze3A_969, %and3A_977 : i32
      %get3A_979 = arith.index_cast %shift_right_logical3A_971 : i32 to index
      %get3A_980 = arith.index_cast %sub3A_976 : i32 to index
      %get3A_981 = tpu.vector_load %arg15[%get3A_979, %get3A_980] {strides = array<i32>} : memref<80x128xf32, #tpu.memory_space<vmem>>, vector<1x16xf32>,
      %get3A_982 = vector.shape_cast %get3A_981 : vector<1x16xf32> to vector<16xf32>
      %eq3A_983 = vector.broadcast %and3A_978 : i32 to vector<16xi32>
      %eq3A_984 = arith.cmpi eq, %iota3A, %eq3A_983 : vector<16xi32>
      %jit3A_985 = arith.constant 1.000000e+00 : f32
      %jit3A_986 = arith.constant 0.000000e+00 : f32
      %broadcast_in_dim3A_987 = vector.broadcast %jit3A_985 : f32 to vector<16xf32>
      %broadcast_in_dim3A_988 = vector.broadcast %jit3A_986 : f32 to vector<16xf32>
      %select_n3A_989 = arith.select %eq3A_984, %broadcast_in_dim3A_987, %broadcast_in_dim3A_988 : vector<16xi1>, vector<16xf32>
      %add3A_990 = arith.addf %get3A_982, %select_n3A_989 : vector<16xf32>
      %swap3A_991 = arith.index_cast %shift_right_logical3A_971 : i32 to index
      %swap3A_992 = arith.index_cast %sub3A_976 : i32 to index
      %swap3A_993 = tpu.vector_load %arg15[%swap3A_991, %swap3A_992] {strides = array<i32>} : memref<80x128xf32, #tpu.memory_space<vmem>>, vector<1x16xf32>,
      %swap3A_994 = vector.shape_cast %swap3A_993 : vector<1x16xf32> to vector<16xf32>
      %swap3A_995 = vector.shape_cast %add3A_990 : vector<16xf32> to vector<1x16xf32>
      tpu.vector_store %arg15[%swap3A_991, %swap3A_992], %swap3A_995 {strides = array<i32>} : memref<80x128xf32, #tpu.memory_space<vmem>>, vector<1x16xf32>,
      %slice3A_996 = vector.extract_strided_slice %get3A_575 {offsets = [15], sizes = [1], strides = [1]} : vector<16xi32> to vector<1xi32>
      %squeeze3A_997 = vector.extract %slice3A_996[0] : i32 from vector<1xi32>
      %shift_right_logical3A_998 = arith.constant 7 : i32
      %shift_right_logical3A_999 = arith.shrui %squeeze3A_997, %shift_right_logical3A_998 : i32
      %and3A_1000 = arith.constant 127 : i32
      %and3A_1001 = arith.andi %squeeze3A_997, %and3A_1000 : i32
      %and3A_1002 = arith.constant 15 : i32
      %and3A_1003 = arith.andi %squeeze3A_997, %and3A_1002 : i32
      %sub3A_1004 = arith.subi %and3A_1001, %and3A_1003 : i32
      %and3A_1005 = arith.constant 15 : i32
      %and3A_1006 = arith.andi %squeeze3A_997, %and3A_1005 : i32
      %get3A_1007 = arith.index_cast %shift_right_logical3A_999 : i32 to index
      %get3A_1008 = arith.index_cast %sub3A_1004 : i32 to index
      %get3A_1009 = tpu.vector_load %arg15[%get3A_1007, %get3A_1008] {strides = array<i32>} : memref<80x128xf32, #tpu.memory_space<vmem>>, vector<1x16xf32>,
      %get3A_1010 = vector.shape_cast %get3A_1009 : vector<1x16xf32> to vector<16xf32>
      %eq3A_1011 = vector.broadcast %and3A_1006 : i32 to vector<16xi32>
      %eq3A_1012 = arith.cmpi eq, %iota3A, %eq3A_1011 : vector<16xi32>
      %jit3A_1013 = arith.constant 1.000000e+00 : f32
      %jit3A_1014 = arith.constant 0.000000e+00 : f32
      %broadcast_in_dim3A_1015 = vector.broadcast %jit3A_1013 : f32 to vector<16xf32>
      %broadcast_in_dim3A_1016 = vector.broadcast %jit3A_1014 : f32 to vector<16xf32>
      %select_n3A_1017 = arith.select %eq3A_1012, %broadcast_in_dim3A_1015, %broadcast_in_dim3A_1016 : vector<16xi1>, vector<16xf32>
      %add3A_1018 = arith.addf %get3A_1010, %select_n3A_1017 : vector<16xf32>
      %swap3A_1019 = arith.index_cast %shift_right_logical3A_999 : i32 to index
      %swap3A_1020 = arith.index_cast %sub3A_1004 : i32 to index
      %swap3A_1021 = tpu.vector_load %arg15[%swap3A_1019, %swap3A_1020] {strides = array<i32>} : memref<80x128xf32, #tpu.memory_space<vmem>>, vector<1x16xf32>,
      %swap3A_1022 = vector.shape_cast %swap3A_1021 : vector<1x16xf32> to vector<16xf32>
      %swap3A_1023 = vector.shape_cast %add3A_1018 : vector<16xf32> to vector<1x16xf32>
      tpu.vector_store %arg15[%swap3A_1019, %swap3A_1020], %swap3A_1023 {strides = array<i32>} : memref<80x128xf32, #tpu.memory_space<vmem>>, vector<1x16xf32>,
      %get3A_1024 = arith.constant 32 : index
      %get3A_1025 = tpu.vector_load %arg10[%get3A_1024] {strides = array<i32>} : memref<80xi32, #tpu.memory_space<vmem>>, vector<16xi32>,
      %get3A_1026 = vector.shape_cast %get3A_1025 : vector<16xi32> to vector<16xi32>
      %slice3A_1027 = vector.extract_strided_slice %get3A_1026 {offsets = [0], sizes = [1], strides = [1]} : vector<16xi32> to vector<1xi32>
      %squeeze3A_1028 = vector.extract %slice3A_1027[0] : i32 from vector<1xi32>
      %shift_right_logical3A_1029 = arith.constant 7 : i32
      %shift_right_logical3A_1030 = arith.shrui %squeeze3A_1028, %shift_right_logical3A_1029 : i32
      %and3A_1031 = arith.constant 127 : i32
      %and3A_1032 = arith.andi %squeeze3A_1028, %and3A_1031 : i32
      %and3A_1033 = arith.constant 15 : i32
      %and3A_1034 = arith.andi %squeeze3A_1028, %and3A_1033 : i32
      %sub3A_1035 = arith.subi %and3A_1032, %and3A_1034 : i32
      %and3A_1036 = arith.constant 15 : i32
      %and3A_1037 = arith.andi %squeeze3A_1028, %and3A_1036 : i32
      %get3A_1038 = arith.index_cast %shift_right_logical3A_1030 : i32 to index
      %get3A_1039 = arith.index_cast %sub3A_1035 : i32 to index
      %get3A_1040 = tpu.vector_load %arg15[%get3A_1038, %get3A_1039] {strides = array<i32>} : memref<80x128xf32, #tpu.memory_space<vmem>>, vector<1x16xf32>,
      %get3A_1041 = vector.shape_cast %get3A_1040 : vector<1x16xf32> to vector<16xf32>
      %eq3A_1042 = vector.broadcast %and3A_1037 : i32 to vector<16xi32>
      %eq3A_1043 = arith.cmpi eq, %iota3A, %eq3A_1042 : vector<16xi32>
      %jit3A_1044 = arith.constant 1.000000e+00 : f32
      %jit3A_1045 = arith.constant 0.000000e+00 : f32
      %broadcast_in_dim3A_1046 = vector.broadcast %jit3A_1044 : f32 to vector<16xf32>
      %broadcast_in_dim3A_1047 = vector.broadcast %jit3A_1045 : f32 to vector<16xf32>
      %select_n3A_1048 = arith.select %eq3A_1043, %broadcast_in_dim3A_1046, %broadcast_in_dim3A_1047 : vector<16xi1>, vector<16xf32>
      %add3A_1049 = arith.addf %get3A_1041, %select_n3A_1048 : vector<16xf32>
      %swap3A_1050 = arith.index_cast %shift_right_logical3A_1030 : i32 to index
      %swap3A_1051 = arith.index_cast %sub3A_1035 : i32 to index
      %swap3A_1052 = tpu.vector_load %arg15[%swap3A_1050, %swap3A_1051] {strides = array<i32>} : memref<80x128xf32, #tpu.memory_space<vmem>>, vector<1x16xf32>,
      %swap3A_1053 = vector.shape_cast %swap3A_1052 : vector<1x16xf32> to vector<16xf32>
      %swap3A_1054 = vector.shape_cast %add3A_1049 : vector<16xf32> to vector<1x16xf32>
      tpu.vector_store %arg15[%swap3A_1050, %swap3A_1051], %swap3A_1054 {strides = array<i32>} : memref<80x128xf32, #tpu.memory_space<vmem>>, vector<1x16xf32>,
      %slice3A_1055 = vector.extract_strided_slice %get3A_1026 {offsets = [1], sizes = [1], strides = [1]} : vector<16xi32> to vector<1xi32>
      %squeeze3A_1056 = vector.extract %slice3A_1055[0] : i32 from vector<1xi32>
      %shift_right_logical3A_1057 = arith.constant 7 : i32
      %shift_right_logical3A_1058 = arith.shrui %squeeze3A_1056, %shift_right_logical3A_1057 : i32
      %and3A_1059 = arith.constant 127 : i32
      %and3A_1060 = arith.andi %squeeze3A_1056, %and3A_1059 : i32
      %and3A_1061 = arith.constant 15 : i32
      %and3A_1062 = arith.andi %squeeze3A_1056, %and3A_1061 : i32
      %sub3A_1063 = arith.subi %and3A_1060, %and3A_1062 : i32
      %and3A_1064 = arith.constant 15 : i32
      %and3A_1065 = arith.andi %squeeze3A_1056, %and3A_1064 : i32
      %get3A_1066 = arith.index_cast %shift_right_logical3A_1058 : i32 to index
      %get3A_1067 = arith.index_cast %sub3A_1063 : i32 to index
      %get3A_1068 = tpu.vector_load %arg15[%get3A_1066, %get3A_1067] {strides = array<i32>} : memref<80x128xf32, #tpu.memory_space<vmem>>, vector<1x16xf32>,
      %get3A_1069 = vector.shape_cast %get3A_1068 : vector<1x16xf32> to vector<16xf32>
      %eq3A_1070 = vector.broadcast %and3A_1065 : i32 to vector<16xi32>
      %eq3A_1071 = arith.cmpi eq, %iota3A, %eq3A_1070 : vector<16xi32>
      %jit3A_1072 = arith.constant 1.000000e+00 : f32
      %jit3A_1073 = arith.constant 0.000000e+00 : f32
      %broadcast_in_dim3A_1074 = vector.broadcast %jit3A_1072 : f32 to vector<16xf32>
      %broadcast_in_dim3A_1075 = vector.broadcast %jit3A_1073 : f32 to vector<16xf32>
      %select_n3A_1076 = arith.select %eq3A_1071, %broadcast_in_dim3A_1074, %broadcast_in_dim3A_1075 : vector<16xi1>, vector<16xf32>
      %add3A_1077 = arith.addf %get3A_1069, %select_n3A_1076 : vector<16xf32>
      %swap3A_1078 = arith.index_cast %shift_right_logical3A_1058 : i32 to index
      %swap3A_1079 = arith.index_cast %sub3A_1063 : i32 to index
      %swap3A_1080 = tpu.vector_load %arg15[%swap3A_1078, %swap3A_1079] {strides = array<i32>} : memref<80x128xf32, #tpu.memory_space<vmem>>, vector<1x16xf32>,
      %swap3A_1081 = vector.shape_cast %swap3A_1080 : vector<1x16xf32> to vector<16xf32>
      %swap3A_1082 = vector.shape_cast %add3A_1077 : vector<16xf32> to vector<1x16xf32>
      tpu.vector_store %arg15[%swap3A_1078, %swap3A_1079], %swap3A_1082 {strides = array<i32>} : memref<80x128xf32, #tpu.memory_space<vmem>>, vector<1x16xf32>,
      %slice3A_1083 = vector.extract_strided_slice %get3A_1026 {offsets = [2], sizes = [1], strides = [1]} : vector<16xi32> to vector<1xi32>
      %squeeze3A_1084 = vector.extract %slice3A_1083[0] : i32 from vector<1xi32>
      %shift_right_logical3A_1085 = arith.constant 7 : i32
      %shift_right_logical3A_1086 = arith.shrui %squeeze3A_1084, %shift_right_logical3A_1085 : i32
      %and3A_1087 = arith.constant 127 : i32
      %and3A_1088 = arith.andi %squeeze3A_1084, %and3A_1087 : i32
      %and3A_1089 = arith.constant 15 : i32
      %and3A_1090 = arith.andi %squeeze3A_1084, %and3A_1089 : i32
      %sub3A_1091 = arith.subi %and3A_1088, %and3A_1090 : i32
      %and3A_1092 = arith.constant 15 : i32
      %and3A_1093 = arith.andi %squeeze3A_1084, %and3A_1092 : i32
      %get3A_1094 = arith.index_cast %shift_right_logical3A_1086 : i32 to index
      %get3A_1095 = arith.index_cast %sub3A_1091 : i32 to index
      %get3A_1096 = tpu.vector_load %arg15[%get3A_1094, %get3A_1095] {strides = array<i32>} : memref<80x128xf32, #tpu.memory_space<vmem>>, vector<1x16xf32>,
      %get3A_1097 = vector.shape_cast %get3A_1096 : vector<1x16xf32> to vector<16xf32>
      %eq3A_1098 = vector.broadcast %and3A_1093 : i32 to vector<16xi32>
      %eq3A_1099 = arith.cmpi eq, %iota3A, %eq3A_1098 : vector<16xi32>
      %jit3A_1100 = arith.constant 1.000000e+00 : f32
      %jit3A_1101 = arith.constant 0.000000e+00 : f32
      %broadcast_in_dim3A_1102 = vector.broadcast %jit3A_1100 : f32 to vector<16xf32>
      %broadcast_in_dim3A_1103 = vector.broadcast %jit3A_1101 : f32 to vector<16xf32>
      %select_n3A_1104 = arith.select %eq3A_1099, %broadcast_in_dim3A_1102, %broadcast_in_dim3A_1103 : vector<16xi1>, vector<16xf32>
      %add3A_1105 = arith.addf %get3A_1097, %select_n3A_1104 : vector<16xf32>
      %swap3A_1106 = arith.index_cast %shift_right_logical3A_1086 : i32 to index
      %swap3A_1107 = arith.index_cast %sub3A_1091 : i32 to index
      %swap3A_1108 = tpu.vector_load %arg15[%swap3A_1106, %swap3A_1107] {strides = array<i32>} : memref<80x128xf32, #tpu.memory_space<vmem>>, vector<1x16xf32>,
      %swap3A_1109 = vector.shape_cast %swap3A_1108 : vector<1x16xf32> to vector<16xf32>
      %swap3A_1110 = vector.shape_cast %add3A_1105 : vector<16xf32> to vector<1x16xf32>
      tpu.vector_store %arg15[%swap3A_1106, %swap3A_1107], %swap3A_1110 {strides = array<i32>} : memref<80x128xf32, #tpu.memory_space<vmem>>, vector<1x16xf32>,
      %slice3A_1111 = vector.extract_strided_slice %get3A_1026 {offsets = [3], sizes = [1], strides = [1]} : vector<16xi32> to vector<1xi32>
      %squeeze3A_1112 = vector.extract %slice3A_1111[0] : i32 from vector<1xi32>
      %shift_right_logical3A_1113 = arith.constant 7 : i32
      %shift_right_logical3A_1114 = arith.shrui %squeeze3A_1112, %shift_right_logical3A_1113 : i32
      %and3A_1115 = arith.constant 127 : i32
      %and3A_1116 = arith.andi %squeeze3A_1112, %and3A_1115 : i32
      %and3A_1117 = arith.constant 15 : i32
      %and3A_1118 = arith.andi %squeeze3A_1112, %and3A_1117 : i32
      %sub3A_1119 = arith.subi %and3A_1116, %and3A_1118 : i32
      %and3A_1120 = arith.constant 15 : i32
      %and3A_1121 = arith.andi %squeeze3A_1112, %and3A_1120 : i32
      %get3A_1122 = arith.index_cast %shift_right_logical3A_1114 : i32 to index
      %get3A_1123 = arith.index_cast %sub3A_1119 : i32 to index
      %get3A_1124 = tpu.vector_load %arg15[%get3A_1122, %get3A_1123] {strides = array<i32>} : memref<80x128xf32, #tpu.memory_space<vmem>>, vector<1x16xf32>,
      %get3A_1125 = vector.shape_cast %get3A_1124 : vector<1x16xf32> to vector<16xf32>
      %eq3A_1126 = vector.broadcast %and3A_1121 : i32 to vector<16xi32>
      %eq3A_1127 = arith.cmpi eq, %iota3A, %eq3A_1126 : vector<16xi32>
      %jit3A_1128 = arith.constant 1.000000e+00 : f32
      %jit3A_1129 = arith.constant 0.000000e+00 : f32
      %broadcast_in_dim3A_1130 = vector.broadcast %jit3A_1128 : f32 to vector<16xf32>
      %broadcast_in_dim3A_1131 = vector.broadcast %jit3A_1129 : f32 to vector<16xf32>
      %select_n3A_1132 = arith.select %eq3A_1127, %broadcast_in_dim3A_1130, %broadcast_in_dim3A_1131 : vector<16xi1>, vector<16xf32>
      %add3A_1133 = arith.addf %get3A_1125, %select_n3A_1132 : vector<16xf32>
      %swap3A_1134 = arith.index_cast %shift_right_logical3A_1114 : i32 to index
      %swap3A_1135 = arith.index_cast %sub3A_1119 : i32 to index
      %swap3A_1136 = tpu.vector_load %arg15[%swap3A_1134, %swap3A_1135] {strides = array<i32>} : memref<80x128xf32, #tpu.memory_space<vmem>>, vector<1x16xf32>,
      %swap3A_1137 = vector.shape_cast %swap3A_1136 : vector<1x16xf32> to vector<16xf32>
      %swap3A_1138 = vector.shape_cast %add3A_1133 : vector<16xf32> to vector<1x16xf32>
      tpu.vector_store %arg15[%swap3A_1134, %swap3A_1135], %swap3A_1138 {strides = array<i32>} : memref<80x128xf32, #tpu.memory_space<vmem>>, vector<1x16xf32>,
      %slice3A_1139 = vector.extract_strided_slice %get3A_1026 {offsets = [4], sizes = [1], strides = [1]} : vector<16xi32> to vector<1xi32>
      %squeeze3A_1140 = vector.extract %slice3A_1139[0] : i32 from vector<1xi32>
      %shift_right_logical3A_1141 = arith.constant 7 : i32
      %shift_right_logical3A_1142 = arith.shrui %squeeze3A_1140, %shift_right_logical3A_1141 : i32
      %and3A_1143 = arith.constant 127 : i32
      %and3A_1144 = arith.andi %squeeze3A_1140, %and3A_1143 : i32
      %and3A_1145 = arith.constant 15 : i32
      %and3A_1146 = arith.andi %squeeze3A_1140, %and3A_1145 : i32
      %sub3A_1147 = arith.subi %and3A_1144, %and3A_1146 : i32
      %and3A_1148 = arith.constant 15 : i32
      %and3A_1149 = arith.andi %squeeze3A_1140, %and3A_1148 : i32
      %get3A_1150 = arith.index_cast %shift_right_logical3A_1142 : i32 to index
      %get3A_1151 = arith.index_cast %sub3A_1147 : i32 to index
      %get3A_1152 = tpu.vector_load %arg15[%get3A_1150, %get3A_1151] {strides = array<i32>} : memref<80x128xf32, #tpu.memory_space<vmem>>, vector<1x16xf32>,
      %get3A_1153 = vector.shape_cast %get3A_1152 : vector<1x16xf32> to vector<16xf32>
      %eq3A_1154 = vector.broadcast %and3A_1149 : i32 to vector<16xi32>
      %eq3A_1155 = arith.cmpi eq, %iota3A, %eq3A_1154 : vector<16xi32>
      %jit3A_1156 = arith.constant 1.000000e+00 : f32
      %jit3A_1157 = arith.constant 0.000000e+00 : f32
      %broadcast_in_dim3A_1158 = vector.broadcast %jit3A_1156 : f32 to vector<16xf32>
      %broadcast_in_dim3A_1159 = vector.broadcast %jit3A_1157 : f32 to vector<16xf32>
      %select_n3A_1160 = arith.select %eq3A_1155, %broadcast_in_dim3A_1158, %broadcast_in_dim3A_1159 : vector<16xi1>, vector<16xf32>
      %add3A_1161 = arith.addf %get3A_1153, %select_n3A_1160 : vector<16xf32>
      %swap3A_1162 = arith.index_cast %shift_right_logical3A_1142 : i32 to index
      %swap3A_1163 = arith.index_cast %sub3A_1147 : i32 to index
      %swap3A_1164 = tpu.vector_load %arg15[%swap3A_1162, %swap3A_1163] {strides = array<i32>} : memref<80x128xf32, #tpu.memory_space<vmem>>, vector<1x16xf32>,
      %swap3A_1165 = vector.shape_cast %swap3A_1164 : vector<1x16xf32> to vector<16xf32>
      %swap3A_1166 = vector.shape_cast %add3A_1161 : vector<16xf32> to vector<1x16xf32>
      tpu.vector_store %arg15[%swap3A_1162, %swap3A_1163], %swap3A_1166 {strides = array<i32>} : memref<80x128xf32, #tpu.memory_space<vmem>>, vector<1x16xf32>,
      %slice3A_1167 = vector.extract_strided_slice %get3A_1026 {offsets = [5], sizes = [1], strides = [1]} : vector<16xi32> to vector<1xi32>
      %squeeze3A_1168 = vector.extract %slice3A_1167[0] : i32 from vector<1xi32>
      %shift_right_logical3A_1169 = arith.constant 7 : i32
      %shift_right_logical3A_1170 = arith.shrui %squeeze3A_1168, %shift_right_logical3A_1169 : i32
      %and3A_1171 = arith.constant 127 : i32
      %and3A_1172 = arith.andi %squeeze3A_1168, %and3A_1171 : i32
      %and3A_1173 = arith.constant 15 : i32
      %and3A_1174 = arith.andi %squeeze3A_1168, %and3A_1173 : i32
      %sub3A_1175 = arith.subi %and3A_1172, %and3A_1174 : i32
      %and3A_1176 = arith.constant 15 : i32
      %and3A_1177 = arith.andi %squeeze3A_1168, %and3A_1176 : i32
      %get3A_1178 = arith.index_cast %shift_right_logical3A_1170 : i32 to index
      %get3A_1179 = arith.index_cast %sub3A_1175 : i32 to index
      %get3A_1180 = tpu.vector_load %arg15[%get3A_1178, %get3A_1179] {strides = array<i32>} : memref<80x128xf32, #tpu.memory_space<vmem>>, vector<1x16xf32>,
      %get3A_1181 = vector.shape_cast %get3A_1180 : vector<1x16xf32> to vector<16xf32>
      %eq3A_1182 = vector.broadcast %and3A_1177 : i32 to vector<16xi32>
      %eq3A_1183 = arith.cmpi eq, %iota3A, %eq3A_1182 : vector<16xi32>
      %jit3A_1184 = arith.constant 1.000000e+00 : f32
      %jit3A_1185 = arith.constant 0.000000e+00 : f32
      %broadcast_in_dim3A_1186 = vector.broadcast %jit3A_1184 : f32 to vector<16xf32>
      %broadcast_in_dim3A_1187 = vector.broadcast %jit3A_1185 : f32 to vector<16xf32>
      %select_n3A_1188 = arith.select %eq3A_1183, %broadcast_in_dim3A_1186, %broadcast_in_dim3A_1187 : vector<16xi1>, vector<16xf32>
      %add3A_1189 = arith.addf %get3A_1181, %select_n3A_1188 : vector<16xf32>
      %swap3A_1190 = arith.index_cast %shift_right_logical3A_1170 : i32 to index
      %swap3A_1191 = arith.index_cast %sub3A_1175 : i32 to index
      %swap3A_1192 = tpu.vector_load %arg15[%swap3A_1190, %swap3A_1191] {strides = array<i32>} : memref<80x128xf32, #tpu.memory_space<vmem>>, vector<1x16xf32>,
      %swap3A_1193 = vector.shape_cast %swap3A_1192 : vector<1x16xf32> to vector<16xf32>
      %swap3A_1194 = vector.shape_cast %add3A_1189 : vector<16xf32> to vector<1x16xf32>
      tpu.vector_store %arg15[%swap3A_1190, %swap3A_1191], %swap3A_1194 {strides = array<i32>} : memref<80x128xf32, #tpu.memory_space<vmem>>, vector<1x16xf32>,
      %slice3A_1195 = vector.extract_strided_slice %get3A_1026 {offsets = [6], sizes = [1], strides = [1]} : vector<16xi32> to vector<1xi32>
      %squeeze3A_1196 = vector.extract %slice3A_1195[0] : i32 from vector<1xi32>
      %shift_right_logical3A_1197 = arith.constant 7 : i32
      %shift_right_logical3A_1198 = arith.shrui %squeeze3A_1196, %shift_right_logical3A_1197 : i32
      %and3A_1199 = arith.constant 127 : i32
      %and3A_1200 = arith.andi %squeeze3A_1196, %and3A_1199 : i32
      %and3A_1201 = arith.constant 15 : i32
      %and3A_1202 = arith.andi %squeeze3A_1196, %and3A_1201 : i32
      %sub3A_1203 = arith.subi %and3A_1200, %and3A_1202 : i32
      %and3A_1204 = arith.constant 15 : i32
      %and3A_1205 = arith.andi %squeeze3A_1196, %and3A_1204 : i32
      %get3A_1206 = arith.index_cast %shift_right_logical3A_1198 : i32 to index
      %get3A_1207 = arith.index_cast %sub3A_1203 : i32 to index
      %get3A_1208 = tpu.vector_load %arg15[%get3A_1206, %get3A_1207] {strides = array<i32>} : memref<80x128xf32, #tpu.memory_space<vmem>>, vector<1x16xf32>,
      %get3A_1209 = vector.shape_cast %get3A_1208 : vector<1x16xf32> to vector<16xf32>
      %eq3A_1210 = vector.broadcast %and3A_1205 : i32 to vector<16xi32>
      %eq3A_1211 = arith.cmpi eq, %iota3A, %eq3A_1210 : vector<16xi32>
      %jit3A_1212 = arith.constant 1.000000e+00 : f32
      %jit3A_1213 = arith.constant 0.000000e+00 : f32
      %broadcast_in_dim3A_1214 = vector.broadcast %jit3A_1212 : f32 to vector<16xf32>
      %broadcast_in_dim3A_1215 = vector.broadcast %jit3A_1213 : f32 to vector<16xf32>
      %select_n3A_1216 = arith.select %eq3A_1211, %broadcast_in_dim3A_1214, %broadcast_in_dim3A_1215 : vector<16xi1>, vector<16xf32>
      %add3A_1217 = arith.addf %get3A_1209, %select_n3A_1216 : vector<16xf32>
      %swap3A_1218 = arith.index_cast %shift_right_logical3A_1198 : i32 to index
      %swap3A_1219 = arith.index_cast %sub3A_1203 : i32 to index
      %swap3A_1220 = tpu.vector_load %arg15[%swap3A_1218, %swap3A_1219] {strides = array<i32>} : memref<80x128xf32, #tpu.memory_space<vmem>>, vector<1x16xf32>,
      %swap3A_1221 = vector.shape_cast %swap3A_1220 : vector<1x16xf32> to vector<16xf32>
      %swap3A_1222 = vector.shape_cast %add3A_1217 : vector<16xf32> to vector<1x16xf32>
      tpu.vector_store %arg15[%swap3A_1218, %swap3A_1219], %swap3A_1222 {strides = array<i32>} : memref<80x128xf32, #tpu.memory_space<vmem>>, vector<1x16xf32>,
      %slice3A_1223 = vector.extract_strided_slice %get3A_1026 {offsets = [7], sizes = [1], strides = [1]} : vector<16xi32> to vector<1xi32>
      %squeeze3A_1224 = vector.extract %slice3A_1223[0] : i32 from vector<1xi32>
      %shift_right_logical3A_1225 = arith.constant 7 : i32
      %shift_right_logical3A_1226 = arith.shrui %squeeze3A_1224, %shift_right_logical3A_1225 : i32
      %and3A_1227 = arith.constant 127 : i32
      %and3A_1228 = arith.andi %squeeze3A_1224, %and3A_1227 : i32
      %and3A_1229 = arith.constant 15 : i32
      %and3A_1230 = arith.andi %squeeze3A_1224, %and3A_1229 : i32
      %sub3A_1231 = arith.subi %and3A_1228, %and3A_1230 : i32
      %and3A_1232 = arith.constant 15 : i32
      %and3A_1233 = arith.andi %squeeze3A_1224, %and3A_1232 : i32
      %get3A_1234 = arith.index_cast %shift_right_logical3A_1226 : i32 to index
      %get3A_1235 = arith.index_cast %sub3A_1231 : i32 to index
      %get3A_1236 = tpu.vector_load %arg15[%get3A_1234, %get3A_1235] {strides = array<i32>} : memref<80x128xf32, #tpu.memory_space<vmem>>, vector<1x16xf32>,
      %get3A_1237 = vector.shape_cast %get3A_1236 : vector<1x16xf32> to vector<16xf32>
      %eq3A_1238 = vector.broadcast %and3A_1233 : i32 to vector<16xi32>
      %eq3A_1239 = arith.cmpi eq, %iota3A, %eq3A_1238 : vector<16xi32>
      %jit3A_1240 = arith.constant 1.000000e+00 : f32
      %jit3A_1241 = arith.constant 0.000000e+00 : f32
      %broadcast_in_dim3A_1242 = vector.broadcast %jit3A_1240 : f32 to vector<16xf32>
      %broadcast_in_dim3A_1243 = vector.broadcast %jit3A_1241 : f32 to vector<16xf32>
      %select_n3A_1244 = arith.select %eq3A_1239, %broadcast_in_dim3A_1242, %broadcast_in_dim3A_1243 : vector<16xi1>, vector<16xf32>
      %add3A_1245 = arith.addf %get3A_1237, %select_n3A_1244 : vector<16xf32>
      %swap3A_1246 = arith.index_cast %shift_right_logical3A_1226 : i32 to index
      %swap3A_1247 = arith.index_cast %sub3A_1231 : i32 to index
      %swap3A_1248 = tpu.vector_load %arg15[%swap3A_1246, %swap3A_1247] {strides = array<i32>} : memref<80x128xf32, #tpu.memory_space<vmem>>, vector<1x16xf32>,
      %swap3A_1249 = vector.shape_cast %swap3A_1248 : vector<1x16xf32> to vector<16xf32>
      %swap3A_1250 = vector.shape_cast %add3A_1245 : vector<16xf32> to vector<1x16xf32>
      tpu.vector_store %arg15[%swap3A_1246, %swap3A_1247], %swap3A_1250 {strides = array<i32>} : memref<80x128xf32, #tpu.memory_space<vmem>>, vector<1x16xf32>,
      %slice3A_1251 = vector.extract_strided_slice %get3A_1026 {offsets = [8], sizes = [1], strides = [1]} : vector<16xi32> to vector<1xi32>
      %squeeze3A_1252 = vector.extract %slice3A_1251[0] : i32 from vector<1xi32>
      %shift_right_logical3A_1253 = arith.constant 7 : i32
      %shift_right_logical3A_1254 = arith.shrui %squeeze3A_1252, %shift_right_logical3A_1253 : i32
      %and3A_1255 = arith.constant 127 : i32
      %and3A_1256 = arith.andi %squeeze3A_1252, %and3A_1255 : i32
      %and3A_1257 = arith.constant 15 : i32
      %and3A_1258 = arith.andi %squeeze3A_1252, %and3A_1257 : i32
      %sub3A_1259 = arith.subi %and3A_1256, %and3A_1258 : i32
      %and3A_1260 = arith.constant 15 : i32
      %and3A_1261 = arith.andi %squeeze3A_1252, %and3A_1260 : i32
      %get3A_1262 = arith.index_cast %shift_right_logical3A_1254 : i32 to index
      %get3A_1263 = arith.index_cast %sub3A_1259 : i32 to index
      %get3A_1264 = tpu.vector_load %arg15[%get3A_1262, %get3A_1263] {strides = array<i32>} : memref<80x128xf32, #tpu.memory_space<vmem>>, vector<1x16xf32>,
      %get3A_1265 = vector.shape_cast %get3A_1264 : vector<1x16xf32> to vector<16xf32>
      %eq3A_1266 = vector.broadcast %and3A_1261 : i32 to vector<16xi32>
      %eq3A_1267 = arith.cmpi eq, %iota3A, %eq3A_1266 : vector<16xi32>
      %jit3A_1268 = arith.constant 1.000000e+00 : f32
      %jit3A_1269 = arith.constant 0.000000e+00 : f32
      %broadcast_in_dim3A_1270 = vector.broadcast %jit3A_1268 : f32 to vector<16xf32>
      %broadcast_in_dim3A_1271 = vector.broadcast %jit3A_1269 : f32 to vector<16xf32>
      %select_n3A_1272 = arith.select %eq3A_1267, %broadcast_in_dim3A_1270, %broadcast_in_dim3A_1271 : vector<16xi1>, vector<16xf32>
      %add3A_1273 = arith.addf %get3A_1265, %select_n3A_1272 : vector<16xf32>
      %swap3A_1274 = arith.index_cast %shift_right_logical3A_1254 : i32 to index
      %swap3A_1275 = arith.index_cast %sub3A_1259 : i32 to index
      %swap3A_1276 = tpu.vector_load %arg15[%swap3A_1274, %swap3A_1275] {strides = array<i32>} : memref<80x128xf32, #tpu.memory_space<vmem>>, vector<1x16xf32>,
      %swap3A_1277 = vector.shape_cast %swap3A_1276 : vector<1x16xf32> to vector<16xf32>
      %swap3A_1278 = vector.shape_cast %add3A_1273 : vector<16xf32> to vector<1x16xf32>
      tpu.vector_store %arg15[%swap3A_1274, %swap3A_1275], %swap3A_1278 {strides = array<i32>} : memref<80x128xf32, #tpu.memory_space<vmem>>, vector<1x16xf32>,
      %slice3A_1279 = vector.extract_strided_slice %get3A_1026 {offsets = [9], sizes = [1], strides = [1]} : vector<16xi32> to vector<1xi32>
      %squeeze3A_1280 = vector.extract %slice3A_1279[0] : i32 from vector<1xi32>
      %shift_right_logical3A_1281 = arith.constant 7 : i32
      %shift_right_logical3A_1282 = arith.shrui %squeeze3A_1280, %shift_right_logical3A_1281 : i32
      %and3A_1283 = arith.constant 127 : i32
      %and3A_1284 = arith.andi %squeeze3A_1280, %and3A_1283 : i32
      %and3A_1285 = arith.constant 15 : i32
      %and3A_1286 = arith.andi %squeeze3A_1280, %and3A_1285 : i32
      %sub3A_1287 = arith.subi %and3A_1284, %and3A_1286 : i32
      %and3A_1288 = arith.constant 15 : i32
      %and3A_1289 = arith.andi %squeeze3A_1280, %and3A_1288 : i32
      %get3A_1290 = arith.index_cast %shift_right_logical3A_1282 : i32 to index
      %get3A_1291 = arith.index_cast %sub3A_1287 : i32 to index
      %get3A_1292 = tpu.vector_load %arg15[%get3A_1290, %get3A_1291] {strides = array<i32>} : memref<80x128xf32, #tpu.memory_space<vmem>>, vector<1x16xf32>,
      %get3A_1293 = vector.shape_cast %get3A_1292 : vector<1x16xf32> to vector<16xf32>
      %eq3A_1294 = vector.broadcast %and3A_1289 : i32 to vector<16xi32>
      %eq3A_1295 = arith.cmpi eq, %iota3A, %eq3A_1294 : vector<16xi32>
      %jit3A_1296 = arith.constant 1.000000e+00 : f32
      %jit3A_1297 = arith.constant 0.000000e+00 : f32
      %broadcast_in_dim3A_1298 = vector.broadcast %jit3A_1296 : f32 to vector<16xf32>
      %broadcast_in_dim3A_1299 = vector.broadcast %jit3A_1297 : f32 to vector<16xf32>
      %select_n3A_1300 = arith.select %eq3A_1295, %broadcast_in_dim3A_1298, %broadcast_in_dim3A_1299 : vector<16xi1>, vector<16xf32>
      %add3A_1301 = arith.addf %get3A_1293, %select_n3A_1300 : vector<16xf32>
      %swap3A_1302 = arith.index_cast %shift_right_logical3A_1282 : i32 to index
      %swap3A_1303 = arith.index_cast %sub3A_1287 : i32 to index
      %swap3A_1304 = tpu.vector_load %arg15[%swap3A_1302, %swap3A_1303] {strides = array<i32>} : memref<80x128xf32, #tpu.memory_space<vmem>>, vector<1x16xf32>,
      %swap3A_1305 = vector.shape_cast %swap3A_1304 : vector<1x16xf32> to vector<16xf32>
      %swap3A_1306 = vector.shape_cast %add3A_1301 : vector<16xf32> to vector<1x16xf32>
      tpu.vector_store %arg15[%swap3A_1302, %swap3A_1303], %swap3A_1306 {strides = array<i32>} : memref<80x128xf32, #tpu.memory_space<vmem>>, vector<1x16xf32>,
      %slice3A_1307 = vector.extract_strided_slice %get3A_1026 {offsets = [10], sizes = [1], strides = [1]} : vector<16xi32> to vector<1xi32>
      %squeeze3A_1308 = vector.extract %slice3A_1307[0] : i32 from vector<1xi32>
      %shift_right_logical3A_1309 = arith.constant 7 : i32
      %shift_right_logical3A_1310 = arith.shrui %squeeze3A_1308, %shift_right_logical3A_1309 : i32
      %and3A_1311 = arith.constant 127 : i32
      %and3A_1312 = arith.andi %squeeze3A_1308, %and3A_1311 : i32
      %and3A_1313 = arith.constant 15 : i32
      %and3A_1314 = arith.andi %squeeze3A_1308, %and3A_1313 : i32
      %sub3A_1315 = arith.subi %and3A_1312, %and3A_1314 : i32
      %and3A_1316 = arith.constant 15 : i32
      %and3A_1317 = arith.andi %squeeze3A_1308, %and3A_1316 : i32
      %get3A_1318 = arith.index_cast %shift_right_logical3A_1310 : i32 to index
      %get3A_1319 = arith.index_cast %sub3A_1315 : i32 to index
      %get3A_1320 = tpu.vector_load %arg15[%get3A_1318, %get3A_1319] {strides = array<i32>} : memref<80x128xf32, #tpu.memory_space<vmem>>, vector<1x16xf32>,
      %get3A_1321 = vector.shape_cast %get3A_1320 : vector<1x16xf32> to vector<16xf32>
      %eq3A_1322 = vector.broadcast %and3A_1317 : i32 to vector<16xi32>
      %eq3A_1323 = arith.cmpi eq, %iota3A, %eq3A_1322 : vector<16xi32>
      %jit3A_1324 = arith.constant 1.000000e+00 : f32
      %jit3A_1325 = arith.constant 0.000000e+00 : f32
      %broadcast_in_dim3A_1326 = vector.broadcast %jit3A_1324 : f32 to vector<16xf32>
      %broadcast_in_dim3A_1327 = vector.broadcast %jit3A_1325 : f32 to vector<16xf32>
      %select_n3A_1328 = arith.select %eq3A_1323, %broadcast_in_dim3A_1326, %broadcast_in_dim3A_1327 : vector<16xi1>, vector<16xf32>
      %add3A_1329 = arith.addf %get3A_1321, %select_n3A_1328 : vector<16xf32>
      %swap3A_1330 = arith.index_cast %shift_right_logical3A_1310 : i32 to index
      %swap3A_1331 = arith.index_cast %sub3A_1315 : i32 to index
      %swap3A_1332 = tpu.vector_load %arg15[%swap3A_1330, %swap3A_1331] {strides = array<i32>} : memref<80x128xf32, #tpu.memory_space<vmem>>, vector<1x16xf32>,
      %swap3A_1333 = vector.shape_cast %swap3A_1332 : vector<1x16xf32> to vector<16xf32>
      %swap3A_1334 = vector.shape_cast %add3A_1329 : vector<16xf32> to vector<1x16xf32>
      tpu.vector_store %arg15[%swap3A_1330, %swap3A_1331], %swap3A_1334 {strides = array<i32>} : memref<80x128xf32, #tpu.memory_space<vmem>>, vector<1x16xf32>,
      %slice3A_1335 = vector.extract_strided_slice %get3A_1026 {offsets = [11], sizes = [1], strides = [1]} : vector<16xi32> to vector<1xi32>
      %squeeze3A_1336 = vector.extract %slice3A_1335[0] : i32 from vector<1xi32>
      %shift_right_logical3A_1337 = arith.constant 7 : i32
      %shift_right_logical3A_1338 = arith.shrui %squeeze3A_1336, %shift_right_logical3A_1337 : i32
      %and3A_1339 = arith.constant 127 : i32
      %and3A_1340 = arith.andi %squeeze3A_1336, %and3A_1339 : i32
      %and3A_1341 = arith.constant 15 : i32
      %and3A_1342 = arith.andi %squeeze3A_1336, %and3A_1341 : i32
      %sub3A_1343 = arith.subi %and3A_1340, %and3A_1342 : i32
      %and3A_1344 = arith.constant 15 : i32
      %and3A_1345 = arith.andi %squeeze3A_1336, %and3A_1344 : i32
      %get3A_1346 = arith.index_cast %shift_right_logical3A_1338 : i32 to index
      %get3A_1347 = arith.index_cast %sub3A_1343 : i32 to index
      %get3A_1348 = tpu.vector_load %arg15[%get3A_1346, %get3A_1347] {strides = array<i32>} : memref<80x128xf32, #tpu.memory_space<vmem>>, vector<1x16xf32>,
      %get3A_1349 = vector.shape_cast %get3A_1348 : vector<1x16xf32> to vector<16xf32>
      %eq3A_1350 = vector.broadcast %and3A_1345 : i32 to vector<16xi32>
      %eq3A_1351 = arith.cmpi eq, %iota3A, %eq3A_1350 : vector<16xi32>
      %jit3A_1352 = arith.constant 1.000000e+00 : f32
      %jit3A_1353 = arith.constant 0.000000e+00 : f32
      %broadcast_in_dim3A_1354 = vector.broadcast %jit3A_1352 : f32 to vector<16xf32>
      %broadcast_in_dim3A_1355 = vector.broadcast %jit3A_1353 : f32 to vector<16xf32>
      %select_n3A_1356 = arith.select %eq3A_1351, %broadcast_in_dim3A_1354, %broadcast_in_dim3A_1355 : vector<16xi1>, vector<16xf32>
      %add3A_1357 = arith.addf %get3A_1349, %select_n3A_1356 : vector<16xf32>
      %swap3A_1358 = arith.index_cast %shift_right_logical3A_1338 : i32 to index
      %swap3A_1359 = arith.index_cast %sub3A_1343 : i32 to index
      %swap3A_1360 = tpu.vector_load %arg15[%swap3A_1358, %swap3A_1359] {strides = array<i32>} : memref<80x128xf32, #tpu.memory_space<vmem>>, vector<1x16xf32>,
      %swap3A_1361 = vector.shape_cast %swap3A_1360 : vector<1x16xf32> to vector<16xf32>
      %swap3A_1362 = vector.shape_cast %add3A_1357 : vector<16xf32> to vector<1x16xf32>
      tpu.vector_store %arg15[%swap3A_1358, %swap3A_1359], %swap3A_1362 {strides = array<i32>} : memref<80x128xf32, #tpu.memory_space<vmem>>, vector<1x16xf32>,
      %slice3A_1363 = vector.extract_strided_slice %get3A_1026 {offsets = [12], sizes = [1], strides = [1]} : vector<16xi32> to vector<1xi32>
      %squeeze3A_1364 = vector.extract %slice3A_1363[0] : i32 from vector<1xi32>
      %shift_right_logical3A_1365 = arith.constant 7 : i32
      %shift_right_logical3A_1366 = arith.shrui %squeeze3A_1364, %shift_right_logical3A_1365 : i32
      %and3A_1367 = arith.constant 127 : i32
      %and3A_1368 = arith.andi %squeeze3A_1364, %and3A_1367 : i32
      %and3A_1369 = arith.constant 15 : i32
      %and3A_1370 = arith.andi %squeeze3A_1364, %and3A_1369 : i32
      %sub3A_1371 = arith.subi %and3A_1368, %and3A_1370 : i32
      %and3A_1372 = arith.constant 15 : i32
      %and3A_1373 = arith.andi %squeeze3A_1364, %and3A_1372 : i32
      %get3A_1374 = arith.index_cast %shift_right_logical3A_1366 : i32 to index
      %get3A_1375 = arith.index_cast %sub3A_1371 : i32 to index
      %get3A_1376 = tpu.vector_load %arg15[%get3A_1374, %get3A_1375] {strides = array<i32>} : memref<80x128xf32, #tpu.memory_space<vmem>>, vector<1x16xf32>,
      %get3A_1377 = vector.shape_cast %get3A_1376 : vector<1x16xf32> to vector<16xf32>
      %eq3A_1378 = vector.broadcast %and3A_1373 : i32 to vector<16xi32>
      %eq3A_1379 = arith.cmpi eq, %iota3A, %eq3A_1378 : vector<16xi32>
      %jit3A_1380 = arith.constant 1.000000e+00 : f32
      %jit3A_1381 = arith.constant 0.000000e+00 : f32
      %broadcast_in_dim3A_1382 = vector.broadcast %jit3A_1380 : f32 to vector<16xf32>
      %broadcast_in_dim3A_1383 = vector.broadcast %jit3A_1381 : f32 to vector<16xf32>
      %select_n3A_1384 = arith.select %eq3A_1379, %broadcast_in_dim3A_1382, %broadcast_in_dim3A_1383 : vector<16xi1>, vector<16xf32>
      %add3A_1385 = arith.addf %get3A_1377, %select_n3A_1384 : vector<16xf32>
      %swap3A_1386 = arith.index_cast %shift_right_logical3A_1366 : i32 to index
      %swap3A_1387 = arith.index_cast %sub3A_1371 : i32 to index
      %swap3A_1388 = tpu.vector_load %arg15[%swap3A_1386, %swap3A_1387] {strides = array<i32>} : memref<80x128xf32, #tpu.memory_space<vmem>>, vector<1x16xf32>,
      %swap3A_1389 = vector.shape_cast %swap3A_1388 : vector<1x16xf32> to vector<16xf32>
      %swap3A_1390 = vector.shape_cast %add3A_1385 : vector<16xf32> to vector<1x16xf32>
      tpu.vector_store %arg15[%swap3A_1386, %swap3A_1387], %swap3A_1390 {strides = array<i32>} : memref<80x128xf32, #tpu.memory_space<vmem>>, vector<1x16xf32>,
      %slice3A_1391 = vector.extract_strided_slice %get3A_1026 {offsets = [13], sizes = [1], strides = [1]} : vector<16xi32> to vector<1xi32>
      %squeeze3A_1392 = vector.extract %slice3A_1391[0] : i32 from vector<1xi32>
      %shift_right_logical3A_1393 = arith.constant 7 : i32
      %shift_right_logical3A_1394 = arith.shrui %squeeze3A_1392, %shift_right_logical3A_1393 : i32
      %and3A_1395 = arith.constant 127 : i32
      %and3A_1396 = arith.andi %squeeze3A_1392, %and3A_1395 : i32
      %and3A_1397 = arith.constant 15 : i32
      %and3A_1398 = arith.andi %squeeze3A_1392, %and3A_1397 : i32
      %sub3A_1399 = arith.subi %and3A_1396, %and3A_1398 : i32
      %and3A_1400 = arith.constant 15 : i32
      %and3A_1401 = arith.andi %squeeze3A_1392, %and3A_1400 : i32
      %get3A_1402 = arith.index_cast %shift_right_logical3A_1394 : i32 to index
      %get3A_1403 = arith.index_cast %sub3A_1399 : i32 to index
      %get3A_1404 = tpu.vector_load %arg15[%get3A_1402, %get3A_1403] {strides = array<i32>} : memref<80x128xf32, #tpu.memory_space<vmem>>, vector<1x16xf32>,
      %get3A_1405 = vector.shape_cast %get3A_1404 : vector<1x16xf32> to vector<16xf32>
      %eq3A_1406 = vector.broadcast %and3A_1401 : i32 to vector<16xi32>
      %eq3A_1407 = arith.cmpi eq, %iota3A, %eq3A_1406 : vector<16xi32>
      %jit3A_1408 = arith.constant 1.000000e+00 : f32
      %jit3A_1409 = arith.constant 0.000000e+00 : f32
      %broadcast_in_dim3A_1410 = vector.broadcast %jit3A_1408 : f32 to vector<16xf32>
      %broadcast_in_dim3A_1411 = vector.broadcast %jit3A_1409 : f32 to vector<16xf32>
      %select_n3A_1412 = arith.select %eq3A_1407, %broadcast_in_dim3A_1410, %broadcast_in_dim3A_1411 : vector<16xi1>, vector<16xf32>
      %add3A_1413 = arith.addf %get3A_1405, %select_n3A_1412 : vector<16xf32>
      %swap3A_1414 = arith.index_cast %shift_right_logical3A_1394 : i32 to index
      %swap3A_1415 = arith.index_cast %sub3A_1399 : i32 to index
      %swap3A_1416 = tpu.vector_load %arg15[%swap3A_1414, %swap3A_1415] {strides = array<i32>} : memref<80x128xf32, #tpu.memory_space<vmem>>, vector<1x16xf32>,
      %swap3A_1417 = vector.shape_cast %swap3A_1416 : vector<1x16xf32> to vector<16xf32>
      %swap3A_1418 = vector.shape_cast %add3A_1413 : vector<16xf32> to vector<1x16xf32>
      tpu.vector_store %arg15[%swap3A_1414, %swap3A_1415], %swap3A_1418 {strides = array<i32>} : memref<80x128xf32, #tpu.memory_space<vmem>>, vector<1x16xf32>,
      %slice3A_1419 = vector.extract_strided_slice %get3A_1026 {offsets = [14], sizes = [1], strides = [1]} : vector<16xi32> to vector<1xi32>
      %squeeze3A_1420 = vector.extract %slice3A_1419[0] : i32 from vector<1xi32>
      %shift_right_logical3A_1421 = arith.constant 7 : i32
      %shift_right_logical3A_1422 = arith.shrui %squeeze3A_1420, %shift_right_logical3A_1421 : i32
      %and3A_1423 = arith.constant 127 : i32
      %and3A_1424 = arith.andi %squeeze3A_1420, %and3A_1423 : i32
      %and3A_1425 = arith.constant 15 : i32
      %and3A_1426 = arith.andi %squeeze3A_1420, %and3A_1425 : i32
      %sub3A_1427 = arith.subi %and3A_1424, %and3A_1426 : i32
      %and3A_1428 = arith.constant 15 : i32
      %and3A_1429 = arith.andi %squeeze3A_1420, %and3A_1428 : i32
      %get3A_1430 = arith.index_cast %shift_right_logical3A_1422 : i32 to index
      %get3A_1431 = arith.index_cast %sub3A_1427 : i32 to index
      %get3A_1432 = tpu.vector_load %arg15[%get3A_1430, %get3A_1431] {strides = array<i32>} : memref<80x128xf32, #tpu.memory_space<vmem>>, vector<1x16xf32>,
      %get3A_1433 = vector.shape_cast %get3A_1432 : vector<1x16xf32> to vector<16xf32>
      %eq3A_1434 = vector.broadcast %and3A_1429 : i32 to vector<16xi32>
      %eq3A_1435 = arith.cmpi eq, %iota3A, %eq3A_1434 : vector<16xi32>
      %jit3A_1436 = arith.constant 1.000000e+00 : f32
      %jit3A_1437 = arith.constant 0.000000e+00 : f32
      %broadcast_in_dim3A_1438 = vector.broadcast %jit3A_1436 : f32 to vector<16xf32>
      %broadcast_in_dim3A_1439 = vector.broadcast %jit3A_1437 : f32 to vector<16xf32>
      %select_n3A_1440 = arith.select %eq3A_1435, %broadcast_in_dim3A_1438, %broadcast_in_dim3A_1439 : vector<16xi1>, vector<16xf32>
      %add3A_1441 = arith.addf %get3A_1433, %select_n3A_1440 : vector<16xf32>
      %swap3A_1442 = arith.index_cast %shift_right_logical3A_1422 : i32 to index
      %swap3A_1443 = arith.index_cast %sub3A_1427 : i32 to index
      %swap3A_1444 = tpu.vector_load %arg15[%swap3A_1442, %swap3A_1443] {strides = array<i32>} : memref<80x128xf32, #tpu.memory_space<vmem>>, vector<1x16xf32>,
      %swap3A_1445 = vector.shape_cast %swap3A_1444 : vector<1x16xf32> to vector<16xf32>
      %swap3A_1446 = vector.shape_cast %add3A_1441 : vector<16xf32> to vector<1x16xf32>
      tpu.vector_store %arg15[%swap3A_1442, %swap3A_1443], %swap3A_1446 {strides = array<i32>} : memref<80x128xf32, #tpu.memory_space<vmem>>, vector<1x16xf32>,
      %slice3A_1447 = vector.extract_strided_slice %get3A_1026 {offsets = [15], sizes = [1], strides = [1]} : vector<16xi32> to vector<1xi32>
      %squeeze3A_1448 = vector.extract %slice3A_1447[0] : i32 from vector<1xi32>
      %shift_right_logical3A_1449 = arith.constant 7 : i32
      %shift_right_logical3A_1450 = arith.shrui %squeeze3A_1448, %shift_right_logical3A_1449 : i32
      %and3A_1451 = arith.constant 127 : i32
      %and3A_1452 = arith.andi %squeeze3A_1448, %and3A_1451 : i32
      %and3A_1453 = arith.constant 15 : i32
      %and3A_1454 = arith.andi %squeeze3A_1448, %and3A_1453 : i32
      %sub3A_1455 = arith.subi %and3A_1452, %and3A_1454 : i32
      %and3A_1456 = arith.constant 15 : i32
      %and3A_1457 = arith.andi %squeeze3A_1448, %and3A_1456 : i32
      %get3A_1458 = arith.index_cast %shift_right_logical3A_1450 : i32 to index
      %get3A_1459 = arith.index_cast %sub3A_1455 : i32 to index
      %get3A_1460 = tpu.vector_load %arg15[%get3A_1458, %get3A_1459] {strides = array<i32>} : memref<80x128xf32, #tpu.memory_space<vmem>>, vector<1x16xf32>,
      %get3A_1461 = vector.shape_cast %get3A_1460 : vector<1x16xf32> to vector<16xf32>
      %eq3A_1462 = vector.broadcast %and3A_1457 : i32 to vector<16xi32>
      %eq3A_1463 = arith.cmpi eq, %iota3A, %eq3A_1462 : vector<16xi32>
      %jit3A_1464 = arith.constant 1.000000e+00 : f32
      %jit3A_1465 = arith.constant 0.000000e+00 : f32
      %broadcast_in_dim3A_1466 = vector.broadcast %jit3A_1464 : f32 to vector<16xf32>
      %broadcast_in_dim3A_1467 = vector.broadcast %jit3A_1465 : f32 to vector<16xf32>
      %select_n3A_1468 = arith.select %eq3A_1463, %broadcast_in_dim3A_1466, %broadcast_in_dim3A_1467 : vector<16xi1>, vector<16xf32>
      %add3A_1469 = arith.addf %get3A_1461, %select_n3A_1468 : vector<16xf32>
      %swap3A_1470 = arith.index_cast %shift_right_logical3A_1450 : i32 to index
      %swap3A_1471 = arith.index_cast %sub3A_1455 : i32 to index
      %swap3A_1472 = tpu.vector_load %arg15[%swap3A_1470, %swap3A_1471] {strides = array<i32>} : memref<80x128xf32, #tpu.memory_space<vmem>>, vector<1x16xf32>,
      %swap3A_1473 = vector.shape_cast %swap3A_1472 : vector<1x16xf32> to vector<16xf32>
      %swap3A_1474 = vector.shape_cast %add3A_1469 : vector<16xf32> to vector<1x16xf32>
      tpu.vector_store %arg15[%swap3A_1470, %swap3A_1471], %swap3A_1474 {strides = array<i32>} : memref<80x128xf32, #tpu.memory_space<vmem>>, vector<1x16xf32>,
      %get3A_1475 = arith.constant 48 : index
      %get3A_1476 = tpu.vector_load %arg10[%get3A_1475] {strides = array<i32>} : memref<80xi32, #tpu.memory_space<vmem>>, vector<16xi32>,
      %get3A_1477 = vector.shape_cast %get3A_1476 : vector<16xi32> to vector<16xi32>
      %slice3A_1478 = vector.extract_strided_slice %get3A_1477 {offsets = [0], sizes = [1], strides = [1]} : vector<16xi32> to vector<1xi32>
      %squeeze3A_1479 = vector.extract %slice3A_1478[0] : i32 from vector<1xi32>
      %shift_right_logical3A_1480 = arith.constant 7 : i32
      %shift_right_logical3A_1481 = arith.shrui %squeeze3A_1479, %shift_right_logical3A_1480 : i32
      %and3A_1482 = arith.constant 127 : i32
      %and3A_1483 = arith.andi %squeeze3A_1479, %and3A_1482 : i32
      %and3A_1484 = arith.constant 15 : i32
      %and3A_1485 = arith.andi %squeeze3A_1479, %and3A_1484 : i32
      %sub3A_1486 = arith.subi %and3A_1483, %and3A_1485 : i32
      %and3A_1487 = arith.constant 15 : i32
      %and3A_1488 = arith.andi %squeeze3A_1479, %and3A_1487 : i32
      %get3A_1489 = arith.index_cast %shift_right_logical3A_1481 : i32 to index
      %get3A_1490 = arith.index_cast %sub3A_1486 : i32 to index
      %get3A_1491 = tpu.vector_load %arg15[%get3A_1489, %get3A_1490] {strides = array<i32>} : memref<80x128xf32, #tpu.memory_space<vmem>>, vector<1x16xf32>,
      %get3A_1492 = vector.shape_cast %get3A_1491 : vector<1x16xf32> to vector<16xf32>
      %eq3A_1493 = vector.broadcast %and3A_1488 : i32 to vector<16xi32>
      %eq3A_1494 = arith.cmpi eq, %iota3A, %eq3A_1493 : vector<16xi32>
      %jit3A_1495 = arith.constant 1.000000e+00 : f32
      %jit3A_1496 = arith.constant 0.000000e+00 : f32
      %broadcast_in_dim3A_1497 = vector.broadcast %jit3A_1495 : f32 to vector<16xf32>
      %broadcast_in_dim3A_1498 = vector.broadcast %jit3A_1496 : f32 to vector<16xf32>
      %select_n3A_1499 = arith.select %eq3A_1494, %broadcast_in_dim3A_1497, %broadcast_in_dim3A_1498 : vector<16xi1>, vector<16xf32>
      %add3A_1500 = arith.addf %get3A_1492, %select_n3A_1499 : vector<16xf32>
      %swap3A_1501 = arith.index_cast %shift_right_logical3A_1481 : i32 to index
      %swap3A_1502 = arith.index_cast %sub3A_1486 : i32 to index
      %swap3A_1503 = tpu.vector_load %arg15[%swap3A_1501, %swap3A_1502] {strides = array<i32>} : memref<80x128xf32, #tpu.memory_space<vmem>>, vector<1x16xf32>,
      %swap3A_1504 = vector.shape_cast %swap3A_1503 : vector<1x16xf32> to vector<16xf32>
      %swap3A_1505 = vector.shape_cast %add3A_1500 : vector<16xf32> to vector<1x16xf32>
      tpu.vector_store %arg15[%swap3A_1501, %swap3A_1502], %swap3A_1505 {strides = array<i32>} : memref<80x128xf32, #tpu.memory_space<vmem>>, vector<1x16xf32>,
      %slice3A_1506 = vector.extract_strided_slice %get3A_1477 {offsets = [1], sizes = [1], strides = [1]} : vector<16xi32> to vector<1xi32>
      %squeeze3A_1507 = vector.extract %slice3A_1506[0] : i32 from vector<1xi32>
      %shift_right_logical3A_1508 = arith.constant 7 : i32
      %shift_right_logical3A_1509 = arith.shrui %squeeze3A_1507, %shift_right_logical3A_1508 : i32
      %and3A_1510 = arith.constant 127 : i32
      %and3A_1511 = arith.andi %squeeze3A_1507, %and3A_1510 : i32
      %and3A_1512 = arith.constant 15 : i32
      %and3A_1513 = arith.andi %squeeze3A_1507, %and3A_1512 : i32
      %sub3A_1514 = arith.subi %and3A_1511, %and3A_1513 : i32
      %and3A_1515 = arith.constant 15 : i32
      %and3A_1516 = arith.andi %squeeze3A_1507, %and3A_1515 : i32
      %get3A_1517 = arith.index_cast %shift_right_logical3A_1509 : i32 to index
      %get3A_1518 = arith.index_cast %sub3A_1514 : i32 to index
      %get3A_1519 = tpu.vector_load %arg15[%get3A_1517, %get3A_1518] {strides = array<i32>} : memref<80x128xf32, #tpu.memory_space<vmem>>, vector<1x16xf32>,
      %get3A_1520 = vector.shape_cast %get3A_1519 : vector<1x16xf32> to vector<16xf32>
      %eq3A_1521 = vector.broadcast %and3A_1516 : i32 to vector<16xi32>
      %eq3A_1522 = arith.cmpi eq, %iota3A, %eq3A_1521 : vector<16xi32>
      %jit3A_1523 = arith.constant 1.000000e+00 : f32
      %jit3A_1524 = arith.constant 0.000000e+00 : f32
      %broadcast_in_dim3A_1525 = vector.broadcast %jit3A_1523 : f32 to vector<16xf32>
      %broadcast_in_dim3A_1526 = vector.broadcast %jit3A_1524 : f32 to vector<16xf32>
      %select_n3A_1527 = arith.select %eq3A_1522, %broadcast_in_dim3A_1525, %broadcast_in_dim3A_1526 : vector<16xi1>, vector<16xf32>
      %add3A_1528 = arith.addf %get3A_1520, %select_n3A_1527 : vector<16xf32>
      %swap3A_1529 = arith.index_cast %shift_right_logical3A_1509 : i32 to index
      %swap3A_1530 = arith.index_cast %sub3A_1514 : i32 to index
      %swap3A_1531 = tpu.vector_load %arg15[%swap3A_1529, %swap3A_1530] {strides = array<i32>} : memref<80x128xf32, #tpu.memory_space<vmem>>, vector<1x16xf32>,
      %swap3A_1532 = vector.shape_cast %swap3A_1531 : vector<1x16xf32> to vector<16xf32>
      %swap3A_1533 = vector.shape_cast %add3A_1528 : vector<16xf32> to vector<1x16xf32>
      tpu.vector_store %arg15[%swap3A_1529, %swap3A_1530], %swap3A_1533 {strides = array<i32>} : memref<80x128xf32, #tpu.memory_space<vmem>>, vector<1x16xf32>,
      %slice3A_1534 = vector.extract_strided_slice %get3A_1477 {offsets = [2], sizes = [1], strides = [1]} : vector<16xi32> to vector<1xi32>
      %squeeze3A_1535 = vector.extract %slice3A_1534[0] : i32 from vector<1xi32>
      %shift_right_logical3A_1536 = arith.constant 7 : i32
      %shift_right_logical3A_1537 = arith.shrui %squeeze3A_1535, %shift_right_logical3A_1536 : i32
      %and3A_1538 = arith.constant 127 : i32
      %and3A_1539 = arith.andi %squeeze3A_1535, %and3A_1538 : i32
      %and3A_1540 = arith.constant 15 : i32
      %and3A_1541 = arith.andi %squeeze3A_1535, %and3A_1540 : i32
      %sub3A_1542 = arith.subi %and3A_1539, %and3A_1541 : i32
      %and3A_1543 = arith.constant 15 : i32
      %and3A_1544 = arith.andi %squeeze3A_1535, %and3A_1543 : i32
      %get3A_1545 = arith.index_cast %shift_right_logical3A_1537 : i32 to index
      %get3A_1546 = arith.index_cast %sub3A_1542 : i32 to index
      %get3A_1547 = tpu.vector_load %arg15[%get3A_1545, %get3A_1546] {strides = array<i32>} : memref<80x128xf32, #tpu.memory_space<vmem>>, vector<1x16xf32>,
      %get3A_1548 = vector.shape_cast %get3A_1547 : vector<1x16xf32> to vector<16xf32>
      %eq3A_1549 = vector.broadcast %and3A_1544 : i32 to vector<16xi32>
      %eq3A_1550 = arith.cmpi eq, %iota3A, %eq3A_1549 : vector<16xi32>
      %jit3A_1551 = arith.constant 1.000000e+00 : f32
      %jit3A_1552 = arith.constant 0.000000e+00 : f32
      %broadcast_in_dim3A_1553 = vector.broadcast %jit3A_1551 : f32 to vector<16xf32>
      %broadcast_in_dim3A_1554 = vector.broadcast %jit3A_1552 : f32 to vector<16xf32>
      %select_n3A_1555 = arith.select %eq3A_1550, %broadcast_in_dim3A_1553, %broadcast_in_dim3A_1554 : vector<16xi1>, vector<16xf32>
      %add3A_1556 = arith.addf %get3A_1548, %select_n3A_1555 : vector<16xf32>
      %swap3A_1557 = arith.index_cast %shift_right_logical3A_1537 : i32 to index
      %swap3A_1558 = arith.index_cast %sub3A_1542 : i32 to index
      %swap3A_1559 = tpu.vector_load %arg15[%swap3A_1557, %swap3A_1558] {strides = array<i32>} : memref<80x128xf32, #tpu.memory_space<vmem>>, vector<1x16xf32>,
      %swap3A_1560 = vector.shape_cast %swap3A_1559 : vector<1x16xf32> to vector<16xf32>
      %swap3A_1561 = vector.shape_cast %add3A_1556 : vector<16xf32> to vector<1x16xf32>
      tpu.vector_store %arg15[%swap3A_1557, %swap3A_1558], %swap3A_1561 {strides = array<i32>} : memref<80x128xf32, #tpu.memory_space<vmem>>, vector<1x16xf32>,
      %slice3A_1562 = vector.extract_strided_slice %get3A_1477 {offsets = [3], sizes = [1], strides = [1]} : vector<16xi32> to vector<1xi32>
      %squeeze3A_1563 = vector.extract %slice3A_1562[0] : i32 from vector<1xi32>
      %shift_right_logical3A_1564 = arith.constant 7 : i32
      %shift_right_logical3A_1565 = arith.shrui %squeeze3A_1563, %shift_right_logical3A_1564 : i32
      %and3A_1566 = arith.constant 127 : i32
      %and3A_1567 = arith.andi %squeeze3A_1563, %and3A_1566 : i32
      %and3A_1568 = arith.constant 15 : i32
      %and3A_1569 = arith.andi %squeeze3A_1563, %and3A_1568 : i32
      %sub3A_1570 = arith.subi %and3A_1567, %and3A_1569 : i32
      %and3A_1571 = arith.constant 15 : i32
      %and3A_1572 = arith.andi %squeeze3A_1563, %and3A_1571 : i32
      %get3A_1573 = arith.index_cast %shift_right_logical3A_1565 : i32 to index
      %get3A_1574 = arith.index_cast %sub3A_1570 : i32 to index
      %get3A_1575 = tpu.vector_load %arg15[%get3A_1573, %get3A_1574] {strides = array<i32>} : memref<80x128xf32, #tpu.memory_space<vmem>>, vector<1x16xf32>,
      %get3A_1576 = vector.shape_cast %get3A_1575 : vector<1x16xf32> to vector<16xf32>
      %eq3A_1577 = vector.broadcast %and3A_1572 : i32 to vector<16xi32>
      %eq3A_1578 = arith.cmpi eq, %iota3A, %eq3A_1577 : vector<16xi32>
      %jit3A_1579 = arith.constant 1.000000e+00 : f32
      %jit3A_1580 = arith.constant 0.000000e+00 : f32
      %broadcast_in_dim3A_1581 = vector.broadcast %jit3A_1579 : f32 to vector<16xf32>
      %broadcast_in_dim3A_1582 = vector.broadcast %jit3A_1580 : f32 to vector<16xf32>
      %select_n3A_1583 = arith.select %eq3A_1578, %broadcast_in_dim3A_1581, %broadcast_in_dim3A_1582 : vector<16xi1>, vector<16xf32>
      %add3A_1584 = arith.addf %get3A_1576, %select_n3A_1583 : vector<16xf32>
      %swap3A_1585 = arith.index_cast %shift_right_logical3A_1565 : i32 to index
      %swap3A_1586 = arith.index_cast %sub3A_1570 : i32 to index
      %swap3A_1587 = tpu.vector_load %arg15[%swap3A_1585, %swap3A_1586] {strides = array<i32>} : memref<80x128xf32, #tpu.memory_space<vmem>>, vector<1x16xf32>,
      %swap3A_1588 = vector.shape_cast %swap3A_1587 : vector<1x16xf32> to vector<16xf32>
      %swap3A_1589 = vector.shape_cast %add3A_1584 : vector<16xf32> to vector<1x16xf32>
      tpu.vector_store %arg15[%swap3A_1585, %swap3A_1586], %swap3A_1589 {strides = array<i32>} : memref<80x128xf32, #tpu.memory_space<vmem>>, vector<1x16xf32>,
      %slice3A_1590 = vector.extract_strided_slice %get3A_1477 {offsets = [4], sizes = [1], strides = [1]} : vector<16xi32> to vector<1xi32>
      %squeeze3A_1591 = vector.extract %slice3A_1590[0] : i32 from vector<1xi32>
      %shift_right_logical3A_1592 = arith.constant 7 : i32
      %shift_right_logical3A_1593 = arith.shrui %squeeze3A_1591, %shift_right_logical3A_1592 : i32
      %and3A_1594 = arith.constant 127 : i32
      %and3A_1595 = arith.andi %squeeze3A_1591, %and3A_1594 : i32
      %and3A_1596 = arith.constant 15 : i32
      %and3A_1597 = arith.andi %squeeze3A_1591, %and3A_1596 : i32
      %sub3A_1598 = arith.subi %and3A_1595, %and3A_1597 : i32
      %and3A_1599 = arith.constant 15 : i32
      %and3A_1600 = arith.andi %squeeze3A_1591, %and3A_1599 : i32
      %get3A_1601 = arith.index_cast %shift_right_logical3A_1593 : i32 to index
      %get3A_1602 = arith.index_cast %sub3A_1598 : i32 to index
      %get3A_1603 = tpu.vector_load %arg15[%get3A_1601, %get3A_1602] {strides = array<i32>} : memref<80x128xf32, #tpu.memory_space<vmem>>, vector<1x16xf32>,
      %get3A_1604 = vector.shape_cast %get3A_1603 : vector<1x16xf32> to vector<16xf32>
      %eq3A_1605 = vector.broadcast %and3A_1600 : i32 to vector<16xi32>
      %eq3A_1606 = arith.cmpi eq, %iota3A, %eq3A_1605 : vector<16xi32>
      %jit3A_1607 = arith.constant 1.000000e+00 : f32
      %jit3A_1608 = arith.constant 0.000000e+00 : f32
      %broadcast_in_dim3A_1609 = vector.broadcast %jit3A_1607 : f32 to vector<16xf32>
      %broadcast_in_dim3A_1610 = vector.broadcast %jit3A_1608 : f32 to vector<16xf32>
      %select_n3A_1611 = arith.select %eq3A_1606, %broadcast_in_dim3A_1609, %broadcast_in_dim3A_1610 : vector<16xi1>, vector<16xf32>
      %add3A_1612 = arith.addf %get3A_1604, %select_n3A_1611 : vector<16xf32>
      %swap3A_1613 = arith.index_cast %shift_right_logical3A_1593 : i32 to index
      %swap3A_1614 = arith.index_cast %sub3A_1598 : i32 to index
      %swap3A_1615 = tpu.vector_load %arg15[%swap3A_1613, %swap3A_1614] {strides = array<i32>} : memref<80x128xf32, #tpu.memory_space<vmem>>, vector<1x16xf32>,
      %swap3A_1616 = vector.shape_cast %swap3A_1615 : vector<1x16xf32> to vector<16xf32>
      %swap3A_1617 = vector.shape_cast %add3A_1612 : vector<16xf32> to vector<1x16xf32>
      tpu.vector_store %arg15[%swap3A_1613, %swap3A_1614], %swap3A_1617 {strides = array<i32>} : memref<80x128xf32, #tpu.memory_space<vmem>>, vector<1x16xf32>,
      %slice3A_1618 = vector.extract_strided_slice %get3A_1477 {offsets = [5], sizes = [1], strides = [1]} : vector<16xi32> to vector<1xi32>
      %squeeze3A_1619 = vector.extract %slice3A_1618[0] : i32 from vector<1xi32>
      %shift_right_logical3A_1620 = arith.constant 7 : i32
      %shift_right_logical3A_1621 = arith.shrui %squeeze3A_1619, %shift_right_logical3A_1620 : i32
      %and3A_1622 = arith.constant 127 : i32
      %and3A_1623 = arith.andi %squeeze3A_1619, %and3A_1622 : i32
      %and3A_1624 = arith.constant 15 : i32
      %and3A_1625 = arith.andi %squeeze3A_1619, %and3A_1624 : i32
      %sub3A_1626 = arith.subi %and3A_1623, %and3A_1625 : i32
      %and3A_1627 = arith.constant 15 : i32
      %and3A_1628 = arith.andi %squeeze3A_1619, %and3A_1627 : i32
      %get3A_1629 = arith.index_cast %shift_right_logical3A_1621 : i32 to index
      %get3A_1630 = arith.index_cast %sub3A_1626 : i32 to index
      %get3A_1631 = tpu.vector_load %arg15[%get3A_1629, %get3A_1630] {strides = array<i32>} : memref<80x128xf32, #tpu.memory_space<vmem>>, vector<1x16xf32>,
      %get3A_1632 = vector.shape_cast %get3A_1631 : vector<1x16xf32> to vector<16xf32>
      %eq3A_1633 = vector.broadcast %and3A_1628 : i32 to vector<16xi32>
      %eq3A_1634 = arith.cmpi eq, %iota3A, %eq3A_1633 : vector<16xi32>
      %jit3A_1635 = arith.constant 1.000000e+00 : f32
      %jit3A_1636 = arith.constant 0.000000e+00 : f32
      %broadcast_in_dim3A_1637 = vector.broadcast %jit3A_1635 : f32 to vector<16xf32>
      %broadcast_in_dim3A_1638 = vector.broadcast %jit3A_1636 : f32 to vector<16xf32>
      %select_n3A_1639 = arith.select %eq3A_1634, %broadcast_in_dim3A_1637, %broadcast_in_dim3A_1638 : vector<16xi1>, vector<16xf32>
      %add3A_1640 = arith.addf %get3A_1632, %select_n3A_1639 : vector<16xf32>
      %swap3A_1641 = arith.index_cast %shift_right_logical3A_1621 : i32 to index
      %swap3A_1642 = arith.index_cast %sub3A_1626 : i32 to index
      %swap3A_1643 = tpu.vector_load %arg15[%swap3A_1641, %swap3A_1642] {strides = array<i32>} : memref<80x128xf32, #tpu.memory_space<vmem>>, vector<1x16xf32>,
      %swap3A_1644 = vector.shape_cast %swap3A_1643 : vector<1x16xf32> to vector<16xf32>
      %swap3A_1645 = vector.shape_cast %add3A_1640 : vector<16xf32> to vector<1x16xf32>
      tpu.vector_store %arg15[%swap3A_1641, %swap3A_1642], %swap3A_1645 {strides = array<i32>} : memref<80x128xf32, #tpu.memory_space<vmem>>, vector<1x16xf32>,
      %slice3A_1646 = vector.extract_strided_slice %get3A_1477 {offsets = [6], sizes = [1], strides = [1]} : vector<16xi32> to vector<1xi32>
      %squeeze3A_1647 = vector.extract %slice3A_1646[0] : i32 from vector<1xi32>
      %shift_right_logical3A_1648 = arith.constant 7 : i32
      %shift_right_logical3A_1649 = arith.shrui %squeeze3A_1647, %shift_right_logical3A_1648 : i32
      %and3A_1650 = arith.constant 127 : i32
      %and3A_1651 = arith.andi %squeeze3A_1647, %and3A_1650 : i32
      %and3A_1652 = arith.constant 15 : i32
      %and3A_1653 = arith.andi %squeeze3A_1647, %and3A_1652 : i32
      %sub3A_1654 = arith.subi %and3A_1651, %and3A_1653 : i32
      %and3A_1655 = arith.constant 15 : i32
      %and3A_1656 = arith.andi %squeeze3A_1647, %and3A_1655 : i32
      %get3A_1657 = arith.index_cast %shift_right_logical3A_1649 : i32 to index
      %get3A_1658 = arith.index_cast %sub3A_1654 : i32 to index
      %get3A_1659 = tpu.vector_load %arg15[%get3A_1657, %get3A_1658] {strides = array<i32>} : memref<80x128xf32, #tpu.memory_space<vmem>>, vector<1x16xf32>,
      %get3A_1660 = vector.shape_cast %get3A_1659 : vector<1x16xf32> to vector<16xf32>
      %eq3A_1661 = vector.broadcast %and3A_1656 : i32 to vector<16xi32>
      %eq3A_1662 = arith.cmpi eq, %iota3A, %eq3A_1661 : vector<16xi32>
      %jit3A_1663 = arith.constant 1.000000e+00 : f32
      %jit3A_1664 = arith.constant 0.000000e+00 : f32
      %broadcast_in_dim3A_1665 = vector.broadcast %jit3A_1663 : f32 to vector<16xf32>
      %broadcast_in_dim3A_1666 = vector.broadcast %jit3A_1664 : f32 to vector<16xf32>
      %select_n3A_1667 = arith.select %eq3A_1662, %broadcast_in_dim3A_1665, %broadcast_in_dim3A_1666 : vector<16xi1>, vector<16xf32>
      %add3A_1668 = arith.addf %get3A_1660, %select_n3A_1667 : vector<16xf32>
      %swap3A_1669 = arith.index_cast %shift_right_logical3A_1649 : i32 to index
      %swap3A_1670 = arith.index_cast %sub3A_1654 : i32 to index
      %swap3A_1671 = tpu.vector_load %arg15[%swap3A_1669, %swap3A_1670] {strides = array<i32>} : memref<80x128xf32, #tpu.memory_space<vmem>>, vector<1x16xf32>,
      %swap3A_1672 = vector.shape_cast %swap3A_1671 : vector<1x16xf32> to vector<16xf32>
      %swap3A_1673 = vector.shape_cast %add3A_1668 : vector<16xf32> to vector<1x16xf32>
      tpu.vector_store %arg15[%swap3A_1669, %swap3A_1670], %swap3A_1673 {strides = array<i32>} : memref<80x128xf32, #tpu.memory_space<vmem>>, vector<1x16xf32>,
      %slice3A_1674 = vector.extract_strided_slice %get3A_1477 {offsets = [7], sizes = [1], strides = [1]} : vector<16xi32> to vector<1xi32>
      %squeeze3A_1675 = vector.extract %slice3A_1674[0] : i32 from vector<1xi32>
      %shift_right_logical3A_1676 = arith.constant 7 : i32
      %shift_right_logical3A_1677 = arith.shrui %squeeze3A_1675, %shift_right_logical3A_1676 : i32
      %and3A_1678 = arith.constant 127 : i32
      %and3A_1679 = arith.andi %squeeze3A_1675, %and3A_1678 : i32
      %and3A_1680 = arith.constant 15 : i32
      %and3A_1681 = arith.andi %squeeze3A_1675, %and3A_1680 : i32
      %sub3A_1682 = arith.subi %and3A_1679, %and3A_1681 : i32
      %and3A_1683 = arith.constant 15 : i32
      %and3A_1684 = arith.andi %squeeze3A_1675, %and3A_1683 : i32
      %get3A_1685 = arith.index_cast %shift_right_logical3A_1677 : i32 to index
      %get3A_1686 = arith.index_cast %sub3A_1682 : i32 to index
      %get3A_1687 = tpu.vector_load %arg15[%get3A_1685, %get3A_1686] {strides = array<i32>} : memref<80x128xf32, #tpu.memory_space<vmem>>, vector<1x16xf32>,
      %get3A_1688 = vector.shape_cast %get3A_1687 : vector<1x16xf32> to vector<16xf32>
      %eq3A_1689 = vector.broadcast %and3A_1684 : i32 to vector<16xi32>
      %eq3A_1690 = arith.cmpi eq, %iota3A, %eq3A_1689 : vector<16xi32>
      %jit3A_1691 = arith.constant 1.000000e+00 : f32
      %jit3A_1692 = arith.constant 0.000000e+00 : f32
      %broadcast_in_dim3A_1693 = vector.broadcast %jit3A_1691 : f32 to vector<16xf32>
      %broadcast_in_dim3A_1694 = vector.broadcast %jit3A_1692 : f32 to vector<16xf32>
      %select_n3A_1695 = arith.select %eq3A_1690, %broadcast_in_dim3A_1693, %broadcast_in_dim3A_1694 : vector<16xi1>, vector<16xf32>
      %add3A_1696 = arith.addf %get3A_1688, %select_n3A_1695 : vector<16xf32>
      %swap3A_1697 = arith.index_cast %shift_right_logical3A_1677 : i32 to index
      %swap3A_1698 = arith.index_cast %sub3A_1682 : i32 to index
      %swap3A_1699 = tpu.vector_load %arg15[%swap3A_1697, %swap3A_1698] {strides = array<i32>} : memref<80x128xf32, #tpu.memory_space<vmem>>, vector<1x16xf32>,
      %swap3A_1700 = vector.shape_cast %swap3A_1699 : vector<1x16xf32> to vector<16xf32>
      %swap3A_1701 = vector.shape_cast %add3A_1696 : vector<16xf32> to vector<1x16xf32>
      tpu.vector_store %arg15[%swap3A_1697, %swap3A_1698], %swap3A_1701 {strides = array<i32>} : memref<80x128xf32, #tpu.memory_space<vmem>>, vector<1x16xf32>,
      %slice3A_1702 = vector.extract_strided_slice %get3A_1477 {offsets = [8], sizes = [1], strides = [1]} : vector<16xi32> to vector<1xi32>
      %squeeze3A_1703 = vector.extract %slice3A_1702[0] : i32 from vector<1xi32>
      %shift_right_logical3A_1704 = arith.constant 7 : i32
      %shift_right_logical3A_1705 = arith.shrui %squeeze3A_1703, %shift_right_logical3A_1704 : i32
      %and3A_1706 = arith.constant 127 : i32
      %and3A_1707 = arith.andi %squeeze3A_1703, %and3A_1706 : i32
      %and3A_1708 = arith.constant 15 : i32
      %and3A_1709 = arith.andi %squeeze3A_1703, %and3A_1708 : i32
      %sub3A_1710 = arith.subi %and3A_1707, %and3A_1709 : i32
      %and3A_1711 = arith.constant 15 : i32
      %and3A_1712 = arith.andi %squeeze3A_1703, %and3A_1711 : i32
      %get3A_1713 = arith.index_cast %shift_right_logical3A_1705 : i32 to index
      %get3A_1714 = arith.index_cast %sub3A_1710 : i32 to index
      %get3A_1715 = tpu.vector_load %arg15[%get3A_1713, %get3A_1714] {strides = array<i32>} : memref<80x128xf32, #tpu.memory_space<vmem>>, vector<1x16xf32>,
      %get3A_1716 = vector.shape_cast %get3A_1715 : vector<1x16xf32> to vector<16xf32>
      %eq3A_1717 = vector.broadcast %and3A_1712 : i32 to vector<16xi32>
      %eq3A_1718 = arith.cmpi eq, %iota3A, %eq3A_1717 : vector<16xi32>
      %jit3A_1719 = arith.constant 1.000000e+00 : f32
      %jit3A_1720 = arith.constant 0.000000e+00 : f32
      %broadcast_in_dim3A_1721 = vector.broadcast %jit3A_1719 : f32 to vector<16xf32>
      %broadcast_in_dim3A_1722 = vector.broadcast %jit3A_1720 : f32 to vector<16xf32>
      %select_n3A_1723 = arith.select %eq3A_1718, %broadcast_in_dim3A_1721, %broadcast_in_dim3A_1722 : vector<16xi1>, vector<16xf32>
      %add3A_1724 = arith.addf %get3A_1716, %select_n3A_1723 : vector<16xf32>
      %swap3A_1725 = arith.index_cast %shift_right_logical3A_1705 : i32 to index
      %swap3A_1726 = arith.index_cast %sub3A_1710 : i32 to index
      %swap3A_1727 = tpu.vector_load %arg15[%swap3A_1725, %swap3A_1726] {strides = array<i32>} : memref<80x128xf32, #tpu.memory_space<vmem>>, vector<1x16xf32>,
      %swap3A_1728 = vector.shape_cast %swap3A_1727 : vector<1x16xf32> to vector<16xf32>
      %swap3A_1729 = vector.shape_cast %add3A_1724 : vector<16xf32> to vector<1x16xf32>
      tpu.vector_store %arg15[%swap3A_1725, %swap3A_1726], %swap3A_1729 {strides = array<i32>} : memref<80x128xf32, #tpu.memory_space<vmem>>, vector<1x16xf32>,
      %slice3A_1730 = vector.extract_strided_slice %get3A_1477 {offsets = [9], sizes = [1], strides = [1]} : vector<16xi32> to vector<1xi32>
      %squeeze3A_1731 = vector.extract %slice3A_1730[0] : i32 from vector<1xi32>
      %shift_right_logical3A_1732 = arith.constant 7 : i32
      %shift_right_logical3A_1733 = arith.shrui %squeeze3A_1731, %shift_right_logical3A_1732 : i32
      %and3A_1734 = arith.constant 127 : i32
      %and3A_1735 = arith.andi %squeeze3A_1731, %and3A_1734 : i32
      %and3A_1736 = arith.constant 15 : i32
      %and3A_1737 = arith.andi %squeeze3A_1731, %and3A_1736 : i32
      %sub3A_1738 = arith.subi %and3A_1735, %and3A_1737 : i32
      %and3A_1739 = arith.constant 15 : i32
      %and3A_1740 = arith.andi %squeeze3A_1731, %and3A_1739 : i32
      %get3A_1741 = arith.index_cast %shift_right_logical3A_1733 : i32 to index
      %get3A_1742 = arith.index_cast %sub3A_1738 : i32 to index
      %get3A_1743 = tpu.vector_load %arg15[%get3A_1741, %get3A_1742] {strides = array<i32>} : memref<80x128xf32, #tpu.memory_space<vmem>>, vector<1x16xf32>,
      %get3A_1744 = vector.shape_cast %get3A_1743 : vector<1x16xf32> to vector<16xf32>
      %eq3A_1745 = vector.broadcast %and3A_1740 : i32 to vector<16xi32>
      %eq3A_1746 = arith.cmpi eq, %iota3A, %eq3A_1745 : vector<16xi32>
      %jit3A_1747 = arith.constant 1.000000e+00 : f32
      %jit3A_1748 = arith.constant 0.000000e+00 : f32
      %broadcast_in_dim3A_1749 = vector.broadcast %jit3A_1747 : f32 to vector<16xf32>
      %broadcast_in_dim3A_1750 = vector.broadcast %jit3A_1748 : f32 to vector<16xf32>
      %select_n3A_1751 = arith.select %eq3A_1746, %broadcast_in_dim3A_1749, %broadcast_in_dim3A_1750 : vector<16xi1>, vector<16xf32>
      %add3A_1752 = arith.addf %get3A_1744, %select_n3A_1751 : vector<16xf32>
      %swap3A_1753 = arith.index_cast %shift_right_logical3A_1733 : i32 to index
      %swap3A_1754 = arith.index_cast %sub3A_1738 : i32 to index
      %swap3A_1755 = tpu.vector_load %arg15[%swap3A_1753, %swap3A_1754] {strides = array<i32>} : memref<80x128xf32, #tpu.memory_space<vmem>>, vector<1x16xf32>,
      %swap3A_1756 = vector.shape_cast %swap3A_1755 : vector<1x16xf32> to vector<16xf32>
      %swap3A_1757 = vector.shape_cast %add3A_1752 : vector<16xf32> to vector<1x16xf32>
      tpu.vector_store %arg15[%swap3A_1753, %swap3A_1754], %swap3A_1757 {strides = array<i32>} : memref<80x128xf32, #tpu.memory_space<vmem>>, vector<1x16xf32>,
      %slice3A_1758 = vector.extract_strided_slice %get3A_1477 {offsets = [10], sizes = [1], strides = [1]} : vector<16xi32> to vector<1xi32>
      %squeeze3A_1759 = vector.extract %slice3A_1758[0] : i32 from vector<1xi32>
      %shift_right_logical3A_1760 = arith.constant 7 : i32
      %shift_right_logical3A_1761 = arith.shrui %squeeze3A_1759, %shift_right_logical3A_1760 : i32
      %and3A_1762 = arith.constant 127 : i32
      %and3A_1763 = arith.andi %squeeze3A_1759, %and3A_1762 : i32
      %and3A_1764 = arith.constant 15 : i32
      %and3A_1765 = arith.andi %squeeze3A_1759, %and3A_1764 : i32
      %sub3A_1766 = arith.subi %and3A_1763, %and3A_1765 : i32
      %and3A_1767 = arith.constant 15 : i32
      %and3A_1768 = arith.andi %squeeze3A_1759, %and3A_1767 : i32
      %get3A_1769 = arith.index_cast %shift_right_logical3A_1761 : i32 to index
      %get3A_1770 = arith.index_cast %sub3A_1766 : i32 to index
      %get3A_1771 = tpu.vector_load %arg15[%get3A_1769, %get3A_1770] {strides = array<i32>} : memref<80x128xf32, #tpu.memory_space<vmem>>, vector<1x16xf32>,
      %get3A_1772 = vector.shape_cast %get3A_1771 : vector<1x16xf32> to vector<16xf32>
      %eq3A_1773 = vector.broadcast %and3A_1768 : i32 to vector<16xi32>
      %eq3A_1774 = arith.cmpi eq, %iota3A, %eq3A_1773 : vector<16xi32>
      %jit3A_1775 = arith.constant 1.000000e+00 : f32
      %jit3A_1776 = arith.constant 0.000000e+00 : f32
      %broadcast_in_dim3A_1777 = vector.broadcast %jit3A_1775 : f32 to vector<16xf32>
      %broadcast_in_dim3A_1778 = vector.broadcast %jit3A_1776 : f32 to vector<16xf32>
      %select_n3A_1779 = arith.select %eq3A_1774, %broadcast_in_dim3A_1777, %broadcast_in_dim3A_1778 : vector<16xi1>, vector<16xf32>
      %add3A_1780 = arith.addf %get3A_1772, %select_n3A_1779 : vector<16xf32>
      %swap3A_1781 = arith.index_cast %shift_right_logical3A_1761 : i32 to index
      %swap3A_1782 = arith.index_cast %sub3A_1766 : i32 to index
      %swap3A_1783 = tpu.vector_load %arg15[%swap3A_1781, %swap3A_1782] {strides = array<i32>} : memref<80x128xf32, #tpu.memory_space<vmem>>, vector<1x16xf32>,
      %swap3A_1784 = vector.shape_cast %swap3A_1783 : vector<1x16xf32> to vector<16xf32>
      %swap3A_1785 = vector.shape_cast %add3A_1780 : vector<16xf32> to vector<1x16xf32>
      tpu.vector_store %arg15[%swap3A_1781, %swap3A_1782], %swap3A_1785 {strides = array<i32>} : memref<80x128xf32, #tpu.memory_space<vmem>>, vector<1x16xf32>,
      %slice3A_1786 = vector.extract_strided_slice %get3A_1477 {offsets = [11], sizes = [1], strides = [1]} : vector<16xi32> to vector<1xi32>
      %squeeze3A_1787 = vector.extract %slice3A_1786[0] : i32 from vector<1xi32>
      %shift_right_logical3A_1788 = arith.constant 7 : i32
      %shift_right_logical3A_1789 = arith.shrui %squeeze3A_1787, %shift_right_logical3A_1788 : i32
      %and3A_1790 = arith.constant 127 : i32
      %and3A_1791 = arith.andi %squeeze3A_1787, %and3A_1790 : i32
      %and3A_1792 = arith.constant 15 : i32
      %and3A_1793 = arith.andi %squeeze3A_1787, %and3A_1792 : i32
      %sub3A_1794 = arith.subi %and3A_1791, %and3A_1793 : i32
      %and3A_1795 = arith.constant 15 : i32
      %and3A_1796 = arith.andi %squeeze3A_1787, %and3A_1795 : i32
      %get3A_1797 = arith.index_cast %shift_right_logical3A_1789 : i32 to index
      %get3A_1798 = arith.index_cast %sub3A_1794 : i32 to index
      %get3A_1799 = tpu.vector_load %arg15[%get3A_1797, %get3A_1798] {strides = array<i32>} : memref<80x128xf32, #tpu.memory_space<vmem>>, vector<1x16xf32>,
      %get3A_1800 = vector.shape_cast %get3A_1799 : vector<1x16xf32> to vector<16xf32>
      %eq3A_1801 = vector.broadcast %and3A_1796 : i32 to vector<16xi32>
      %eq3A_1802 = arith.cmpi eq, %iota3A, %eq3A_1801 : vector<16xi32>
      %jit3A_1803 = arith.constant 1.000000e+00 : f32
      %jit3A_1804 = arith.constant 0.000000e+00 : f32
      %broadcast_in_dim3A_1805 = vector.broadcast %jit3A_1803 : f32 to vector<16xf32>
      %broadcast_in_dim3A_1806 = vector.broadcast %jit3A_1804 : f32 to vector<16xf32>
      %select_n3A_1807 = arith.select %eq3A_1802, %broadcast_in_dim3A_1805, %broadcast_in_dim3A_1806 : vector<16xi1>, vector<16xf32>
      %add3A_1808 = arith.addf %get3A_1800, %select_n3A_1807 : vector<16xf32>
      %swap3A_1809 = arith.index_cast %shift_right_logical3A_1789 : i32 to index
      %swap3A_1810 = arith.index_cast %sub3A_1794 : i32 to index
      %swap3A_1811 = tpu.vector_load %arg15[%swap3A_1809, %swap3A_1810] {strides = array<i32>} : memref<80x128xf32, #tpu.memory_space<vmem>>, vector<1x16xf32>,
      %swap3A_1812 = vector.shape_cast %swap3A_1811 : vector<1x16xf32> to vector<16xf32>
      %swap3A_1813 = vector.shape_cast %add3A_1808 : vector<16xf32> to vector<1x16xf32>
      tpu.vector_store %arg15[%swap3A_1809, %swap3A_1810], %swap3A_1813 {strides = array<i32>} : memref<80x128xf32, #tpu.memory_space<vmem>>, vector<1x16xf32>,
      %slice3A_1814 = vector.extract_strided_slice %get3A_1477 {offsets = [12], sizes = [1], strides = [1]} : vector<16xi32> to vector<1xi32>
      %squeeze3A_1815 = vector.extract %slice3A_1814[0] : i32 from vector<1xi32>
      %shift_right_logical3A_1816 = arith.constant 7 : i32
      %shift_right_logical3A_1817 = arith.shrui %squeeze3A_1815, %shift_right_logical3A_1816 : i32
      %and3A_1818 = arith.constant 127 : i32
      %and3A_1819 = arith.andi %squeeze3A_1815, %and3A_1818 : i32
      %and3A_1820 = arith.constant 15 : i32
      %and3A_1821 = arith.andi %squeeze3A_1815, %and3A_1820 : i32
      %sub3A_1822 = arith.subi %and3A_1819, %and3A_1821 : i32
      %and3A_1823 = arith.constant 15 : i32
      %and3A_1824 = arith.andi %squeeze3A_1815, %and3A_1823 : i32
      %get3A_1825 = arith.index_cast %shift_right_logical3A_1817 : i32 to index
      %get3A_1826 = arith.index_cast %sub3A_1822 : i32 to index
      %get3A_1827 = tpu.vector_load %arg15[%get3A_1825, %get3A_1826] {strides = array<i32>} : memref<80x128xf32, #tpu.memory_space<vmem>>, vector<1x16xf32>,
      %get3A_1828 = vector.shape_cast %get3A_1827 : vector<1x16xf32> to vector<16xf32>
      %eq3A_1829 = vector.broadcast %and3A_1824 : i32 to vector<16xi32>
      %eq3A_1830 = arith.cmpi eq, %iota3A, %eq3A_1829 : vector<16xi32>
      %jit3A_1831 = arith.constant 1.000000e+00 : f32
      %jit3A_1832 = arith.constant 0.000000e+00 : f32
      %broadcast_in_dim3A_1833 = vector.broadcast %jit3A_1831 : f32 to vector<16xf32>
      %broadcast_in_dim3A_1834 = vector.broadcast %jit3A_1832 : f32 to vector<16xf32>
      %select_n3A_1835 = arith.select %eq3A_1830, %broadcast_in_dim3A_1833, %broadcast_in_dim3A_1834 : vector<16xi1>, vector<16xf32>
      %add3A_1836 = arith.addf %get3A_1828, %select_n3A_1835 : vector<16xf32>
      %swap3A_1837 = arith.index_cast %shift_right_logical3A_1817 : i32 to index
      %swap3A_1838 = arith.index_cast %sub3A_1822 : i32 to index
      %swap3A_1839 = tpu.vector_load %arg15[%swap3A_1837, %swap3A_1838] {strides = array<i32>} : memref<80x128xf32, #tpu.memory_space<vmem>>, vector<1x16xf32>,
      %swap3A_1840 = vector.shape_cast %swap3A_1839 : vector<1x16xf32> to vector<16xf32>
      %swap3A_1841 = vector.shape_cast %add3A_1836 : vector<16xf32> to vector<1x16xf32>
      tpu.vector_store %arg15[%swap3A_1837, %swap3A_1838], %swap3A_1841 {strides = array<i32>} : memref<80x128xf32, #tpu.memory_space<vmem>>, vector<1x16xf32>,
      %slice3A_1842 = vector.extract_strided_slice %get3A_1477 {offsets = [13], sizes = [1], strides = [1]} : vector<16xi32> to vector<1xi32>
      %squeeze3A_1843 = vector.extract %slice3A_1842[0] : i32 from vector<1xi32>
      %shift_right_logical3A_1844 = arith.constant 7 : i32
      %shift_right_logical3A_1845 = arith.shrui %squeeze3A_1843, %shift_right_logical3A_1844 : i32
      %and3A_1846 = arith.constant 127 : i32
      %and3A_1847 = arith.andi %squeeze3A_1843, %and3A_1846 : i32
      %and3A_1848 = arith.constant 15 : i32
      %and3A_1849 = arith.andi %squeeze3A_1843, %and3A_1848 : i32
      %sub3A_1850 = arith.subi %and3A_1847, %and3A_1849 : i32
      %and3A_1851 = arith.constant 15 : i32
      %and3A_1852 = arith.andi %squeeze3A_1843, %and3A_1851 : i32
      %get3A_1853 = arith.index_cast %shift_right_logical3A_1845 : i32 to index
      %get3A_1854 = arith.index_cast %sub3A_1850 : i32 to index
      %get3A_1855 = tpu.vector_load %arg15[%get3A_1853, %get3A_1854] {strides = array<i32>} : memref<80x128xf32, #tpu.memory_space<vmem>>, vector<1x16xf32>,
      %get3A_1856 = vector.shape_cast %get3A_1855 : vector<1x16xf32> to vector<16xf32>
      %eq3A_1857 = vector.broadcast %and3A_1852 : i32 to vector<16xi32>
      %eq3A_1858 = arith.cmpi eq, %iota3A, %eq3A_1857 : vector<16xi32>
      %jit3A_1859 = arith.constant 1.000000e+00 : f32
      %jit3A_1860 = arith.constant 0.000000e+00 : f32
      %broadcast_in_dim3A_1861 = vector.broadcast %jit3A_1859 : f32 to vector<16xf32>
      %broadcast_in_dim3A_1862 = vector.broadcast %jit3A_1860 : f32 to vector<16xf32>
      %select_n3A_1863 = arith.select %eq3A_1858, %broadcast_in_dim3A_1861, %broadcast_in_dim3A_1862 : vector<16xi1>, vector<16xf32>
      %add3A_1864 = arith.addf %get3A_1856, %select_n3A_1863 : vector<16xf32>
      %swap3A_1865 = arith.index_cast %shift_right_logical3A_1845 : i32 to index
      %swap3A_1866 = arith.index_cast %sub3A_1850 : i32 to index
      %swap3A_1867 = tpu.vector_load %arg15[%swap3A_1865, %swap3A_1866] {strides = array<i32>} : memref<80x128xf32, #tpu.memory_space<vmem>>, vector<1x16xf32>,
      %swap3A_1868 = vector.shape_cast %swap3A_1867 : vector<1x16xf32> to vector<16xf32>
      %swap3A_1869 = vector.shape_cast %add3A_1864 : vector<16xf32> to vector<1x16xf32>
      tpu.vector_store %arg15[%swap3A_1865, %swap3A_1866], %swap3A_1869 {strides = array<i32>} : memref<80x128xf32, #tpu.memory_space<vmem>>, vector<1x16xf32>,
      %slice3A_1870 = vector.extract_strided_slice %get3A_1477 {offsets = [14], sizes = [1], strides = [1]} : vector<16xi32> to vector<1xi32>
      %squeeze3A_1871 = vector.extract %slice3A_1870[0] : i32 from vector<1xi32>
      %shift_right_logical3A_1872 = arith.constant 7 : i32
      %shift_right_logical3A_1873 = arith.shrui %squeeze3A_1871, %shift_right_logical3A_1872 : i32
      %and3A_1874 = arith.constant 127 : i32
      %and3A_1875 = arith.andi %squeeze3A_1871, %and3A_1874 : i32
      %and3A_1876 = arith.constant 15 : i32
      %and3A_1877 = arith.andi %squeeze3A_1871, %and3A_1876 : i32
      %sub3A_1878 = arith.subi %and3A_1875, %and3A_1877 : i32
      %and3A_1879 = arith.constant 15 : i32
      %and3A_1880 = arith.andi %squeeze3A_1871, %and3A_1879 : i32
      %get3A_1881 = arith.index_cast %shift_right_logical3A_1873 : i32 to index
      %get3A_1882 = arith.index_cast %sub3A_1878 : i32 to index
      %get3A_1883 = tpu.vector_load %arg15[%get3A_1881, %get3A_1882] {strides = array<i32>} : memref<80x128xf32, #tpu.memory_space<vmem>>, vector<1x16xf32>,
      %get3A_1884 = vector.shape_cast %get3A_1883 : vector<1x16xf32> to vector<16xf32>
      %eq3A_1885 = vector.broadcast %and3A_1880 : i32 to vector<16xi32>
      %eq3A_1886 = arith.cmpi eq, %iota3A, %eq3A_1885 : vector<16xi32>
      %jit3A_1887 = arith.constant 1.000000e+00 : f32
      %jit3A_1888 = arith.constant 0.000000e+00 : f32
      %broadcast_in_dim3A_1889 = vector.broadcast %jit3A_1887 : f32 to vector<16xf32>
      %broadcast_in_dim3A_1890 = vector.broadcast %jit3A_1888 : f32 to vector<16xf32>
      %select_n3A_1891 = arith.select %eq3A_1886, %broadcast_in_dim3A_1889, %broadcast_in_dim3A_1890 : vector<16xi1>, vector<16xf32>
      %add3A_1892 = arith.addf %get3A_1884, %select_n3A_1891 : vector<16xf32>
      %swap3A_1893 = arith.index_cast %shift_right_logical3A_1873 : i32 to index
      %swap3A_1894 = arith.index_cast %sub3A_1878 : i32 to index
      %swap3A_1895 = tpu.vector_load %arg15[%swap3A_1893, %swap3A_1894] {strides = array<i32>} : memref<80x128xf32, #tpu.memory_space<vmem>>, vector<1x16xf32>,
      %swap3A_1896 = vector.shape_cast %swap3A_1895 : vector<1x16xf32> to vector<16xf32>
      %swap3A_1897 = vector.shape_cast %add3A_1892 : vector<16xf32> to vector<1x16xf32>
      tpu.vector_store %arg15[%swap3A_1893, %swap3A_1894], %swap3A_1897 {strides = array<i32>} : memref<80x128xf32, #tpu.memory_space<vmem>>, vector<1x16xf32>,
      %slice3A_1898 = vector.extract_strided_slice %get3A_1477 {offsets = [15], sizes = [1], strides = [1]} : vector<16xi32> to vector<1xi32>
      %squeeze3A_1899 = vector.extract %slice3A_1898[0] : i32 from vector<1xi32>
      %shift_right_logical3A_1900 = arith.constant 7 : i32
      %shift_right_logical3A_1901 = arith.shrui %squeeze3A_1899, %shift_right_logical3A_1900 : i32
      %and3A_1902 = arith.constant 127 : i32
      %and3A_1903 = arith.andi %squeeze3A_1899, %and3A_1902 : i32
      %and3A_1904 = arith.constant 15 : i32
      %and3A_1905 = arith.andi %squeeze3A_1899, %and3A_1904 : i32
      %sub3A_1906 = arith.subi %and3A_1903, %and3A_1905 : i32
      %and3A_1907 = arith.constant 15 : i32
      %and3A_1908 = arith.andi %squeeze3A_1899, %and3A_1907 : i32
      %get3A_1909 = arith.index_cast %shift_right_logical3A_1901 : i32 to index
      %get3A_1910 = arith.index_cast %sub3A_1906 : i32 to index
      %get3A_1911 = tpu.vector_load %arg15[%get3A_1909, %get3A_1910] {strides = array<i32>} : memref<80x128xf32, #tpu.memory_space<vmem>>, vector<1x16xf32>,
      %get3A_1912 = vector.shape_cast %get3A_1911 : vector<1x16xf32> to vector<16xf32>
      %eq3A_1913 = vector.broadcast %and3A_1908 : i32 to vector<16xi32>
      %eq3A_1914 = arith.cmpi eq, %iota3A, %eq3A_1913 : vector<16xi32>
      %jit3A_1915 = arith.constant 1.000000e+00 : f32
      %jit3A_1916 = arith.constant 0.000000e+00 : f32
      %broadcast_in_dim3A_1917 = vector.broadcast %jit3A_1915 : f32 to vector<16xf32>
      %broadcast_in_dim3A_1918 = vector.broadcast %jit3A_1916 : f32 to vector<16xf32>
      %select_n3A_1919 = arith.select %eq3A_1914, %broadcast_in_dim3A_1917, %broadcast_in_dim3A_1918 : vector<16xi1>, vector<16xf32>
      %add3A_1920 = arith.addf %get3A_1912, %select_n3A_1919 : vector<16xf32>
      %swap3A_1921 = arith.index_cast %shift_right_logical3A_1901 : i32 to index
      %swap3A_1922 = arith.index_cast %sub3A_1906 : i32 to index
      %swap3A_1923 = tpu.vector_load %arg15[%swap3A_1921, %swap3A_1922] {strides = array<i32>} : memref<80x128xf32, #tpu.memory_space<vmem>>, vector<1x16xf32>,
      %swap3A_1924 = vector.shape_cast %swap3A_1923 : vector<1x16xf32> to vector<16xf32>
      %swap3A_1925 = vector.shape_cast %add3A_1920 : vector<16xf32> to vector<1x16xf32>
      tpu.vector_store %arg15[%swap3A_1921, %swap3A_1922], %swap3A_1925 {strides = array<i32>} : memref<80x128xf32, #tpu.memory_space<vmem>>, vector<1x16xf32>,
      %get3A_1926 = arith.constant 64 : index
      %get3A_1927 = tpu.vector_load %arg10[%get3A_1926] {strides = array<i32>} : memref<80xi32, #tpu.memory_space<vmem>>, vector<16xi32>,
      %get3A_1928 = vector.shape_cast %get3A_1927 : vector<16xi32> to vector<16xi32>
      %slice3A_1929 = vector.extract_strided_slice %get3A_1928 {offsets = [0], sizes = [1], strides = [1]} : vector<16xi32> to vector<1xi32>
      %squeeze3A_1930 = vector.extract %slice3A_1929[0] : i32 from vector<1xi32>
      %shift_right_logical3A_1931 = arith.constant 7 : i32
      %shift_right_logical3A_1932 = arith.shrui %squeeze3A_1930, %shift_right_logical3A_1931 : i32
      %and3A_1933 = arith.constant 127 : i32
      %and3A_1934 = arith.andi %squeeze3A_1930, %and3A_1933 : i32
      %and3A_1935 = arith.constant 15 : i32
      %and3A_1936 = arith.andi %squeeze3A_1930, %and3A_1935 : i32
      %sub3A_1937 = arith.subi %and3A_1934, %and3A_1936 : i32
      %and3A_1938 = arith.constant 15 : i32
      %and3A_1939 = arith.andi %squeeze3A_1930, %and3A_1938 : i32
      %get3A_1940 = arith.index_cast %shift_right_logical3A_1932 : i32 to index
      %get3A_1941 = arith.index_cast %sub3A_1937 : i32 to index
      %get3A_1942 = tpu.vector_load %arg15[%get3A_1940, %get3A_1941] {strides = array<i32>} : memref<80x128xf32, #tpu.memory_space<vmem>>, vector<1x16xf32>,
      %get3A_1943 = vector.shape_cast %get3A_1942 : vector<1x16xf32> to vector<16xf32>
      %eq3A_1944 = vector.broadcast %and3A_1939 : i32 to vector<16xi32>
      %eq3A_1945 = arith.cmpi eq, %iota3A, %eq3A_1944 : vector<16xi32>
      %jit3A_1946 = arith.constant 1.000000e+00 : f32
      %jit3A_1947 = arith.constant 0.000000e+00 : f32
      %broadcast_in_dim3A_1948 = vector.broadcast %jit3A_1946 : f32 to vector<16xf32>
      %broadcast_in_dim3A_1949 = vector.broadcast %jit3A_1947 : f32 to vector<16xf32>
      %select_n3A_1950 = arith.select %eq3A_1945, %broadcast_in_dim3A_1948, %broadcast_in_dim3A_1949 : vector<16xi1>, vector<16xf32>
      %add3A_1951 = arith.addf %get3A_1943, %select_n3A_1950 : vector<16xf32>
      %swap3A_1952 = arith.index_cast %shift_right_logical3A_1932 : i32 to index
      %swap3A_1953 = arith.index_cast %sub3A_1937 : i32 to index
      %swap3A_1954 = tpu.vector_load %arg15[%swap3A_1952, %swap3A_1953] {strides = array<i32>} : memref<80x128xf32, #tpu.memory_space<vmem>>, vector<1x16xf32>,
      %swap3A_1955 = vector.shape_cast %swap3A_1954 : vector<1x16xf32> to vector<16xf32>
      %swap3A_1956 = vector.shape_cast %add3A_1951 : vector<16xf32> to vector<1x16xf32>
      tpu.vector_store %arg15[%swap3A_1952, %swap3A_1953], %swap3A_1956 {strides = array<i32>} : memref<80x128xf32, #tpu.memory_space<vmem>>, vector<1x16xf32>,
      %slice3A_1957 = vector.extract_strided_slice %get3A_1928 {offsets = [1], sizes = [1], strides = [1]} : vector<16xi32> to vector<1xi32>
      %squeeze3A_1958 = vector.extract %slice3A_1957[0] : i32 from vector<1xi32>
      %shift_right_logical3A_1959 = arith.constant 7 : i32
      %shift_right_logical3A_1960 = arith.shrui %squeeze3A_1958, %shift_right_logical3A_1959 : i32
      %and3A_1961 = arith.constant 127 : i32
      %and3A_1962 = arith.andi %squeeze3A_1958, %and3A_1961 : i32
      %and3A_1963 = arith.constant 15 : i32
      %and3A_1964 = arith.andi %squeeze3A_1958, %and3A_1963 : i32
      %sub3A_1965 = arith.subi %and3A_1962, %and3A_1964 : i32
      %and3A_1966 = arith.constant 15 : i32
      %and3A_1967 = arith.andi %squeeze3A_1958, %and3A_1966 : i32
      %get3A_1968 = arith.index_cast %shift_right_logical3A_1960 : i32 to index
      %get3A_1969 = arith.index_cast %sub3A_1965 : i32 to index
      %get3A_1970 = tpu.vector_load %arg15[%get3A_1968, %get3A_1969] {strides = array<i32>} : memref<80x128xf32, #tpu.memory_space<vmem>>, vector<1x16xf32>,
      %get3A_1971 = vector.shape_cast %get3A_1970 : vector<1x16xf32> to vector<16xf32>
      %eq3A_1972 = vector.broadcast %and3A_1967 : i32 to vector<16xi32>
      %eq3A_1973 = arith.cmpi eq, %iota3A, %eq3A_1972 : vector<16xi32>
      %jit3A_1974 = arith.constant 1.000000e+00 : f32
      %jit3A_1975 = arith.constant 0.000000e+00 : f32
      %broadcast_in_dim3A_1976 = vector.broadcast %jit3A_1974 : f32 to vector<16xf32>
      %broadcast_in_dim3A_1977 = vector.broadcast %jit3A_1975 : f32 to vector<16xf32>
      %select_n3A_1978 = arith.select %eq3A_1973, %broadcast_in_dim3A_1976, %broadcast_in_dim3A_1977 : vector<16xi1>, vector<16xf32>
      %add3A_1979 = arith.addf %get3A_1971, %select_n3A_1978 : vector<16xf32>
      %swap3A_1980 = arith.index_cast %shift_right_logical3A_1960 : i32 to index
      %swap3A_1981 = arith.index_cast %sub3A_1965 : i32 to index
      %swap3A_1982 = tpu.vector_load %arg15[%swap3A_1980, %swap3A_1981] {strides = array<i32>} : memref<80x128xf32, #tpu.memory_space<vmem>>, vector<1x16xf32>,
      %swap3A_1983 = vector.shape_cast %swap3A_1982 : vector<1x16xf32> to vector<16xf32>
      %swap3A_1984 = vector.shape_cast %add3A_1979 : vector<16xf32> to vector<1x16xf32>
      tpu.vector_store %arg15[%swap3A_1980, %swap3A_1981], %swap3A_1984 {strides = array<i32>} : memref<80x128xf32, #tpu.memory_space<vmem>>, vector<1x16xf32>,
      %slice3A_1985 = vector.extract_strided_slice %get3A_1928 {offsets = [2], sizes = [1], strides = [1]} : vector<16xi32> to vector<1xi32>
      %squeeze3A_1986 = vector.extract %slice3A_1985[0] : i32 from vector<1xi32>
      %shift_right_logical3A_1987 = arith.constant 7 : i32
      %shift_right_logical3A_1988 = arith.shrui %squeeze3A_1986, %shift_right_logical3A_1987 : i32
      %and3A_1989 = arith.constant 127 : i32
      %and3A_1990 = arith.andi %squeeze3A_1986, %and3A_1989 : i32
      %and3A_1991 = arith.constant 15 : i32
      %and3A_1992 = arith.andi %squeeze3A_1986, %and3A_1991 : i32
      %sub3A_1993 = arith.subi %and3A_1990, %and3A_1992 : i32
      %and3A_1994 = arith.constant 15 : i32
      %and3A_1995 = arith.andi %squeeze3A_1986, %and3A_1994 : i32
      %get3A_1996 = arith.index_cast %shift_right_logical3A_1988 : i32 to index
      %get3A_1997 = arith.index_cast %sub3A_1993 : i32 to index
      %get3A_1998 = tpu.vector_load %arg15[%get3A_1996, %get3A_1997] {strides = array<i32>} : memref<80x128xf32, #tpu.memory_space<vmem>>, vector<1x16xf32>,
      %get3A_1999 = vector.shape_cast %get3A_1998 : vector<1x16xf32> to vector<16xf32>
      %eq3A_2000 = vector.broadcast %and3A_1995 : i32 to vector<16xi32>
      %eq3A_2001 = arith.cmpi eq, %iota3A, %eq3A_2000 : vector<16xi32>
      %jit3A_2002 = arith.constant 1.000000e+00 : f32
      %jit3A_2003 = arith.constant 0.000000e+00 : f32
      %broadcast_in_dim3A_2004 = vector.broadcast %jit3A_2002 : f32 to vector<16xf32>
      %broadcast_in_dim3A_2005 = vector.broadcast %jit3A_2003 : f32 to vector<16xf32>
      %select_n3A_2006 = arith.select %eq3A_2001, %broadcast_in_dim3A_2004, %broadcast_in_dim3A_2005 : vector<16xi1>, vector<16xf32>
      %add3A_2007 = arith.addf %get3A_1999, %select_n3A_2006 : vector<16xf32>
      %swap3A_2008 = arith.index_cast %shift_right_logical3A_1988 : i32 to index
      %swap3A_2009 = arith.index_cast %sub3A_1993 : i32 to index
      %swap3A_2010 = tpu.vector_load %arg15[%swap3A_2008, %swap3A_2009] {strides = array<i32>} : memref<80x128xf32, #tpu.memory_space<vmem>>, vector<1x16xf32>,
      %swap3A_2011 = vector.shape_cast %swap3A_2010 : vector<1x16xf32> to vector<16xf32>
      %swap3A_2012 = vector.shape_cast %add3A_2007 : vector<16xf32> to vector<1x16xf32>
      tpu.vector_store %arg15[%swap3A_2008, %swap3A_2009], %swap3A_2012 {strides = array<i32>} : memref<80x128xf32, #tpu.memory_space<vmem>>, vector<1x16xf32>,
      %slice3A_2013 = vector.extract_strided_slice %get3A_1928 {offsets = [3], sizes = [1], strides = [1]} : vector<16xi32> to vector<1xi32>
      %squeeze3A_2014 = vector.extract %slice3A_2013[0] : i32 from vector<1xi32>
      %shift_right_logical3A_2015 = arith.constant 7 : i32
      %shift_right_logical3A_2016 = arith.shrui %squeeze3A_2014, %shift_right_logical3A_2015 : i32
      %and3A_2017 = arith.constant 127 : i32
      %and3A_2018 = arith.andi %squeeze3A_2014, %and3A_2017 : i32
      %and3A_2019 = arith.constant 15 : i32
      %and3A_2020 = arith.andi %squeeze3A_2014, %and3A_2019 : i32
      %sub3A_2021 = arith.subi %and3A_2018, %and3A_2020 : i32
      %and3A_2022 = arith.constant 15 : i32
      %and3A_2023 = arith.andi %squeeze3A_2014, %and3A_2022 : i32
      %get3A_2024 = arith.index_cast %shift_right_logical3A_2016 : i32 to index
      %get3A_2025 = arith.index_cast %sub3A_2021 : i32 to index
      %get3A_2026 = tpu.vector_load %arg15[%get3A_2024, %get3A_2025] {strides = array<i32>} : memref<80x128xf32, #tpu.memory_space<vmem>>, vector<1x16xf32>,
      %get3A_2027 = vector.shape_cast %get3A_2026 : vector<1x16xf32> to vector<16xf32>
      %eq3A_2028 = vector.broadcast %and3A_2023 : i32 to vector<16xi32>
      %eq3A_2029 = arith.cmpi eq, %iota3A, %eq3A_2028 : vector<16xi32>
      %jit3A_2030 = arith.constant 1.000000e+00 : f32
      %jit3A_2031 = arith.constant 0.000000e+00 : f32
      %broadcast_in_dim3A_2032 = vector.broadcast %jit3A_2030 : f32 to vector<16xf32>
      %broadcast_in_dim3A_2033 = vector.broadcast %jit3A_2031 : f32 to vector<16xf32>
      %select_n3A_2034 = arith.select %eq3A_2029, %broadcast_in_dim3A_2032, %broadcast_in_dim3A_2033 : vector<16xi1>, vector<16xf32>
      %add3A_2035 = arith.addf %get3A_2027, %select_n3A_2034 : vector<16xf32>
      %swap3A_2036 = arith.index_cast %shift_right_logical3A_2016 : i32 to index
      %swap3A_2037 = arith.index_cast %sub3A_2021 : i32 to index
      %swap3A_2038 = tpu.vector_load %arg15[%swap3A_2036, %swap3A_2037] {strides = array<i32>} : memref<80x128xf32, #tpu.memory_space<vmem>>, vector<1x16xf32>,
      %swap3A_2039 = vector.shape_cast %swap3A_2038 : vector<1x16xf32> to vector<16xf32>
      %swap3A_2040 = vector.shape_cast %add3A_2035 : vector<16xf32> to vector<1x16xf32>
      tpu.vector_store %arg15[%swap3A_2036, %swap3A_2037], %swap3A_2040 {strides = array<i32>} : memref<80x128xf32, #tpu.memory_space<vmem>>, vector<1x16xf32>,
      %slice3A_2041 = vector.extract_strided_slice %get3A_1928 {offsets = [4], sizes = [1], strides = [1]} : vector<16xi32> to vector<1xi32>
      %squeeze3A_2042 = vector.extract %slice3A_2041[0] : i32 from vector<1xi32>
      %shift_right_logical3A_2043 = arith.constant 7 : i32
      %shift_right_logical3A_2044 = arith.shrui %squeeze3A_2042, %shift_right_logical3A_2043 : i32
      %and3A_2045 = arith.constant 127 : i32
      %and3A_2046 = arith.andi %squeeze3A_2042, %and3A_2045 : i32
      %and3A_2047 = arith.constant 15 : i32
      %and3A_2048 = arith.andi %squeeze3A_2042, %and3A_2047 : i32
      %sub3A_2049 = arith.subi %and3A_2046, %and3A_2048 : i32
      %and3A_2050 = arith.constant 15 : i32
      %and3A_2051 = arith.andi %squeeze3A_2042, %and3A_2050 : i32
      %get3A_2052 = arith.index_cast %shift_right_logical3A_2044 : i32 to index
      %get3A_2053 = arith.index_cast %sub3A_2049 : i32 to index
      %get3A_2054 = tpu.vector_load %arg15[%get3A_2052, %get3A_2053] {strides = array<i32>} : memref<80x128xf32, #tpu.memory_space<vmem>>, vector<1x16xf32>,
      %get3A_2055 = vector.shape_cast %get3A_2054 : vector<1x16xf32> to vector<16xf32>
      %eq3A_2056 = vector.broadcast %and3A_2051 : i32 to vector<16xi32>
      %eq3A_2057 = arith.cmpi eq, %iota3A, %eq3A_2056 : vector<16xi32>
      %jit3A_2058 = arith.constant 1.000000e+00 : f32
      %jit3A_2059 = arith.constant 0.000000e+00 : f32
      %broadcast_in_dim3A_2060 = vector.broadcast %jit3A_2058 : f32 to vector<16xf32>
      %broadcast_in_dim3A_2061 = vector.broadcast %jit3A_2059 : f32 to vector<16xf32>
      %select_n3A_2062 = arith.select %eq3A_2057, %broadcast_in_dim3A_2060, %broadcast_in_dim3A_2061 : vector<16xi1>, vector<16xf32>
      %add3A_2063 = arith.addf %get3A_2055, %select_n3A_2062 : vector<16xf32>
      %swap3A_2064 = arith.index_cast %shift_right_logical3A_2044 : i32 to index
      %swap3A_2065 = arith.index_cast %sub3A_2049 : i32 to index
      %swap3A_2066 = tpu.vector_load %arg15[%swap3A_2064, %swap3A_2065] {strides = array<i32>} : memref<80x128xf32, #tpu.memory_space<vmem>>, vector<1x16xf32>,
      %swap3A_2067 = vector.shape_cast %swap3A_2066 : vector<1x16xf32> to vector<16xf32>
      %swap3A_2068 = vector.shape_cast %add3A_2063 : vector<16xf32> to vector<1x16xf32>
      tpu.vector_store %arg15[%swap3A_2064, %swap3A_2065], %swap3A_2068 {strides = array<i32>} : memref<80x128xf32, #tpu.memory_space<vmem>>, vector<1x16xf32>,
      %slice3A_2069 = vector.extract_strided_slice %get3A_1928 {offsets = [5], sizes = [1], strides = [1]} : vector<16xi32> to vector<1xi32>
      %squeeze3A_2070 = vector.extract %slice3A_2069[0] : i32 from vector<1xi32>
      %shift_right_logical3A_2071 = arith.constant 7 : i32
      %shift_right_logical3A_2072 = arith.shrui %squeeze3A_2070, %shift_right_logical3A_2071 : i32
      %and3A_2073 = arith.constant 127 : i32
      %and3A_2074 = arith.andi %squeeze3A_2070, %and3A_2073 : i32
      %and3A_2075 = arith.constant 15 : i32
      %and3A_2076 = arith.andi %squeeze3A_2070, %and3A_2075 : i32
      %sub3A_2077 = arith.subi %and3A_2074, %and3A_2076 : i32
      %and3A_2078 = arith.constant 15 : i32
      %and3A_2079 = arith.andi %squeeze3A_2070, %and3A_2078 : i32
      %get3A_2080 = arith.index_cast %shift_right_logical3A_2072 : i32 to index
      %get3A_2081 = arith.index_cast %sub3A_2077 : i32 to index
      %get3A_2082 = tpu.vector_load %arg15[%get3A_2080, %get3A_2081] {strides = array<i32>} : memref<80x128xf32, #tpu.memory_space<vmem>>, vector<1x16xf32>,
      %get3A_2083 = vector.shape_cast %get3A_2082 : vector<1x16xf32> to vector<16xf32>
      %eq3A_2084 = vector.broadcast %and3A_2079 : i32 to vector<16xi32>
      %eq3A_2085 = arith.cmpi eq, %iota3A, %eq3A_2084 : vector<16xi32>
      %jit3A_2086 = arith.constant 1.000000e+00 : f32
      %jit3A_2087 = arith.constant 0.000000e+00 : f32
      %broadcast_in_dim3A_2088 = vector.broadcast %jit3A_2086 : f32 to vector<16xf32>
      %broadcast_in_dim3A_2089 = vector.broadcast %jit3A_2087 : f32 to vector<16xf32>
      %select_n3A_2090 = arith.select %eq3A_2085, %broadcast_in_dim3A_2088, %broadcast_in_dim3A_2089 : vector<16xi1>, vector<16xf32>
      %add3A_2091 = arith.addf %get3A_2083, %select_n3A_2090 : vector<16xf32>
      %swap3A_2092 = arith.index_cast %shift_right_logical3A_2072 : i32 to index
      %swap3A_2093 = arith.index_cast %sub3A_2077 : i32 to index
      %swap3A_2094 = tpu.vector_load %arg15[%swap3A_2092, %swap3A_2093] {strides = array<i32>} : memref<80x128xf32, #tpu.memory_space<vmem>>, vector<1x16xf32>,
      %swap3A_2095 = vector.shape_cast %swap3A_2094 : vector<1x16xf32> to vector<16xf32>
      %swap3A_2096 = vector.shape_cast %add3A_2091 : vector<16xf32> to vector<1x16xf32>
      tpu.vector_store %arg15[%swap3A_2092, %swap3A_2093], %swap3A_2096 {strides = array<i32>} : memref<80x128xf32, #tpu.memory_space<vmem>>, vector<1x16xf32>,
      %slice3A_2097 = vector.extract_strided_slice %get3A_1928 {offsets = [6], sizes = [1], strides = [1]} : vector<16xi32> to vector<1xi32>
      %squeeze3A_2098 = vector.extract %slice3A_2097[0] : i32 from vector<1xi32>
      %shift_right_logical3A_2099 = arith.constant 7 : i32
      %shift_right_logical3A_2100 = arith.shrui %squeeze3A_2098, %shift_right_logical3A_2099 : i32
      %and3A_2101 = arith.constant 127 : i32
      %and3A_2102 = arith.andi %squeeze3A_2098, %and3A_2101 : i32
      %and3A_2103 = arith.constant 15 : i32
      %and3A_2104 = arith.andi %squeeze3A_2098, %and3A_2103 : i32
      %sub3A_2105 = arith.subi %and3A_2102, %and3A_2104 : i32
      %and3A_2106 = arith.constant 15 : i32
      %and3A_2107 = arith.andi %squeeze3A_2098, %and3A_2106 : i32
      %get3A_2108 = arith.index_cast %shift_right_logical3A_2100 : i32 to index
      %get3A_2109 = arith.index_cast %sub3A_2105 : i32 to index
      %get3A_2110 = tpu.vector_load %arg15[%get3A_2108, %get3A_2109] {strides = array<i32>} : memref<80x128xf32, #tpu.memory_space<vmem>>, vector<1x16xf32>,
      %get3A_2111 = vector.shape_cast %get3A_2110 : vector<1x16xf32> to vector<16xf32>
      %eq3A_2112 = vector.broadcast %and3A_2107 : i32 to vector<16xi32>
      %eq3A_2113 = arith.cmpi eq, %iota3A, %eq3A_2112 : vector<16xi32>
      %jit3A_2114 = arith.constant 1.000000e+00 : f32
      %jit3A_2115 = arith.constant 0.000000e+00 : f32
      %broadcast_in_dim3A_2116 = vector.broadcast %jit3A_2114 : f32 to vector<16xf32>
      %broadcast_in_dim3A_2117 = vector.broadcast %jit3A_2115 : f32 to vector<16xf32>
      %select_n3A_2118 = arith.select %eq3A_2113, %broadcast_in_dim3A_2116, %broadcast_in_dim3A_2117 : vector<16xi1>, vector<16xf32>
      %add3A_2119 = arith.addf %get3A_2111, %select_n3A_2118 : vector<16xf32>
      %swap3A_2120 = arith.index_cast %shift_right_logical3A_2100 : i32 to index
      %swap3A_2121 = arith.index_cast %sub3A_2105 : i32 to index
      %swap3A_2122 = tpu.vector_load %arg15[%swap3A_2120, %swap3A_2121] {strides = array<i32>} : memref<80x128xf32, #tpu.memory_space<vmem>>, vector<1x16xf32>,
      %swap3A_2123 = vector.shape_cast %swap3A_2122 : vector<1x16xf32> to vector<16xf32>
      %swap3A_2124 = vector.shape_cast %add3A_2119 : vector<16xf32> to vector<1x16xf32>
      tpu.vector_store %arg15[%swap3A_2120, %swap3A_2121], %swap3A_2124 {strides = array<i32>} : memref<80x128xf32, #tpu.memory_space<vmem>>, vector<1x16xf32>,
      %slice3A_2125 = vector.extract_strided_slice %get3A_1928 {offsets = [7], sizes = [1], strides = [1]} : vector<16xi32> to vector<1xi32>
      %squeeze3A_2126 = vector.extract %slice3A_2125[0] : i32 from vector<1xi32>
      %shift_right_logical3A_2127 = arith.constant 7 : i32
      %shift_right_logical3A_2128 = arith.shrui %squeeze3A_2126, %shift_right_logical3A_2127 : i32
      %and3A_2129 = arith.constant 127 : i32
      %and3A_2130 = arith.andi %squeeze3A_2126, %and3A_2129 : i32
      %and3A_2131 = arith.constant 15 : i32
      %and3A_2132 = arith.andi %squeeze3A_2126, %and3A_2131 : i32
      %sub3A_2133 = arith.subi %and3A_2130, %and3A_2132 : i32
      %and3A_2134 = arith.constant 15 : i32
      %and3A_2135 = arith.andi %squeeze3A_2126, %and3A_2134 : i32
      %get3A_2136 = arith.index_cast %shift_right_logical3A_2128 : i32 to index
      %get3A_2137 = arith.index_cast %sub3A_2133 : i32 to index
      %get3A_2138 = tpu.vector_load %arg15[%get3A_2136, %get3A_2137] {strides = array<i32>} : memref<80x128xf32, #tpu.memory_space<vmem>>, vector<1x16xf32>,
      %get3A_2139 = vector.shape_cast %get3A_2138 : vector<1x16xf32> to vector<16xf32>
      %eq3A_2140 = vector.broadcast %and3A_2135 : i32 to vector<16xi32>
      %eq3A_2141 = arith.cmpi eq, %iota3A, %eq3A_2140 : vector<16xi32>
      %jit3A_2142 = arith.constant 1.000000e+00 : f32
      %jit3A_2143 = arith.constant 0.000000e+00 : f32
      %broadcast_in_dim3A_2144 = vector.broadcast %jit3A_2142 : f32 to vector<16xf32>
      %broadcast_in_dim3A_2145 = vector.broadcast %jit3A_2143 : f32 to vector<16xf32>
      %select_n3A_2146 = arith.select %eq3A_2141, %broadcast_in_dim3A_2144, %broadcast_in_dim3A_2145 : vector<16xi1>, vector<16xf32>
      %add3A_2147 = arith.addf %get3A_2139, %select_n3A_2146 : vector<16xf32>
      %swap3A_2148 = arith.index_cast %shift_right_logical3A_2128 : i32 to index
      %swap3A_2149 = arith.index_cast %sub3A_2133 : i32 to index
      %swap3A_2150 = tpu.vector_load %arg15[%swap3A_2148, %swap3A_2149] {strides = array<i32>} : memref<80x128xf32, #tpu.memory_space<vmem>>, vector<1x16xf32>,
      %swap3A_2151 = vector.shape_cast %swap3A_2150 : vector<1x16xf32> to vector<16xf32>
      %swap3A_2152 = vector.shape_cast %add3A_2147 : vector<16xf32> to vector<1x16xf32>
      tpu.vector_store %arg15[%swap3A_2148, %swap3A_2149], %swap3A_2152 {strides = array<i32>} : memref<80x128xf32, #tpu.memory_space<vmem>>, vector<1x16xf32>,
      %slice3A_2153 = vector.extract_strided_slice %get3A_1928 {offsets = [8], sizes = [1], strides = [1]} : vector<16xi32> to vector<1xi32>
      %squeeze3A_2154 = vector.extract %slice3A_2153[0] : i32 from vector<1xi32>
      %shift_right_logical3A_2155 = arith.constant 7 : i32
      %shift_right_logical3A_2156 = arith.shrui %squeeze3A_2154, %shift_right_logical3A_2155 : i32
      %and3A_2157 = arith.constant 127 : i32
      %and3A_2158 = arith.andi %squeeze3A_2154, %and3A_2157 : i32
      %and3A_2159 = arith.constant 15 : i32
      %and3A_2160 = arith.andi %squeeze3A_2154, %and3A_2159 : i32
      %sub3A_2161 = arith.subi %and3A_2158, %and3A_2160 : i32
      %and3A_2162 = arith.constant 15 : i32
      %and3A_2163 = arith.andi %squeeze3A_2154, %and3A_2162 : i32
      %get3A_2164 = arith.index_cast %shift_right_logical3A_2156 : i32 to index
      %get3A_2165 = arith.index_cast %sub3A_2161 : i32 to index
      %get3A_2166 = tpu.vector_load %arg15[%get3A_2164, %get3A_2165] {strides = array<i32>} : memref<80x128xf32, #tpu.memory_space<vmem>>, vector<1x16xf32>,
      %get3A_2167 = vector.shape_cast %get3A_2166 : vector<1x16xf32> to vector<16xf32>
      %eq3A_2168 = vector.broadcast %and3A_2163 : i32 to vector<16xi32>
      %eq3A_2169 = arith.cmpi eq, %iota3A, %eq3A_2168 : vector<16xi32>
      %jit3A_2170 = arith.constant 1.000000e+00 : f32
      %jit3A_2171 = arith.constant 0.000000e+00 : f32
      %broadcast_in_dim3A_2172 = vector.broadcast %jit3A_2170 : f32 to vector<16xf32>
      %broadcast_in_dim3A_2173 = vector.broadcast %jit3A_2171 : f32 to vector<16xf32>
      %select_n3A_2174 = arith.select %eq3A_2169, %broadcast_in_dim3A_2172, %broadcast_in_dim3A_2173 : vector<16xi1>, vector<16xf32>
      %add3A_2175 = arith.addf %get3A_2167, %select_n3A_2174 : vector<16xf32>
      %swap3A_2176 = arith.index_cast %shift_right_logical3A_2156 : i32 to index
      %swap3A_2177 = arith.index_cast %sub3A_2161 : i32 to index
      %swap3A_2178 = tpu.vector_load %arg15[%swap3A_2176, %swap3A_2177] {strides = array<i32>} : memref<80x128xf32, #tpu.memory_space<vmem>>, vector<1x16xf32>,
      %swap3A_2179 = vector.shape_cast %swap3A_2178 : vector<1x16xf32> to vector<16xf32>
      %swap3A_2180 = vector.shape_cast %add3A_2175 : vector<16xf32> to vector<1x16xf32>
      tpu.vector_store %arg15[%swap3A_2176, %swap3A_2177], %swap3A_2180 {strides = array<i32>} : memref<80x128xf32, #tpu.memory_space<vmem>>, vector<1x16xf32>,
      %slice3A_2181 = vector.extract_strided_slice %get3A_1928 {offsets = [9], sizes = [1], strides = [1]} : vector<16xi32> to vector<1xi32>
      %squeeze3A_2182 = vector.extract %slice3A_2181[0] : i32 from vector<1xi32>
      %shift_right_logical3A_2183 = arith.constant 7 : i32
      %shift_right_logical3A_2184 = arith.shrui %squeeze3A_2182, %shift_right_logical3A_2183 : i32
      %and3A_2185 = arith.constant 127 : i32
      %and3A_2186 = arith.andi %squeeze3A_2182, %and3A_2185 : i32
      %and3A_2187 = arith.constant 15 : i32
      %and3A_2188 = arith.andi %squeeze3A_2182, %and3A_2187 : i32
      %sub3A_2189 = arith.subi %and3A_2186, %and3A_2188 : i32
      %and3A_2190 = arith.constant 15 : i32
      %and3A_2191 = arith.andi %squeeze3A_2182, %and3A_2190 : i32
      %get3A_2192 = arith.index_cast %shift_right_logical3A_2184 : i32 to index
      %get3A_2193 = arith.index_cast %sub3A_2189 : i32 to index
      %get3A_2194 = tpu.vector_load %arg15[%get3A_2192, %get3A_2193] {strides = array<i32>} : memref<80x128xf32, #tpu.memory_space<vmem>>, vector<1x16xf32>,
      %get3A_2195 = vector.shape_cast %get3A_2194 : vector<1x16xf32> to vector<16xf32>
      %eq3A_2196 = vector.broadcast %and3A_2191 : i32 to vector<16xi32>
      %eq3A_2197 = arith.cmpi eq, %iota3A, %eq3A_2196 : vector<16xi32>
      %jit3A_2198 = arith.constant 1.000000e+00 : f32
      %jit3A_2199 = arith.constant 0.000000e+00 : f32
      %broadcast_in_dim3A_2200 = vector.broadcast %jit3A_2198 : f32 to vector<16xf32>
      %broadcast_in_dim3A_2201 = vector.broadcast %jit3A_2199 : f32 to vector<16xf32>
      %select_n3A_2202 = arith.select %eq3A_2197, %broadcast_in_dim3A_2200, %broadcast_in_dim3A_2201 : vector<16xi1>, vector<16xf32>
      %add3A_2203 = arith.addf %get3A_2195, %select_n3A_2202 : vector<16xf32>
      %swap3A_2204 = arith.index_cast %shift_right_logical3A_2184 : i32 to index
      %swap3A_2205 = arith.index_cast %sub3A_2189 : i32 to index
      %swap3A_2206 = tpu.vector_load %arg15[%swap3A_2204, %swap3A_2205] {strides = array<i32>} : memref<80x128xf32, #tpu.memory_space<vmem>>, vector<1x16xf32>,
      %swap3A_2207 = vector.shape_cast %swap3A_2206 : vector<1x16xf32> to vector<16xf32>
      %swap3A_2208 = vector.shape_cast %add3A_2203 : vector<16xf32> to vector<1x16xf32>
      tpu.vector_store %arg15[%swap3A_2204, %swap3A_2205], %swap3A_2208 {strides = array<i32>} : memref<80x128xf32, #tpu.memory_space<vmem>>, vector<1x16xf32>,
      %slice3A_2209 = vector.extract_strided_slice %get3A_1928 {offsets = [10], sizes = [1], strides = [1]} : vector<16xi32> to vector<1xi32>
      %squeeze3A_2210 = vector.extract %slice3A_2209[0] : i32 from vector<1xi32>
      %shift_right_logical3A_2211 = arith.constant 7 : i32
      %shift_right_logical3A_2212 = arith.shrui %squeeze3A_2210, %shift_right_logical3A_2211 : i32
      %and3A_2213 = arith.constant 127 : i32
      %and3A_2214 = arith.andi %squeeze3A_2210, %and3A_2213 : i32
      %and3A_2215 = arith.constant 15 : i32
      %and3A_2216 = arith.andi %squeeze3A_2210, %and3A_2215 : i32
      %sub3A_2217 = arith.subi %and3A_2214, %and3A_2216 : i32
      %and3A_2218 = arith.constant 15 : i32
      %and3A_2219 = arith.andi %squeeze3A_2210, %and3A_2218 : i32
      %get3A_2220 = arith.index_cast %shift_right_logical3A_2212 : i32 to index
      %get3A_2221 = arith.index_cast %sub3A_2217 : i32 to index
      %get3A_2222 = tpu.vector_load %arg15[%get3A_2220, %get3A_2221] {strides = array<i32>} : memref<80x128xf32, #tpu.memory_space<vmem>>, vector<1x16xf32>,
      %get3A_2223 = vector.shape_cast %get3A_2222 : vector<1x16xf32> to vector<16xf32>
      %eq3A_2224 = vector.broadcast %and3A_2219 : i32 to vector<16xi32>
      %eq3A_2225 = arith.cmpi eq, %iota3A, %eq3A_2224 : vector<16xi32>
      %jit3A_2226 = arith.constant 1.000000e+00 : f32
      %jit3A_2227 = arith.constant 0.000000e+00 : f32
      %broadcast_in_dim3A_2228 = vector.broadcast %jit3A_2226 : f32 to vector<16xf32>
      %broadcast_in_dim3A_2229 = vector.broadcast %jit3A_2227 : f32 to vector<16xf32>
      %select_n3A_2230 = arith.select %eq3A_2225, %broadcast_in_dim3A_2228, %broadcast_in_dim3A_2229 : vector<16xi1>, vector<16xf32>
      %add3A_2231 = arith.addf %get3A_2223, %select_n3A_2230 : vector<16xf32>
      %swap3A_2232 = arith.index_cast %shift_right_logical3A_2212 : i32 to index
      %swap3A_2233 = arith.index_cast %sub3A_2217 : i32 to index
      %swap3A_2234 = tpu.vector_load %arg15[%swap3A_2232, %swap3A_2233] {strides = array<i32>} : memref<80x128xf32, #tpu.memory_space<vmem>>, vector<1x16xf32>,
      %swap3A_2235 = vector.shape_cast %swap3A_2234 : vector<1x16xf32> to vector<16xf32>
      %swap3A_2236 = vector.shape_cast %add3A_2231 : vector<16xf32> to vector<1x16xf32>
      tpu.vector_store %arg15[%swap3A_2232, %swap3A_2233], %swap3A_2236 {strides = array<i32>} : memref<80x128xf32, #tpu.memory_space<vmem>>, vector<1x16xf32>,
      %slice3A_2237 = vector.extract_strided_slice %get3A_1928 {offsets = [11], sizes = [1], strides = [1]} : vector<16xi32> to vector<1xi32>
      %squeeze3A_2238 = vector.extract %slice3A_2237[0] : i32 from vector<1xi32>
      %shift_right_logical3A_2239 = arith.constant 7 : i32
      %shift_right_logical3A_2240 = arith.shrui %squeeze3A_2238, %shift_right_logical3A_2239 : i32
      %and3A_2241 = arith.constant 127 : i32
      %and3A_2242 = arith.andi %squeeze3A_2238, %and3A_2241 : i32
      %and3A_2243 = arith.constant 15 : i32
      %and3A_2244 = arith.andi %squeeze3A_2238, %and3A_2243 : i32
      %sub3A_2245 = arith.subi %and3A_2242, %and3A_2244 : i32
      %and3A_2246 = arith.constant 15 : i32
      %and3A_2247 = arith.andi %squeeze3A_2238, %and3A_2246 : i32
      %get3A_2248 = arith.index_cast %shift_right_logical3A_2240 : i32 to index
      %get3A_2249 = arith.index_cast %sub3A_2245 : i32 to index
      %get3A_2250 = tpu.vector_load %arg15[%get3A_2248, %get3A_2249] {strides = array<i32>} : memref<80x128xf32, #tpu.memory_space<vmem>>, vector<1x16xf32>,
      %get3A_2251 = vector.shape_cast %get3A_2250 : vector<1x16xf32> to vector<16xf32>
      %eq3A_2252 = vector.broadcast %and3A_2247 : i32 to vector<16xi32>
      %eq3A_2253 = arith.cmpi eq, %iota3A, %eq3A_2252 : vector<16xi32>
      %jit3A_2254 = arith.constant 1.000000e+00 : f32
      %jit3A_2255 = arith.constant 0.000000e+00 : f32
      %broadcast_in_dim3A_2256 = vector.broadcast %jit3A_2254 : f32 to vector<16xf32>
      %broadcast_in_dim3A_2257 = vector.broadcast %jit3A_2255 : f32 to vector<16xf32>
      %select_n3A_2258 = arith.select %eq3A_2253, %broadcast_in_dim3A_2256, %broadcast_in_dim3A_2257 : vector<16xi1>, vector<16xf32>
      %add3A_2259 = arith.addf %get3A_2251, %select_n3A_2258 : vector<16xf32>
      %swap3A_2260 = arith.index_cast %shift_right_logical3A_2240 : i32 to index
      %swap3A_2261 = arith.index_cast %sub3A_2245 : i32 to index
      %swap3A_2262 = tpu.vector_load %arg15[%swap3A_2260, %swap3A_2261] {strides = array<i32>} : memref<80x128xf32, #tpu.memory_space<vmem>>, vector<1x16xf32>,
      %swap3A_2263 = vector.shape_cast %swap3A_2262 : vector<1x16xf32> to vector<16xf32>
      %swap3A_2264 = vector.shape_cast %add3A_2259 : vector<16xf32> to vector<1x16xf32>
      tpu.vector_store %arg15[%swap3A_2260, %swap3A_2261], %swap3A_2264 {strides = array<i32>} : memref<80x128xf32, #tpu.memory_space<vmem>>, vector<1x16xf32>,
      %slice3A_2265 = vector.extract_strided_slice %get3A_1928 {offsets = [12], sizes = [1], strides = [1]} : vector<16xi32> to vector<1xi32>
      %squeeze3A_2266 = vector.extract %slice3A_2265[0] : i32 from vector<1xi32>
      %shift_right_logical3A_2267 = arith.constant 7 : i32
      %shift_right_logical3A_2268 = arith.shrui %squeeze3A_2266, %shift_right_logical3A_2267 : i32
      %and3A_2269 = arith.constant 127 : i32
      %and3A_2270 = arith.andi %squeeze3A_2266, %and3A_2269 : i32
      %and3A_2271 = arith.constant 15 : i32
      %and3A_2272 = arith.andi %squeeze3A_2266, %and3A_2271 : i32
      %sub3A_2273 = arith.subi %and3A_2270, %and3A_2272 : i32
      %and3A_2274 = arith.constant 15 : i32
      %and3A_2275 = arith.andi %squeeze3A_2266, %and3A_2274 : i32
      %get3A_2276 = arith.index_cast %shift_right_logical3A_2268 : i32 to index
      %get3A_2277 = arith.index_cast %sub3A_2273 : i32 to index
      %get3A_2278 = tpu.vector_load %arg15[%get3A_2276, %get3A_2277] {strides = array<i32>} : memref<80x128xf32, #tpu.memory_space<vmem>>, vector<1x16xf32>,
      %get3A_2279 = vector.shape_cast %get3A_2278 : vector<1x16xf32> to vector<16xf32>
      %eq3A_2280 = vector.broadcast %and3A_2275 : i32 to vector<16xi32>
      %eq3A_2281 = arith.cmpi eq, %iota3A, %eq3A_2280 : vector<16xi32>
      %jit3A_2282 = arith.constant 1.000000e+00 : f32
      %jit3A_2283 = arith.constant 0.000000e+00 : f32
      %broadcast_in_dim3A_2284 = vector.broadcast %jit3A_2282 : f32 to vector<16xf32>
      %broadcast_in_dim3A_2285 = vector.broadcast %jit3A_2283 : f32 to vector<16xf32>
      %select_n3A_2286 = arith.select %eq3A_2281, %broadcast_in_dim3A_2284, %broadcast_in_dim3A_2285 : vector<16xi1>, vector<16xf32>
      %add3A_2287 = arith.addf %get3A_2279, %select_n3A_2286 : vector<16xf32>
      %swap3A_2288 = arith.index_cast %shift_right_logical3A_2268 : i32 to index
      %swap3A_2289 = arith.index_cast %sub3A_2273 : i32 to index
      %swap3A_2290 = tpu.vector_load %arg15[%swap3A_2288, %swap3A_2289] {strides = array<i32>} : memref<80x128xf32, #tpu.memory_space<vmem>>, vector<1x16xf32>,
      %swap3A_2291 = vector.shape_cast %swap3A_2290 : vector<1x16xf32> to vector<16xf32>
      %swap3A_2292 = vector.shape_cast %add3A_2287 : vector<16xf32> to vector<1x16xf32>
      tpu.vector_store %arg15[%swap3A_2288, %swap3A_2289], %swap3A_2292 {strides = array<i32>} : memref<80x128xf32, #tpu.memory_space<vmem>>, vector<1x16xf32>,
      %slice3A_2293 = vector.extract_strided_slice %get3A_1928 {offsets = [13], sizes = [1], strides = [1]} : vector<16xi32> to vector<1xi32>
      %squeeze3A_2294 = vector.extract %slice3A_2293[0] : i32 from vector<1xi32>
      %shift_right_logical3A_2295 = arith.constant 7 : i32
      %shift_right_logical3A_2296 = arith.shrui %squeeze3A_2294, %shift_right_logical3A_2295 : i32
      %and3A_2297 = arith.constant 127 : i32
      %and3A_2298 = arith.andi %squeeze3A_2294, %and3A_2297 : i32
      %and3A_2299 = arith.constant 15 : i32
      %and3A_2300 = arith.andi %squeeze3A_2294, %and3A_2299 : i32
      %sub3A_2301 = arith.subi %and3A_2298, %and3A_2300 : i32
      %and3A_2302 = arith.constant 15 : i32
      %and3A_2303 = arith.andi %squeeze3A_2294, %and3A_2302 : i32
      %get3A_2304 = arith.index_cast %shift_right_logical3A_2296 : i32 to index
      %get3A_2305 = arith.index_cast %sub3A_2301 : i32 to index
      %get3A_2306 = tpu.vector_load %arg15[%get3A_2304, %get3A_2305] {strides = array<i32>} : memref<80x128xf32, #tpu.memory_space<vmem>>, vector<1x16xf32>,
      %get3A_2307 = vector.shape_cast %get3A_2306 : vector<1x16xf32> to vector<16xf32>
      %eq3A_2308 = vector.broadcast %and3A_2303 : i32 to vector<16xi32>
      %eq3A_2309 = arith.cmpi eq, %iota3A, %eq3A_2308 : vector<16xi32>
      %jit3A_2310 = arith.constant 1.000000e+00 : f32
      %jit3A_2311 = arith.constant 0.000000e+00 : f32
      %broadcast_in_dim3A_2312 = vector.broadcast %jit3A_2310 : f32 to vector<16xf32>
      %broadcast_in_dim3A_2313 = vector.broadcast %jit3A_2311 : f32 to vector<16xf32>
      %select_n3A_2314 = arith.select %eq3A_2309, %broadcast_in_dim3A_2312, %broadcast_in_dim3A_2313 : vector<16xi1>, vector<16xf32>
      %add3A_2315 = arith.addf %get3A_2307, %select_n3A_2314 : vector<16xf32>
      %swap3A_2316 = arith.index_cast %shift_right_logical3A_2296 : i32 to index
      %swap3A_2317 = arith.index_cast %sub3A_2301 : i32 to index
      %swap3A_2318 = tpu.vector_load %arg15[%swap3A_2316, %swap3A_2317] {strides = array<i32>} : memref<80x128xf32, #tpu.memory_space<vmem>>, vector<1x16xf32>,
      %swap3A_2319 = vector.shape_cast %swap3A_2318 : vector<1x16xf32> to vector<16xf32>
      %swap3A_2320 = vector.shape_cast %add3A_2315 : vector<16xf32> to vector<1x16xf32>
      tpu.vector_store %arg15[%swap3A_2316, %swap3A_2317], %swap3A_2320 {strides = array<i32>} : memref<80x128xf32, #tpu.memory_space<vmem>>, vector<1x16xf32>,
      %slice3A_2321 = vector.extract_strided_slice %get3A_1928 {offsets = [14], sizes = [1], strides = [1]} : vector<16xi32> to vector<1xi32>
      %squeeze3A_2322 = vector.extract %slice3A_2321[0] : i32 from vector<1xi32>
      %shift_right_logical3A_2323 = arith.constant 7 : i32
      %shift_right_logical3A_2324 = arith.shrui %squeeze3A_2322, %shift_right_logical3A_2323 : i32
      %and3A_2325 = arith.constant 127 : i32
      %and3A_2326 = arith.andi %squeeze3A_2322, %and3A_2325 : i32
      %and3A_2327 = arith.constant 15 : i32
      %and3A_2328 = arith.andi %squeeze3A_2322, %and3A_2327 : i32
      %sub3A_2329 = arith.subi %and3A_2326, %and3A_2328 : i32
      %and3A_2330 = arith.constant 15 : i32
      %and3A_2331 = arith.andi %squeeze3A_2322, %and3A_2330 : i32
      %get3A_2332 = arith.index_cast %shift_right_logical3A_2324 : i32 to index
      %get3A_2333 = arith.index_cast %sub3A_2329 : i32 to index
      %get3A_2334 = tpu.vector_load %arg15[%get3A_2332, %get3A_2333] {strides = array<i32>} : memref<80x128xf32, #tpu.memory_space<vmem>>, vector<1x16xf32>,
      %get3A_2335 = vector.shape_cast %get3A_2334 : vector<1x16xf32> to vector<16xf32>
      %eq3A_2336 = vector.broadcast %and3A_2331 : i32 to vector<16xi32>
      %eq3A_2337 = arith.cmpi eq, %iota3A, %eq3A_2336 : vector<16xi32>
      %jit3A_2338 = arith.constant 1.000000e+00 : f32
      %jit3A_2339 = arith.constant 0.000000e+00 : f32
      %broadcast_in_dim3A_2340 = vector.broadcast %jit3A_2338 : f32 to vector<16xf32>
      %broadcast_in_dim3A_2341 = vector.broadcast %jit3A_2339 : f32 to vector<16xf32>
      %select_n3A_2342 = arith.select %eq3A_2337, %broadcast_in_dim3A_2340, %broadcast_in_dim3A_2341 : vector<16xi1>, vector<16xf32>
      %add3A_2343 = arith.addf %get3A_2335, %select_n3A_2342 : vector<16xf32>
      %swap3A_2344 = arith.index_cast %shift_right_logical3A_2324 : i32 to index
      %swap3A_2345 = arith.index_cast %sub3A_2329 : i32 to index
      %swap3A_2346 = tpu.vector_load %arg15[%swap3A_2344, %swap3A_2345] {strides = array<i32>} : memref<80x128xf32, #tpu.memory_space<vmem>>, vector<1x16xf32>,
      %swap3A_2347 = vector.shape_cast %swap3A_2346 : vector<1x16xf32> to vector<16xf32>
      %swap3A_2348 = vector.shape_cast %add3A_2343 : vector<16xf32> to vector<1x16xf32>
      tpu.vector_store %arg15[%swap3A_2344, %swap3A_2345], %swap3A_2348 {strides = array<i32>} : memref<80x128xf32, #tpu.memory_space<vmem>>, vector<1x16xf32>,
      %slice3A_2349 = vector.extract_strided_slice %get3A_1928 {offsets = [15], sizes = [1], strides = [1]} : vector<16xi32> to vector<1xi32>
      %squeeze3A_2350 = vector.extract %slice3A_2349[0] : i32 from vector<1xi32>
      %shift_right_logical3A_2351 = arith.constant 7 : i32
      %shift_right_logical3A_2352 = arith.shrui %squeeze3A_2350, %shift_right_logical3A_2351 : i32
      %and3A_2353 = arith.constant 127 : i32
      %and3A_2354 = arith.andi %squeeze3A_2350, %and3A_2353 : i32
      %and3A_2355 = arith.constant 15 : i32
      %and3A_2356 = arith.andi %squeeze3A_2350, %and3A_2355 : i32
      %sub3A_2357 = arith.subi %and3A_2354, %and3A_2356 : i32
      %and3A_2358 = arith.constant 15 : i32
      %and3A_2359 = arith.andi %squeeze3A_2350, %and3A_2358 : i32
      %get3A_2360 = arith.index_cast %shift_right_logical3A_2352 : i32 to index
      %get3A_2361 = arith.index_cast %sub3A_2357 : i32 to index
      %get3A_2362 = tpu.vector_load %arg15[%get3A_2360, %get3A_2361] {strides = array<i32>} : memref<80x128xf32, #tpu.memory_space<vmem>>, vector<1x16xf32>,
      %get3A_2363 = vector.shape_cast %get3A_2362 : vector<1x16xf32> to vector<16xf32>
      %eq3A_2364 = vector.broadcast %and3A_2359 : i32 to vector<16xi32>
      %eq3A_2365 = arith.cmpi eq, %iota3A, %eq3A_2364 : vector<16xi32>
      %jit3A_2366 = arith.constant 1.000000e+00 : f32
      %jit3A_2367 = arith.constant 0.000000e+00 : f32
      %broadcast_in_dim3A_2368 = vector.broadcast %jit3A_2366 : f32 to vector<16xf32>
      %broadcast_in_dim3A_2369 = vector.broadcast %jit3A_2367 : f32 to vector<16xf32>
      %select_n3A_2370 = arith.select %eq3A_2365, %broadcast_in_dim3A_2368, %broadcast_in_dim3A_2369 : vector<16xi1>, vector<16xf32>
      %add3A_2371 = arith.addf %get3A_2363, %select_n3A_2370 : vector<16xf32>
      %swap3A_2372 = arith.index_cast %shift_right_logical3A_2352 : i32 to index
      %swap3A_2373 = arith.index_cast %sub3A_2357 : i32 to index
      %swap3A_2374 = tpu.vector_load %arg15[%swap3A_2372, %swap3A_2373] {strides = array<i32>} : memref<80x128xf32, #tpu.memory_space<vmem>>, vector<1x16xf32>,
      %swap3A_2375 = vector.shape_cast %swap3A_2374 : vector<1x16xf32> to vector<16xf32>
      %swap3A_2376 = vector.shape_cast %add3A_2371 : vector<16xf32> to vector<1x16xf32>
      tpu.vector_store %arg15[%swap3A_2372, %swap3A_2373], %swap3A_2376 {strides = array<i32>} : memref<80x128xf32, #tpu.memory_space<vmem>>, vector<1x16xf32>,
    }
    %scan3A_71 = arith.constant 125 : i32
    "tpu.region"() ({
      %run_scoped3A = tpu.sem_alloc : memref<!tpu.dma_semaphore, #tpu.memory_space<semaphore_mem>>
      %dma_start3A = arith.constant 0 : i32
      %dma_start3A_110 = arith.constant 0 : i32
      %dma_start3A_111 = tpu.memref_slice %arg17[%dma_start3A, %dma_start3A_110] : memref<80x128xf32, #tpu.memory_space<vmem_shared>> -> memref<80x128xf32, #tpu.memory_space<vmem_shared>>
      tpu.enqueue_indirect_dma source(%arg15 : memref<80x128xf32, #tpu.memory_space<vmem>>) target(%dma_start3A_111 : memref<80x128xf32, #tpu.memory_space<vmem_shared>>) offsets(%arg11 : memref<80xi32, #tpu.memory_space<vmem>>) semaphore(%run_scoped3A : memref<!tpu.dma_semaphore, #tpu.memory_space<semaphore_mem>>) {add = true}
      %dma_wait3A = arith.constant 0 : i32
      %dma_wait3A_112 = arith.constant 0 : i32
      %dma_wait3A_113 = tpu.memref_slice %arg17[%dma_wait3A, %dma_wait3A_112] : memref<80x128xf32, #tpu.memory_space<vmem_shared>> -> memref<80x128xf32, #tpu.memory_space<vmem_shared>>
      tpu.wait_indirect_dma semaphore(%run_scoped3A : memref<!tpu.dma_semaphore, #tpu.memory_space<semaphore_mem>>) src(%arg15 : memref<80x128xf32, #tpu.memory_space<vmem>>) dst(%dma_wait3A_113 : memref<80x128xf32, #tpu.memory_space<vmem_shared>>)
      tpu.yield
    }) : () -> ()
    %barrier3A_72 = arith.constant 0 : index
    tpu.barrier barrier_id(%barrier3A_72)
    %add3A_73 = arith.constant 0 : i32
    %add3A_74 = arith.addi %mul3A_45, %add3A_73 : i32
    %add3A_75 = arith.constant 0 : i32
    %add3A_76 = arith.addi %mul3A_45, %add3A_75 : i32
    "tpu.region"() ({
      %run_scoped3A = tpu.sem_alloc : memref<!tpu.dma_semaphore, #tpu.memory_space<semaphore_mem>>
      %dma_start3A = arith.constant 0 : i32
      %dma_start3A_110 = tpu.memref_slice %arg7[%arg0, %add3A_76, %dma_start3A] : memref<2x10000x128xf32, #tpu.memory_space<hbm>> -> memref<1x80x128xf32, #tpu.memory_space<hbm>>
      %dma_start3A_111 = tpu.memref_squeeze %dma_start3A_110 : memref<1x80x128xf32, #tpu.memory_space<hbm>> -> memref<80x128xf32, #tpu.memory_space<hbm>>
      %dma_start3A_112 = arith.constant 0 : i32
      %dma_start3A_113 = tpu.memref_slice %arg16[%add3A_74, %dma_start3A_112] : memref<10000x128xf32, #tpu.memory_space<vmem_shared>> -> memref<80x128xf32, #tpu.memory_space<vmem_shared>>
      tpu.enqueue_dma source(%dma_start3A_113 : memref<80x128xf32, #tpu.memory_space<vmem_shared>>) target(%dma_start3A_111 : memref<80x128xf32, #tpu.memory_space<hbm>>) target_semaphore(%run_scoped3A : memref<!tpu.dma_semaphore, #tpu.memory_space<semaphore_mem>>)
      %dma_wait3A = arith.constant 0 : i32
      %dma_wait3A_114 = tpu.memref_slice %arg7[%arg0, %add3A_76, %dma_wait3A] : memref<2x10000x128xf32, #tpu.memory_space<hbm>> -> memref<1x80x128xf32, #tpu.memory_space<hbm>>
      %dma_wait3A_115 = tpu.memref_squeeze %dma_wait3A_114 : memref<1x80x128xf32, #tpu.memory_space<hbm>> -> memref<80x128xf32, #tpu.memory_space<hbm>>
      %dma_wait3A_116 = arith.constant 0 : i32
      %dma_wait3A_117 = tpu.memref_slice %arg16[%add3A_74, %dma_wait3A_116] : memref<10000x128xf32, #tpu.memory_space<vmem_shared>> -> memref<80x128xf32, #tpu.memory_space<vmem_shared>>
      tpu.wait_dma2 semaphore(%run_scoped3A : memref<!tpu.dma_semaphore, #tpu.memory_space<semaphore_mem>>) src(%dma_wait3A_117 : memref<80x128xf32, #tpu.memory_space<vmem_shared>>) dst(%dma_wait3A_115 : memref<80x128xf32, #tpu.memory_space<hbm>>)
      tpu.yield
    }) : () -> ()
    %add3A_77 = arith.constant 80 : i32
    %add3A_78 = arith.addi %mul3A_45, %add3A_77 : i32
    %add3A_79 = arith.constant 80 : i32
    %add3A_80 = arith.addi %mul3A_45, %add3A_79 : i32
    "tpu.region"() ({
      %run_scoped3A = tpu.sem_alloc : memref<!tpu.dma_semaphore, #tpu.memory_space<semaphore_mem>>
      %dma_start3A = arith.constant 0 : i32
      %dma_start3A_110 = tpu.memref_slice %arg7[%arg0, %add3A_80, %dma_start3A] : memref<2x10000x128xf32, #tpu.memory_space<hbm>> -> memref<1x80x128xf32, #tpu.memory_space<hbm>>
      %dma_start3A_111 = tpu.memref_squeeze %dma_start3A_110 : memref<1x80x128xf32, #tpu.memory_space<hbm>> -> memref<80x128xf32, #tpu.memory_space<hbm>>
      %dma_start3A_112 = arith.constant 0 : i32
      %dma_start3A_113 = tpu.memref_slice %arg16[%add3A_78, %dma_start3A_112] : memref<10000x128xf32, #tpu.memory_space<vmem_shared>> -> memref<80x128xf32, #tpu.memory_space<vmem_shared>>
      tpu.enqueue_dma source(%dma_start3A_113 : memref<80x128xf32, #tpu.memory_space<vmem_shared>>) target(%dma_start3A_111 : memref<80x128xf32, #tpu.memory_space<hbm>>) target_semaphore(%run_scoped3A : memref<!tpu.dma_semaphore, #tpu.memory_space<semaphore_mem>>)
      %dma_wait3A = arith.constant 0 : i32
      %dma_wait3A_114 = tpu.memref_slice %arg7[%arg0, %add3A_80, %dma_wait3A] : memref<2x10000x128xf32, #tpu.memory_space<hbm>> -> memref<1x80x128xf32, #tpu.memory_space<hbm>>
      %dma_wait3A_115 = tpu.memref_squeeze %dma_wait3A_114 : memref<1x80x128xf32, #tpu.memory_space<hbm>> -> memref<80x128xf32, #tpu.memory_space<hbm>>
      %dma_wait3A_116 = arith.constant 0 : i32
      %dma_wait3A_117 = tpu.memref_slice %arg16[%add3A_78, %dma_wait3A_116] : memref<10000x128xf32, #tpu.memory_space<vmem_shared>> -> memref<80x128xf32, #tpu.memory_space<vmem_shared>>
      tpu.wait_dma2 semaphore(%run_scoped3A : memref<!tpu.dma_semaphore, #tpu.memory_space<semaphore_mem>>) src(%dma_wait3A_117 : memref<80x128xf32, #tpu.memory_space<vmem_shared>>) dst(%dma_wait3A_115 : memref<80x128xf32, #tpu.memory_space<hbm>>)
      tpu.yield
    }) : () -> ()
    %add3A_81 = arith.constant 160 : i32
    %add3A_82 = arith.addi %mul3A_45, %add3A_81 : i32
    %add3A_83 = arith.constant 160 : i32
    %add3A_84 = arith.addi %mul3A_45, %add3A_83 : i32
    "tpu.region"() ({
      %run_scoped3A = tpu.sem_alloc : memref<!tpu.dma_semaphore, #tpu.memory_space<semaphore_mem>>
      %dma_start3A = arith.constant 0 : i32
      %dma_start3A_110 = tpu.memref_slice %arg7[%arg0, %add3A_84, %dma_start3A] : memref<2x10000x128xf32, #tpu.memory_space<hbm>> -> memref<1x80x128xf32, #tpu.memory_space<hbm>>
      %dma_start3A_111 = tpu.memref_squeeze %dma_start3A_110 : memref<1x80x128xf32, #tpu.memory_space<hbm>> -> memref<80x128xf32, #tpu.memory_space<hbm>>
      %dma_start3A_112 = arith.constant 0 : i32
      %dma_start3A_113 = tpu.memref_slice %arg16[%add3A_82, %dma_start3A_112] : memref<10000x128xf32, #tpu.memory_space<vmem_shared>> -> memref<80x128xf32, #tpu.memory_space<vmem_shared>>
      tpu.enqueue_dma source(%dma_start3A_113 : memref<80x128xf32, #tpu.memory_space<vmem_shared>>) target(%dma_start3A_111 : memref<80x128xf32, #tpu.memory_space<hbm>>) target_semaphore(%run_scoped3A : memref<!tpu.dma_semaphore, #tpu.memory_space<semaphore_mem>>)
      %dma_wait3A = arith.constant 0 : i32
      %dma_wait3A_114 = tpu.memref_slice %arg7[%arg0, %add3A_84, %dma_wait3A] : memref<2x10000x128xf32, #tpu.memory_space<hbm>> -> memref<1x80x128xf32, #tpu.memory_space<hbm>>
      %dma_wait3A_115 = tpu.memref_squeeze %dma_wait3A_114 : memref<1x80x128xf32, #tpu.memory_space<hbm>> -> memref<80x128xf32, #tpu.memory_space<hbm>>
      %dma_wait3A_116 = arith.constant 0 : i32
      %dma_wait3A_117 = tpu.memref_slice %arg16[%add3A_82, %dma_wait3A_116] : memref<10000x128xf32, #tpu.memory_space<vmem_shared>> -> memref<80x128xf32, #tpu.memory_space<vmem_shared>>
      tpu.wait_dma2 semaphore(%run_scoped3A : memref<!tpu.dma_semaphore, #tpu.memory_space<semaphore_mem>>) src(%dma_wait3A_117 : memref<80x128xf32, #tpu.memory_space<vmem_shared>>) dst(%dma_wait3A_115 : memref<80x128xf32, #tpu.memory_space<hbm>>)
      tpu.yield
    }) : () -> ()
    %add3A_85 = arith.constant 240 : i32
    %add3A_86 = arith.addi %mul3A_45, %add3A_85 : i32
    %add3A_87 = arith.constant 240 : i32
    %add3A_88 = arith.addi %mul3A_45, %add3A_87 : i32
    "tpu.region"() ({
      %run_scoped3A = tpu.sem_alloc : memref<!tpu.dma_semaphore, #tpu.memory_space<semaphore_mem>>
      %dma_start3A = arith.constant 0 : i32
      %dma_start3A_110 = tpu.memref_slice %arg7[%arg0, %add3A_88, %dma_start3A] : memref<2x10000x128xf32, #tpu.memory_space<hbm>> -> memref<1x80x128xf32, #tpu.memory_space<hbm>>
      %dma_start3A_111 = tpu.memref_squeeze %dma_start3A_110 : memref<1x80x128xf32, #tpu.memory_space<hbm>> -> memref<80x128xf32, #tpu.memory_space<hbm>>
      %dma_start3A_112 = arith.constant 0 : i32
      %dma_start3A_113 = tpu.memref_slice %arg16[%add3A_86, %dma_start3A_112] : memref<10000x128xf32, #tpu.memory_space<vmem_shared>> -> memref<80x128xf32, #tpu.memory_space<vmem_shared>>
      tpu.enqueue_dma source(%dma_start3A_113 : memref<80x128xf32, #tpu.memory_space<vmem_shared>>) target(%dma_start3A_111 : memref<80x128xf32, #tpu.memory_space<hbm>>) target_semaphore(%run_scoped3A : memref<!tpu.dma_semaphore, #tpu.memory_space<semaphore_mem>>)
      %dma_wait3A = arith.constant 0 : i32
      %dma_wait3A_114 = tpu.memref_slice %arg7[%arg0, %add3A_88, %dma_wait3A] : memref<2x10000x128xf32, #tpu.memory_space<hbm>> -> memref<1x80x128xf32, #tpu.memory_space<hbm>>
      %dma_wait3A_115 = tpu.memref_squeeze %dma_wait3A_114 : memref<1x80x128xf32, #tpu.memory_space<hbm>> -> memref<80x128xf32, #tpu.memory_space<hbm>>
      %dma_wait3A_116 = arith.constant 0 : i32
      %dma_wait3A_117 = tpu.memref_slice %arg16[%add3A_86, %dma_wait3A_116] : memref<10000x128xf32, #tpu.memory_space<vmem_shared>> -> memref<80x128xf32, #tpu.memory_space<vmem_shared>>
      tpu.wait_dma2 semaphore(%run_scoped3A : memref<!tpu.dma_semaphore, #tpu.memory_space<semaphore_mem>>) src(%dma_wait3A_117 : memref<80x128xf32, #tpu.memory_space<vmem_shared>>) dst(%dma_wait3A_115 : memref<80x128xf32, #tpu.memory_space<hbm>>)
      tpu.yield
    }) : () -> ()
    %add3A_89 = arith.constant 320 : i32
    %add3A_90 = arith.addi %mul3A_45, %add3A_89 : i32
    %add3A_91 = arith.constant 320 : i32
    %add3A_92 = arith.addi %mul3A_45, %add3A_91 : i32
    "tpu.region"() ({
      %run_scoped3A = tpu.sem_alloc : memref<!tpu.dma_semaphore, #tpu.memory_space<semaphore_mem>>
      %dma_start3A = arith.constant 0 : i32
      %dma_start3A_110 = tpu.memref_slice %arg7[%arg0, %add3A_92, %dma_start3A] : memref<2x10000x128xf32, #tpu.memory_space<hbm>> -> memref<1x80x128xf32, #tpu.memory_space<hbm>>
      %dma_start3A_111 = tpu.memref_squeeze %dma_start3A_110 : memref<1x80x128xf32, #tpu.memory_space<hbm>> -> memref<80x128xf32, #tpu.memory_space<hbm>>
      %dma_start3A_112 = arith.constant 0 : i32
      %dma_start3A_113 = tpu.memref_slice %arg16[%add3A_90, %dma_start3A_112] : memref<10000x128xf32, #tpu.memory_space<vmem_shared>> -> memref<80x128xf32, #tpu.memory_space<vmem_shared>>
      tpu.enqueue_dma source(%dma_start3A_113 : memref<80x128xf32, #tpu.memory_space<vmem_shared>>) target(%dma_start3A_111 : memref<80x128xf32, #tpu.memory_space<hbm>>) target_semaphore(%run_scoped3A : memref<!tpu.dma_semaphore, #tpu.memory_space<semaphore_mem>>)
      %dma_wait3A = arith.constant 0 : i32
      %dma_wait3A_114 = tpu.memref_slice %arg7[%arg0, %add3A_92, %dma_wait3A] : memref<2x10000x128xf32, #tpu.memory_space<hbm>> -> memref<1x80x128xf32, #tpu.memory_space<hbm>>
      %dma_wait3A_115 = tpu.memref_squeeze %dma_wait3A_114 : memref<1x80x128xf32, #tpu.memory_space<hbm>> -> memref<80x128xf32, #tpu.memory_space<hbm>>
      %dma_wait3A_116 = arith.constant 0 : i32
      %dma_wait3A_117 = tpu.memref_slice %arg16[%add3A_90, %dma_wait3A_116] : memref<10000x128xf32, #tpu.memory_space<vmem_shared>> -> memref<80x128xf32, #tpu.memory_space<vmem_shared>>
      tpu.wait_dma2 semaphore(%run_scoped3A : memref<!tpu.dma_semaphore, #tpu.memory_space<semaphore_mem>>) src(%dma_wait3A_117 : memref<80x128xf32, #tpu.memory_space<vmem_shared>>) dst(%dma_wait3A_115 : memref<80x128xf32, #tpu.memory_space<hbm>>)
      tpu.yield
    }) : () -> ()
    %add3A_93 = arith.constant 400 : i32
    %add3A_94 = arith.addi %mul3A_45, %add3A_93 : i32
    %add3A_95 = arith.constant 400 : i32
    %add3A_96 = arith.addi %mul3A_45, %add3A_95 : i32
    "tpu.region"() ({
      %run_scoped3A = tpu.sem_alloc : memref<!tpu.dma_semaphore, #tpu.memory_space<semaphore_mem>>
      %dma_start3A = arith.constant 0 : i32
      %dma_start3A_110 = tpu.memref_slice %arg7[%arg0, %add3A_96, %dma_start3A] : memref<2x10000x128xf32, #tpu.memory_space<hbm>> -> memref<1x80x128xf32, #tpu.memory_space<hbm>>
      %dma_start3A_111 = tpu.memref_squeeze %dma_start3A_110 : memref<1x80x128xf32, #tpu.memory_space<hbm>> -> memref<80x128xf32, #tpu.memory_space<hbm>>
      %dma_start3A_112 = arith.constant 0 : i32
      %dma_start3A_113 = tpu.memref_slice %arg16[%add3A_94, %dma_start3A_112] : memref<10000x128xf32, #tpu.memory_space<vmem_shared>> -> memref<80x128xf32, #tpu.memory_space<vmem_shared>>
      tpu.enqueue_dma source(%dma_start3A_113 : memref<80x128xf32, #tpu.memory_space<vmem_shared>>) target(%dma_start3A_111 : memref<80x128xf32, #tpu.memory_space<hbm>>) target_semaphore(%run_scoped3A : memref<!tpu.dma_semaphore, #tpu.memory_space<semaphore_mem>>)
      %dma_wait3A = arith.constant 0 : i32
      %dma_wait3A_114 = tpu.memref_slice %arg7[%arg0, %add3A_96, %dma_wait3A] : memref<2x10000x128xf32, #tpu.memory_space<hbm>> -> memref<1x80x128xf32, #tpu.memory_space<hbm>>
      %dma_wait3A_115 = tpu.memref_squeeze %dma_wait3A_114 : memref<1x80x128xf32, #tpu.memory_space<hbm>> -> memref<80x128xf32, #tpu.memory_space<hbm>>
      %dma_wait3A_116 = arith.constant 0 : i32
      %dma_wait3A_117 = tpu.memref_slice %arg16[%add3A_94, %dma_wait3A_116] : memref<10000x128xf32, #tpu.memory_space<vmem_shared>> -> memref<80x128xf32, #tpu.memory_space<vmem_shared>>
      tpu.wait_dma2 semaphore(%run_scoped3A : memref<!tpu.dma_semaphore, #tpu.memory_space<semaphore_mem>>) src(%dma_wait3A_117 : memref<80x128xf32, #tpu.memory_space<vmem_shared>>) dst(%dma_wait3A_115 : memref<80x128xf32, #tpu.memory_space<hbm>>)
      tpu.yield
    }) : () -> ()
    %add3A_97 = arith.constant 480 : i32
    %add3A_98 = arith.addi %mul3A_45, %add3A_97 : i32
    %add3A_99 = arith.constant 480 : i32
    %add3A_100 = arith.addi %mul3A_45, %add3A_99 : i32
    "tpu.region"() ({
      %run_scoped3A = tpu.sem_alloc : memref<!tpu.dma_semaphore, #tpu.memory_space<semaphore_mem>>
      %dma_start3A = arith.constant 0 : i32
      %dma_start3A_110 = tpu.memref_slice %arg7[%arg0, %add3A_100, %dma_start3A] : memref<2x10000x128xf32, #tpu.memory_space<hbm>> -> memref<1x80x128xf32, #tpu.memory_space<hbm>>
      %dma_start3A_111 = tpu.memref_squeeze %dma_start3A_110 : memref<1x80x128xf32, #tpu.memory_space<hbm>> -> memref<80x128xf32, #tpu.memory_space<hbm>>
      %dma_start3A_112 = arith.constant 0 : i32
      %dma_start3A_113 = tpu.memref_slice %arg16[%add3A_98, %dma_start3A_112] : memref<10000x128xf32, #tpu.memory_space<vmem_shared>> -> memref<80x128xf32, #tpu.memory_space<vmem_shared>>
      tpu.enqueue_dma source(%dma_start3A_113 : memref<80x128xf32, #tpu.memory_space<vmem_shared>>) target(%dma_start3A_111 : memref<80x128xf32, #tpu.memory_space<hbm>>) target_semaphore(%run_scoped3A : memref<!tpu.dma_semaphore, #tpu.memory_space<semaphore_mem>>)
      %dma_wait3A = arith.constant 0 : i32
      %dma_wait3A_114 = tpu.memref_slice %arg7[%arg0, %add3A_100, %dma_wait3A] : memref<2x10000x128xf32, #tpu.memory_space<hbm>> -> memref<1x80x128xf32, #tpu.memory_space<hbm>>
      %dma_wait3A_115 = tpu.memref_squeeze %dma_wait3A_114 : memref<1x80x128xf32, #tpu.memory_space<hbm>> -> memref<80x128xf32, #tpu.memory_space<hbm>>
      %dma_wait3A_116 = arith.constant 0 : i32
      %dma_wait3A_117 = tpu.memref_slice %arg16[%add3A_98, %dma_wait3A_116] : memref<10000x128xf32, #tpu.memory_space<vmem_shared>> -> memref<80x128xf32, #tpu.memory_space<vmem_shared>>
      tpu.wait_dma2 semaphore(%run_scoped3A : memref<!tpu.dma_semaphore, #tpu.memory_space<semaphore_mem>>) src(%dma_wait3A_117 : memref<80x128xf32, #tpu.memory_space<vmem_shared>>) dst(%dma_wait3A_115 : memref<80x128xf32, #tpu.memory_space<hbm>>)
      tpu.yield
    }) : () -> ()
    %add3A_101 = arith.constant 560 : i32
    %add3A_102 = arith.addi %mul3A_45, %add3A_101 : i32
    %add3A_103 = arith.constant 560 : i32
    %add3A_104 = arith.addi %mul3A_45, %add3A_103 : i32
    "tpu.region"() ({
      %run_scoped3A = tpu.sem_alloc : memref<!tpu.dma_semaphore, #tpu.memory_space<semaphore_mem>>
      %dma_start3A = arith.constant 0 : i32
      %dma_start3A_110 = tpu.memref_slice %arg7[%arg0, %add3A_104, %dma_start3A] : memref<2x10000x128xf32, #tpu.memory_space<hbm>> -> memref<1x80x128xf32, #tpu.memory_space<hbm>>
      %dma_start3A_111 = tpu.memref_squeeze %dma_start3A_110 : memref<1x80x128xf32, #tpu.memory_space<hbm>> -> memref<80x128xf32, #tpu.memory_space<hbm>>
      %dma_start3A_112 = arith.constant 0 : i32
      %dma_start3A_113 = tpu.memref_slice %arg16[%add3A_102, %dma_start3A_112] : memref<10000x128xf32, #tpu.memory_space<vmem_shared>> -> memref<80x128xf32, #tpu.memory_space<vmem_shared>>
      tpu.enqueue_dma source(%dma_start3A_113 : memref<80x128xf32, #tpu.memory_space<vmem_shared>>) target(%dma_start3A_111 : memref<80x128xf32, #tpu.memory_space<hbm>>) target_semaphore(%run_scoped3A : memref<!tpu.dma_semaphore, #tpu.memory_space<semaphore_mem>>)
      %dma_wait3A = arith.constant 0 : i32
      %dma_wait3A_114 = tpu.memref_slice %arg7[%arg0, %add3A_104, %dma_wait3A] : memref<2x10000x128xf32, #tpu.memory_space<hbm>> -> memref<1x80x128xf32, #tpu.memory_space<hbm>>
      %dma_wait3A_115 = tpu.memref_squeeze %dma_wait3A_114 : memref<1x80x128xf32, #tpu.memory_space<hbm>> -> memref<80x128xf32, #tpu.memory_space<hbm>>
      %dma_wait3A_116 = arith.constant 0 : i32
      %dma_wait3A_117 = tpu.memref_slice %arg16[%add3A_102, %dma_wait3A_116] : memref<10000x128xf32, #tpu.memory_space<vmem_shared>> -> memref<80x128xf32, #tpu.memory_space<vmem_shared>>
      tpu.wait_dma2 semaphore(%run_scoped3A : memref<!tpu.dma_semaphore, #tpu.memory_space<semaphore_mem>>) src(%dma_wait3A_117 : memref<80x128xf32, #tpu.memory_space<vmem_shared>>) dst(%dma_wait3A_115 : memref<80x128xf32, #tpu.memory_space<hbm>>)
      tpu.yield
    }) : () -> ()
    %eq3A_105 = arith.constant 0 : i32
    %eq3A_106 = arith.cmpi eq, %arg1, %eq3A_105 : i32
    %convert_element_type3A_107 = arith.extui %eq3A_106 : i1 to i32
    %cond3A_108 = arith.constant 0 : i32
    %cond3A_109 = arith.cmpi ne, %convert_element_type3A_107, %cond3A_108 : i32
    scf.if %cond3A_109 {
      "tpu.region"() ({
        %run_scoped3A = tpu.sem_alloc : memref<!tpu.dma_semaphore, #tpu.memory_space<semaphore_mem>>
        %dma_start3A = arith.constant 0 : i32
        %dma_start3A_110 = arith.constant 0 : i32
        %dma_start3A_111 = tpu.memref_slice %arg8[%arg0, %dma_start3A, %dma_start3A_110] : memref<2x80x128xf32, #tpu.memory_space<hbm>> -> memref<1x80x128xf32, #tpu.memory_space<hbm>>
        %dma_start3A_112 = tpu.memref_squeeze %dma_start3A_111 : memref<1x80x128xf32, #tpu.memory_space<hbm>> -> memref<80x128xf32, #tpu.memory_space<hbm>>
        tpu.enqueue_dma source(%arg17 : memref<80x128xf32, #tpu.memory_space<vmem_shared>>) target(%dma_start3A_112 : memref<80x128xf32, #tpu.memory_space<hbm>>) target_semaphore(%run_scoped3A : memref<!tpu.dma_semaphore, #tpu.memory_space<semaphore_mem>>)
        %dma_wait3A = arith.constant 0 : i32
        %dma_wait3A_113 = arith.constant 0 : i32
        %dma_wait3A_114 = tpu.memref_slice %arg8[%arg0, %dma_wait3A, %dma_wait3A_113] : memref<2x80x128xf32, #tpu.memory_space<hbm>> -> memref<1x80x128xf32, #tpu.memory_space<hbm>>
        %dma_wait3A_115 = tpu.memref_squeeze %dma_wait3A_114 : memref<1x80x128xf32, #tpu.memory_space<hbm>> -> memref<80x128xf32, #tpu.memory_space<hbm>>
        tpu.wait_dma2 semaphore(%run_scoped3A : memref<!tpu.dma_semaphore, #tpu.memory_space<semaphore_mem>>) src(%arg17 : memref<80x128xf32, #tpu.memory_space<vmem_shared>>) dst(%dma_wait3A_115 : memref<80x128xf32, #tpu.memory_space<hbm>>)
        tpu.yield
      }) : () -> ()
    } else {
    }
    return
  }
}

module attributes {stable_mosaic.version = 14 : i64} {
  func.func @_c_body(%arg0: i32, %arg1: memref<6400x16xf32, #tpu.memory_space<vmem>>, %arg2: memref<16x128xf32, #tpu.memory_space<vmem>>, %arg3: memref<1x128xf32, #tpu.memory_space<vmem>>, %arg4: memref<6400x128xf32, #tpu.memory_space<vmem>>) attributes {dimension_semantics = [#tpu.dimension_semantics<arbitrary>], iteration_bounds = array<i64: 50>, scalar_prefetch = 0 : i64, scratch_operands = 0 : i64, tpu.core_type = #tpu.core_type<tc>, window_params = [{transform_indices = @transform_0, window_bounds = array<i64: 6400, 16>}, {pipeline_mode = #tpu.pipeline_mode<synchronous>, transform_indices = @transform_1, window_bounds = array<i64: 16, 128>}, {pipeline_mode = #tpu.pipeline_mode<synchronous>, transform_indices = @transform_2, window_bounds = array<i64: 1, 128>}, {transform_indices = @transform_3, window_bounds = array<i64: 6400, 128>}]} {
    %get3A = arith.constant 0 : index
    %get3A_0 = arith.constant 0 : index
    %get3A_1 = vector.load %arg1[%get3A, %get3A_0] : memref<6400x16xf32, #tpu.memory_space<vmem>>, vector<6400x16xf32>
    %get3A_2 = arith.constant 0 : index
    %get3A_3 = arith.constant 0 : index
    %get3A_4 = vector.load %arg2[%get3A_2, %get3A_3] : memref<16x128xf32, #tpu.memory_space<vmem>>, vector<16x128xf32>
    %dot_general3A = arith.constant dense<0.000000e+00> : vector<6400x128xf32>
    %dot_general3A_5 = tpu.matmul %get3A_1, %get3A_4, %dot_general3A {dimension_numbers = #tpu.dot_dimension_numbers<[1], [0], [0], [1], [0, 0, 1, 1], [], []>, transpose_lhs_hint = false} : vector<6400x16xf32>, vector<16x128xf32>, vector<6400x128xf32> -> vector<6400x128xf32>
    %get3A_6 = arith.constant 0 : index
    %get3A_7 = arith.constant 0 : index
    %get3A_8 = vector.load %arg3[%get3A_6, %get3A_7] : memref<1x128xf32, #tpu.memory_space<vmem>>, vector<1x128xf32>
    %add3A = vector.broadcast %get3A_8 : vector<1x128xf32> to vector<6400x128xf32>
    %add3A_9 = arith.addf %dot_general3A_5, %add3A : vector<6400x128xf32>
    %swap3A = arith.constant 0 : index
    %swap3A_10 = arith.constant 0 : index
    %swap3A_11 = vector.load %arg4[%swap3A, %swap3A_10] : memref<6400x128xf32, #tpu.memory_space<vmem>>, vector<6400x128xf32>
    tpu.vector_store %arg4[%swap3A, %swap3A_10], %add3A_9 {strides = array<i32>} : memref<6400x128xf32, #tpu.memory_space<vmem>>, vector<6400x128xf32>,
    return
  }
  func.func @transform_0(%arg0: i32) -> (i32, i32) {
    %c0_i32 = arith.constant 0 : i32
    %c0_i32_0 = arith.constant 0 : i32
    return %arg0, %c0_i32 : i32, i32
  }
  func.func @transform_1(%arg0: i32) -> (i32, i32) {
    %c0_i32 = arith.constant 0 : i32
    %c0_i32_0 = arith.constant 0 : i32
    %c0_i32_1 = arith.constant 0 : i32
    return %c0_i32, %c0_i32_0 : i32, i32
  }
  func.func @transform_2(%arg0: i32) -> (i32, i32) {
    %c0_i32 = arith.constant 0 : i32
    %c0_i32_0 = arith.constant 0 : i32
    %c0_i32_1 = arith.constant 0 : i32
    return %c0_i32, %c0_i32_0 : i32, i32
  }
  func.func @transform_3(%arg0: i32) -> (i32, i32) {
    %c0_i32 = arith.constant 0 : i32
    %c0_i32_0 = arith.constant 0 : i32
    return %arg0, %c0_i32 : i32, i32
  }
}

module attributes {stable_mosaic.version = 14 : i64} {
  func.func @_ab_body(%arg0: i32, %arg1: memref<1000x128xf32, #tpu.memory_space<vmem>>, %arg2: memref<128x256xf32, #tpu.memory_space<vmem>>, %arg3: memref<1000x128xf32, #tpu.memory_space<vmem>>, %arg4: memref<1000x128xf32, #tpu.memory_space<vmem>>) attributes {dimension_semantics = [#tpu.dimension_semantics<arbitrary>], iteration_bounds = array<i64: 10>, scalar_prefetch = 0 : i64, scratch_operands = 0 : i64, tpu.core_type = #tpu.core_type<tc>, window_params = [{transform_indices = @transform_0, window_bounds = array<i64: 1000, 128>}, {pipeline_mode = #tpu.pipeline_mode<synchronous>, transform_indices = @transform_1, window_bounds = array<i64: 128, 256>}, {transform_indices = @transform_2, window_bounds = array<i64: 1000, 128>}, {transform_indices = @transform_3, window_bounds = array<i64: 1000, 128>}]} {
    %get3A = arith.constant 0 : index
    %get3A_0 = arith.constant 0 : index
    %get3A_1 = vector.load %arg1[%get3A, %get3A_0] : memref<1000x128xf32, #tpu.memory_space<vmem>>, vector<1000x128xf32>
    %get3A_2 = arith.constant 0 : index
    %get3A_3 = arith.constant 0 : index
    %get3A_4 = vector.load %arg2[%get3A_2, %get3A_3] : memref<128x256xf32, #tpu.memory_space<vmem>>, vector<128x256xf32>
    %dot_general3A = arith.constant dense<0.000000e+00> : vector<1000x256xf32>
    %dot_general3A_5 = tpu.matmul %get3A_1, %get3A_4, %dot_general3A {dimension_numbers = #tpu.dot_dimension_numbers<[1], [0], [0], [1], [0, 0, 1, 1], [], []>, transpose_lhs_hint = false} : vector<1000x128xf32>, vector<128x256xf32>, vector<1000x256xf32> -> vector<1000x256xf32>
    %slice3A = vector.extract_strided_slice %dot_general3A_5 {offsets = [0, 0], sizes = [1000, 128], strides = [1, 1]} : vector<1000x256xf32> to vector<1000x128xf32>
    %swap3A = arith.constant 0 : index
    %swap3A_6 = arith.constant 0 : index
    %swap3A_7 = vector.load %arg3[%swap3A, %swap3A_6] : memref<1000x128xf32, #tpu.memory_space<vmem>>, vector<1000x128xf32>
    tpu.vector_store %arg3[%swap3A, %swap3A_6], %slice3A {strides = array<i32>} : memref<1000x128xf32, #tpu.memory_space<vmem>>, vector<1000x128xf32>,
    %slice3A_8 = vector.extract_strided_slice %dot_general3A_5 {offsets = [0, 128], sizes = [1000, 128], strides = [1, 1]} : vector<1000x256xf32> to vector<1000x128xf32>
    %swap3A_9 = arith.constant 0 : index
    %swap3A_10 = arith.constant 0 : index
    %swap3A_11 = vector.load %arg4[%swap3A_9, %swap3A_10] : memref<1000x128xf32, #tpu.memory_space<vmem>>, vector<1000x128xf32>
    tpu.vector_store %arg4[%swap3A_9, %swap3A_10], %slice3A_8 {strides = array<i32>} : memref<1000x128xf32, #tpu.memory_space<vmem>>, vector<1000x128xf32>,
    return
  }
  func.func @transform_0(%arg0: i32) -> (i32, i32) {
    %c0_i32 = arith.constant 0 : i32
    %c0_i32_0 = arith.constant 0 : i32
    return %arg0, %c0_i32 : i32, i32
  }
  func.func @transform_1(%arg0: i32) -> (i32, i32) {
    %c0_i32 = arith.constant 0 : i32
    %c0_i32_0 = arith.constant 0 : i32
    %c0_i32_1 = arith.constant 0 : i32
    return %c0_i32, %c0_i32_0 : i32, i32
  }
  func.func @transform_2(%arg0: i32) -> (i32, i32) {
    %c0_i32 = arith.constant 0 : i32
    %c0_i32_0 = arith.constant 0 : i32
    return %arg0, %c0_i32 : i32, i32
  }
  func.func @transform_3(%arg0: i32) -> (i32, i32) {
    %c0_i32 = arith.constant 0 : i32
    %c0_i32_0 = arith.constant 0 : i32
    return %arg0, %c0_i32 : i32, i32
  }
}

module attributes {stable_mosaic.version = 14 : i64} {
  func.func @_post_body(%arg0: i32, %arg1: memref<2x1000x128xf32, #tpu.memory_space<vmem>>, %arg2: memref<2x1000x1xf32, #tpu.memory_space<vmem>>, %arg3: memref<1000x128xf32, #tpu.memory_space<vmem>>, %arg4: memref<128x128xf32, #tpu.memory_space<vmem>>, %arg5: memref<1x128xf32, #tpu.memory_space<vmem>>, %arg6: memref<128x128xf32, #tpu.memory_space<vmem>>, %arg7: memref<128x128xf32, #tpu.memory_space<vmem>>, %arg8: memref<1x128xf32, #tpu.memory_space<vmem>>, %arg9: memref<128x128xf32, #tpu.memory_space<vmem>>, %arg10: memref<1x128xf32, #tpu.memory_space<vmem>>, %arg11: memref<1000x128xf32, #tpu.memory_space<vmem>>) attributes {dimension_semantics = [#tpu.dimension_semantics<arbitrary>], iteration_bounds = array<i64: 10>, scalar_prefetch = 0 : i64, scratch_operands = 0 : i64, tpu.core_type = #tpu.core_type<tc>, window_params = [{transform_indices = @transform_0, window_bounds = array<i64: 2, 1000, 128>}, {transform_indices = @transform_1, window_bounds = array<i64: 2, 1000, 1>}, {transform_indices = @transform_2, window_bounds = array<i64: 1000, 128>}, {pipeline_mode = #tpu.pipeline_mode<synchronous>, transform_indices = @transform_3, window_bounds = array<i64: 128, 128>}, {pipeline_mode = #tpu.pipeline_mode<synchronous>, transform_indices = @transform_4, window_bounds = array<i64: 1, 128>}, {pipeline_mode = #tpu.pipeline_mode<synchronous>, transform_indices = @transform_5, window_bounds = array<i64: 128, 128>}, {pipeline_mode = #tpu.pipeline_mode<synchronous>, transform_indices = @transform_6, window_bounds = array<i64: 128, 128>}, {pipeline_mode = #tpu.pipeline_mode<synchronous>, transform_indices = @transform_7, window_bounds = array<i64: 1, 128>}, {pipeline_mode = #tpu.pipeline_mode<synchronous>, transform_indices = @transform_8, window_bounds = array<i64: 128, 128>}, {pipeline_mode = #tpu.pipeline_mode<synchronous>, transform_indices = @transform_9, window_bounds = array<i64: 1, 128>}, {transform_indices = @transform_10, window_bounds = array<i64: 1000, 128>}]} {
    %get3A = arith.constant 0 : index
    %get3A_0 = arith.constant 0 : index
    %get3A_1 = arith.constant 0 : index
    %get3A_2 = vector.load %arg1[%get3A, %get3A_0, %get3A_1] : memref<2x1000x128xf32, #tpu.memory_space<vmem>>, vector<1x1000x128xf32>
    %get3A_3 = vector.shape_cast %get3A_2 : vector<1x1000x128xf32> to vector<1000x128xf32>
    %get3A_4 = arith.constant 1 : index
    %get3A_5 = arith.constant 0 : index
    %get3A_6 = arith.constant 0 : index
    %get3A_7 = vector.load %arg1[%get3A_4, %get3A_5, %get3A_6] : memref<2x1000x128xf32, #tpu.memory_space<vmem>>, vector<1x1000x128xf32>
    %get3A_8 = vector.shape_cast %get3A_7 : vector<1x1000x128xf32> to vector<1000x128xf32>
    %add3A = arith.addf %get3A_3, %get3A_8 : vector<1000x128xf32>
    %get3A_9 = arith.constant 0 : index
    %get3A_10 = arith.constant 0 : index
    %get3A_11 = arith.constant 0 : index
    %get3A_12 = vector.load %arg2[%get3A_9, %get3A_10, %get3A_11] : memref<2x1000x1xf32, #tpu.memory_space<vmem>>, vector<1x1000x1xf32>
    %get3A_13 = vector.shape_cast %get3A_12 : vector<1x1000x1xf32> to vector<1000x1xf32>
    %get3A_14 = arith.constant 1 : index
    %get3A_15 = arith.constant 0 : index
    %get3A_16 = arith.constant 0 : index
    %get3A_17 = vector.load %arg2[%get3A_14, %get3A_15, %get3A_16] : memref<2x1000x1xf32, #tpu.memory_space<vmem>>, vector<1x1000x1xf32>
    %get3A_18 = vector.shape_cast %get3A_17 : vector<1x1000x1xf32> to vector<1000x1xf32>
    %add3A_19 = arith.addf %get3A_13, %get3A_18 : vector<1000x1xf32>
    %max3A = arith.constant 1.000000e+00 : f32
    %max3A_20 = vector.broadcast %max3A : f32 to vector<1000x1xf32>
    %max3A_21 = arith.maximumf %add3A_19, %max3A_20 : vector<1000x1xf32>
    %div3A = arith.constant 1.000000e+00 : f32
    %div3A_22 = vector.broadcast %div3A : f32 to vector<1000x1xf32>
    %div3A_23 = arith.divf %div3A_22, %max3A_21 : vector<1000x1xf32>
    %get3A_24 = arith.constant 0 : index
    %get3A_25 = arith.constant 0 : index
    %get3A_26 = vector.load %arg4[%get3A_24, %get3A_25] : memref<128x128xf32, #tpu.memory_space<vmem>>, vector<128x128xf32>
    %dot_general3A = arith.constant dense<0.000000e+00> : vector<1000x128xf32>
    %dot_general3A_27 = tpu.matmul %add3A, %get3A_26, %dot_general3A {dimension_numbers = #tpu.dot_dimension_numbers<[1], [0], [0], [1], [0, 0, 1, 1], [], []>, transpose_lhs_hint = false} : vector<1000x128xf32>, vector<128x128xf32>, vector<1000x128xf32> -> vector<1000x128xf32>
    %mul3A = vector.broadcast %div3A_23 : vector<1000x1xf32> to vector<1000x128xf32>
    %mul3A_28 = arith.mulf %dot_general3A_27, %mul3A : vector<1000x128xf32>
    %gt3A = arith.constant 0.000000e+00 : f32
    %gt3A_29 = vector.broadcast %gt3A : f32 to vector<1000x1xf32>
    %gt3A_30 = arith.cmpf ogt, %add3A_19, %gt3A_29 : vector<1000x1xf32>
    %jit3A = arith.constant 1.000000e+00 : f32
    %jit3A_31 = arith.constant 0.000000e+00 : f32
    %broadcast_in_dim3A = vector.broadcast %jit3A : f32 to vector<1000x1xf32>
    %broadcast_in_dim3A_32 = vector.broadcast %jit3A_31 : f32 to vector<1000x1xf32>
    %select_n3A = arith.select %gt3A_30, %broadcast_in_dim3A, %broadcast_in_dim3A_32 : vector<1000x1xi1>, vector<1000x1xf32>
    %get3A_33 = arith.constant 0 : index
    %get3A_34 = arith.constant 0 : index
    %get3A_35 = vector.load %arg5[%get3A_33, %get3A_34] : memref<1x128xf32, #tpu.memory_space<vmem>>, vector<1x128xf32>
    %mul3A_36 = vector.broadcast %select_n3A : vector<1000x1xf32> to vector<1000x128xf32>
    %mul3A_37 = vector.broadcast %get3A_35 : vector<1x128xf32> to vector<1000x128xf32>
    %mul3A_38 = arith.mulf %mul3A_36, %mul3A_37 : vector<1000x128xf32>
    %add3A_39 = arith.addf %mul3A_28, %mul3A_38 : vector<1000x128xf32>
    %get3A_40 = arith.constant 0 : index
    %get3A_41 = arith.constant 0 : index
    %get3A_42 = vector.load %arg3[%get3A_40, %get3A_41] : memref<1000x128xf32, #tpu.memory_space<vmem>>, vector<1000x128xf32>
    %get3A_43 = arith.constant 0 : index
    %get3A_44 = arith.constant 0 : index
    %get3A_45 = vector.load %arg6[%get3A_43, %get3A_44] : memref<128x128xf32, #tpu.memory_space<vmem>>, vector<128x128xf32>
    %dot_general3A_46 = arith.constant dense<0.000000e+00> : vector<1000x128xf32>
    %dot_general3A_47 = tpu.matmul %get3A_42, %get3A_45, %dot_general3A_46 {dimension_numbers = #tpu.dot_dimension_numbers<[1], [0], [0], [1], [0, 0, 1, 1], [], []>, transpose_lhs_hint = false} : vector<1000x128xf32>, vector<128x128xf32>, vector<1000x128xf32> -> vector<1000x128xf32>
    %get3A_48 = arith.constant 0 : index
    %get3A_49 = arith.constant 0 : index
    %get3A_50 = vector.load %arg7[%get3A_48, %get3A_49] : memref<128x128xf32, #tpu.memory_space<vmem>>, vector<128x128xf32>
    %dot_general3A_51 = arith.constant dense<0.000000e+00> : vector<1000x128xf32>
    %dot_general3A_52 = tpu.matmul %add3A_39, %get3A_50, %dot_general3A_51 {dimension_numbers = #tpu.dot_dimension_numbers<[1], [0], [0], [1], [0, 0, 1, 1], [], []>, transpose_lhs_hint = false} : vector<1000x128xf32>, vector<128x128xf32>, vector<1000x128xf32> -> vector<1000x128xf32>
    %add3A_53 = arith.addf %dot_general3A_47, %dot_general3A_52 : vector<1000x128xf32>
    %get3A_54 = arith.constant 0 : index
    %get3A_55 = arith.constant 0 : index
    %get3A_56 = vector.load %arg8[%get3A_54, %get3A_55] : memref<1x128xf32, #tpu.memory_space<vmem>>, vector<1x128xf32>
    %add3A_57 = vector.broadcast %get3A_56 : vector<1x128xf32> to vector<1000x128xf32>
    %add3A_58 = arith.addf %add3A_53, %add3A_57 : vector<1000x128xf32>
    %max3A_59 = arith.constant 0.000000e+00 : f32
    %max3A_60 = vector.broadcast %max3A_59 : f32 to vector<1000x128xf32>
    %max3A_61 = arith.maximumf %add3A_58, %max3A_60 : vector<1000x128xf32>
    %get3A_62 = arith.constant 0 : index
    %get3A_63 = arith.constant 0 : index
    %get3A_64 = vector.load %arg9[%get3A_62, %get3A_63] : memref<128x128xf32, #tpu.memory_space<vmem>>, vector<128x128xf32>
    %dot_general3A_65 = arith.constant dense<0.000000e+00> : vector<1000x128xf32>
    %dot_general3A_66 = tpu.matmul %max3A_61, %get3A_64, %dot_general3A_65 {dimension_numbers = #tpu.dot_dimension_numbers<[1], [0], [0], [1], [0, 0, 1, 1], [], []>, transpose_lhs_hint = false} : vector<1000x128xf32>, vector<128x128xf32>, vector<1000x128xf32> -> vector<1000x128xf32>
    %get3A_67 = arith.constant 0 : index
    %get3A_68 = arith.constant 0 : index
    %get3A_69 = vector.load %arg10[%get3A_67, %get3A_68] : memref<1x128xf32, #tpu.memory_space<vmem>>, vector<1x128xf32>
    %add3A_70 = vector.broadcast %get3A_69 : vector<1x128xf32> to vector<1000x128xf32>
    %add3A_71 = arith.addf %dot_general3A_66, %add3A_70 : vector<1000x128xf32>
    %swap3A = arith.constant 0 : index
    %swap3A_72 = arith.constant 0 : index
    %swap3A_73 = vector.load %arg11[%swap3A, %swap3A_72] : memref<1000x128xf32, #tpu.memory_space<vmem>>, vector<1000x128xf32>
    tpu.vector_store %arg11[%swap3A, %swap3A_72], %add3A_71 {strides = array<i32>} : memref<1000x128xf32, #tpu.memory_space<vmem>>, vector<1000x128xf32>,
    return
  }
  func.func @transform_0(%arg0: i32) -> (i32, i32, i32) {
    %c0_i32 = arith.constant 0 : i32
    %c0_i32_0 = arith.constant 0 : i32
    %c0_i32_1 = arith.constant 0 : i32
    return %c0_i32, %arg0, %c0_i32_0 : i32, i32, i32
  }
  func.func @transform_1(%arg0: i32) -> (i32, i32, i32) {
    %c0_i32 = arith.constant 0 : i32
    %c0_i32_0 = arith.constant 0 : i32
    %c0_i32_1 = arith.constant 0 : i32
    return %c0_i32, %arg0, %c0_i32_0 : i32, i32, i32
  }
  func.func @transform_2(%arg0: i32) -> (i32, i32) {
    %c0_i32 = arith.constant 0 : i32
    %c0_i32_0 = arith.constant 0 : i32
    return %arg0, %c0_i32 : i32, i32
  }
  func.func @transform_3(%arg0: i32) -> (i32, i32) {
    %c0_i32 = arith.constant 0 : i32
    %c0_i32_0 = arith.constant 0 : i32
    %c0_i32_1 = arith.constant 0 : i32
    return %c0_i32, %c0_i32_0 : i32, i32
  }
  func.func @transform_4(%arg0: i32) -> (i32, i32) {
    %c0_i32 = arith.constant 0 : i32
    %c0_i32_0 = arith.constant 0 : i32
    %c0_i32_1 = arith.constant 0 : i32
    return %c0_i32, %c0_i32_0 : i32, i32
  }
  func.func @transform_5(%arg0: i32) -> (i32, i32) {
    %c0_i32 = arith.constant 0 : i32
    %c0_i32_0 = arith.constant 0 : i32
    %c0_i32_1 = arith.constant 0 : i32
    return %c0_i32, %c0_i32_0 : i32, i32
  }
  func.func @transform_6(%arg0: i32) -> (i32, i32) {
    %c0_i32 = arith.constant 0 : i32
    %c0_i32_0 = arith.constant 0 : i32
    %c0_i32_1 = arith.constant 0 : i32
    return %c0_i32, %c0_i32_0 : i32, i32
  }
  func.func @transform_7(%arg0: i32) -> (i32, i32) {
    %c0_i32 = arith.constant 0 : i32
    %c0_i32_0 = arith.constant 0 : i32
    %c0_i32_1 = arith.constant 0 : i32
    return %c0_i32, %c0_i32_0 : i32, i32
  }
  func.func @transform_8(%arg0: i32) -> (i32, i32) {
    %c0_i32 = arith.constant 0 : i32
    %c0_i32_0 = arith.constant 0 : i32
    %c0_i32_1 = arith.constant 0 : i32
    return %c0_i32, %c0_i32_0 : i32, i32
  }
  func.func @transform_9(%arg0: i32) -> (i32, i32) {
    %c0_i32 = arith.constant 0 : i32
    %c0_i32_0 = arith.constant 0 : i32
    %c0_i32_1 = arith.constant 0 : i32
    return %c0_i32, %c0_i32_0 : i32, i32
  }
  func.func @transform_10(%arg0: i32) -> (i32, i32) {
    %c0_i32 = arith.constant 0 : i32
    %c0_i32_0 = arith.constant 0 : i32
    return %arg0, %c0_i32 : i32, i32
  }
}

</mosaic_0001>

<sc_bundles>
// kernel: kernel.6.cloned.1.call-start
scs
__scs_entry_jumppad:
0x0: {  	(pc) =	sbr.rel $0x88, $3  }
0x1: {  	(tag) =	ssettag $0x0;
	lr =	simm.s32 $0x1  }
0x2: {  	[smem:$0x3F96] =	sst lr;
	_ =	strace $0xD0000000  }
0x3: {  	_ = 	snop  }
0x4: {  	_ = 	snop  }
0x5: {  	_ = 	snop  }
0x6: {  	_ = 	snop  }
0x7: {  	_ = 	snop  }
__scs_overlays_trampoline_lowered:
0x8: {  	[smem:$0x3FA5] =	sst s0  }
0x9: {  	[smem:$0x3FA6] =	sst s1  }
0xa: {  	[smem:$0x3FA7] =	sst s2  }
0xb: {  	[smem:$0x3FA8] =	sst s3  }
0xc: {  	[smem:$0x3FA9] =	sst s4  }
0xd: {  	[smem:$0x3FAA] =	sst s5  }
0xe: {  	[smem:$0x3FAB] =	sst s6  }
0xf: {  	[smem:$0x3FAC] =	sst s7  }
0x10: {  	[smem:$0x3FAD] =	sst s8  }
0x11: {  	[smem:$0x3FAE] =	sst s9;
	s0 =	simm.s32 @!p0 $0x0  }
0x12: {  	s1 =	sld [smem:$0x3F94];
	s0 =	simm.s32 @p0 $0x1  }
0x13: {  	[smem:$0x3FAF] =	sst s0;
	s0 =	simm.s32 @!p1 $0x0  }
0x14: {  	s2 =	sld [smem:$0x3F93];
	s0 =	simm.s32 @p1 $0x1  }
0x15: {  	[smem:$0x3FB0] =	sst s0;
	s0 =	simm.s32 @!p2 $0x0  }
0x16: {  	s3 =	sld [smem:$0x3FDB];
	s0 =	simm.s32 @p2 $0x1  }
0x17: {  	s4 =	simm.s32 $0x1BF5;
	[smem:$0x3FB2] =	sst s0  }
0x18: {  	s0 =	sld [smem:$0x3F95];
	_ =	swait.ge [sflag:s4], $0x0  }
0x19: {  	s7 =	sld [smem:$0x3F96]  }
0x1a: {  	s8 =	sadd.s32 $0xFFFFE003, lr  }
0x1b: {  	s9 =	sadd.s32 $0xFFFFFEF7, lr;
	s5 =	simm.s32 $0xFFFFFFFF;
	p2 =	slt.u32 s8, $0xFFFFF086  }
0x1c: {  	p1 =	slt.u32 s9, $0xF7A;
	s5 =	simm.s32 @!p2 $0x0  }
0x1d: {  	s5 =	simm.s32 @p1 $0x1;
	p0 =	seq.s32 s7, s2  }
0x1e: {  	s7 =	smul.u32 @!p0 $0xF7A, s2;
	p2 =	seq.s32 @!p0 s5, $0x0  }
0x1f: {  	s9 =	smul.u32 $0xF7A, s1;
	s8 =	simm.s32 @!p0 $0x1BF5;
	p2 =	por !p2, p0  }
0x20: {  	[sflag:s8] =	ssyncset.s32 @!p0 $0xFFFFF086;
	s6 =	sadd.s32 @!p0 s3, s7;
	s7 =	simm.s32 @!p0 $0x108  }
0x21: {  	s3 =	sadd.s32 s3, s9;
	s6 =	sadd.s32 @!p0 $0x88, s6;
	s7 =	simm.s32 @p2 $0x1082  }
0x22: {  	[simem:s7], [sflag:s8] =	dma.local @!p0 [hbm:s6], $0xF7A  }
0x23: {  	s9 =	sor.u32 $0xD0000000, s2;
	s6 =	simm.s32 $0x108;
	_ =	swait.ge @!p0 [sflag:s8], $0x0  }
0x24: {  	s3 =	sadd.s32 $0x88, s3;
	s6 =	simm.s32 @!p1 $0x1082;
	[sflag:s4] =	ssyncset.s32 $0xFFFFF086  }
0x25: {  	[simem:s6], [sflag:s4] =	dma.local [hbm:s3], $0xF7A  }
0x26: {  	[smem:$0x3F96] =	sst s1;
	(tag) =	ssettag s2;
	_ =	strace s9  }
0x27: {  	s1 =	sld [smem:$0x3FA6]  }
0x28: {  	s2 =	sld [smem:$0x3FA7]  }
0x29: {  	s4 =	sld [smem:$0x3FA9]  }
0x2a: {  	p0 =	seq.s32 s5, $0x0;
	s5 =	sld [smem:$0x3FAA]  }
0x2b: {  	s6 =	sld [smem:$0x3FAB]  }
0x2c: {  	s7 =	sld [smem:$0x3FAC]  }
0x2d: {  	s3 =	simm.s32 $0x108;
	s8 =	sld [smem:$0x3FAD]  }
0x2e: {  	s3 =	simm.s32 @!p0 $0x1082;
	s9 =	sld [smem:$0x3FAE]  }
0x2f: {  	lr =	sadd.s32 s0, s3;
	s0 =	sld [smem:$0x3FA5]  }
0x30: {  	s3 =	sld [smem:$0x3FA8]  }
0x31: {  	[smem:$0x3FB1] =	sst s10  }
0x32: {  	s10 =	sld [smem:$0x3FAF];
	_ =	sdelay $0x3  }
0x33: {  	p0 =	seq.s32 s10, $0x1;
	s10 =	sld [smem:$0x3FB1];
	_ =	sdelay $0x3  }
0x34: {  	[smem:$0x3FB1] =	sst s10  }
0x35: {  	s10 =	sld [smem:$0x3FB0];
	_ =	sdelay $0x3  }
0x36: {  	p1 =	seq.s32 s10, $0x1;
	s10 =	sld [smem:$0x3FB1];
	_ =	sdelay $0x3  }
0x37: {  	[smem:$0x3FB1] =	sst s10  }
0x38: {  	s10 =	sld [smem:$0x3FB2]  }
0x39: {  	_ = 	snop;
	(pc) =	sbr.ind lr, $3  }
0x3a: {  	_ = 	snop  }
0x3b: {  	_ = 	snop  }
0x3c: {  	p2 =	seq.s32 s10, $0x1;
	s10 =	sld [smem:$0x3FB1]  }
0x3d: {  	_ =	shalt  }
0x3e: {  	_ =	shalt  }
0x3f: {  	_ =	shalt  }
0x40: {  	_ =	shalt  }
0x41: {  	_ =	shalt  }
0x42: {  	_ =	shalt  }
0x43: {  	_ =	shalt  }
0x44: {  	_ =	shalt  }
0x45: {  	_ =	shalt  }
0x46: {  	_ =	shalt  }
0x47: {  	_ =	shalt  }
0x48: {  	_ =	shalt  }
0x49: {  	_ =	shalt  }
0x4a: {  	_ =	shalt  }
0x4b: {  	_ =	shalt  }
0x4c: {  	_ =	shalt  }
0x4d: {  	_ =	shalt  }
0x4e: {  	_ =	shalt  }
0x4f: {  	_ =	shalt  }
0x50: {  	_ =	shalt  }
0x51: {  	_ =	shalt  }
0x52: {  	_ =	shalt  }
0x53: {  	_ =	shalt  }
0x54: {  	_ =	shalt  }
0x55: {  	_ =	shalt  }
0x56: {  	_ =	shalt  }
0x57: {  	_ =	shalt  }
0x58: {  	_ =	shalt  }
0x59: {  	_ =	shalt  }
0x5a: {  	_ =	shalt  }
0x5b: {  	_ =	shalt  }
0x5c: {  	_ =	shalt  }
0x5d: {  	_ =	shalt  }
0x5e: {  	_ =	shalt  }
0x5f: {  	_ =	shalt  }
0x60: {  	_ =	shalt  }
0x61: {  	_ =	shalt  }
0x62: {  	_ =	shalt  }
0x63: {  	_ =	shalt  }
0x64: {  	_ =	shalt  }
0x65: {  	_ =	shalt  }
0x66: {  	_ =	shalt  }
0x67: {  	_ =	shalt  }
0x68: {  	_ =	shalt  }
0x69: {  	_ =	shalt  }
0x6a: {  	_ =	shalt  }
0x6b: {  	_ =	shalt  }
0x6c: {  	_ =	shalt  }
0x6d: {  	_ =	shalt  }
0x6e: {  	_ =	shalt  }
0x6f: {  	_ =	shalt  }
0x70: {  	_ =	shalt  }
0x71: {  	_ =	shalt  }
0x72: {  	_ =	shalt  }
0x73: {  	_ =	shalt  }
0x74: {  	_ =	shalt  }
0x75: {  	_ =	shalt  }
0x76: {  	_ =	shalt  }
0x77: {  	_ =	shalt  }
0x78: {  	_ =	shalt  }
0x79: {  	_ =	shalt  }
0x7a: {  	_ =	shalt  }
0x7b: {  	_ =	shalt  }
0x7c: {  	_ =	shalt  }
0x7d: {  	_ =	shalt  }
0x7e: {  	_ =	shalt  }
0x7f: {  	_ =	shalt  }
0x80: {  	_ =	shalt  }
0x81: {  	_ =	shalt  }
0x82: {  	_ =	shalt  }
0x83: {  	_ =	shalt  }
0x84: {  	_ =	shalt  }
0x85: {  	_ =	shalt  }
0x86: {  	_ =	shalt  }
0x87: {  	_ =	shalt  }
.Lfunc_end0:
.L_simem_size_0:
called_computation_lowered:
.L_overlay_start_0:
0x88: {  	s2 =	sld [smem:$0x3FD9]  }
0x89: {  	s3 =	sld [smem:$0x3FFE];
	_ =	sdelay $0x1  }
0x8a: {  	s1 =	srdreg.scid  }
0x8b: {  	s0 =	sand.u32 $0x1, s1  }
0x8c: {  	s17 =	sshll.u32 s0, $0xA;
	s2 =	sadd.s32 s3, s2  }
0x8d: {  	s2 =	sadd.s32 s2, s17  }
0x8e: {  	[smem:$0x3FBD] =	sst s2  }
0x8f: {  	_ = 	snop  }
0x90: {  	s2 =	sld [smem:$0x3FD0];
	(tm) =	ssettm $0x1  }
0x91: {  	s18 =	sld [smem:$0x3FFB];
	_ =	sdelay $0x3  }
0x92: {  	_ =	strace s18  }
0x93: {  	s3 =	sld [smem:$0x3FFC];
	_ =	sdelay $0x3  }
0x94: {  	_ =	strace s3  }
0x95: {  	s3 =	sld [smem:$0x3FFD];
	_ =	sdelay $0x3  }
0x96: {  	_ =	strace s3  }
0x97: {  	_ =	strace $0x8FFFFFFF  }
0x98: {  	s19 =	sld [smem:$0x3FDB];
	_ =	sdelay $0x1  }
0x99: {  	s4 =	simm.s32 $_scs_section_size  }
0x9a: {  	s5 =	simm.s32 $_size__tile_overlayer_lowered;
	s6 =	simm.s32 $_tile_overlayer_lowered  }
0x9b: {  	s22 =	simm.s32 $0x1BFF;
	s21 =	sshll.u32 s6, $0x1;
	s3 =	sadd.s32 s4, s19  }
0x9c: {  	s7 =	simm.s32 $0x0;
	s20 =	sshll.u32 s5, $0x1;
	s5 =	sadd.s32 s21, s3  }
0x9d: {  	[timem:s7], [sflag:s22] =	dma.local [hbm:s5], s20  }
0x9e: {  	_ =	swait.ge [sflag:s22], s20  }
0x9f: {  	s4 =	ssub.s32 $0x0, s20;
	[sflag:s22] =	ssyncset.done $0x0  }
0xa0: {  	[sflag:s22] =	ssyncadd.s32 s4;
	_ =	sdelay $0x1  }
0xa1: {  	s23 =	simm.s32 $0x1B8B  }
0xa2: {  	_ =	swait.ge [sflag:s23], $0x1  }
0xa3: {  	[sflag:s23] =	ssyncset.done $0x0  }
0xa4: {  	s25 =	simm.s32 $0x1B8E;
	s24 =	sld [smem:$0x3FFE];
	[sflag:s23] =	ssyncadd.s32 $0xFFFFFFFF  }
0xa5: {  	s26 =	simm.s32 $execute0_lowered;
	[smem:$0x3FD2] =	sst s25  }
0xa6: {  	s5 =	sshll.u32 s26, $0x1;
	_ =	strace $0x80000046;
	[dreg:$0x1] =	wrdreg $0xFFFFFFFF  }
0xa7: {  	s28 =	simm.s32 $_size_execute0_lowered;
	s3 =	sadd.s32 s3, s5;
	[dreg:$0x0] =	wrdreg $0x0  }
0xa8: {  	s5 =	sshll.u32 s28, $0x1;
	[dreg:$0x2] =	wrdreg s3  }
0xa9: {  	[dreg:$0x3] =	wrdreg s5  }
0xaa: {  	[dreg:$0x4] =	wrdreg $0xC0  }
0xab: {  	_ =	task [dreg:s7], $0x5FFFF  }
0xac: {  	[dreg:$0x1] =	wrdreg $0xFFFFFFFF  }
0xad: {  	[dreg:$0x0] =	wrdreg $0x60  }
0xae: {  	[dreg:$0x2] =	wrdreg s2  }
0xaf: {  	[dreg:$0x3] =	wrdreg s24  }
0xb0: {  	[dreg:$0x4] =	wrdreg $0xA1800  }
0xb1: {  	[dreg:$0x5] =	wrdreg $0x1DA000  }
0xb2: {  	[dreg:$0x6] =	wrdreg $0x9  }
0xb3: {  	_ =	task.clear_ibuf [dreg:s7], $0x7FFFF;
	_ =	strace $0x90000046  }
0xb4: {  	s29 =	simm.s32 $0x9;
	_ =	strace $0x80000048  }
0xb5: {  	_ =	swait.ge [sflag:s29], $0x1  }
0xb6: {  	[sflag:s29] =	ssyncadd.s32 $0xFFFFFFFF  }
0xb7: {  	_ =	strace $0x90000048  }
0xb8: {  	_ =	sfence  }
0xb9: {  	s30 =	sld [smem:$0x0];
	_ =	sdelay $0x2  }
0xba: {  	s31 =	sshll.u32 s1, $0xD;
	s1 =	sshrl.u32 s1, $0x2  }
0xbb: {  	s3 =	sand.u32 $0x4000, s31;
	s1 =	sadd.s32 s1, s30  }
0xbc: {  	s0 =	sor.u32 s3, s0;
	s1 =	sshll.u32 s1, $0x11  }
0xbd: {  	s0 =	sor.u32 s1, s0  }
0xbe: {  	s0 =	sadd.s32 $0x8F2B, s0  }
0xbf: {  	[sflag:s0] =	ssyncadd.remote.s32 $0x1  }
0xc0: {  	_ =	sfence.sel $0xFFFF  }
0xc1: {  	[dreg:$0x0] =	wrdreg $0xFFFFFFFF;
	(pc) =	sbr.abs _section_cstart, $3  }
0xc2: {  	[dreg:$0x1] =	wrdreg $0xFFFFFFFF  }
0xc3: {  	_ =	task.clear_ibuf [dreg:s7], $0x2FFFF;
	_ =	strace $0x9FFFFFFF  }
0xc4: {  	(tm) =	ssettm $0x7FFFFFFF  }
0xc5: {  	_ =	shalt  }
tec
execute0_lowered:
.L_overlay_start_1:
0x0: {  	(tag) =	ssettag $0x1  }
0x1: {  	s1 =	rddreg [dreg:$0x0]  }
0x2: {  	s0 =	rddreg [dreg:$0x1]  }
0x3: {  	s2 =	rddreg [dreg:$0x2]  }
0x4: {  	s3 =	rddreg [dreg:$0x3];
	s5 =	srdreg.scid  }
0x5: {  	s4 =	simm.s32 $0x0;
	s28 =	stileid.u32;
	s30 =	simm.s32 $0x180  }
0x6: {  	s31 =	simm.s32 $0x3;
	s5 =	sand.u32 $0x1, s5;
	[smem:$0x7FF] =	sst s4  }
0x7: {  	s8 =	smul.u32 $0x13800, s28;
	s9 =	sadd.s32 $0x3000, s0;
	p0 =	sne.s32 s28, $0x0  }
0x8: {  	s6 =	ssub.s32 $0x2, s5;
	_ =	strace $0x80000047;
	s10 =	smul.u32 $0x500, s5  }
0x9: {  	s12 =	smul.u32 $0x138800, s5;
	s5 =	sshll.u32 s5, $0x4;
	s7 =	sshrl.u32 s6, $0x1  }
0xa: {  	s11 =	sadd.s32 $0x5000, s8;
	s13 =	sadd.s32 $0x7800, s8;
	s22 =	sadd.s32 $0xA000, s8  }
0xb: {  	s23 =	sadd.s32 $0xC800, s8;
	s24 =	sadd.s32 $0xF000, s8;
	s6 =	ssub.s32 s6, s7  }
0xc: {  	s7 =	sadd.s32 $0x2800, s8;
	s14 =	sadd.s32 s8, s12;
	s8 =	sadd.s32 $0x11800, s8  }
0xd: {  	s25 =	sadd.s32 s12, s11;
	s26 =	sadd.s32 s12, s13;
	s16 =	sadd.s32 s12, s22  }
0xe: {  	s20 =	sadd.s32 s12, s23;
	s10 =	sadd.s32 s10, s0;
	s22 =	sadd.s32 s22, s2  }
0xf: {  	s23 =	sadd.s32 s23, s2;
	s15 =	sadd.s32 s12, s7;
	s14 =	sshrl.u32 s14, $0x3  }
0x10: {  	s17 =	sshrl.u32 s26, $0x3;
	s18 =	sshrl.u32 s16, $0x3;
	s26 =	smul.u32 $0x4E000, s28  }
0x11: {  	s16 =	sadd.s32 $0x4EE400, s0;
	s29 =	smax.u32 s6, $0x1;
	s6 =	simm.s32 $0x2980  }
0x12: {  	s15 =	sshrl.u32 s15, $0x3;
	s14 =	sadd.s32 s9, s14;
	s19 =	sadd.s32 s9, s18  }
0x13: {  	[dreg:$0x5] =	wrdreg s14;
	s21 =	sadd.s32 s9, s15;
	s14 =	sshrl.u32 s25, $0x3  }
0x14: {  	[dreg:$0x9] =	wrdreg s19;
	s15 =	sadd.s32 $0x51F400, s0;
	s19 =	sadd.s32 s7, s2  }
0x15: {  	s7 =	simm.s32 $0x5180;
	[dreg:$0x6] =	wrdreg s21;
	s14 =	sadd.s32 s9, s14  }
0x16: {  	s21 =	sadd.s32 s12, s24;
	s12 =	sadd.s32 s12, s8;
	s24 =	sadd.s32 s24, s2  }
0x17: {  	[dreg:$0x7] =	wrdreg s14;
	s14 =	sadd.s32 s9, s17;
	s25 =	sshrl.u32 s21, $0x3  }
0x18: {  	s12 =	sshrl.u32 s12, $0x3;
	s17 =	sadd.s32 $0x4E4600, s0;
	s21 =	sadd.s32 s13, s2  }
0x19: {  	s13 =	sadd.s32 $0x2600, s10;
	[dreg:$0x8] =	wrdreg s14;
	s14 =	sshrl.u32 s20, $0x3  }
0x1a: {  	s20 =	sadd.s32 s11, s2;
	[dreg:$0xd] =	wrdreg s13;
	s14 =	sadd.s32 s9, s14  }
0x1b: {  	[dreg:$0xa] =	wrdreg s14;
	s14 =	sadd.s32 s9, s25;
	s9 =	sadd.s32 s9, s12  }
0x1c: {  	s12 =	sor.u32 s28, s5;
	s25 =	sadd.s32 s8, s2;
	[dreg:$0xb] =	wrdreg s14  }
0x1d: {  	v0 =	vlaneseq.u32;
	s5 =	simm.s32 $0x50;
	s8 =	simm.s32 $0x1;
	[dreg:$0xc] =	wrdreg s9  }
0x1e: {  	v1 =	vimm.f32 $0.0e+00;
	v2 =	vor.u32 $0x10, v0;
	s14 =	sadd.s32 $0x4F8200, s0;
	s9 =	sshrl.u32 s26, $0x2;
	s26 =	smul.u32 $0x2710, s12  }
0x1f: {  	v3 =	vor.u32 $0x20, v0;
	v4 =	vor.u32 $0x30, v0;
	v5 =	vor.u32 $0x40, v0;
	s0 =	simm.s32 $0x80;
	s18 =	sadd.s32 s9, s2;
	s9 =	simm.s32 $0x2  }
.LBB2_1:
0x20: {  	s10 =	simm.s32 $0x0;
	s11 =	simm.s32 $0x200  }
.LBB2_2:
0x21: {  	p1 =	sne.s32 s11, $0x9E00;
	[tilespmem:s10+$0x79F0] =	vst v1  }
0x22: {  	[tilespmem:s10+$0x180] =	vst v1  }
0x23: {  	[tilespmem:s10+$0x7980] =	vst v1  }
0x24: {  	[tilespmem:s10+$0x190] =	vst v1  }
0x25: {  	[tilespmem:s10+$0x7990] =	vst v1  }
0x26: {  	[tilespmem:s10+$0x1A0] =	vst v1  }
0x27: {  	[tilespmem:s10+$0x79A0] =	vst v1  }
0x28: {  	[tilespmem:s10+$0x1B0] =	vst v1  }
0x29: {  	[tilespmem:s10+$0x79B0] =	vst v1  }
0x2a: {  	[tilespmem:s10+$0x1C0] =	vst v1  }
0x2b: {  	[tilespmem:s10+$0x79C0] =	vst v1  }
.Ltmp0:
0x2c: {  	[tilespmem:s10+$0x1D0] =	vst v1;
	(pc) =	sbr.rel @p1 .LBB2_2-.Ltmp0, $4  }
0x2d: {  	[tilespmem:s10+$0x79D0] =	vst v1  }
0x2e: {  	[tilespmem:s10+$0x1E0] =	vst v1  }
0x2f: {  	[tilespmem:s10+$0x79E0] =	vst v1  }
0x30: {  	[tilespmem:s10+$0x1F0] =	vst v1;
	s10 =	sshra.s32 s11, $0x2;
	s11 =	sadd.s32 $0x200, s11  }
0x31: {  	[tilespmem:s10+$0x79F0] =	vst v1  }
0x32: {  	[tilespmem:s10+$0x180] =	vst v1  }
0x33: {  	[tilespmem:s10+$0x7980] =	vst v1  }
0x34: {  	[tilespmem:s10+$0x190] =	vst v1  }
0x35: {  	[tilespmem:s10+$0x7990] =	vst v1  }
0x36: {  	[tilespmem:s10+$0x1A0] =	vst v1  }
0x37: {  	[tilespmem:s10+$0x79A0] =	vst v1  }
0x38: {  	[tilespmem:s10+$0x1B0] =	vst v1  }
0x39: {  	[tilespmem:s10+$0x79B0] =	vst v1  }
0x3a: {  	[tilespmem:s10+$0x1C0] =	vst v1  }
0x3b: {  	[tilespmem:s10+$0x79C0] =	vst v1  }
0x3c: {  	[tilespmem:s10+$0x1D0] =	vst v1  }
0x3d: {  	[tilespmem:s10+$0x79D0] =	vst v1  }
0x3e: {  	[tilespmem:s10+$0x1E0] =	vst v1  }
0x3f: {  	[tilespmem:s10+$0x79E0] =	vst v1  }
0x40: {  	[tilespmem:s10+$0x1F0] =	vst v1  }
0x41: {  	[tilespmem:$0x100] =	vst v0  }
0x42: {  	[tilespmem:$0x110] =	vst v2  }
0x43: {  	[tilespmem:$0x120] =	vst v3  }
0x44: {  	[tilespmem:$0x130] =	vst v4  }
0x45: {  	[tilespmem:$0x140] =	vst v5  }
0x46: {  	[spmem:s18] =	stream.linear.scatter [tilespmem:s30], [sflag:$0x3], $0x2800, $0x38;
	[tilespmem:$0x1DC80] =	vst v63  }
0x47: {  	_ =	swait.ge [sflag:s31], $0x2800  }
0x48: {  	[sflag:s31] =	ssyncset.done $0x0  }
0x49: {  	[sflag:s31] =	ssyncadd.s32 $0xFFFFD800  }
0x4a: {  	[spmem:s19] =	stream.linear.scatter [tilespmem:s30], [sflag:$0x3], $0x2800, $0x38;
	[tilespmem:$0x1DC80] =	vst v63  }
0x4b: {  	_ =	swait.ge [sflag:s31], $0x2800  }
0x4c: {  	[sflag:s31] =	ssyncset.done $0x0  }
0x4d: {  	[sflag:s31] =	ssyncadd.s32 $0xFFFFD800  }
0x4e: {  	[spmem:s20] =	stream.linear.scatter [tilespmem:s30], [sflag:$0x3], $0x2800, $0x38;
	[tilespmem:$0x1DC80] =	vst v63  }
0x4f: {  	_ =	swait.ge [sflag:s31], $0x2800  }
0x50: {  	[sflag:s31] =	ssyncset.done $0x0  }
0x51: {  	[sflag:s31] =	ssyncadd.s32 $0xFFFFD800  }
0x52: {  	[spmem:s21] =	stream.linear.scatter [tilespmem:s30], [sflag:$0x3], $0x2800, $0x38;
	[tilespmem:$0x1DC80] =	vst v63  }
0x53: {  	_ =	swait.ge [sflag:s31], $0x2800  }
0x54: {  	[sflag:s31] =	ssyncset.done $0x0  }
0x55: {  	[sflag:s31] =	ssyncadd.s32 $0xFFFFD800  }
0x56: {  	[spmem:s22] =	stream.linear.scatter [tilespmem:s30], [sflag:$0x3], $0x2800, $0x38;
	[tilespmem:$0x1DC80] =	vst v63  }
0x57: {  	_ =	swait.ge [sflag:s31], $0x2800  }
0x58: {  	[sflag:s31] =	ssyncset.done $0x0  }
0x59: {  	[sflag:s31] =	ssyncadd.s32 $0xFFFFD800  }
0x5a: {  	[spmem:s23] =	stream.linear.scatter [tilespmem:s30], [sflag:$0x3], $0x2800, $0x38;
	[tilespmem:$0x1DC80] =	vst v63  }
0x5b: {  	_ =	swait.ge [sflag:s31], $0x2800  }
0x5c: {  	[sflag:s31] =	ssyncset.done $0x0  }
0x5d: {  	[sflag:s31] =	ssyncadd.s32 $0xFFFFD800  }
0x5e: {  	[spmem:s24] =	stream.linear.scatter [tilespmem:s30], [sflag:$0x3], $0x2800, $0x38;
	[tilespmem:$0x1DC80] =	vst v63  }
0x5f: {  	_ =	swait.ge [sflag:s31], $0x2800  }
0x60: {  	[sflag:s31] =	ssyncset.done $0x0  }
0x61: {  	[sflag:s31] =	ssyncadd.s32 $0xFFFFD800  }
0x62: {  	[spmem:s25] =	stream.linear.scatter [tilespmem:s30], [sflag:$0x3], $0x2800, $0x38;
	[tilespmem:$0x1DC80] =	vst v63  }
0x63: {  	_ =	swait.ge [sflag:s31], $0x2800  }
0x64: {  	[sflag:s31] =	ssyncset.done $0x0  }
0x65: {  	s10 =	simm.s32 @!p0 $0x180;
	[sflag:s31] =	ssyncadd.s32 $0xFFFFD800  }
0x66: {  	[spmem:s3] =	stream.linear.scatter @!p0 [tilespmem:s10], [sflag:$0x3], $0x2800, $0x38;
	[tilespmem:$0x1DC80] =	vst v63  }
0x67: {  	s10 =	simm.s32 @!p0 $0x3  }
0x68: {  	_ =	swait.ge @!p0 [sflag:s10], $0x2800  }
0x69: {  	[sflag:s10] =	ssyncset.done @!p0 $0x0  }
0x6a: {  	[sflag:s10] =	ssyncadd.s32 @!p0 $0xFFFFD800  }
0x6b: {  	s11 =	simm.s32 $0x0;
	s10 =	simm.s32 $0x0;
	[bflag:$0x0] =	sbarrier.arrive $0xFFFF  }
.LBB2_4:
0x6c: {  	s12 =	smul.u32 $0x50, s11;
	_ =	sdelay $0x1  }
0x6d: {  	s12 =	sadd.s32 s26, s12  }
0x6e: {  	s13 =	sshrl.u32 s12, $0x3  }
0x6f: {  	s28 =	sadd.s32 s16, s13  }
0x70: {  	[tilespmem:s10], [sflag:$0x3] =	stream.linear.gather [hbm4b:s28+s10], $0x50, $0x38;
	[tilespmem:$0x1DC80] =	vst v63  }
0x71: {  	_ =	swait.ge [sflag:s31], $0x50  }
0x72: {  	[sflag:s31] =	ssyncset.done $0x0  }
0x73: {  	s13 =	sadd.s32 s17, s13;
	[sflag:s31] =	ssyncadd.s32 $0xFFFFFFB0  }
0x74: {  	[tilespmem:s0], [sflag:$0x3] =	stream.linear.gather [hbm4b:s13+s10], $0x50, $0x38;
	[tilespmem:$0x1DC80] =	vst v63  }
0x75: {  	_ =	swait.ge [sflag:s31], $0x50  }
0x76: {  	[sflag:s31] =	ssyncset.done $0x0  }
0x77: {  	[sflag:s31] =	ssyncadd.s32 $0xFFFFFFB0  }
0x78: {  	[tilespmem:s30], [sflag:$0x1] =	stream.indirect.gather [hbm4b:s1+s5], $0x80, s10, s5, $0xb8;
	[tilespmem:$0x1DC80] =	vst v63  }
0x79: {  	s12 =	sshll.u32 s12, $0x4  }
0x7a: {  	[tilespmem:s6], [sflag:$0x2] =	stream.indirect.gather [hbm4b:s14+s5], $0x80, s0, s5, $0xb8;
	[tilespmem:$0x1DC80] =	vst v63  }
0x7b: {  	s12 =	sadd.s32 s15, s12  }
0x7c: {  	[tilespmem:s7], [sflag:$0x3] =	stream.linear.gather [hbm4b:s12+s10], $0x2800, $0x38;
	[tilespmem:$0x1DC80] =	vst v63  }
0x7d: {  	_ =	swait.ge [sflag:s31], $0x2800  }
0x7e: {  	[sflag:s31] =	ssyncset.done $0x0  }
0x7f: {  	[sflag:s31] =	ssyncadd.s32 $0xFFFFD800  }
0x80: {  	_ =	swait.ge [sflag:s8], $0x2800  }
0x81: {  	[sflag:s8] =	ssyncset.done $0x0  }
0x82: {  	[sflag:s8] =	ssyncadd.s32 $0xFFFFD800  }
0x83: {  	_ =	swait.ge [sflag:s9], $0x2800  }
0x84: {  	[sflag:s9] =	ssyncset.done $0x0  }
0x85: {  	s12 =	simm.s32 $0x0;
	[sflag:s9] =	ssyncadd.s32 $0xFFFFD800  }
0x86: {  	v18 =	vld [tilespmem:s12+$0x180]  }
0x87: {  	v23 =	vld [tilespmem:s12+$0x2980]  }
0x88: {  	v25 =	vld [tilespmem:s12+$0x190]  }
0x89: {  	v26 =	vld [tilespmem:s12+$0x2990]  }
0x8a: {  	v11 =	vld [tilespmem:s12+$0x1A0]  }
0x8b: {  	v15 =	vld [tilespmem:s12+$0x29A0]  }
0x8c: {  	v13 =	vld [tilespmem:s12+$0x1B0]  }
0x8d: {  	v17 =	vld [tilespmem:s12+$0x29B0]  }
0x8e: {  	v14 =	vld [tilespmem:s12+$0x1C0]  }
0x8f: {  	v16 =	vld [tilespmem:s12+$0x29C0]  }
0x90: {  	v10 =	vld [tilespmem:s12+$0x1D0]  }
0x91: {  	v12 =	vld [tilespmem:s12+$0x29D0]  }
0x92: {  	v8 =	vld [tilespmem:s12+$0x1E0]  }
0x93: {  	v9 =	vld [tilespmem:s12+$0x29E0]  }
0x94: {  	v6 =	vld [tilespmem:s12+$0x1F0]  }
0x95: {  	v7 =	vld [tilespmem:s12+$0x29F0]  }
0x96: {  	v22 =	vld [tilespmem:s12+$0x5180]  }
0x97: {  	v21 =	vld [tilespmem:s12+$0x5190]  }
0x98: {  	v20 =	vld [tilespmem:s12+$0x51A0]  }
0x99: {  	v19 =	vld [tilespmem:s12+$0x51B0];
	v24 =	vadd.f32 v23, v18  }
0x9a: {  	s13 =	simm.s32 $0x200;
	v23 =	vadd.f32 v26, v25;
	v18 =	vld [tilespmem:s12+$0x51C0]  }
.LBB2_5:
0x9b: {  	p1 =	sne.s32 s13, $0x9E00;
	v22 =	vadd.f32 v22, v24;
	v11 =	vadd.f32 v15, v11;
	v15 =	vld [tilespmem:s12+$0x51D0]  }
0x9c: {  	v13 =	vadd.f32 v17, v13;
	v21 =	vadd.f32 v21, v23;
	v17 =	vld [tilespmem:s12+$0x51E0]  }
0x9d: {  	s28 =	sshra.s32 s13, $0x2;
	v14 =	vadd.f32 v16, v14;
	v22 =	vmax.f32 v22, $0.0e+00;
	v11 =	vadd.f32 v20, v11;
	v16 =	vld [tilespmem:s12+$0x51F0]  }
0x9e: {  	v10 =	vadd.f32 v12, v10;
	v23 =	vld [tilespmem:s28+$0x180];
	[tilespmem:s12+$0x5180] =	vst v22;
	v20 =	vmax.f32 v21, $0.0e+00;
	v13 =	vadd.f32 v19, v13  }
0x9f: {  	v8 =	vadd.f32 v9, v8;
	v19 =	vld [tilespmem:s28+$0x2980];
	[tilespmem:s12+$0x5190] =	vst v20;
	v11 =	vmax.f32 v11, $0.0e+00;
	v12 =	vadd.f32 v18, v14  }
0xa0: {  	v6 =	vadd.f32 v7, v6;
	v18 =	vld [tilespmem:s28+$0x190];
	[tilespmem:s12+$0x51A0] =	vst v11;
	v9 =	vmax.f32 v13, $0.0e+00;
	v10 =	vadd.f32 v15, v10  }
0xa1: {  	v25 =	vld [tilespmem:s28+$0x2990];
	[tilespmem:s12+$0x51B0] =	vst v9;
	v7 =	vmax.f32 v12, $0.0e+00;
	v8 =	vadd.f32 v17, v8  }
0xa2: {  	v11 =	vld [tilespmem:s28+$0x1A0];
	[tilespmem:s12+$0x51C0] =	vst v7;
	v7 =	vmax.f32 v10, $0.0e+00;
	v6 =	vadd.f32 v16, v6  }
0xa3: {  	v15 =	vld [tilespmem:s28+$0x29A0];
	[tilespmem:s12+$0x51D0] =	vst v7;
	v7 =	vmax.f32 v8, $0.0e+00  }
0xa4: {  	v13 =	vld [tilespmem:s28+$0x1B0];
	[tilespmem:s12+$0x51E0] =	vst v7;
	v6 =	vmax.f32 v6, $0.0e+00  }
0xa5: {  	v17 =	vld [tilespmem:s28+$0x29B0];
	[tilespmem:s12+$0x51F0] =	vst v6;
	s12 =	smov.u32 s28  }
0xa6: {  	v14 =	vld [tilespmem:s12+$0x1C0]  }
0xa7: {  	v16 =	vld [tilespmem:s12+$0x29C0]  }
0xa8: {  	v10 =	vld [tilespmem:s12+$0x1D0]  }
0xa9: {  	v12 =	vld [tilespmem:s12+$0x29D0]  }
0xaa: {  	v8 =	vld [tilespmem:s12+$0x1E0]  }
0xab: {  	v9 =	vld [tilespmem:s12+$0x29E0]  }
0xac: {  	v6 =	vld [tilespmem:s12+$0x1F0]  }
0xad: {  	v7 =	vld [tilespmem:s12+$0x29F0]  }
.Ltmp1:
0xae: {  	v22 =	vld [tilespmem:s12+$0x5180];
	(pc) =	sbr.rel @p1 .LBB2_5-.Ltmp1, $4  }
0xaf: {  	v21 =	vld [tilespmem:s12+$0x5190]  }
0xb0: {  	v20 =	vld [tilespmem:s12+$0x51A0]  }
0xb1: {  	v24 =	vadd.f32 v19, v23;
	v19 =	vld [tilespmem:s12+$0x51B0]  }
0xb2: {  	s13 =	sadd.s32 $0x200, s13;
	v23 =	vadd.f32 v25, v18;
	v18 =	vld [tilespmem:s12+$0x51C0]  }
0xb3: {  	v22 =	vadd.f32 v22, v24;
	v11 =	vadd.f32 v15, v11;
	v45 =	vld [tilespmem:s12+$0x51D0]  }
0xb4: {  	v13 =	vadd.f32 v17, v13;
	v47 =	vld [tilespmem:s12+$0x51F0];
	v21 =	vadd.f32 v21, v23  }
0xb5: {  	v46 =	vld [tilespmem:s12+$0x51E0];
	v14 =	vadd.f32 v16, v14;
	v22 =	vmax.f32 v22, $0.0e+00;
	v11 =	vadd.f32 v20, v11  }
0xb6: {  	v10 =	vadd.f32 v12, v10;
	[tilespmem:s12+$0x5180] =	vst v22;
	v48 =	vmax.f32 v21, $0.0e+00;
	v13 =	vadd.f32 v19, v13  }
0xb7: {  	v6 =	vadd.f32 v7, v6;
	[tilespmem:s12+$0x5190] =	vst v48;
	v11 =	vmax.f32 v11, $0.0e+00;
	v49 =	vadd.f32 v18, v14  }
0xb8: {  	v8 =	vadd.f32 v9, v8;
	[tilespmem:s12+$0x51A0] =	vst v11;
	v50 =	vmax.f32 v13, $0.0e+00;
	v10 =	vadd.f32 v45, v10  }
0xb9: {  	v6 =	vadd.f32 v47, v6;
	[tilespmem:s12+$0x51B0] =	vst v50;
	v7 =	vmax.f32 v49, $0.0e+00  }
0xba: {  	v8 =	vadd.f32 v46, v8;
	[tilespmem:s12+$0x51C0] =	vst v7;
	v7 =	vmax.f32 v10, $0.0e+00  }
0xbb: {  	v6 =	vmax.f32 v6, $0.0e+00;
	[tilespmem:s12+$0x51D0] =	vst v7  }
0xbc: {  	v7 =	vmax.f32 v8, $0.0e+00;
	[tilespmem:s12+$0x51F0] =	vst v6  }
0xbd: {  	[tilespmem:s12+$0x51E0] =	vst v7  }
0xbe: {  	[spmem:s2] =	stream.indirect.scatter.add.f32 [tilespmem:s7], [sflag:$0x3], $0x80, s0, s5, $0xb8;
	[tilespmem:$0x1DC80] =	vst v63  }
0xbf: {  	_ =	swait.ge [sflag:s31], $0x2800  }
0xc0: {  	[sflag:s31] =	ssyncset.done $0x0  }
0xc1: {  	[sflag:s31] =	ssyncadd.s32 $0xFFFFD800  }
0xc2: {  	v6 =	vld [tilespmem:$0x80];
	_ =	sdelay $0x4  }
0xc3: {  	(v2sf) =	vpush v6, $0x0;
	_ =	sdelay $0x7  }
0xc4: {  	(v2sf) =	vpush v6, $0x1;
	_ =	sdelay $0x6  }
0xc5: {  	s28 =	spop (v2sf)  }
0xc6: {  	(v2sf) =	vpush v6, $0x2;
	s13 =	sand.u32 $0xFFFFFFF0, s28  }
0xc7: {  	v7 =	vld [tilespmem:s13+$0x7980]  }
0xc8: {  	s12 =	sand.u32 $0xF, s28  }
0xc9: {  	v51 =	vmov s12  }
0xca: {  	vm0 =	veq.s32 v51, v0  }
0xcb: {  	v8 =	vsel vm0, $0x3F800000, v1  }
0xcc: {  	v7 =	vadd.f32 v8, v7  }
0xcd: {  	s12 =	spop (v2sf)  }
0xce: {  	(v2sf) =	vpush v6, $0x3;
	s28 =	sand.u32 $0xFFFFFFF0, s12;
	[tilespmem:s13+$0x7980] =	vst v7  }
0xcf: {  	v7 =	vld [tilespmem:s28+$0x7980]  }
0xd0: {  	s12 =	sand.u32 $0xF, s12  }
0xd1: {  	v52 =	vmov s12  }
0xd2: {  	vm9 =	veq.s32 v52, v0  }
0xd3: {  	v8 =	vsel vm9, $0x3F800000, v1  }
0xd4: {  	v7 =	vadd.f32 v8, v7  }
0xd5: {  	s12 =	spop (v2sf)  }
0xd6: {  	(v2sf) =	vpush v6, $0x4;
	[tilespmem:s28+$0x7980] =	vst v7;
	s28 =	sand.u32 $0xFFFFFFF0, s12  }
0xd7: {  	v7 =	vld [tilespmem:s28+$0x7980]  }
0xd8: {  	s12 =	sand.u32 $0xF, s12  }
0xd9: {  	v53 =	vmov s12  }
0xda: {  	vm10 =	veq.s32 v53, v0  }
0xdb: {  	v8 =	vsel vm10, $0x3F800000, v1  }
0xdc: {  	v7 =	vadd.f32 v8, v7  }
0xdd: {  	s12 =	spop (v2sf)  }
0xde: {  	(v2sf) =	vpush v6, $0x5;
	[tilespmem:s28+$0x7980] =	vst v7;
	s28 =	sand.u32 $0xFFFFFFF0, s12  }
0xdf: {  	v7 =	vld [tilespmem:s28+$0x7980]  }
0xe0: {  	s12 =	sand.u32 $0xF, s12  }
0xe1: {  	v54 =	vmov s12  }
0xe2: {  	vm11 =	veq.s32 v54, v0  }
0xe3: {  	v8 =	vsel vm11, $0x3F800000, v1  }
0xe4: {  	v7 =	vadd.f32 v7, v8  }
0xe5: {  	s12 =	spop (v2sf)  }
0xe6: {  	(v2sf) =	vpush v6, $0x6;
	[tilespmem:s28+$0x7980] =	vst v7;
	s28 =	sand.u32 $0xFFFFFFF0, s12  }
0xe7: {  	v7 =	vld [tilespmem:s28+$0x7980]  }
0xe8: {  	s12 =	sand.u32 $0xF, s12  }
0xe9: {  	v55 =	vmov s12  }
0xea: {  	vm12 =	veq.s32 v55, v0  }
0xeb: {  	v8 =	vsel vm12, $0x3F800000, v1  }
0xec: {  	v7 =	vadd.f32 v7, v8  }
0xed: {  	s12 =	spop (v2sf)  }
0xee: {  	(v2sf) =	vpush v6, $0x7;
	[tilespmem:s28+$0x7980] =	vst v7;
	s28 =	sand.u32 $0xFFFFFFF0, s12  }
0xef: {  	v7 =	vld [tilespmem:s28+$0x7980]  }
0xf0: {  	s12 =	sand.u32 $0xF, s12  }
0xf1: {  	v56 =	vmov s12  }
0xf2: {  	vm13 =	veq.s32 v56, v0  }
0xf3: {  	v8 =	vsel vm13, $0x3F800000, v1  }
0xf4: {  	v7 =	vadd.f32 v7, v8  }
0xf5: {  	s12 =	spop (v2sf)  }
0xf6: {  	(v2sf) =	vpush v6, $0x8;
	[tilespmem:s28+$0x7980] =	vst v7;
	s28 =	sand.u32 $0xFFFFFFF0, s12  }
0xf7: {  	v7 =	vld [tilespmem:s28+$0x7980]  }
0xf8: {  	s12 =	sand.u32 $0xF, s12  }
0xf9: {  	v57 =	vmov s12  }
0xfa: {  	vm14 =	veq.s32 v57, v0  }
0xfb: {  	v8 =	vsel vm14, $0x3F800000, v1  }
0xfc: {  	v7 =	vadd.f32 v7, v8  }
0xfd: {  	s12 =	spop (v2sf)  }
0xfe: {  	(v2sf) =	vpush v6, $0x9;
	[tilespmem:s28+$0x7980] =	vst v7;
	s28 =	sand.u32 $0xFFFFFFF0, s12  }
0xff: {  	v7 =	vld [tilespmem:s28+$0x7980]  }
0x100: {  	s12 =	sand.u32 $0xF, s12  }
0x101: {  	v58 =	vmov s12  }
0x102: {  	vm15 =	veq.s32 v58, v0  }
0x103: {  	v8 =	vsel vm15, $0x3F800000, v1  }
0x104: {  	v7 =	vadd.f32 v7, v8  }
0x105: {  	s12 =	spop (v2sf)  }
0x106: {  	(v2sf) =	vpush v6, $0xA;
	[tilespmem:s28+$0x7980] =	vst v7;
	s28 =	sand.u32 $0xFFFFFFF0, s12  }
0x107: {  	v7 =	vld [tilespmem:s28+$0x7980]  }
0x108: {  	s12 =	sand.u32 $0xF, s12  }
0x109: {  	v59 =	vmov s12  }
0x10a: {  	vm4 =	veq.s32 v59, v0  }
0x10b: {  	v8 =	vsel vm4, $0x3F800000, v1  }
0x10c: {  	v7 =	vadd.f32 v7, v8  }
0x10d: {  	s12 =	spop (v2sf)  }
0x10e: {  	(v2sf) =	vpush v6, $0xB;
	[tilespmem:s28+$0x7980] =	vst v7;
	s28 =	sand.u32 $0xFFFFFFF0, s12  }
0x10f: {  	v7 =	vld [tilespmem:s28+$0x7980]  }
0x110: {  	s12 =	sand.u32 $0xF, s12  }
0x111: {  	v60 =	vmov s12  }
0x112: {  	vm5 =	veq.s32 v60, v0  }
0x113: {  	v8 =	vsel vm5, $0x3F800000, v1  }
0x114: {  	v7 =	vadd.f32 v7, v8  }
0x115: {  	s12 =	spop (v2sf)  }
0x116: {  	(v2sf) =	vpush v6, $0xC;
	[tilespmem:s28+$0x7980] =	vst v7;
	s28 =	sand.u32 $0xFFFFFFF0, s12  }
0x117: {  	v7 =	vld [tilespmem:s28+$0x7980]  }
0x118: {  	s12 =	sand.u32 $0xF, s12  }
0x119: {  	v61 =	vmov s12  }
0x11a: {  	vm6 =	veq.s32 v61, v0  }
0x11b: {  	v8 =	vsel vm6, $0x3F800000, v1  }
0x11c: {  	v7 =	vadd.f32 v7, v8  }
0x11d: {  	s12 =	spop (v2sf)  }
0x11e: {  	(v2sf) =	vpush v6, $0xD;
	[tilespmem:s28+$0x7980] =	vst v7;
	s28 =	sand.u32 $0xFFFFFFF0, s12  }
0x11f: {  	v7 =	vld [tilespmem:s28+$0x7980]  }
0x120: {  	s12 =	sand.u32 $0xF, s12  }
0x121: {  	v62 =	vmov s12  }
0x122: {  	vm7 =	veq.s32 v62, v0  }
0x123: {  	v8 =	vsel vm7, $0x3F800000, v1  }
0x124: {  	v7 =	vadd.f32 v7, v8  }
0x125: {  	s12 =	spop (v2sf)  }
0x126: {  	(v2sf) =	vpush v6, $0xE;
	[tilespmem:s28+$0x7980] =	vst v7;
	s28 =	sand.u32 $0xFFFFFFF0, s12  }
0x127: {  	v7 =	vld [tilespmem:s28+$0x7980]  }
0x128: {  	s12 =	sand.u32 $0xF, s12  }
0x129: {  	v63 =	vmov s12  }
0x12a: {  	vm8 =	veq.s32 v63, v0  }
0x12b: {  	v8 =	vsel vm8, $0x3F800000, v1  }
0x12c: {  	v7 =	vadd.f32 v7, v8  }
0x12d: {  	s12 =	spop (v2sf)  }
0x12e: {  	(v2sf) =	vpush v6, $0xF;
	[tilespmem:s28+$0x7980] =	vst v7;
	s28 =	sand.u32 $0xFFFFFFF0, s12  }
0x12f: {  	v6 =	vld [tilespmem:s28+$0x7980]  }
0x130: {  	s12 =	sand.u32 $0xF, s12  }
0x131: {  	v7 =	vmov s12  }
0x132: {  	vm9 =	veq.s32 v7, v0  }
0x133: {  	v7 =	vsel vm9, $0x3F800000, v1  }
0x134: {  	v6 =	vadd.f32 v6, v7  }
0x135: {  	s12 =	spop (v2sf)  }
0x136: {  	[tilespmem:s28+$0x7980] =	vst v6;
	s28 =	sand.u32 $0xFFFFFFF0, s12  }
0x137: {  	v6 =	vld [tilespmem:s28+$0x7980]  }
0x138: {  	s12 =	sand.u32 $0xF, s12  }
0x139: {  	v7 =	vmov s12  }
0x13a: {  	vm10 =	veq.s32 v7, v0  }
0x13b: {  	v7 =	vsel vm10, $0x3F800000, v1  }
0x13c: {  	v6 =	vadd.f32 v6, v7  }
0x13d: {  	s12 =	spop (v2sf)  }
0x13e: {  	[tilespmem:s28+$0x7980] =	vst v6;
	s28 =	sand.u32 $0xFFFFFFF0, s12  }
0x13f: {  	v6 =	vld [tilespmem:s28+$0x7980]  }
0x140: {  	s12 =	sand.u32 $0xF, s12  }
0x141: {  	v7 =	vmov s12  }
0x142: {  	vm11 =	veq.s32 v7, v0  }
0x143: {  	v7 =	vsel vm11, $0x3F800000, v1  }
0x144: {  	v6 =	vadd.f32 v6, v7;
	_ =	sdelay $0x1  }
0x145: {  	[tilespmem:s28+$0x7980] =	vst v6  }
0x146: {  	v6 =	vld [tilespmem:$0x90];
	_ =	sdelay $0x4  }
0x147: {  	(v2sf) =	vpush v6, $0x0;
	_ =	sdelay $0x7  }
0x148: {  	(v2sf) =	vpush v6, $0x1;
	_ =	sdelay $0x6  }
0x149: {  	s13 =	spop (v2sf)  }
0x14a: {  	(v2sf) =	vpush v6, $0x2;
	s28 =	sand.u32 $0xFFFFFFF0, s13  }
0x14b: {  	v7 =	vld [tilespmem:s28+$0x7980]  }
0x14c: {  	s12 =	sand.u32 $0xF, s13  }
0x14d: {  	v12 =	vmov s12  }
0x14e: {  	vm12 =	veq.s32 v12, v0  }
0x14f: {  	v8 =	vsel vm12, $0x3F800000, v1  }
0x150: {  	v7 =	vadd.f32 v8, v7  }
0x151: {  	s12 =	spop (v2sf)  }
0x152: {  	(v2sf) =	vpush v6, $0x3;
	[tilespmem:s28+$0x7980] =	vst v7;
	s28 =	sand.u32 $0xFFFFFFF0, s12  }
0x153: {  	v7 =	vld [tilespmem:s28+$0x7980]  }
0x154: {  	s12 =	sand.u32 $0xF, s12  }
0x155: {  	v13 =	vmov s12  }
0x156: {  	vm13 =	veq.s32 v13, v0  }
0x157: {  	v8 =	vsel vm13, $0x3F800000, v1  }
0x158: {  	v7 =	vadd.f32 v8, v7  }
0x159: {  	s12 =	spop (v2sf)  }
0x15a: {  	(v2sf) =	vpush v6, $0x4;
	[tilespmem:s28+$0x7980] =	vst v7;
	s28 =	sand.u32 $0xFFFFFFF0, s12  }
0x15b: {  	v7 =	vld [tilespmem:s28+$0x7980]  }
0x15c: {  	s12 =	sand.u32 $0xF, s12  }
0x15d: {  	v14 =	vmov s12  }
0x15e: {  	vm14 =	veq.s32 v14, v0  }
0x15f: {  	v8 =	vsel vm14, $0x3F800000, v1  }
0x160: {  	v7 =	vadd.f32 v8, v7  }
0x161: {  	s12 =	spop (v2sf)  }
0x162: {  	(v2sf) =	vpush v6, $0x5;
	[tilespmem:s28+$0x7980] =	vst v7;
	s28 =	sand.u32 $0xFFFFFFF0, s12  }
0x163: {  	v7 =	vld [tilespmem:s28+$0x7980]  }
0x164: {  	s12 =	sand.u32 $0xF, s12  }
0x165: {  	v15 =	vmov s12  }
0x166: {  	vm15 =	veq.s32 v15, v0  }
0x167: {  	v8 =	vsel vm15, $0x3F800000, v1  }
0x168: {  	v7 =	vadd.f32 v7, v8  }
0x169: {  	s12 =	spop (v2sf)  }
0x16a: {  	(v2sf) =	vpush v6, $0x6;
	[tilespmem:s28+$0x7980] =	vst v7;
	s28 =	sand.u32 $0xFFFFFFF0, s12  }
0x16b: {  	v7 =	vld [tilespmem:s28+$0x7980]  }
0x16c: {  	s12 =	sand.u32 $0xF, s12  }
0x16d: {  	v16 =	vmov s12  }
0x16e: {  	vm4 =	veq.s32 v16, v0  }
0x16f: {  	v8 =	vsel vm4, $0x3F800000, v1  }
0x170: {  	v7 =	vadd.f32 v7, v8  }
0x171: {  	s12 =	spop (v2sf)  }
0x172: {  	(v2sf) =	vpush v6, $0x7;
	[tilespmem:s28+$0x7980] =	vst v7;
	s28 =	sand.u32 $0xFFFFFFF0, s12  }
0x173: {  	v7 =	vld [tilespmem:s28+$0x7980]  }
0x174: {  	s12 =	sand.u32 $0xF, s12  }
0x175: {  	v17 =	vmov s12  }
0x176: {  	vm5 =	veq.s32 v17, v0  }
0x177: {  	v8 =	vsel vm5, $0x3F800000, v1  }
0x178: {  	v7 =	vadd.f32 v7, v8  }
0x179: {  	s12 =	spop (v2sf)  }
0x17a: {  	(v2sf) =	vpush v6, $0x8;
	[tilespmem:s28+$0x7980] =	vst v7;
	s28 =	sand.u32 $0xFFFFFFF0, s12  }
0x17b: {  	v7 =	vld [tilespmem:s28+$0x7980]  }
0x17c: {  	s12 =	sand.u32 $0xF, s12  }
0x17d: {  	v18 =	vmov s12  }
0x17e: {  	vm6 =	veq.s32 v18, v0  }
0x17f: {  	v8 =	vsel vm6, $0x3F800000, v1  }
0x180: {  	v7 =	vadd.f32 v7, v8  }
0x181: {  	s12 =	spop (v2sf)  }
0x182: {  	(v2sf) =	vpush v6, $0x9;
	[tilespmem:s28+$0x7980] =	vst v7;
	s28 =	sand.u32 $0xFFFFFFF0, s12  }
0x183: {  	v7 =	vld [tilespmem:s28+$0x7980]  }
0x184: {  	s12 =	sand.u32 $0xF, s12  }
0x185: {  	v19 =	vmov s12  }
0x186: {  	vm7 =	veq.s32 v19, v0  }
0x187: {  	v8 =	vsel vm7, $0x3F800000, v1  }
0x188: {  	v7 =	vadd.f32 v7, v8  }
0x189: {  	s12 =	spop (v2sf)  }
0x18a: {  	(v2sf) =	vpush v6, $0xA;
	[tilespmem:s28+$0x7980] =	vst v7;
	s28 =	sand.u32 $0xFFFFFFF0, s12  }
0x18b: {  	v7 =	vld [tilespmem:s28+$0x7980]  }
0x18c: {  	s12 =	sand.u32 $0xF, s12  }
0x18d: {  	v20 =	vmov s12  }
0x18e: {  	vm8 =	veq.s32 v20, v0  }
0x18f: {  	v8 =	vsel vm8, $0x3F800000, v1  }
0x190: {  	v7 =	vadd.f32 v7, v8  }
0x191: {  	s12 =	spop (v2sf)  }
0x192: {  	(v2sf) =	vpush v6, $0xB;
	[tilespmem:s28+$0x7980] =	vst v7;
	s28 =	sand.u32 $0xFFFFFFF0, s12  }
0x193: {  	v7 =	vld [tilespmem:s28+$0x7980]  }
0x194: {  	s12 =	sand.u32 $0xF, s12  }
0x195: {  	v21 =	vmov s12  }
0x196: {  	vm9 =	veq.s32 v21, v0  }
0x197: {  	v8 =	vsel vm9, $0x3F800000, v1  }
0x198: {  	v7 =	vadd.f32 v7, v8  }
0x199: {  	s12 =	spop (v2sf)  }
0x19a: {  	(v2sf) =	vpush v6, $0xC;
	[tilespmem:s28+$0x7980] =	vst v7;
	s28 =	sand.u32 $0xFFFFFFF0, s12  }
0x19b: {  	v7 =	vld [tilespmem:s28+$0x7980]  }
0x19c: {  	s12 =	sand.u32 $0xF, s12  }
0x19d: {  	v22 =	vmov s12  }
0x19e: {  	vm10 =	veq.s32 v22, v0  }
0x19f: {  	v8 =	vsel vm10, $0x3F800000, v1  }
0x1a0: {  	v7 =	vadd.f32 v7, v8  }
0x1a1: {  	s12 =	spop (v2sf)  }
0x1a2: {  	(v2sf) =	vpush v6, $0xD;
	[tilespmem:s28+$0x7980] =	vst v7;
	s28 =	sand.u32 $0xFFFFFFF0, s12  }
0x1a3: {  	v7 =	vld [tilespmem:s28+$0x7980]  }
0x1a4: {  	s12 =	sand.u32 $0xF, s12  }
0x1a5: {  	v23 =	vmov s12  }
0x1a6: {  	vm11 =	veq.s32 v23, v0  }
0x1a7: {  	v8 =	vsel vm11, $0x3F800000, v1  }
0x1a8: {  	v7 =	vadd.f32 v7, v8  }
0x1a9: {  	s12 =	spop (v2sf)  }
0x1aa: {  	(v2sf) =	vpush v6, $0xE;
	[tilespmem:s28+$0x7980] =	vst v7;
	s28 =	sand.u32 $0xFFFFFFF0, s12  }
0x1ab: {  	v7 =	vld [tilespmem:s28+$0x7980]  }
0x1ac: {  	s12 =	sand.u32 $0xF, s12  }
0x1ad: {  	v24 =	vmov s12  }
0x1ae: {  	vm12 =	veq.s32 v24, v0  }
0x1af: {  	v8 =	vsel vm12, $0x3F800000, v1  }
0x1b0: {  	v7 =	vadd.f32 v7, v8  }
0x1b1: {  	s12 =	spop (v2sf)  }
0x1b2: {  	(v2sf) =	vpush v6, $0xF;
	[tilespmem:s28+$0x7980] =	vst v7;
	s28 =	sand.u32 $0xFFFFFFF0, s12  }
0x1b3: {  	v6 =	vld [tilespmem:s28+$0x7980]  }
0x1b4: {  	s12 =	sand.u32 $0xF, s12  }
0x1b5: {  	v7 =	vmov s12  }
0x1b6: {  	vm13 =	veq.s32 v7, v0  }
0x1b7: {  	v7 =	vsel vm13, $0x3F800000, v1  }
0x1b8: {  	v6 =	vadd.f32 v6, v7  }
0x1b9: {  	s12 =	spop (v2sf)  }
0x1ba: {  	[tilespmem:s28+$0x7980] =	vst v6;
	s28 =	sand.u32 $0xFFFFFFF0, s12  }
0x1bb: {  	v6 =	vld [tilespmem:s28+$0x7980]  }
0x1bc: {  	s12 =	sand.u32 $0xF, s12  }
0x1bd: {  	v7 =	vmov s12  }
0x1be: {  	vm14 =	veq.s32 v7, v0  }
0x1bf: {  	v7 =	vsel vm14, $0x3F800000, v1  }
0x1c0: {  	v6 =	vadd.f32 v6, v7  }
0x1c1: {  	s12 =	spop (v2sf)  }
0x1c2: {  	[tilespmem:s28+$0x7980] =	vst v6;
	s28 =	sand.u32 $0xFFFFFFF0, s12  }
0x1c3: {  	v6 =	vld [tilespmem:s28+$0x7980]  }
0x1c4: {  	s12 =	sand.u32 $0xF, s12  }
0x1c5: {  	v7 =	vmov s12  }
0x1c6: {  	vm15 =	veq.s32 v7, v0  }
0x1c7: {  	v7 =	vsel vm15, $0x3F800000, v1  }
0x1c8: {  	v6 =	vadd.f32 v6, v7;
	_ =	sdelay $0x1  }
0x1c9: {  	[tilespmem:s28+$0x7980] =	vst v6  }
0x1ca: {  	v6 =	vld [tilespmem:$0xA0];
	_ =	sdelay $0x4  }
0x1cb: {  	(v2sf) =	vpush v6, $0x0;
	_ =	sdelay $0x7  }
0x1cc: {  	(v2sf) =	vpush v6, $0x1;
	_ =	sdelay $0x6  }
0x1cd: {  	s13 =	spop (v2sf)  }
0x1ce: {  	(v2sf) =	vpush v6, $0x2;
	s28 =	sand.u32 $0xFFFFFFF0, s13  }
0x1cf: {  	v7 =	vld [tilespmem:s28+$0x7980]  }
0x1d0: {  	s12 =	sand.u32 $0xF, s13  }
0x1d1: {  	v25 =	vmov s12  }
0x1d2: {  	vm4 =	veq.s32 v25, v0  }
0x1d3: {  	v8 =	vsel vm4, $0x3F800000, v1  }
0x1d4: {  	v7 =	vadd.f32 v8, v7  }
0x1d5: {  	s12 =	spop (v2sf)  }
0x1d6: {  	(v2sf) =	vpush v6, $0x3;
	[tilespmem:s28+$0x7980] =	vst v7;
	s28 =	sand.u32 $0xFFFFFFF0, s12  }
0x1d7: {  	v7 =	vld [tilespmem:s28+$0x7980]  }
0x1d8: {  	s12 =	sand.u32 $0xF, s12  }
0x1d9: {  	v26 =	vmov s12  }
0x1da: {  	vm5 =	veq.s32 v26, v0  }
0x1db: {  	v8 =	vsel vm5, $0x3F800000, v1  }
0x1dc: {  	v7 =	vadd.f32 v8, v7  }
0x1dd: {  	s12 =	spop (v2sf)  }
0x1de: {  	(v2sf) =	vpush v6, $0x4;
	[tilespmem:s28+$0x7980] =	vst v7;
	s28 =	sand.u32 $0xFFFFFFF0, s12  }
0x1df: {  	v7 =	vld [tilespmem:s28+$0x7980]  }
0x1e0: {  	s12 =	sand.u32 $0xF, s12  }
0x1e1: {  	v27 =	vmov s12  }
0x1e2: {  	vm6 =	veq.s32 v27, v0  }
0x1e3: {  	v8 =	vsel vm6, $0x3F800000, v1  }
0x1e4: {  	v7 =	vadd.f32 v8, v7  }
0x1e5: {  	s12 =	spop (v2sf)  }
0x1e6: {  	(v2sf) =	vpush v6, $0x5;
	[tilespmem:s28+$0x7980] =	vst v7;
	s28 =	sand.u32 $0xFFFFFFF0, s12  }
0x1e7: {  	v7 =	vld [tilespmem:s28+$0x7980]  }
0x1e8: {  	s12 =	sand.u32 $0xF, s12  }
0x1e9: {  	v28 =	vmov s12  }
0x1ea: {  	vm7 =	veq.s32 v28, v0  }
0x1eb: {  	v8 =	vsel vm7, $0x3F800000, v1  }
0x1ec: {  	v7 =	vadd.f32 v7, v8  }
0x1ed: {  	s12 =	spop (v2sf)  }
0x1ee: {  	(v2sf) =	vpush v6, $0x6;
	[tilespmem:s28+$0x7980] =	vst v7;
	s28 =	sand.u32 $0xFFFFFFF0, s12  }
0x1ef: {  	v7 =	vld [tilespmem:s28+$0x7980]  }
0x1f0: {  	s12 =	sand.u32 $0xF, s12  }
0x1f1: {  	v29 =	vmov s12  }
0x1f2: {  	vm8 =	veq.s32 v29, v0  }
0x1f3: {  	v8 =	vsel vm8, $0x3F800000, v1  }
0x1f4: {  	v7 =	vadd.f32 v7, v8  }
0x1f5: {  	s12 =	spop (v2sf)  }
0x1f6: {  	(v2sf) =	vpush v6, $0x7;
	[tilespmem:s28+$0x7980] =	vst v7;
	s28 =	sand.u32 $0xFFFFFFF0, s12  }
0x1f7: {  	v7 =	vld [tilespmem:s28+$0x7980]  }
0x1f8: {  	s12 =	sand.u32 $0xF, s12  }
0x1f9: {  	v30 =	vmov s12  }
0x1fa: {  	vm9 =	veq.s32 v30, v0  }
0x1fb: {  	v8 =	vsel vm9, $0x3F800000, v1  }
0x1fc: {  	v7 =	vadd.f32 v7, v8  }
0x1fd: {  	s12 =	spop (v2sf)  }
0x1fe: {  	(v2sf) =	vpush v6, $0x8;
	[tilespmem:s28+$0x7980] =	vst v7;
	s28 =	sand.u32 $0xFFFFFFF0, s12  }
0x1ff: {  	v7 =	vld [tilespmem:s28+$0x7980]  }
0x200: {  	s12 =	sand.u32 $0xF, s12  }
0x201: {  	v31 =	vmov s12  }
0x202: {  	vm10 =	veq.s32 v31, v0  }
0x203: {  	v8 =	vsel vm10, $0x3F800000, v1  }
0x204: {  	v7 =	vadd.f32 v7, v8  }
0x205: {  	s12 =	spop (v2sf)  }
0x206: {  	(v2sf) =	vpush v6, $0x9;
	[tilespmem:s28+$0x7980] =	vst v7;
	s28 =	sand.u32 $0xFFFFFFF0, s12  }
0x207: {  	v7 =	vld [tilespmem:s28+$0x7980]  }
0x208: {  	s12 =	sand.u32 $0xF, s12  }
0x209: {  	v32 =	vmov s12  }
0x20a: {  	vm11 =	veq.s32 v32, v0  }
0x20b: {  	v8 =	vsel vm11, $0x3F800000, v1  }
0x20c: {  	v7 =	vadd.f32 v7, v8  }
0x20d: {  	s12 =	spop (v2sf)  }
0x20e: {  	(v2sf) =	vpush v6, $0xA;
	[tilespmem:s28+$0x7980] =	vst v7;
	s28 =	sand.u32 $0xFFFFFFF0, s12  }
0x20f: {  	v7 =	vld [tilespmem:s28+$0x7980]  }
0x210: {  	s12 =	sand.u32 $0xF, s12  }
0x211: {  	v33 =	vmov s12  }
0x212: {  	vm12 =	veq.s32 v33, v0  }
0x213: {  	v8 =	vsel vm12, $0x3F800000, v1  }
0x214: {  	v7 =	vadd.f32 v7, v8  }
0x215: {  	s12 =	spop (v2sf)  }
0x216: {  	(v2sf) =	vpush v6, $0xB;
	[tilespmem:s28+$0x7980] =	vst v7;
	s28 =	sand.u32 $0xFFFFFFF0, s12  }
0x217: {  	v7 =	vld [tilespmem:s28+$0x7980]  }
0x218: {  	s12 =	sand.u32 $0xF, s12  }
0x219: {  	v34 =	vmov s12  }
0x21a: {  	vm13 =	veq.s32 v34, v0  }
0x21b: {  	v8 =	vsel vm13, $0x3F800000, v1  }
0x21c: {  	v7 =	vadd.f32 v7, v8  }
0x21d: {  	s12 =	spop (v2sf)  }
0x21e: {  	(v2sf) =	vpush v6, $0xC;
	[tilespmem:s28+$0x7980] =	vst v7;
	s28 =	sand.u32 $0xFFFFFFF0, s12  }
0x21f: {  	v7 =	vld [tilespmem:s28+$0x7980]  }
0x220: {  	s12 =	sand.u32 $0xF, s12  }
0x221: {  	v35 =	vmov s12  }
0x222: {  	vm14 =	veq.s32 v35, v0  }
0x223: {  	v8 =	vsel vm14, $0x3F800000, v1  }
0x224: {  	v7 =	vadd.f32 v7, v8  }
0x225: {  	s12 =	spop (v2sf)  }
0x226: {  	(v2sf) =	vpush v6, $0xD;
	[tilespmem:s28+$0x7980] =	vst v7;
	s28 =	sand.u32 $0xFFFFFFF0, s12  }
0x227: {  	v7 =	vld [tilespmem:s28+$0x7980]  }
0x228: {  	s12 =	sand.u32 $0xF, s12  }
0x229: {  	v36 =	vmov s12  }
0x22a: {  	vm15 =	veq.s32 v36, v0  }
0x22b: {  	v8 =	vsel vm15, $0x3F800000, v1  }
0x22c: {  	v7 =	vadd.f32 v7, v8  }
0x22d: {  	s12 =	spop (v2sf)  }
0x22e: {  	(v2sf) =	vpush v6, $0xE;
	[tilespmem:s28+$0x7980] =	vst v7;
	s28 =	sand.u32 $0xFFFFFFF0, s12  }
0x22f: {  	v7 =	vld [tilespmem:s28+$0x7980]  }
0x230: {  	s12 =	sand.u32 $0xF, s12  }
0x231: {  	v37 =	vmov s12  }
0x232: {  	vm4 =	veq.s32 v37, v0  }
0x233: {  	v8 =	vsel vm4, $0x3F800000, v1  }
0x234: {  	v7 =	vadd.f32 v7, v8  }
0x235: {  	s12 =	spop (v2sf)  }
0x236: {  	(v2sf) =	vpush v6, $0xF;
	[tilespmem:s28+$0x7980] =	vst v7;
	s28 =	sand.u32 $0xFFFFFFF0, s12  }
0x237: {  	v6 =	vld [tilespmem:s28+$0x7980]  }
0x238: {  	s12 =	sand.u32 $0xF, s12  }
0x239: {  	v7 =	vmov s12  }
0x23a: {  	vm5 =	veq.s32 v7, v0  }
0x23b: {  	v7 =	vsel vm5, $0x3F800000, v1  }
0x23c: {  	v6 =	vadd.f32 v6, v7  }
0x23d: {  	s12 =	spop (v2sf)  }
0x23e: {  	[tilespmem:s28+$0x7980] =	vst v6;
	s28 =	sand.u32 $0xFFFFFFF0, s12  }
0x23f: {  	v6 =	vld [tilespmem:s28+$0x7980]  }
0x240: {  	s12 =	sand.u32 $0xF, s12  }
0x241: {  	v7 =	vmov s12  }
0x242: {  	vm6 =	veq.s32 v7, v0  }
0x243: {  	v7 =	vsel vm6, $0x3F800000, v1  }
0x244: {  	v6 =	vadd.f32 v6, v7  }
0x245: {  	s12 =	spop (v2sf)  }
0x246: {  	[tilespmem:s28+$0x7980] =	vst v6;
	s28 =	sand.u32 $0xFFFFFFF0, s12  }
0x247: {  	v6 =	vld [tilespmem:s28+$0x7980]  }
0x248: {  	s12 =	sand.u32 $0xF, s12  }
0x249: {  	v7 =	vmov s12  }
0x24a: {  	vm7 =	veq.s32 v7, v0  }
0x24b: {  	v7 =	vsel vm7, $0x3F800000, v1  }
0x24c: {  	v6 =	vadd.f32 v6, v7;
	_ =	sdelay $0x1  }
0x24d: {  	[tilespmem:s28+$0x7980] =	vst v6  }
0x24e: {  	v6 =	vld [tilespmem:$0xB0];
	_ =	sdelay $0x4  }
0x24f: {  	(v2sf) =	vpush v6, $0x0;
	_ =	sdelay $0x7  }
0x250: {  	(v2sf) =	vpush v6, $0x1;
	_ =	sdelay $0x6  }
0x251: {  	s13 =	spop (v2sf)  }
0x252: {  	(v2sf) =	vpush v6, $0x2;
	s28 =	sand.u32 $0xFFFFFFF0, s13  }
0x253: {  	v7 =	vld [tilespmem:s28+$0x7980]  }
0x254: {  	s12 =	sand.u32 $0xF, s13  }
0x255: {  	v38 =	vmov s12  }
0x256: {  	vm8 =	veq.s32 v38, v0  }
0x257: {  	v8 =	vsel vm8, $0x3F800000, v1  }
0x258: {  	v7 =	vadd.f32 v8, v7  }
0x259: {  	s12 =	spop (v2sf)  }
0x25a: {  	(v2sf) =	vpush v6, $0x3;
	[tilespmem:s28+$0x7980] =	vst v7;
	s28 =	sand.u32 $0xFFFFFFF0, s12  }
0x25b: {  	v7 =	vld [tilespmem:s28+$0x7980]  }
0x25c: {  	s12 =	sand.u32 $0xF, s12  }
0x25d: {  	v39 =	vmov s12  }
0x25e: {  	vm9 =	veq.s32 v39, v0  }
0x25f: {  	v8 =	vsel vm9, $0x3F800000, v1  }
0x260: {  	v7 =	vadd.f32 v8, v7  }
0x261: {  	s12 =	spop (v2sf)  }
0x262: {  	(v2sf) =	vpush v6, $0x4;
	[tilespmem:s28+$0x7980] =	vst v7;
	s28 =	sand.u32 $0xFFFFFFF0, s12  }
0x263: {  	v7 =	vld [tilespmem:s28+$0x7980]  }
0x264: {  	s12 =	sand.u32 $0xF, s12  }
0x265: {  	v40 =	vmov s12  }
0x266: {  	vm10 =	veq.s32 v40, v0  }
0x267: {  	v8 =	vsel vm10, $0x3F800000, v1  }
0x268: {  	v7 =	vadd.f32 v8, v7  }
0x269: {  	s12 =	spop (v2sf)  }
0x26a: {  	(v2sf) =	vpush v6, $0x5;
	[tilespmem:s28+$0x7980] =	vst v7;
	s28 =	sand.u32 $0xFFFFFFF0, s12  }
0x26b: {  	v7 =	vld [tilespmem:s28+$0x7980]  }
0x26c: {  	s12 =	sand.u32 $0xF, s12  }
0x26d: {  	v41 =	vmov s12  }
0x26e: {  	vm11 =	veq.s32 v41, v0  }
0x26f: {  	v8 =	vsel vm11, $0x3F800000, v1  }
0x270: {  	v7 =	vadd.f32 v7, v8  }
0x271: {  	s12 =	spop (v2sf)  }
0x272: {  	(v2sf) =	vpush v6, $0x6;
	[tilespmem:s28+$0x7980] =	vst v7;
	s28 =	sand.u32 $0xFFFFFFF0, s12  }
0x273: {  	v7 =	vld [tilespmem:s28+$0x7980]  }
0x274: {  	s12 =	sand.u32 $0xF, s12  }
0x275: {  	v42 =	vmov s12  }
0x276: {  	vm12 =	veq.s32 v42, v0  }
0x277: {  	v8 =	vsel vm12, $0x3F800000, v1  }
0x278: {  	v7 =	vadd.f32 v7, v8  }
0x279: {  	s12 =	spop (v2sf)  }
0x27a: {  	(v2sf) =	vpush v6, $0x7;
	[tilespmem:s28+$0x7980] =	vst v7;
	s28 =	sand.u32 $0xFFFFFFF0, s12  }
0x27b: {  	v7 =	vld [tilespmem:s28+$0x7980]  }
0x27c: {  	s12 =	sand.u32 $0xF, s12  }
0x27d: {  	v43 =	vmov s12  }
0x27e: {  	vm13 =	veq.s32 v43, v0  }
0x27f: {  	v8 =	vsel vm13, $0x3F800000, v1  }
0x280: {  	v7 =	vadd.f32 v7, v8  }
0x281: {  	s12 =	spop (v2sf)  }
0x282: {  	(v2sf) =	vpush v6, $0x8;
	[tilespmem:s28+$0x7980] =	vst v7;
	s28 =	sand.u32 $0xFFFFFFF0, s12  }
0x283: {  	v7 =	vld [tilespmem:s28+$0x7980]  }
0x284: {  	s12 =	sand.u32 $0xF, s12  }
0x285: {  	v44 =	vmov s12  }
0x286: {  	vm14 =	veq.s32 v44, v0  }
0x287: {  	v8 =	vsel vm14, $0x3F800000, v1  }
0x288: {  	v7 =	vadd.f32 v7, v8  }
0x289: {  	s12 =	spop (v2sf)  }
0x28a: {  	(v2sf) =	vpush v6, $0x9;
	[tilespmem:s28+$0x7980] =	vst v7;
	s28 =	sand.u32 $0xFFFFFFF0, s12  }
0x28b: {  	v7 =	vld [tilespmem:s28+$0x7980]  }
0x28c: {  	s12 =	sand.u32 $0xF, s12  }
0x28d: {  	v45 =	vmov s12  }
0x28e: {  	vm15 =	veq.s32 v45, v0  }
0x28f: {  	v8 =	vsel vm15, $0x3F800000, v1  }
0x290: {  	v7 =	vadd.f32 v7, v8  }
0x291: {  	s12 =	spop (v2sf)  }
0x292: {  	(v2sf) =	vpush v6, $0xA;
	[tilespmem:s28+$0x7980] =	vst v7;
	s28 =	sand.u32 $0xFFFFFFF0, s12  }
0x293: {  	v7 =	vld [tilespmem:s28+$0x7980]  }
0x294: {  	s12 =	sand.u32 $0xF, s12  }
0x295: {  	v46 =	vmov s12  }
0x296: {  	vm4 =	veq.s32 v46, v0  }
0x297: {  	v8 =	vsel vm4, $0x3F800000, v1  }
0x298: {  	v7 =	vadd.f32 v7, v8  }
0x299: {  	s12 =	spop (v2sf)  }
0x29a: {  	(v2sf) =	vpush v6, $0xB;
	[tilespmem:s28+$0x7980] =	vst v7;
	s28 =	sand.u32 $0xFFFFFFF0, s12  }
0x29b: {  	v7 =	vld [tilespmem:s28+$0x7980]  }
0x29c: {  	s12 =	sand.u32 $0xF, s12  }
0x29d: {  	v47 =	vmov s12  }
0x29e: {  	vm5 =	veq.s32 v47, v0  }
0x29f: {  	v8 =	vsel vm5, $0x3F800000, v1  }
0x2a0: {  	v7 =	vadd.f32 v7, v8  }
0x2a1: {  	s12 =	spop (v2sf)  }
0x2a2: {  	(v2sf) =	vpush v6, $0xC;
	[tilespmem:s28+$0x7980] =	vst v7;
	s28 =	sand.u32 $0xFFFFFFF0, s12  }
0x2a3: {  	v7 =	vld [tilespmem:s28+$0x7980]  }
0x2a4: {  	s12 =	sand.u32 $0xF, s12  }
0x2a5: {  	v48 =	vmov s12  }
0x2a6: {  	vm6 =	veq.s32 v48, v0  }
0x2a7: {  	v8 =	vsel vm6, $0x3F800000, v1  }
0x2a8: {  	v7 =	vadd.f32 v7, v8  }
0x2a9: {  	s12 =	spop (v2sf)  }
0x2aa: {  	(v2sf) =	vpush v6, $0xD;
	[tilespmem:s28+$0x7980] =	vst v7;
	s28 =	sand.u32 $0xFFFFFFF0, s12  }
0x2ab: {  	v7 =	vld [tilespmem:s28+$0x7980]  }
0x2ac: {  	s12 =	sand.u32 $0xF, s12  }
0x2ad: {  	v49 =	vmov s12  }
0x2ae: {  	vm7 =	veq.s32 v49, v0  }
0x2af: {  	v8 =	vsel vm7, $0x3F800000, v1  }
0x2b0: {  	v7 =	vadd.f32 v7, v8  }
0x2b1: {  	s12 =	spop (v2sf)  }
0x2b2: {  	(v2sf) =	vpush v6, $0xE;
	[tilespmem:s28+$0x7980] =	vst v7;
	s28 =	sand.u32 $0xFFFFFFF0, s12  }
0x2b3: {  	v7 =	vld [tilespmem:s28+$0x7980]  }
0x2b4: {  	s12 =	sand.u32 $0xF, s12  }
0x2b5: {  	v50 =	vmov s12  }
0x2b6: {  	vm8 =	veq.s32 v50, v0  }
0x2b7: {  	v8 =	vsel vm8, $0x3F800000, v1  }
0x2b8: {  	v7 =	vadd.f32 v7, v8  }
0x2b9: {  	s12 =	spop (v2sf)  }
0x2ba: {  	(v2sf) =	vpush v6, $0xF;
	[tilespmem:s28+$0x7980] =	vst v7;
	s28 =	sand.u32 $0xFFFFFFF0, s12  }
0x2bb: {  	v6 =	vld [tilespmem:s28+$0x7980]  }
0x2bc: {  	s12 =	sand.u32 $0xF, s12  }
0x2bd: {  	v7 =	vmov s12  }
0x2be: {  	vm9 =	veq.s32 v7, v0  }
0x2bf: {  	v7 =	vsel vm9, $0x3F800000, v1  }
0x2c0: {  	v6 =	vadd.f32 v6, v7  }
0x2c1: {  	s12 =	spop (v2sf)  }
0x2c2: {  	[tilespmem:s28+$0x7980] =	vst v6;
	s28 =	sand.u32 $0xFFFFFFF0, s12  }
0x2c3: {  	v6 =	vld [tilespmem:s28+$0x7980]  }
0x2c4: {  	s12 =	sand.u32 $0xF, s12  }
0x2c5: {  	v7 =	vmov s12  }
0x2c6: {  	vm10 =	veq.s32 v7, v0  }
0x2c7: {  	v7 =	vsel vm10, $0x3F800000, v1  }
0x2c8: {  	v6 =	vadd.f32 v6, v7  }
0x2c9: {  	s12 =	spop (v2sf)  }
0x2ca: {  	[tilespmem:s28+$0x7980] =	vst v6;
	s28 =	sand.u32 $0xFFFFFFF0, s12  }
0x2cb: {  	v6 =	vld [tilespmem:s28+$0x7980]  }
0x2cc: {  	s12 =	sand.u32 $0xF, s12  }
0x2cd: {  	v7 =	vmov s12  }
0x2ce: {  	vm11 =	veq.s32 v7, v0  }
0x2cf: {  	v7 =	vsel vm11, $0x3F800000, v1  }
0x2d0: {  	v6 =	vadd.f32 v6, v7;
	_ =	sdelay $0x1  }
0x2d1: {  	[tilespmem:s28+$0x7980] =	vst v6  }
0x2d2: {  	v6 =	vld [tilespmem:$0xC0];
	_ =	sdelay $0x4  }
0x2d3: {  	(v2sf) =	vpush v6, $0x0;
	_ =	sdelay $0x7  }
0x2d4: {  	(v2sf) =	vpush v6, $0x1;
	_ =	sdelay $0x6  }
0x2d5: {  	s13 =	spop (v2sf)  }
0x2d6: {  	(v2sf) =	vpush v6, $0x2;
	s28 =	sand.u32 $0xFFFFFFF0, s13  }
0x2d7: {  	v7 =	vld [tilespmem:s28+$0x7980]  }
0x2d8: {  	s12 =	sand.u32 $0xF, s13  }
0x2d9: {  	v51 =	vmov s12  }
0x2da: {  	vm12 =	veq.s32 v51, v0  }
0x2db: {  	v8 =	vsel vm12, $0x3F800000, v1  }
0x2dc: {  	v7 =	vadd.f32 v8, v7  }
0x2dd: {  	s12 =	spop (v2sf)  }
0x2de: {  	(v2sf) =	vpush v6, $0x3;
	[tilespmem:s28+$0x7980] =	vst v7;
	s28 =	sand.u32 $0xFFFFFFF0, s12  }
0x2df: {  	v7 =	vld [tilespmem:s28+$0x7980]  }
0x2e0: {  	s12 =	sand.u32 $0xF, s12  }
0x2e1: {  	v52 =	vmov s12  }
0x2e2: {  	vm13 =	veq.s32 v52, v0  }
0x2e3: {  	v8 =	vsel vm13, $0x3F800000, v1  }
0x2e4: {  	v7 =	vadd.f32 v8, v7  }
0x2e5: {  	s12 =	spop (v2sf)  }
0x2e6: {  	(v2sf) =	vpush v6, $0x4;
	[tilespmem:s28+$0x7980] =	vst v7;
	s28 =	sand.u32 $0xFFFFFFF0, s12  }
0x2e7: {  	v7 =	vld [tilespmem:s28+$0x7980]  }
0x2e8: {  	s12 =	sand.u32 $0xF, s12  }
0x2e9: {  	v53 =	vmov s12  }
0x2ea: {  	vm14 =	veq.s32 v53, v0  }
0x2eb: {  	v8 =	vsel vm14, $0x3F800000, v1  }
0x2ec: {  	v7 =	vadd.f32 v8, v7  }
0x2ed: {  	s12 =	spop (v2sf)  }
0x2ee: {  	(v2sf) =	vpush v6, $0x5;
	[tilespmem:s28+$0x7980] =	vst v7;
	s28 =	sand.u32 $0xFFFFFFF0, s12  }
0x2ef: {  	v7 =	vld [tilespmem:s28+$0x7980]  }
0x2f0: {  	s12 =	sand.u32 $0xF, s12  }
0x2f1: {  	v54 =	vmov s12  }
0x2f2: {  	vm15 =	veq.s32 v54, v0  }
0x2f3: {  	v8 =	vsel vm15, $0x3F800000, v1  }
0x2f4: {  	v7 =	vadd.f32 v7, v8  }
0x2f5: {  	s12 =	spop (v2sf)  }
0x2f6: {  	(v2sf) =	vpush v6, $0x6;
	[tilespmem:s28+$0x7980] =	vst v7;
	s28 =	sand.u32 $0xFFFFFFF0, s12  }
0x2f7: {  	v7 =	vld [tilespmem:s28+$0x7980]  }
0x2f8: {  	s12 =	sand.u32 $0xF, s12  }
0x2f9: {  	v55 =	vmov s12  }
0x2fa: {  	vm4 =	veq.s32 v55, v0  }
0x2fb: {  	v8 =	vsel vm4, $0x3F800000, v1  }
0x2fc: {  	v7 =	vadd.f32 v7, v8  }
0x2fd: {  	s12 =	spop (v2sf)  }
0x2fe: {  	(v2sf) =	vpush v6, $0x7;
	[tilespmem:s28+$0x7980] =	vst v7;
	s28 =	sand.u32 $0xFFFFFFF0, s12  }
0x2ff: {  	v7 =	vld [tilespmem:s28+$0x7980]  }
0x300: {  	s12 =	sand.u32 $0xF, s12  }
0x301: {  	v56 =	vmov s12  }
0x302: {  	vm5 =	veq.s32 v56, v0  }
0x303: {  	v8 =	vsel vm5, $0x3F800000, v1  }
0x304: {  	v7 =	vadd.f32 v7, v8  }
0x305: {  	s12 =	spop (v2sf)  }
0x306: {  	(v2sf) =	vpush v6, $0x8;
	[tilespmem:s28+$0x7980] =	vst v7;
	s28 =	sand.u32 $0xFFFFFFF0, s12  }
0x307: {  	v7 =	vld [tilespmem:s28+$0x7980]  }
0x308: {  	s12 =	sand.u32 $0xF, s12  }
0x309: {  	v57 =	vmov s12  }
0x30a: {  	vm6 =	veq.s32 v57, v0  }
0x30b: {  	v8 =	vsel vm6, $0x3F800000, v1  }
0x30c: {  	v7 =	vadd.f32 v7, v8  }
0x30d: {  	s12 =	spop (v2sf)  }
0x30e: {  	(v2sf) =	vpush v6, $0x9;
	[tilespmem:s28+$0x7980] =	vst v7;
	s28 =	sand.u32 $0xFFFFFFF0, s12  }
0x30f: {  	v7 =	vld [tilespmem:s28+$0x7980]  }
0x310: {  	s12 =	sand.u32 $0xF, s12  }
0x311: {  	v58 =	vmov s12  }
0x312: {  	vm7 =	veq.s32 v58, v0  }
0x313: {  	v8 =	vsel vm7, $0x3F800000, v1  }
0x314: {  	v7 =	vadd.f32 v7, v8  }
0x315: {  	s12 =	spop (v2sf)  }
0x316: {  	(v2sf) =	vpush v6, $0xA;
	[tilespmem:s28+$0x7980] =	vst v7;
	s28 =	sand.u32 $0xFFFFFFF0, s12  }
0x317: {  	v7 =	vld [tilespmem:s28+$0x7980]  }
0x318: {  	s12 =	sand.u32 $0xF, s12  }
0x319: {  	v59 =	vmov s12  }
0x31a: {  	vm8 =	veq.s32 v59, v0  }
0x31b: {  	v8 =	vsel vm8, $0x3F800000, v1  }
0x31c: {  	v7 =	vadd.f32 v7, v8  }
0x31d: {  	s12 =	spop (v2sf)  }
0x31e: {  	(v2sf) =	vpush v6, $0xB;
	[tilespmem:s28+$0x7980] =	vst v7;
	s28 =	sand.u32 $0xFFFFFFF0, s12  }
0x31f: {  	v7 =	vld [tilespmem:s28+$0x7980]  }
0x320: {  	s12 =	sand.u32 $0xF, s12  }
0x321: {  	v60 =	vmov s12  }
0x322: {  	vm9 =	veq.s32 v60, v0  }
0x323: {  	v8 =	vsel vm9, $0x3F800000, v1  }
0x324: {  	v7 =	vadd.f32 v7, v8  }
0x325: {  	s12 =	spop (v2sf)  }
0x326: {  	(v2sf) =	vpush v6, $0xC;
	[tilespmem:s28+$0x7980] =	vst v7;
	s28 =	sand.u32 $0xFFFFFFF0, s12  }
0x327: {  	v7 =	vld [tilespmem:s28+$0x7980]  }
0x328: {  	s12 =	sand.u32 $0xF, s12  }
0x329: {  	v61 =	vmov s12  }
0x32a: {  	vm10 =	veq.s32 v61, v0  }
0x32b: {  	v8 =	vsel vm10, $0x3F800000, v1  }
0x32c: {  	v7 =	vadd.f32 v7, v8  }
0x32d: {  	s12 =	spop (v2sf)  }
0x32e: {  	(v2sf) =	vpush v6, $0xD;
	[tilespmem:s28+$0x7980] =	vst v7;
	s28 =	sand.u32 $0xFFFFFFF0, s12  }
0x32f: {  	v7 =	vld [tilespmem:s28+$0x7980]  }
0x330: {  	s12 =	sand.u32 $0xF, s12  }
0x331: {  	v62 =	vmov s12  }
0x332: {  	vm11 =	veq.s32 v62, v0  }
0x333: {  	v8 =	vsel vm11, $0x3F800000, v1  }
0x334: {  	v7 =	vadd.f32 v7, v8  }
0x335: {  	s12 =	spop (v2sf)  }
0x336: {  	(v2sf) =	vpush v6, $0xE;
	[tilespmem:s28+$0x7980] =	vst v7;
	s28 =	sand.u32 $0xFFFFFFF0, s12  }
0x337: {  	v7 =	vld [tilespmem:s28+$0x7980]  }
0x338: {  	s12 =	sand.u32 $0xF, s12  }
0x339: {  	v63 =	vmov s12  }
0x33a: {  	vm12 =	veq.s32 v63, v0  }
0x33b: {  	v8 =	vsel vm12, $0x3F800000, v1  }
0x33c: {  	v7 =	vadd.f32 v7, v8  }
0x33d: {  	s12 =	spop (v2sf)  }
0x33e: {  	(v2sf) =	vpush v6, $0xF;
	[tilespmem:s28+$0x7980] =	vst v7;
	s28 =	sand.u32 $0xFFFFFFF0, s12  }
0x33f: {  	v6 =	vld [tilespmem:s28+$0x7980]  }
0x340: {  	s12 =	sand.u32 $0xF, s12  }
0x341: {  	v7 =	vmov s12  }
0x342: {  	vm13 =	veq.s32 v7, v0  }
0x343: {  	v7 =	vsel vm13, $0x3F800000, v1  }
0x344: {  	v6 =	vadd.f32 v6, v7  }
0x345: {  	s12 =	spop (v2sf)  }
0x346: {  	[tilespmem:s28+$0x7980] =	vst v6;
	s28 =	sand.u32 $0xFFFFFFF0, s12  }
0x347: {  	v6 =	vld [tilespmem:s28+$0x7980]  }
0x348: {  	s12 =	sand.u32 $0xF, s12  }
0x349: {  	v7 =	vmov s12  }
0x34a: {  	vm14 =	veq.s32 v7, v0  }
0x34b: {  	v7 =	vsel vm14, $0x3F800000, v1  }
0x34c: {  	v6 =	vadd.f32 v6, v7  }
0x34d: {  	s12 =	spop (v2sf)  }
0x34e: {  	[tilespmem:s28+$0x7980] =	vst v6;
	s28 =	sand.u32 $0xFFFFFFF0, s12  }
0x34f: {  	v6 =	vld [tilespmem:s28+$0x7980]  }
0x350: {  	s11 =	sadd.s32 $0x1, s11;
	s12 =	sand.u32 $0xF, s12  }
0x351: {  	p1 =	sne.s32 s11, $0x7D;
	v7 =	vmov s12  }
.Ltmp2:
0x352: {  	vm15 =	veq.s32 v7, v0;
	(pc) =	sbr.rel @p1 .LBB2_4-.Ltmp2, $3  }
0x353: {  	v7 =	vsel vm15, $0x3F800000, v1  }
0x354: {  	v6 =	vadd.f32 v6, v7;
	_ =	sdelay $0x1  }
0x355: {  	[tilespmem:s28+$0x7980] =	vst v6  }
0x356: {  	s10 =	simm.s32 $0x100;
	s11 =	simm.s32 $0x7980  }
0x357: {  	[spmem:s3] =	stream.indirect.scatter.add.f32 [tilespmem:s11], [sflag:$0x3], $0x80, s10, s5, $0xb8;
	[tilespmem:$0x1DC80] =	vst v63  }
0x358: {  	_ =	swait.ge [sflag:s31], $0x2800  }
0x359: {  	[sflag:s31] =	ssyncset.done $0x0  }
0x35a: {  	s13 =	stileid.u32;
	[sflag:s31] =	ssyncadd.s32 $0xFFFFD800  }
0x35b: {  	s10 =	sshll.u32 s13, $0x6;
	[bflag:$0x0] =	sbarrier.arrive $0xFFFF  }
0x35c: {  	s28 =	sshrl.u32 s18, $0x3;
	s10 =	sor.u32 $0x1C03, s10;
	s12 =	rddreg [dreg:$0x5]  }
0x35d: {  	[hbm:s12], [sflag:s10] =	dma.local [spmem:s28], $0x500  }
0x35e: {  	_ =	swait.ge [sflag:s31], $0x500  }
0x35f: {  	[sflag:s31] =	ssyncset.done $0x0  }
0x360: {  	s13 =	sshrl.u32 s19, $0x3;
	s28 =	rddreg [dreg:$0x6];
	[sflag:s31] =	ssyncadd.s32 $0xFFFFFB00  }
0x361: {  	[hbm:s28], [sflag:s10] =	dma.local [spmem:s13], $0x500  }
0x362: {  	_ =	swait.ge [sflag:s31], $0x500  }
0x363: {  	[sflag:s31] =	ssyncset.done $0x0  }
0x364: {  	s13 =	sshrl.u32 s20, $0x3;
	s28 =	rddreg [dreg:$0x7];
	[sflag:s31] =	ssyncadd.s32 $0xFFFFFB00  }
0x365: {  	[hbm:s28], [sflag:s10] =	dma.local [spmem:s13], $0x500  }
0x366: {  	_ =	swait.ge [sflag:s31], $0x500  }
0x367: {  	[sflag:s31] =	ssyncset.done $0x0  }
0x368: {  	s13 =	sshrl.u32 s21, $0x3;
	s28 =	rddreg [dreg:$0x8];
	[sflag:s31] =	ssyncadd.s32 $0xFFFFFB00  }
0x369: {  	[hbm:s28], [sflag:s10] =	dma.local [spmem:s13], $0x500  }
0x36a: {  	_ =	swait.ge [sflag:s31], $0x500  }
0x36b: {  	[sflag:s31] =	ssyncset.done $0x0  }
0x36c: {  	s13 =	sshrl.u32 s22, $0x3;
	s28 =	rddreg [dreg:$0x9];
	[sflag:s31] =	ssyncadd.s32 $0xFFFFFB00  }
0x36d: {  	[hbm:s28], [sflag:s10] =	dma.local [spmem:s13], $0x500  }
0x36e: {  	_ =	swait.ge [sflag:s31], $0x500  }
0x36f: {  	[sflag:s31] =	ssyncset.done $0x0  }
0x370: {  	s13 =	sshrl.u32 s23, $0x3;
	s28 =	rddreg [dreg:$0xa];
	[sflag:s31] =	ssyncadd.s32 $0xFFFFFB00  }
0x371: {  	[hbm:s28], [sflag:s10] =	dma.local [spmem:s13], $0x500  }
0x372: {  	_ =	swait.ge [sflag:s31], $0x500  }
0x373: {  	[sflag:s31] =	ssyncset.done $0x0  }
0x374: {  	s13 =	sshrl.u32 s24, $0x3;
	s28 =	rddreg [dreg:$0xb];
	[sflag:s31] =	ssyncadd.s32 $0xFFFFFB00  }
0x375: {  	[hbm:s28], [sflag:s10] =	dma.local [spmem:s13], $0x500  }
0x376: {  	_ =	swait.ge [sflag:s31], $0x500  }
0x377: {  	[sflag:s31] =	ssyncset.done $0x0  }
0x378: {  	s13 =	sshrl.u32 s25, $0x3;
	s28 =	rddreg [dreg:$0xc];
	[sflag:s31] =	ssyncadd.s32 $0xFFFFFB00  }
0x379: {  	[hbm:s28], [sflag:s10] =	dma.local [spmem:s13], $0x500  }
0x37a: {  	_ =	swait.ge [sflag:s31], $0x500  }
0x37b: {  	s4 =	sadd.s32 $0x1, s4;
	s11 =	sshrl.u32 @!p0 s3, $0x3;
	[sflag:s31] =	ssyncset.done $0x0  }
0x37c: {  	p1 =	sne.s32 s4, s29;
	s12 =	rddreg [dreg:$0xd];
	[sflag:s31] =	ssyncadd.s32 $0xFFFFFB00  }
0x37d: {  	[hbm:s12], [sflag:s10] =	dma.local @!p0 [spmem:s11], $0x500  }
.Ltmp3:
0x37e: {  	_ = 	snop;
	(pc) =	sbr.rel @p1 .LBB2_1-.Ltmp3, $4  }
0x37f: {  	s10 =	simm.s32 @!p0 $0x3  }
0x380: {  	_ =	swait.ge @!p0 [sflag:s10], $0x500  }
0x381: {  	[sflag:s10] =	ssyncset.done @!p0 $0x0  }
0x382: {  	[sflag:s10] =	ssyncadd.s32 @!p0 $0xFFFFFB00  }
0x383: {  	_ =	sfence.sel $0x180000  }
0x384: {  	[bflag:$0x0] =	sbarrier.arrive $0xFFFF  }
0x385: {  	_ =	strace $0x90000047  }
0x386: {  	[bflag:$0x2] =	sbarrier.arrive $0xFFFF  }
0x387: {  	s0 =	rddreg [dreg:$0x4]  }
0x388: {  	s0 =	sadd.s32 @!p0 $0x100000, s0  }
0x389: {  	[sflag:s0] =	ssyncadd.tile.s32 @!p0 $0x1;
	_ =	shalt  }
.Lfunc_end2:
_tile_overlayer_lowered:
.L_overlay_start_2:
0x38a: {  	(tag) =	ssettag $0x2  }
0x38b: {  	s0 =	rddreg [dreg:$0x0];
	s2 =	stileid.u32  }
0x38c: {  	s1 =	rddreg [dreg:$0x1];
	p0 =	sne.s32 s2, $0x0  }
0x38d: {  	s3 =	rddreg [dreg:$0x2];
	[bflag:$0x3] =	sbarrier.arrive $0xFFFF;
	s2 =	simm.s32 @!p0 $0x1C03  }
0x38e: {  	[timem:s3], [sflag:s2] =	dma.local @!p0 [hbm:s0], s1  }
0x38f: {  	s0 =	simm.s32 @!p0 $0x3  }
0x390: {  	_ =	swait.ge @!p0 [sflag:s0], s1  }
0x391: {  	s1 =	ssub.s32 @!p0 $0x0, s1;
	[sflag:s0] =	ssyncset.done @!p0 $0x0  }
0x392: {  	[sflag:s0] =	ssyncadd.s32 @!p0 s1  }
0x393: {  	[bflag:$0x3] =	sbarrier.arrive $0xFFFF  }
0x394: {  	_ =	shalt  }

</sc_bundles>
